<compile_context>
chip_gen: v7x
topology: tpu7x:2x2x1
jax: 0.10.2.dev20260603
libtpu: 0.0.44.dev20260713+nightly
codegen_flags: <defaults>
</compile_context>

<pallas_src>
import functools

import jax
import jax.numpy as jnp
from jax import lax
from jax.experimental import pallas as pl
from jax.experimental.pallas import tpu as pltpu
from jax.experimental.pallas import tpu_sc as plsc

N = 10000
E = 320000
NC = 2
NT = 16
NW = NC * NT
R = 1000

PH = 5120
ACCR = 5248
TPT = ACCR // NT
DUMP = 5200
TPAD = 10496

NP = 10240
ED_MAIN = 10112
ED_LAST = E - (NW - 1) * ED_MAIN
BCAP = 10240
BROWS = BCAP // 128


def _mesh():
    return plsc.VectorSubcoreMesh(
        core_axis_name="c", subcore_axis_name="s", num_cores=NC, num_subcores=NT
    )


_BUCKET_KW = dict(
    out_type=[
        jax.ShapeDtypeStruct((NW, 2, BCAP), jnp.int32),
        jax.ShapeDtypeStruct((NW, 2, BCAP), jnp.int32),
        jax.ShapeDtypeStruct((NW, 2, BROWS, 128), jnp.int32),
        jax.ShapeDtypeStruct((NW, 128), jnp.int32),
        jax.ShapeDtypeStruct((NW, NP), jnp.float32),
    ],
    scratch_types=[
        pltpu.VMEM((ED_MAIN,), jnp.int32),
        pltpu.VMEM((ED_MAIN,), jnp.int32),
        pltpu.VMEM((NP,), jnp.float32),
        pltpu.VMEM((BCAP,), jnp.int32),
        pltpu.VMEM((BCAP,), jnp.int32),
        pltpu.VMEM((BCAP,), jnp.int32),
        pltpu.VMEM((BCAP,), jnp.int32),
        pltpu.VMEM((BROWS, 128), jnp.int32),
        pltpu.VMEM((BROWS, 128), jnp.int32),
        pltpu.VMEM((128,), jnp.int32),
    ],
    compiler_params=pltpu.CompilerParams(needs_layout_passes=False),
)


def _bucket_body(
    srcflat, dstflat, bsrc, bsrcT, bdst, bcnt, bhist,
    in_s, in_d, hist, b0s, b1s, b0t, b1t, b0d, b1d, cnt_v
):
    c = lax.axis_index("c")
    s = lax.axis_index("s")
    w = c * NT + s
    zeros_f = jnp.zeros((16,), jnp.float32)
    zero_i = jnp.zeros((16,), jnp.int32)
    ones_f = jnp.full((16,), 1.0, jnp.float32)
    dump_i = jnp.full((16,), DUMP, jnp.int32)
    iota = lax.iota(jnp.int32, 16)

    def zstep(i, carry):
        off = pl.ds(pl.multiple_of(16 * i, 16), 16)
        hist[off] = zeros_f
        return carry

    lax.fori_loop(0, NP // 16, zstep, 0)

    def pstep(i, carry):
        off = pl.ds(pl.multiple_of(16 * i, 16), 16)
        b0s[off] = zero_i
        b1s[off] = zero_i
        b0t[off] = zero_i + TPAD
        b1t[off] = zero_i + TPAD
        pos = iota + 16 * i
        rowi = pos >> 7
        coli = pos & 127
        plsc.store_scatter(b0d, [rowi, coli], dump_i)
        plsc.store_scatter(b1d, [rowi, coli], dump_i)
        return carry

    lax.fori_loop(0, BCAP // 16, pstep, 0)

    @pl.when(w < NW - 1)
    def _():
        pltpu.sync_copy(srcflat.at[pl.ds(ED_MAIN * w, ED_MAIN)], in_s)
        pltpu.sync_copy(dstflat.at[pl.ds(ED_MAIN * w, ED_MAIN)], in_d)

    @pl.when(w == NW - 1)
    def _():
        pltpu.sync_copy(
            srcflat.at[pl.ds(ED_MAIN * w, ED_LAST)], in_s.at[pl.ds(0, ED_LAST)]
        )
        pltpu.sync_copy(
            dstflat.at[pl.ds(ED_MAIN * w, ED_LAST)], in_d.at[pl.ds(0, ED_LAST)]
        )

    nvec = jnp.where(w == NW - 1, ED_LAST // 16, ED_MAIN // 16)

    def step(i, carry):
        off0, off1 = carry
        sl = pl.ds(pl.multiple_of(16 * i, 16), 16)
        sv = in_s[sl]
        dv = in_d[sl]
        plsc.addupdate_scatter(hist, [dv], ones_f)
        m0 = dv < PH
        m1 = jnp.logical_not(m0)
        r0 = plsc.cumsum(m0.astype(jnp.int32))
        r1 = plsc.cumsum(m1.astype(jnp.int32))
        pos0 = off0 + r0 - 1
        pos1 = off1 + r1 - 1
        plsc.store_scatter(b0s, [pos0], sv, mask=m0)
        plsc.store_scatter(b1s, [pos1], sv, mask=m1)
        plsc.store_scatter(b0t, [pos0], sv + TPAD, mask=m0)
        plsc.store_scatter(b1t, [pos1], sv + TPAD, mask=m1)
        plsc.store_scatter(b0d, [pos0 >> 7, pos0 & 127], dv, mask=m0)
        plsc.store_scatter(b1d, [pos1 >> 7, pos1 & 127], dv - PH, mask=m1)
        return (off0 + jnp.max(r0), off1 + jnp.max(r1))

    off0, off1 = lax.fori_loop(0, nvec, step, (jnp.int32(0), jnp.int32(0)))

    for i in range(8):
        cnt_v[pl.ds(16 * i, 16)] = zero_i
    cnt_v[pl.ds(0, 16)] = off0 * (iota == 0) + off1 * (iota == 1)

    pltpu.sync_copy(hist, bhist.at[w])
    pltpu.sync_copy(cnt_v, bcnt.at[w])
    pltpu.sync_copy(b0s, bsrc.at[w].at[0])
    pltpu.sync_copy(b1s, bsrc.at[w].at[1])
    pltpu.sync_copy(b0t, bsrcT.at[w].at[0])
    pltpu.sync_copy(b1t, bsrcT.at[w].at[1])
    pltpu.sync_copy(b0d, bdst.at[w].at[0])
    pltpu.sync_copy(b1d, bdst.at[w].at[1])


@functools.lru_cache(maxsize=None)
def _built(which):
    if which == "bucket":
        return pl.kernel(_bucket_body, mesh=_mesh(), **_BUCKET_KW)
    kw = dict(
        mesh=_mesh(),
        scratch_types=tuple(_SCAT_SCRATCH),
        compiler_params=pltpu.CompilerParams(needs_layout_passes=False),
    )
    if which == "l1":
        return pl.kernel(
            _scat_l1_body,
            out_type=jax.ShapeDtypeStruct((NC, 2, ACCR, 128), jnp.float32),
            **kw,
        )
    return pl.kernel(
        _scat_l2_body,
        out_type=jax.ShapeDtypeStruct((NC, ACCR, 128), jnp.float32),
        **kw,
    )


def _bucket_kernel(*args):
    return _built("bucket")(*args)


def _scat_l1(*args):
    return _built("l1")(*args)


def _scat_l2(*args):
    return _built("l2")(*args)


_SCAT_SCRATCH = [
    pltpu.VMEM((2 * BCAP,), jnp.int32),
    pltpu.VMEM((2 * BROWS, 128), jnp.int32),
    pltpu.VMEM((128, 128), jnp.float32),
    pltpu.VMEM((128, 128), jnp.float32),
    pltpu.VMEM((128,), jnp.int32),
    pltpu.VMEM_SHARED((ACCR, 128), jnp.float32),
    pltpu.SemaphoreType.DMA,
    pltpu.SemaphoreType.DMA,
]

_IOTA16 = None


def _lane(v16, lane):
    iota = lax.iota(jnp.int32, 16)
    return jnp.sum(jnp.where(iota == lane, v16, 0), axis=0)


def _scat_ragged(table, src_v, dst_v, rows0, rows1, acc, sem0, sem1, n0, n1):
    ntot = n0 + n1

    def vrow(j):
        return jnp.where(j < n0, j, BROWS + (j - n0))

    def gather(j, buf, sem):
        idx = src_v.at[pl.ds(pl.multiple_of(vrow(j) * 128, 128), 128)]
        pltpu.async_copy(table.at[idx], buf, sem)

    def wait(buf, sem):
        pltpu.make_async_copy(
            table.at[src_v.at[pl.ds(0, 128)]], buf, sem
        ).wait()

    @pl.when(ntot > 0)
    def _():
        gather(0, rows0, sem0)

    def step(t, carry):
        j0 = 2 * t
        j1 = j0 + 1
        wait(rows0, sem0)

        @pl.when(j1 < ntot)
        def _():
            gather(j1, rows1, sem1)

        pltpu.sync_copy(rows0, acc.at[dst_v.at[vrow(j0)]], add=True)

        @pl.when(j1 < ntot)
        def _():
            wait(rows1, sem1)

            @pl.when(j0 + 2 < ntot)
            def _():
                gather(j0 + 2, rows0, sem0)

            pltpu.sync_copy(rows1, acc.at[dst_v.at[vrow(j1)]], add=True)

        return carry

    lax.fori_loop(0, (ntot + 1) // 2, step, 0)


def _load_slots(bsrc_sel, bdst, bcnt, k, s, src_v, dst_v, cnt_v):
    t0 = 2 * s
    t1 = 2 * s + 1
    pltpu.sync_copy(bsrc_sel.at[t0].at[k], src_v.at[pl.ds(0, BCAP)])
    pltpu.sync_copy(bsrc_sel.at[t1].at[k], src_v.at[pl.ds(BCAP, BCAP)])
    pltpu.sync_copy(bdst.at[t0].at[k], dst_v.at[pl.ds(0, BROWS)])
    pltpu.sync_copy(bdst.at[t1].at[k], dst_v.at[pl.ds(BROWS, BROWS)])
    pltpu.sync_copy(bcnt.at[t0], cnt_v)
    c0 = _lane(cnt_v[pl.ds(0, 16)], k)
    pltpu.sync_copy(bcnt.at[t1], cnt_v)
    c1 = _lane(cnt_v[pl.ds(0, 16)], k)
    return (c0 + 127) >> 7, (c1 + 127) >> 7


def _scat_l1_body(table, bsrc, bsrcT, bdst, bcnt, out,
                  src_v, dst_v, rows0, rows1, cnt_v, acc, sem0, sem1):
    c = lax.axis_index("c")
    s = lax.axis_index("s")
    base = TPT * s

    for k in range(2):
        @pl.when(c == 0)
        def _():
            pltpu.sync_copy(bsrc.at[2 * s].at[k], src_v.at[pl.ds(0, BCAP)])
            pltpu.sync_copy(bsrc.at[2 * s + 1].at[k], src_v.at[pl.ds(BCAP, BCAP)])

        @pl.when(c == 1)
        def _():
            pltpu.sync_copy(bsrcT.at[2 * s].at[k], src_v.at[pl.ds(0, BCAP)])
            pltpu.sync_copy(bsrcT.at[2 * s + 1].at[k], src_v.at[pl.ds(BCAP, BCAP)])

        pltpu.sync_copy(bdst.at[2 * s].at[k], dst_v.at[pl.ds(0, BROWS)])
        pltpu.sync_copy(bdst.at[2 * s + 1].at[k], dst_v.at[pl.ds(BROWS, BROWS)])
        pltpu.sync_copy(bcnt.at[2 * s], cnt_v)
        c0 = _lane(cnt_v[pl.ds(0, 16)], k)
        pltpu.sync_copy(bcnt.at[2 * s + 1], cnt_v)
        c1 = _lane(cnt_v[pl.ds(0, 16)], k)
        n0 = (c0 + 127) >> 7
        n1 = (c1 + 127) >> 7

        pltpu.sync_copy(
            table.at[pl.ds(c * TPAD + PH * k + base, TPT)], acc.at[pl.ds(base, TPT)]
        )
        plsc.subcore_barrier()
        _scat_ragged(table, src_v, dst_v, rows0, rows1, acc, sem0, sem1, n0, n1)
        plsc.subcore_barrier()
        pltpu.sync_copy(
            acc.at[pl.ds(base, TPT)], out.at[c].at[k].at[pl.ds(base, TPT)]
        )


def _scat_l2_body(table, bsrc, bdst, bcnt, out,
                  src_v, dst_v, rows0, rows1, cnt_v, acc, sem0, sem1):
    c = lax.axis_index("c")
    s = lax.axis_index("s")
    base = TPT * s

    n0, n1 = _load_slots(bsrc, bdst, bcnt, c, s, src_v, dst_v, cnt_v)
    pltpu.sync_copy(table.at[pl.ds(PH * c + base, TPT)], acc.at[pl.ds(base, TPT)])
    plsc.subcore_barrier()
    _scat_ragged(table, src_v, dst_v, rows0, rows1, acc, sem0, sem1, n0, n1)
    plsc.subcore_barrier()
    pltpu.sync_copy(acc.at[pl.ds(base, TPT)], out.at[c].at[pl.ds(base, TPT)])


def _tc_layer1(x, W1, p):
    def f(x_ref, w_ref, p_ref, hs_ref, cnt_ref):
        h = jnp.dot(x_ref[...], w_ref[...], preferred_element_type=jnp.float32)
        cnt = jnp.sum(p_ref[...], axis=1, keepdims=True)
        cnt_ref[...] = cnt
        dinv = lax.rsqrt(cnt + 1.0)
        hp = h * dinv
        hs_ref[0] = hp[:, :128]
        hs_ref[1] = hp[:, 128:]

    return pl.pallas_call(
        f,
        grid=(N // R,),
        in_specs=[
            pl.BlockSpec((R, 128), lambda i: (i, 0)),
            pl.BlockSpec((128, 256), lambda i: (0, 0)),
            pl.BlockSpec((R, NW), lambda i: (i, 0)),
        ],
        out_specs=[
            pl.BlockSpec((2, R, 128), lambda i: (0, i, 0)),
            pl.BlockSpec((R, 1), lambda i: (i, 0)),
        ],
        out_shape=[
            jax.ShapeDtypeStruct((2, TPAD, 128), jnp.float32),
            jax.ShapeDtypeStruct((N, 1), jnp.float32),
        ],
    )(x, W1, p)


def _tc_layer2(s1, cnt, b1, W2):
    def f(s1_ref, cnt_ref, b1_ref, w_ref, g_ref):
        sm = jnp.concatenate([s1_ref[0], s1_ref[1]], axis=1)
        dinv = lax.rsqrt(cnt_ref[...] + 1.0)
        out1 = jnp.maximum(sm * dinv + b1_ref[...], 0.0)
        g = jnp.dot(out1, w_ref[...], preferred_element_type=jnp.float32)
        g_ref[...] = g * dinv

    return pl.pallas_call(
        f,
        grid=(N // R,),
        in_specs=[
            pl.BlockSpec((2, R, 128), lambda i: (0, i, 0)),
            pl.BlockSpec((R, 1), lambda i: (i, 0)),
            pl.BlockSpec((1, 256), lambda i: (0, 0)),
            pl.BlockSpec((256, 128), lambda i: (0, 0)),
        ],
        out_specs=pl.BlockSpec((R, 128), lambda i: (i, 0)),
        out_shape=jax.ShapeDtypeStruct((TPAD, 128), jnp.float32),
    )(s1, cnt, b1, W2)


def _tc_final(s2, cnt, b2, Wfc, bfc):
    def f(s2_ref, cnt_ref, b2_ref, w_ref, bfc_ref, o_ref):
        dinv = lax.rsqrt(cnt_ref[...] + 1.0)
        out2 = s2_ref[...] * dinv + b2_ref[...]
        o_ref[...] = (
            jnp.dot(out2, w_ref[...], preferred_element_type=jnp.float32)
            + bfc_ref[...]
        )

    return pl.pallas_call(
        f,
        grid=(N // R,),
        in_specs=[
            pl.BlockSpec((R, 128), lambda i: (i, 0)),
            pl.BlockSpec((R, 1), lambda i: (i, 0)),
            pl.BlockSpec((1, 128), lambda i: (0, 0)),
            pl.BlockSpec((128, 128), lambda i: (0, 0)),
            pl.BlockSpec((1, 128), lambda i: (0, 0)),
        ],
        out_specs=pl.BlockSpec((R, 128), lambda i: (i, 0)),
        out_shape=jax.ShapeDtypeStruct((N, 128), jnp.float32),
    )(s2, cnt, b2, Wfc, bfc)


def _merge_phases(s):
    return jnp.concatenate([s[..., 0, :PH, :], s[..., 1, : N - PH, :]], axis=-2)


def kernel(x, edge_index, W1, b1, W2, b2, Wfc, bfc):
    src = edge_index[0].astype(jnp.int32)
    dst = edge_index[1].astype(jnp.int32)

    bsrc, bsrcT, bdst, bcnt, bhist = _bucket_kernel(src, dst)
    p = bhist.T[:N]

    hs, cnt = _tc_layer1(x, W1, p)
    s1 = _scat_l1(hs.reshape(2 * TPAD, 128), bsrc, bsrcT, bdst, bcnt)
    gs = _tc_layer2(_merge_phases(s1), cnt, b1.reshape(1, 256), W2)
    s2 = _scat_l2(gs, bsrc, bdst, bcnt)
    out = _tc_final(
        _merge_phases(s2), cnt, b2.reshape(1, 128), Wfc, bfc.reshape(1, 128)
    )
    return out

# --- scband reference (transcript-rebuilt; emitter-appended) ---
"""Pipeline reference for scband-encoder-25048249270381 (READ-ONLY COPY).

The authoritative reference and input builder live on the scoring server;
editing this copy changes nothing except your own understanding.
"""

import jax, jax.numpy as jnp
import numpy as np

N_NODES = 10000
N_EDGES = 320000
D_IN = 128
D_OUT = 128
D_HID = 2 * D_OUT


def _gcn_conv(x, edge_index, W, b):
    n = x.shape[0]
    src = edge_index[0]
    dst = edge_index[1]
    loop = jnp.arange(n, dtype=src.dtype)
    src = jnp.concatenate([src, loop])
    dst = jnp.concatenate([dst, loop])
    h = x @ W
    ones = jnp.ones(src.shape[0], dtype=h.dtype)
    deg = jax.ops.segment_sum(ones, dst, num_segments=n)
    deg_inv_sqrt = jnp.where(deg > 0, jax.lax.rsqrt(jnp.maximum(deg, 1e-12)), 0.0)
    norm = deg_inv_sqrt[src] * deg_inv_sqrt[dst]
    msg = h[src] * norm[:, None]
    out = jax.ops.segment_sum(msg, dst, num_segments=n)
    return out + b


def setup_inputs(seed: int = 0) -> dict:
    key = jax.random.key(seed)
    ks = jax.random.split(key, 8)
    x = jax.random.normal(ks[0], (N_NODES, D_IN), dtype=jnp.float32)
    edge_index = jax.random.randint(ks[1], (2, N_EDGES), 0, N_NODES)
    W1 = jax.random.normal(ks[2], (D_IN, D_HID), dtype=jnp.float32) * (1.0 / np.sqrt(D_IN))
    b1 = jnp.zeros((D_HID,), dtype=jnp.float32)
    W2 = jax.random.normal(ks[3], (D_HID, D_OUT), dtype=jnp.float32) * (1.0 / np.sqrt(D_HID))
    b2 = jnp.zeros((D_OUT,), dtype=jnp.float32)
    Wfc = jax.random.normal(ks[4], (D_OUT, D_OUT), dtype=jnp.float32) * (1.0 / np.sqrt(D_OUT))
    bfc = jnp.zeros((D_OUT,), dtype=jnp.float32)
    return {"x": x, "edge_index": edge_index, "W1": W1, "b1": b1, "W2": W2, "b2": b2, "Wfc": Wfc, "bfc": bfc}


def reference(x, edge_index, W1, b1, W2, b2, Wfc, bfc):
    h = jax.nn.relu(_gcn_conv(x, edge_index, W1, b1))
    h = _gcn_conv(h, edge_index, W2, b2)
    out = h @ Wfc + bfc
    return out

if __name__ == "__main__":
    import jax
    _d = setup_inputs()
    print(jax.jit(kernel)(*tuple(_d.values())))

</pallas_src>

<mosaic_0001>
#map = affine_map<(d0, d1) -> (0, 0)>
#map1 = affine_map<(d0, d1) -> (0, 0, 0)>
#map2 = affine_map<(d0, d1) -> (0, 0, 0, 0)>
module attributes {stable_mosaic.version = 14 : i64} {
  func.func @_scat_l1_body(%arg0: i32, %arg1: i32, %arg2: memref<20992x128xf32, #tpu.memory_space<hbm>>, %arg3: memref<32x2x10240xi32, #tpu.memory_space<hbm>>, %arg4: memref<32x2x10240xi32, #tpu.memory_space<hbm>>, %arg5: memref<32x2x80x128xi32, #tpu.memory_space<hbm>>, %arg6: memref<32x128xi32, #tpu.memory_space<hbm>>, %arg7: memref<2x2x5248x128xf32, #tpu.memory_space<hbm>>, %arg8: memref<20480xi32, #tpu.memory_space<vmem>>, %arg9: memref<160x128xi32, #tpu.memory_space<vmem>>, %arg10: memref<128x128xf32, #tpu.memory_space<vmem>>, %arg11: memref<128x128xf32, #tpu.memory_space<vmem>>, %arg12: memref<128xi32, #tpu.memory_space<vmem>>, %arg13: memref<5248x128xf32, #tpu.memory_space<vmem_shared>>, %arg14: memref<!tpu.dma_semaphore, #tpu.memory_space<semaphore_mem>>, %arg15: memref<!tpu.dma_semaphore, #tpu.memory_space<semaphore_mem>>) attributes {dimension_semantics = [#tpu.dimension_semantics<core_parallel>, #tpu.dimension_semantics<subcore_parallel>], iteration_bounds = array<i64: 2, 16>, scalar_prefetch = 0 : i64, scratch_operands = 8 : i64, tpu.core_type = #tpu.core_type<sc_vector_subcore>, window_params = [{transform_indices = #map}, {transform_indices = #map1}, {transform_indices = #map1}, {transform_indices = #map2}, {transform_indices = #map}, {transform_indices = #map2}]} {
    %mul3A = arith.constant 328 : i32
    %mul3A_0 = arith.muli %mul3A, %arg1 : i32
    %eq3A = arith.constant 0 : i32
    %eq3A_1 = arith.cmpi eq, %arg0, %eq3A : i32
    %convert_element_type3A = arith.extui %eq3A_1 : i1 to i32
    %cond3A = arith.constant 0 : i32
    %cond3A_2 = arith.cmpi ne, %convert_element_type3A, %cond3A : i32
    scf.if %cond3A_2 {
      %mul3A_196 = arith.constant 2 : i32
      %mul3A_197 = arith.muli %mul3A_196, %arg1 : i32
      %run_scoped3A_198 = arith.constant 0 : i32
      "tpu.region"() ({
        %run_scoped3A_204 = tpu.sem_alloc : memref<!tpu.dma_semaphore, #tpu.memory_space<semaphore_mem>>
        %dma_start3A = arith.constant 0 : i32
        %dma_start3A_205 = tpu.memref_slice %arg8[%dma_start3A] : memref<20480xi32, #tpu.memory_space<vmem>> -> memref<10240xi32, #tpu.memory_space<vmem>>
        %dma_start3A_206 = arith.constant 0 : i32
        %dma_start3A_207 = arith.constant 0 : i32
        %dma_start3A_208 = tpu.memref_slice %arg3[%mul3A_197, %dma_start3A_206, %dma_start3A_207] : memref<32x2x10240xi32, #tpu.memory_space<hbm>> -> memref<1x2x10240xi32, #tpu.memory_space<hbm>>
        %dma_start3A_209 = tpu.memref_squeeze %dma_start3A_208 : memref<1x2x10240xi32, #tpu.memory_space<hbm>> -> memref<2x10240xi32, #tpu.memory_space<hbm>>
        %dma_start3A_210 = arith.constant 0 : i32
        %dma_start3A_211 = tpu.memref_slice %dma_start3A_209[%run_scoped3A_198, %dma_start3A_210] : memref<2x10240xi32, #tpu.memory_space<hbm>> -> memref<1x10240xi32, #tpu.memory_space<hbm>>
        %dma_start3A_212 = tpu.memref_squeeze %dma_start3A_211 : memref<1x10240xi32, #tpu.memory_space<hbm>> -> memref<10240xi32, #tpu.memory_space<hbm>>
        %dma_start3A_213 = arith.constant 0 : i32
        %dma_start3A_214 = tpu.memref_slice %arg8[%dma_start3A_213] : memref<20480xi32, #tpu.memory_space<vmem>> -> memref<10240xi32, #tpu.memory_space<vmem>>
        %dma_start3A_215 = arith.constant 0 : i32
        %dma_start3A_216 = arith.constant 0 : i32
        %dma_start3A_217 = tpu.memref_slice %arg3[%mul3A_197, %dma_start3A_215, %dma_start3A_216] : memref<32x2x10240xi32, #tpu.memory_space<hbm>> -> memref<1x2x10240xi32, #tpu.memory_space<hbm>>
        %dma_start3A_218 = tpu.memref_squeeze %dma_start3A_217 : memref<1x2x10240xi32, #tpu.memory_space<hbm>> -> memref<2x10240xi32, #tpu.memory_space<hbm>>
        %dma_start3A_219 = arith.constant 0 : i32
        %dma_start3A_220 = tpu.memref_slice %dma_start3A_218[%run_scoped3A_198, %dma_start3A_219] : memref<2x10240xi32, #tpu.memory_space<hbm>> -> memref<1x10240xi32, #tpu.memory_space<hbm>>
        %dma_start3A_221 = tpu.memref_squeeze %dma_start3A_220 : memref<1x10240xi32, #tpu.memory_space<hbm>> -> memref<10240xi32, #tpu.memory_space<hbm>>
        tpu.enqueue_dma source(%dma_start3A_221 : memref<10240xi32, #tpu.memory_space<hbm>>) target(%dma_start3A_214 : memref<10240xi32, #tpu.memory_space<vmem>>) target_semaphore(%run_scoped3A_204 : memref<!tpu.dma_semaphore, #tpu.memory_space<semaphore_mem>>)
        %dma_wait3A = arith.constant 0 : i32
        %dma_wait3A_222 = tpu.memref_slice %arg8[%dma_wait3A] : memref<20480xi32, #tpu.memory_space<vmem>> -> memref<10240xi32, #tpu.memory_space<vmem>>
        %dma_wait3A_223 = arith.constant 0 : i32
        %dma_wait3A_224 = arith.constant 0 : i32
        %dma_wait3A_225 = tpu.memref_slice %arg3[%mul3A_197, %dma_wait3A_223, %dma_wait3A_224] : memref<32x2x10240xi32, #tpu.memory_space<hbm>> -> memref<1x2x10240xi32, #tpu.memory_space<hbm>>
        %dma_wait3A_226 = tpu.memref_squeeze %dma_wait3A_225 : memref<1x2x10240xi32, #tpu.memory_space<hbm>> -> memref<2x10240xi32, #tpu.memory_space<hbm>>
        %dma_wait3A_227 = arith.constant 0 : i32
        %dma_wait3A_228 = tpu.memref_slice %dma_wait3A_226[%run_scoped3A_198, %dma_wait3A_227] : memref<2x10240xi32, #tpu.memory_space<hbm>> -> memref<1x10240xi32, #tpu.memory_space<hbm>>
        %dma_wait3A_229 = tpu.memref_squeeze %dma_wait3A_228 : memref<1x10240xi32, #tpu.memory_space<hbm>> -> memref<10240xi32, #tpu.memory_space<hbm>>
        %dma_wait3A_230 = arith.constant 0 : i32
        %dma_wait3A_231 = tpu.memref_slice %arg8[%dma_wait3A_230] : memref<20480xi32, #tpu.memory_space<vmem>> -> memref<10240xi32, #tpu.memory_space<vmem>>
        %dma_wait3A_232 = arith.constant 0 : i32
        %dma_wait3A_233 = arith.constant 0 : i32
        %dma_wait3A_234 = tpu.memref_slice %arg3[%mul3A_197, %dma_wait3A_232, %dma_wait3A_233] : memref<32x2x10240xi32, #tpu.memory_space<hbm>> -> memref<1x2x10240xi32, #tpu.memory_space<hbm>>
        %dma_wait3A_235 = tpu.memref_squeeze %dma_wait3A_234 : memref<1x2x10240xi32, #tpu.memory_space<hbm>> -> memref<2x10240xi32, #tpu.memory_space<hbm>>
        %dma_wait3A_236 = arith.constant 0 : i32
        %dma_wait3A_237 = tpu.memref_slice %dma_wait3A_235[%run_scoped3A_198, %dma_wait3A_236] : memref<2x10240xi32, #tpu.memory_space<hbm>> -> memref<1x10240xi32, #tpu.memory_space<hbm>>
        %dma_wait3A_238 = tpu.memref_squeeze %dma_wait3A_237 : memref<1x10240xi32, #tpu.memory_space<hbm>> -> memref<10240xi32, #tpu.memory_space<hbm>>
        tpu.wait_dma2 semaphore(%run_scoped3A_204 : memref<!tpu.dma_semaphore, #tpu.memory_space<semaphore_mem>>) src(%dma_wait3A_238 : memref<10240xi32, #tpu.memory_space<hbm>>) dst(%dma_wait3A_231 : memref<10240xi32, #tpu.memory_space<vmem>>)
        tpu.yield
      }) : () -> ()
      %mul3A_199 = arith.constant 2 : i32
      %mul3A_200 = arith.muli %mul3A_199, %arg1 : i32
      %add3A_201 = arith.constant 1 : i32
      %add3A_202 = arith.addi %mul3A_200, %add3A_201 : i32
      %run_scoped3A_203 = arith.constant 0 : i32
      "tpu.region"() ({
        %run_scoped3A_204 = tpu.sem_alloc : memref<!tpu.dma_semaphore, #tpu.memory_space<semaphore_mem>>
        %dma_start3A = arith.constant 10240 : i32
        %dma_start3A_205 = tpu.memref_slice %arg8[%dma_start3A] : memref<20480xi32, #tpu.memory_space<vmem>> -> memref<10240xi32, #tpu.memory_space<vmem>>
        %dma_start3A_206 = arith.constant 0 : i32
        %dma_start3A_207 = arith.constant 0 : i32
        %dma_start3A_208 = tpu.memref_slice %arg3[%add3A_202, %dma_start3A_206, %dma_start3A_207] : memref<32x2x10240xi32, #tpu.memory_space<hbm>> -> memref<1x2x10240xi32, #tpu.memory_space<hbm>>
        %dma_start3A_209 = tpu.memref_squeeze %dma_start3A_208 : memref<1x2x10240xi32, #tpu.memory_space<hbm>> -> memref<2x10240xi32, #tpu.memory_space<hbm>>
        %dma_start3A_210 = arith.constant 0 : i32
        %dma_start3A_211 = tpu.memref_slice %dma_start3A_209[%run_scoped3A_203, %dma_start3A_210] : memref<2x10240xi32, #tpu.memory_space<hbm>> -> memref<1x10240xi32, #tpu.memory_space<hbm>>
        %dma_start3A_212 = tpu.memref_squeeze %dma_start3A_211 : memref<1x10240xi32, #tpu.memory_space<hbm>> -> memref<10240xi32, #tpu.memory_space<hbm>>
        %dma_start3A_213 = arith.constant 10240 : i32
        %dma_start3A_214 = tpu.memref_slice %arg8[%dma_start3A_213] : memref<20480xi32, #tpu.memory_space<vmem>> -> memref<10240xi32, #tpu.memory_space<vmem>>
        %dma_start3A_215 = arith.constant 0 : i32
        %dma_start3A_216 = arith.constant 0 : i32
        %dma_start3A_217 = tpu.memref_slice %arg3[%add3A_202, %dma_start3A_215, %dma_start3A_216] : memref<32x2x10240xi32, #tpu.memory_space<hbm>> -> memref<1x2x10240xi32, #tpu.memory_space<hbm>>
        %dma_start3A_218 = tpu.memref_squeeze %dma_start3A_217 : memref<1x2x10240xi32, #tpu.memory_space<hbm>> -> memref<2x10240xi32, #tpu.memory_space<hbm>>
        %dma_start3A_219 = arith.constant 0 : i32
        %dma_start3A_220 = tpu.memref_slice %dma_start3A_218[%run_scoped3A_203, %dma_start3A_219] : memref<2x10240xi32, #tpu.memory_space<hbm>> -> memref<1x10240xi32, #tpu.memory_space<hbm>>
        %dma_start3A_221 = tpu.memref_squeeze %dma_start3A_220 : memref<1x10240xi32, #tpu.memory_space<hbm>> -> memref<10240xi32, #tpu.memory_space<hbm>>
        tpu.enqueue_dma source(%dma_start3A_221 : memref<10240xi32, #tpu.memory_space<hbm>>) target(%dma_start3A_214 : memref<10240xi32, #tpu.memory_space<vmem>>) target_semaphore(%run_scoped3A_204 : memref<!tpu.dma_semaphore, #tpu.memory_space<semaphore_mem>>)
        %dma_wait3A = arith.constant 10240 : i32
        %dma_wait3A_222 = tpu.memref_slice %arg8[%dma_wait3A] : memref<20480xi32, #tpu.memory_space<vmem>> -> memref<10240xi32, #tpu.memory_space<vmem>>
        %dma_wait3A_223 = arith.constant 0 : i32
        %dma_wait3A_224 = arith.constant 0 : i32
        %dma_wait3A_225 = tpu.memref_slice %arg3[%add3A_202, %dma_wait3A_223, %dma_wait3A_224] : memref<32x2x10240xi32, #tpu.memory_space<hbm>> -> memref<1x2x10240xi32, #tpu.memory_space<hbm>>
        %dma_wait3A_226 = tpu.memref_squeeze %dma_wait3A_225 : memref<1x2x10240xi32, #tpu.memory_space<hbm>> -> memref<2x10240xi32, #tpu.memory_space<hbm>>
        %dma_wait3A_227 = arith.constant 0 : i32
        %dma_wait3A_228 = tpu.memref_slice %dma_wait3A_226[%run_scoped3A_203, %dma_wait3A_227] : memref<2x10240xi32, #tpu.memory_space<hbm>> -> memref<1x10240xi32, #tpu.memory_space<hbm>>
        %dma_wait3A_229 = tpu.memref_squeeze %dma_wait3A_228 : memref<1x10240xi32, #tpu.memory_space<hbm>> -> memref<10240xi32, #tpu.memory_space<hbm>>
        %dma_wait3A_230 = arith.constant 10240 : i32
        %dma_wait3A_231 = tpu.memref_slice %arg8[%dma_wait3A_230] : memref<20480xi32, #tpu.memory_space<vmem>> -> memref<10240xi32, #tpu.memory_space<vmem>>
        %dma_wait3A_232 = arith.constant 0 : i32
        %dma_wait3A_233 = arith.constant 0 : i32
        %dma_wait3A_234 = tpu.memref_slice %arg3[%add3A_202, %dma_wait3A_232, %dma_wait3A_233] : memref<32x2x10240xi32, #tpu.memory_space<hbm>> -> memref<1x2x10240xi32, #tpu.memory_space<hbm>>
        %dma_wait3A_235 = tpu.memref_squeeze %dma_wait3A_234 : memref<1x2x10240xi32, #tpu.memory_space<hbm>> -> memref<2x10240xi32, #tpu.memory_space<hbm>>
        %dma_wait3A_236 = arith.constant 0 : i32
        %dma_wait3A_237 = tpu.memref_slice %dma_wait3A_235[%run_scoped3A_203, %dma_wait3A_236] : memref<2x10240xi32, #tpu.memory_space<hbm>> -> memref<1x10240xi32, #tpu.memory_space<hbm>>
        %dma_wait3A_238 = tpu.memref_squeeze %dma_wait3A_237 : memref<1x10240xi32, #tpu.memory_space<hbm>> -> memref<10240xi32, #tpu.memory_space<hbm>>
        tpu.wait_dma2 semaphore(%run_scoped3A_204 : memref<!tpu.dma_semaphore, #tpu.memory_space<semaphore_mem>>) src(%dma_wait3A_238 : memref<10240xi32, #tpu.memory_space<hbm>>) dst(%dma_wait3A_231 : memref<10240xi32, #tpu.memory_space<vmem>>)
        tpu.yield
      }) : () -> ()
    } else {
    }
    %eq3A_3 = arith.constant 1 : i32
    %eq3A_4 = arith.cmpi eq, %arg0, %eq3A_3 : i32
    %convert_element_type3A_5 = arith.extui %eq3A_4 : i1 to i32
    %cond3A_6 = arith.constant 0 : i32
    %cond3A_7 = arith.cmpi ne, %convert_element_type3A_5, %cond3A_6 : i32
    scf.if %cond3A_7 {
      %mul3A_196 = arith.constant 2 : i32
      %mul3A_197 = arith.muli %mul3A_196, %arg1 : i32
      %run_scoped3A_198 = arith.constant 0 : i32
      "tpu.region"() ({
        %run_scoped3A_204 = tpu.sem_alloc : memref<!tpu.dma_semaphore, #tpu.memory_space<semaphore_mem>>
        %dma_start3A = arith.constant 0 : i32
        %dma_start3A_205 = tpu.memref_slice %arg8[%dma_start3A] : memref<20480xi32, #tpu.memory_space<vmem>> -> memref<10240xi32, #tpu.memory_space<vmem>>
        %dma_start3A_206 = arith.constant 0 : i32
        %dma_start3A_207 = arith.constant 0 : i32
        %dma_start3A_208 = tpu.memref_slice %arg4[%mul3A_197, %dma_start3A_206, %dma_start3A_207] : memref<32x2x10240xi32, #tpu.memory_space<hbm>> -> memref<1x2x10240xi32, #tpu.memory_space<hbm>>
        %dma_start3A_209 = tpu.memref_squeeze %dma_start3A_208 : memref<1x2x10240xi32, #tpu.memory_space<hbm>> -> memref<2x10240xi32, #tpu.memory_space<hbm>>
        %dma_start3A_210 = arith.constant 0 : i32
        %dma_start3A_211 = tpu.memref_slice %dma_start3A_209[%run_scoped3A_198, %dma_start3A_210] : memref<2x10240xi32, #tpu.memory_space<hbm>> -> memref<1x10240xi32, #tpu.memory_space<hbm>>
        %dma_start3A_212 = tpu.memref_squeeze %dma_start3A_211 : memref<1x10240xi32, #tpu.memory_space<hbm>> -> memref<10240xi32, #tpu.memory_space<hbm>>
        %dma_start3A_213 = arith.constant 0 : i32
        %dma_start3A_214 = tpu.memref_slice %arg8[%dma_start3A_213] : memref<20480xi32, #tpu.memory_space<vmem>> -> memref<10240xi32, #tpu.memory_space<vmem>>
        %dma_start3A_215 = arith.constant 0 : i32
        %dma_start3A_216 = arith.constant 0 : i32
        %dma_start3A_217 = tpu.memref_slice %arg4[%mul3A_197, %dma_start3A_215, %dma_start3A_216] : memref<32x2x10240xi32, #tpu.memory_space<hbm>> -> memref<1x2x10240xi32, #tpu.memory_space<hbm>>
        %dma_start3A_218 = tpu.memref_squeeze %dma_start3A_217 : memref<1x2x10240xi32, #tpu.memory_space<hbm>> -> memref<2x10240xi32, #tpu.memory_space<hbm>>
        %dma_start3A_219 = arith.constant 0 : i32
        %dma_start3A_220 = tpu.memref_slice %dma_start3A_218[%run_scoped3A_198, %dma_start3A_219] : memref<2x10240xi32, #tpu.memory_space<hbm>> -> memref<1x10240xi32, #tpu.memory_space<hbm>>
        %dma_start3A_221 = tpu.memref_squeeze %dma_start3A_220 : memref<1x10240xi32, #tpu.memory_space<hbm>> -> memref<10240xi32, #tpu.memory_space<hbm>>
        tpu.enqueue_dma source(%dma_start3A_221 : memref<10240xi32, #tpu.memory_space<hbm>>) target(%dma_start3A_214 : memref<10240xi32, #tpu.memory_space<vmem>>) target_semaphore(%run_scoped3A_204 : memref<!tpu.dma_semaphore, #tpu.memory_space<semaphore_mem>>)
        %dma_wait3A = arith.constant 0 : i32
        %dma_wait3A_222 = tpu.memref_slice %arg8[%dma_wait3A] : memref<20480xi32, #tpu.memory_space<vmem>> -> memref<10240xi32, #tpu.memory_space<vmem>>
        %dma_wait3A_223 = arith.constant 0 : i32
        %dma_wait3A_224 = arith.constant 0 : i32
        %dma_wait3A_225 = tpu.memref_slice %arg4[%mul3A_197, %dma_wait3A_223, %dma_wait3A_224] : memref<32x2x10240xi32, #tpu.memory_space<hbm>> -> memref<1x2x10240xi32, #tpu.memory_space<hbm>>
        %dma_wait3A_226 = tpu.memref_squeeze %dma_wait3A_225 : memref<1x2x10240xi32, #tpu.memory_space<hbm>> -> memref<2x10240xi32, #tpu.memory_space<hbm>>
        %dma_wait3A_227 = arith.constant 0 : i32
        %dma_wait3A_228 = tpu.memref_slice %dma_wait3A_226[%run_scoped3A_198, %dma_wait3A_227] : memref<2x10240xi32, #tpu.memory_space<hbm>> -> memref<1x10240xi32, #tpu.memory_space<hbm>>
        %dma_wait3A_229 = tpu.memref_squeeze %dma_wait3A_228 : memref<1x10240xi32, #tpu.memory_space<hbm>> -> memref<10240xi32, #tpu.memory_space<hbm>>
        %dma_wait3A_230 = arith.constant 0 : i32
        %dma_wait3A_231 = tpu.memref_slice %arg8[%dma_wait3A_230] : memref<20480xi32, #tpu.memory_space<vmem>> -> memref<10240xi32, #tpu.memory_space<vmem>>
        %dma_wait3A_232 = arith.constant 0 : i32
        %dma_wait3A_233 = arith.constant 0 : i32
        %dma_wait3A_234 = tpu.memref_slice %arg4[%mul3A_197, %dma_wait3A_232, %dma_wait3A_233] : memref<32x2x10240xi32, #tpu.memory_space<hbm>> -> memref<1x2x10240xi32, #tpu.memory_space<hbm>>
        %dma_wait3A_235 = tpu.memref_squeeze %dma_wait3A_234 : memref<1x2x10240xi32, #tpu.memory_space<hbm>> -> memref<2x10240xi32, #tpu.memory_space<hbm>>
        %dma_wait3A_236 = arith.constant 0 : i32
        %dma_wait3A_237 = tpu.memref_slice %dma_wait3A_235[%run_scoped3A_198, %dma_wait3A_236] : memref<2x10240xi32, #tpu.memory_space<hbm>> -> memref<1x10240xi32, #tpu.memory_space<hbm>>
        %dma_wait3A_238 = tpu.memref_squeeze %dma_wait3A_237 : memref<1x10240xi32, #tpu.memory_space<hbm>> -> memref<10240xi32, #tpu.memory_space<hbm>>
        tpu.wait_dma2 semaphore(%run_scoped3A_204 : memref<!tpu.dma_semaphore, #tpu.memory_space<semaphore_mem>>) src(%dma_wait3A_238 : memref<10240xi32, #tpu.memory_space<hbm>>) dst(%dma_wait3A_231 : memref<10240xi32, #tpu.memory_space<vmem>>)
        tpu.yield
      }) : () -> ()
      %mul3A_199 = arith.constant 2 : i32
      %mul3A_200 = arith.muli %mul3A_199, %arg1 : i32
      %add3A_201 = arith.constant 1 : i32
      %add3A_202 = arith.addi %mul3A_200, %add3A_201 : i32
      %run_scoped3A_203 = arith.constant 0 : i32
      "tpu.region"() ({
        %run_scoped3A_204 = tpu.sem_alloc : memref<!tpu.dma_semaphore, #tpu.memory_space<semaphore_mem>>
        %dma_start3A = arith.constant 10240 : i32
        %dma_start3A_205 = tpu.memref_slice %arg8[%dma_start3A] : memref<20480xi32, #tpu.memory_space<vmem>> -> memref<10240xi32, #tpu.memory_space<vmem>>
        %dma_start3A_206 = arith.constant 0 : i32
        %dma_start3A_207 = arith.constant 0 : i32
        %dma_start3A_208 = tpu.memref_slice %arg4[%add3A_202, %dma_start3A_206, %dma_start3A_207] : memref<32x2x10240xi32, #tpu.memory_space<hbm>> -> memref<1x2x10240xi32, #tpu.memory_space<hbm>>
        %dma_start3A_209 = tpu.memref_squeeze %dma_start3A_208 : memref<1x2x10240xi32, #tpu.memory_space<hbm>> -> memref<2x10240xi32, #tpu.memory_space<hbm>>
        %dma_start3A_210 = arith.constant 0 : i32
        %dma_start3A_211 = tpu.memref_slice %dma_start3A_209[%run_scoped3A_203, %dma_start3A_210] : memref<2x10240xi32, #tpu.memory_space<hbm>> -> memref<1x10240xi32, #tpu.memory_space<hbm>>
        %dma_start3A_212 = tpu.memref_squeeze %dma_start3A_211 : memref<1x10240xi32, #tpu.memory_space<hbm>> -> memref<10240xi32, #tpu.memory_space<hbm>>
        %dma_start3A_213 = arith.constant 10240 : i32
        %dma_start3A_214 = tpu.memref_slice %arg8[%dma_start3A_213] : memref<20480xi32, #tpu.memory_space<vmem>> -> memref<10240xi32, #tpu.memory_space<vmem>>
        %dma_start3A_215 = arith.constant 0 : i32
        %dma_start3A_216 = arith.constant 0 : i32
        %dma_start3A_217 = tpu.memref_slice %arg4[%add3A_202, %dma_start3A_215, %dma_start3A_216] : memref<32x2x10240xi32, #tpu.memory_space<hbm>> -> memref<1x2x10240xi32, #tpu.memory_space<hbm>>
        %dma_start3A_218 = tpu.memref_squeeze %dma_start3A_217 : memref<1x2x10240xi32, #tpu.memory_space<hbm>> -> memref<2x10240xi32, #tpu.memory_space<hbm>>
        %dma_start3A_219 = arith.constant 0 : i32
        %dma_start3A_220 = tpu.memref_slice %dma_start3A_218[%run_scoped3A_203, %dma_start3A_219] : memref<2x10240xi32, #tpu.memory_space<hbm>> -> memref<1x10240xi32, #tpu.memory_space<hbm>>
        %dma_start3A_221 = tpu.memref_squeeze %dma_start3A_220 : memref<1x10240xi32, #tpu.memory_space<hbm>> -> memref<10240xi32, #tpu.memory_space<hbm>>
        tpu.enqueue_dma source(%dma_start3A_221 : memref<10240xi32, #tpu.memory_space<hbm>>) target(%dma_start3A_214 : memref<10240xi32, #tpu.memory_space<vmem>>) target_semaphore(%run_scoped3A_204 : memref<!tpu.dma_semaphore, #tpu.memory_space<semaphore_mem>>)
        %dma_wait3A = arith.constant 10240 : i32
        %dma_wait3A_222 = tpu.memref_slice %arg8[%dma_wait3A] : memref<20480xi32, #tpu.memory_space<vmem>> -> memref<10240xi32, #tpu.memory_space<vmem>>
        %dma_wait3A_223 = arith.constant 0 : i32
        %dma_wait3A_224 = arith.constant 0 : i32
        %dma_wait3A_225 = tpu.memref_slice %arg4[%add3A_202, %dma_wait3A_223, %dma_wait3A_224] : memref<32x2x10240xi32, #tpu.memory_space<hbm>> -> memref<1x2x10240xi32, #tpu.memory_space<hbm>>
        %dma_wait3A_226 = tpu.memref_squeeze %dma_wait3A_225 : memref<1x2x10240xi32, #tpu.memory_space<hbm>> -> memref<2x10240xi32, #tpu.memory_space<hbm>>
        %dma_wait3A_227 = arith.constant 0 : i32
        %dma_wait3A_228 = tpu.memref_slice %dma_wait3A_226[%run_scoped3A_203, %dma_wait3A_227] : memref<2x10240xi32, #tpu.memory_space<hbm>> -> memref<1x10240xi32, #tpu.memory_space<hbm>>
        %dma_wait3A_229 = tpu.memref_squeeze %dma_wait3A_228 : memref<1x10240xi32, #tpu.memory_space<hbm>> -> memref<10240xi32, #tpu.memory_space<hbm>>
        %dma_wait3A_230 = arith.constant 10240 : i32
        %dma_wait3A_231 = tpu.memref_slice %arg8[%dma_wait3A_230] : memref<20480xi32, #tpu.memory_space<vmem>> -> memref<10240xi32, #tpu.memory_space<vmem>>
        %dma_wait3A_232 = arith.constant 0 : i32
        %dma_wait3A_233 = arith.constant 0 : i32
        %dma_wait3A_234 = tpu.memref_slice %arg4[%add3A_202, %dma_wait3A_232, %dma_wait3A_233] : memref<32x2x10240xi32, #tpu.memory_space<hbm>> -> memref<1x2x10240xi32, #tpu.memory_space<hbm>>
        %dma_wait3A_235 = tpu.memref_squeeze %dma_wait3A_234 : memref<1x2x10240xi32, #tpu.memory_space<hbm>> -> memref<2x10240xi32, #tpu.memory_space<hbm>>
        %dma_wait3A_236 = arith.constant 0 : i32
        %dma_wait3A_237 = tpu.memref_slice %dma_wait3A_235[%run_scoped3A_203, %dma_wait3A_236] : memref<2x10240xi32, #tpu.memory_space<hbm>> -> memref<1x10240xi32, #tpu.memory_space<hbm>>
        %dma_wait3A_238 = tpu.memref_squeeze %dma_wait3A_237 : memref<1x10240xi32, #tpu.memory_space<hbm>> -> memref<10240xi32, #tpu.memory_space<hbm>>
        tpu.wait_dma2 semaphore(%run_scoped3A_204 : memref<!tpu.dma_semaphore, #tpu.memory_space<semaphore_mem>>) src(%dma_wait3A_238 : memref<10240xi32, #tpu.memory_space<hbm>>) dst(%dma_wait3A_231 : memref<10240xi32, #tpu.memory_space<vmem>>)
        tpu.yield
      }) : () -> ()
    } else {
    }
    %mul3A_8 = arith.constant 2 : i32
    %mul3A_9 = arith.muli %mul3A_8, %arg1 : i32
    %run_scoped3A = arith.constant 0 : i32
    "tpu.region"() ({
      %run_scoped3A_196 = tpu.sem_alloc : memref<!tpu.dma_semaphore, #tpu.memory_space<semaphore_mem>>
      %dma_start3A = arith.constant 0 : i32
      %dma_start3A_197 = arith.constant 0 : i32
      %dma_start3A_198 = tpu.memref_slice %arg9[%dma_start3A, %dma_start3A_197] : memref<160x128xi32, #tpu.memory_space<vmem>> -> memref<80x128xi32, #tpu.memory_space<vmem>>
      %dma_start3A_199 = arith.constant 0 : i32
      %dma_start3A_200 = arith.constant 0 : i32
      %dma_start3A_201 = arith.constant 0 : i32
      %dma_start3A_202 = tpu.memref_slice %arg5[%mul3A_9, %dma_start3A_199, %dma_start3A_200, %dma_start3A_201] : memref<32x2x80x128xi32, #tpu.memory_space<hbm>> -> memref<1x2x80x128xi32, #tpu.memory_space<hbm>>
      %dma_start3A_203 = tpu.memref_squeeze %dma_start3A_202 : memref<1x2x80x128xi32, #tpu.memory_space<hbm>> -> memref<2x80x128xi32, #tpu.memory_space<hbm>>
      %dma_start3A_204 = arith.constant 0 : i32
      %dma_start3A_205 = arith.constant 0 : i32
      %dma_start3A_206 = tpu.memref_slice %dma_start3A_203[%run_scoped3A, %dma_start3A_204, %dma_start3A_205] : memref<2x80x128xi32, #tpu.memory_space<hbm>> -> memref<1x80x128xi32, #tpu.memory_space<hbm>>
      %dma_start3A_207 = tpu.memref_squeeze %dma_start3A_206 : memref<1x80x128xi32, #tpu.memory_space<hbm>> -> memref<80x128xi32, #tpu.memory_space<hbm>>
      %dma_start3A_208 = arith.constant 0 : i32
      %dma_start3A_209 = arith.constant 0 : i32
      %dma_start3A_210 = tpu.memref_slice %arg9[%dma_start3A_208, %dma_start3A_209] : memref<160x128xi32, #tpu.memory_space<vmem>> -> memref<80x128xi32, #tpu.memory_space<vmem>>
      %dma_start3A_211 = arith.constant 0 : i32
      %dma_start3A_212 = arith.constant 0 : i32
      %dma_start3A_213 = arith.constant 0 : i32
      %dma_start3A_214 = tpu.memref_slice %arg5[%mul3A_9, %dma_start3A_211, %dma_start3A_212, %dma_start3A_213] : memref<32x2x80x128xi32, #tpu.memory_space<hbm>> -> memref<1x2x80x128xi32, #tpu.memory_space<hbm>>
      %dma_start3A_215 = tpu.memref_squeeze %dma_start3A_214 : memref<1x2x80x128xi32, #tpu.memory_space<hbm>> -> memref<2x80x128xi32, #tpu.memory_space<hbm>>
      %dma_start3A_216 = arith.constant 0 : i32
      %dma_start3A_217 = arith.constant 0 : i32
      %dma_start3A_218 = tpu.memref_slice %dma_start3A_215[%run_scoped3A, %dma_start3A_216, %dma_start3A_217] : memref<2x80x128xi32, #tpu.memory_space<hbm>> -> memref<1x80x128xi32, #tpu.memory_space<hbm>>
      %dma_start3A_219 = tpu.memref_squeeze %dma_start3A_218 : memref<1x80x128xi32, #tpu.memory_space<hbm>> -> memref<80x128xi32, #tpu.memory_space<hbm>>
      tpu.enqueue_dma source(%dma_start3A_219 : memref<80x128xi32, #tpu.memory_space<hbm>>) target(%dma_start3A_210 : memref<80x128xi32, #tpu.memory_space<vmem>>) target_semaphore(%run_scoped3A_196 : memref<!tpu.dma_semaphore, #tpu.memory_space<semaphore_mem>>)
      %dma_wait3A = arith.constant 0 : i32
      %dma_wait3A_220 = arith.constant 0 : i32
      %dma_wait3A_221 = tpu.memref_slice %arg9[%dma_wait3A, %dma_wait3A_220] : memref<160x128xi32, #tpu.memory_space<vmem>> -> memref<80x128xi32, #tpu.memory_space<vmem>>
      %dma_wait3A_222 = arith.constant 0 : i32
      %dma_wait3A_223 = arith.constant 0 : i32
      %dma_wait3A_224 = arith.constant 0 : i32
      %dma_wait3A_225 = tpu.memref_slice %arg5[%mul3A_9, %dma_wait3A_222, %dma_wait3A_223, %dma_wait3A_224] : memref<32x2x80x128xi32, #tpu.memory_space<hbm>> -> memref<1x2x80x128xi32, #tpu.memory_space<hbm>>
      %dma_wait3A_226 = tpu.memref_squeeze %dma_wait3A_225 : memref<1x2x80x128xi32, #tpu.memory_space<hbm>> -> memref<2x80x128xi32, #tpu.memory_space<hbm>>
      %dma_wait3A_227 = arith.constant 0 : i32
      %dma_wait3A_228 = arith.constant 0 : i32
      %dma_wait3A_229 = tpu.memref_slice %dma_wait3A_226[%run_scoped3A, %dma_wait3A_227, %dma_wait3A_228] : memref<2x80x128xi32, #tpu.memory_space<hbm>> -> memref<1x80x128xi32, #tpu.memory_space<hbm>>
      %dma_wait3A_230 = tpu.memref_squeeze %dma_wait3A_229 : memref<1x80x128xi32, #tpu.memory_space<hbm>> -> memref<80x128xi32, #tpu.memory_space<hbm>>
      %dma_wait3A_231 = arith.constant 0 : i32
      %dma_wait3A_232 = arith.constant 0 : i32
      %dma_wait3A_233 = tpu.memref_slice %arg9[%dma_wait3A_231, %dma_wait3A_232] : memref<160x128xi32, #tpu.memory_space<vmem>> -> memref<80x128xi32, #tpu.memory_space<vmem>>
      %dma_wait3A_234 = arith.constant 0 : i32
      %dma_wait3A_235 = arith.constant 0 : i32
      %dma_wait3A_236 = arith.constant 0 : i32
      %dma_wait3A_237 = tpu.memref_slice %arg5[%mul3A_9, %dma_wait3A_234, %dma_wait3A_235, %dma_wait3A_236] : memref<32x2x80x128xi32, #tpu.memory_space<hbm>> -> memref<1x2x80x128xi32, #tpu.memory_space<hbm>>
      %dma_wait3A_238 = tpu.memref_squeeze %dma_wait3A_237 : memref<1x2x80x128xi32, #tpu.memory_space<hbm>> -> memref<2x80x128xi32, #tpu.memory_space<hbm>>
      %dma_wait3A_239 = arith.constant 0 : i32
      %dma_wait3A_240 = arith.constant 0 : i32
      %dma_wait3A_241 = tpu.memref_slice %dma_wait3A_238[%run_scoped3A, %dma_wait3A_239, %dma_wait3A_240] : memref<2x80x128xi32, #tpu.memory_space<hbm>> -> memref<1x80x128xi32, #tpu.memory_space<hbm>>
      %dma_wait3A_242 = tpu.memref_squeeze %dma_wait3A_241 : memref<1x80x128xi32, #tpu.memory_space<hbm>> -> memref<80x128xi32, #tpu.memory_space<hbm>>
      tpu.wait_dma2 semaphore(%run_scoped3A_196 : memref<!tpu.dma_semaphore, #tpu.memory_space<semaphore_mem>>) src(%dma_wait3A_242 : memref<80x128xi32, #tpu.memory_space<hbm>>) dst(%dma_wait3A_233 : memref<80x128xi32, #tpu.memory_space<vmem>>)
      tpu.yield
    }) : () -> ()
    %mul3A_10 = arith.constant 2 : i32
    %mul3A_11 = arith.muli %mul3A_10, %arg1 : i32
    %add3A = arith.constant 1 : i32
    %add3A_12 = arith.addi %mul3A_11, %add3A : i32
    %run_scoped3A_13 = arith.constant 0 : i32
    "tpu.region"() ({
      %run_scoped3A_196 = tpu.sem_alloc : memref<!tpu.dma_semaphore, #tpu.memory_space<semaphore_mem>>
      %dma_start3A = arith.constant 80 : i32
      %dma_start3A_197 = arith.constant 0 : i32
      %dma_start3A_198 = tpu.memref_slice %arg9[%dma_start3A, %dma_start3A_197] : memref<160x128xi32, #tpu.memory_space<vmem>> -> memref<80x128xi32, #tpu.memory_space<vmem>>
      %dma_start3A_199 = arith.constant 0 : i32
      %dma_start3A_200 = arith.constant 0 : i32
      %dma_start3A_201 = arith.constant 0 : i32
      %dma_start3A_202 = tpu.memref_slice %arg5[%add3A_12, %dma_start3A_199, %dma_start3A_200, %dma_start3A_201] : memref<32x2x80x128xi32, #tpu.memory_space<hbm>> -> memref<1x2x80x128xi32, #tpu.memory_space<hbm>>
      %dma_start3A_203 = tpu.memref_squeeze %dma_start3A_202 : memref<1x2x80x128xi32, #tpu.memory_space<hbm>> -> memref<2x80x128xi32, #tpu.memory_space<hbm>>
      %dma_start3A_204 = arith.constant 0 : i32
      %dma_start3A_205 = arith.constant 0 : i32
      %dma_start3A_206 = tpu.memref_slice %dma_start3A_203[%run_scoped3A_13, %dma_start3A_204, %dma_start3A_205] : memref<2x80x128xi32, #tpu.memory_space<hbm>> -> memref<1x80x128xi32, #tpu.memory_space<hbm>>
      %dma_start3A_207 = tpu.memref_squeeze %dma_start3A_206 : memref<1x80x128xi32, #tpu.memory_space<hbm>> -> memref<80x128xi32, #tpu.memory_space<hbm>>
      %dma_start3A_208 = arith.constant 80 : i32
      %dma_start3A_209 = arith.constant 0 : i32
      %dma_start3A_210 = tpu.memref_slice %arg9[%dma_start3A_208, %dma_start3A_209] : memref<160x128xi32, #tpu.memory_space<vmem>> -> memref<80x128xi32, #tpu.memory_space<vmem>>
      %dma_start3A_211 = arith.constant 0 : i32
      %dma_start3A_212 = arith.constant 0 : i32
      %dma_start3A_213 = arith.constant 0 : i32
      %dma_start3A_214 = tpu.memref_slice %arg5[%add3A_12, %dma_start3A_211, %dma_start3A_212, %dma_start3A_213] : memref<32x2x80x128xi32, #tpu.memory_space<hbm>> -> memref<1x2x80x128xi32, #tpu.memory_space<hbm>>
      %dma_start3A_215 = tpu.memref_squeeze %dma_start3A_214 : memref<1x2x80x128xi32, #tpu.memory_space<hbm>> -> memref<2x80x128xi32, #tpu.memory_space<hbm>>
      %dma_start3A_216 = arith.constant 0 : i32
      %dma_start3A_217 = arith.constant 0 : i32
      %dma_start3A_218 = tpu.memref_slice %dma_start3A_215[%run_scoped3A_13, %dma_start3A_216, %dma_start3A_217] : memref<2x80x128xi32, #tpu.memory_space<hbm>> -> memref<1x80x128xi32, #tpu.memory_space<hbm>>
      %dma_start3A_219 = tpu.memref_squeeze %dma_start3A_218 : memref<1x80x128xi32, #tpu.memory_space<hbm>> -> memref<80x128xi32, #tpu.memory_space<hbm>>
      tpu.enqueue_dma source(%dma_start3A_219 : memref<80x128xi32, #tpu.memory_space<hbm>>) target(%dma_start3A_210 : memref<80x128xi32, #tpu.memory_space<vmem>>) target_semaphore(%run_scoped3A_196 : memref<!tpu.dma_semaphore, #tpu.memory_space<semaphore_mem>>)
      %dma_wait3A = arith.constant 80 : i32
      %dma_wait3A_220 = arith.constant 0 : i32
      %dma_wait3A_221 = tpu.memref_slice %arg9[%dma_wait3A, %dma_wait3A_220] : memref<160x128xi32, #tpu.memory_space<vmem>> -> memref<80x128xi32, #tpu.memory_space<vmem>>
      %dma_wait3A_222 = arith.constant 0 : i32
      %dma_wait3A_223 = arith.constant 0 : i32
      %dma_wait3A_224 = arith.constant 0 : i32
      %dma_wait3A_225 = tpu.memref_slice %arg5[%add3A_12, %dma_wait3A_222, %dma_wait3A_223, %dma_wait3A_224] : memref<32x2x80x128xi32, #tpu.memory_space<hbm>> -> memref<1x2x80x128xi32, #tpu.memory_space<hbm>>
      %dma_wait3A_226 = tpu.memref_squeeze %dma_wait3A_225 : memref<1x2x80x128xi32, #tpu.memory_space<hbm>> -> memref<2x80x128xi32, #tpu.memory_space<hbm>>
      %dma_wait3A_227 = arith.constant 0 : i32
      %dma_wait3A_228 = arith.constant 0 : i32
      %dma_wait3A_229 = tpu.memref_slice %dma_wait3A_226[%run_scoped3A_13, %dma_wait3A_227, %dma_wait3A_228] : memref<2x80x128xi32, #tpu.memory_space<hbm>> -> memref<1x80x128xi32, #tpu.memory_space<hbm>>
      %dma_wait3A_230 = tpu.memref_squeeze %dma_wait3A_229 : memref<1x80x128xi32, #tpu.memory_space<hbm>> -> memref<80x128xi32, #tpu.memory_space<hbm>>
      %dma_wait3A_231 = arith.constant 80 : i32
      %dma_wait3A_232 = arith.constant 0 : i32
      %dma_wait3A_233 = tpu.memref_slice %arg9[%dma_wait3A_231, %dma_wait3A_232] : memref<160x128xi32, #tpu.memory_space<vmem>> -> memref<80x128xi32, #tpu.memory_space<vmem>>
      %dma_wait3A_234 = arith.constant 0 : i32
      %dma_wait3A_235 = arith.constant 0 : i32
      %dma_wait3A_236 = arith.constant 0 : i32
      %dma_wait3A_237 = tpu.memref_slice %arg5[%add3A_12, %dma_wait3A_234, %dma_wait3A_235, %dma_wait3A_236] : memref<32x2x80x128xi32, #tpu.memory_space<hbm>> -> memref<1x2x80x128xi32, #tpu.memory_space<hbm>>
      %dma_wait3A_238 = tpu.memref_squeeze %dma_wait3A_237 : memref<1x2x80x128xi32, #tpu.memory_space<hbm>> -> memref<2x80x128xi32, #tpu.memory_space<hbm>>
      %dma_wait3A_239 = arith.constant 0 : i32
      %dma_wait3A_240 = arith.constant 0 : i32
      %dma_wait3A_241 = tpu.memref_slice %dma_wait3A_238[%run_scoped3A_13, %dma_wait3A_239, %dma_wait3A_240] : memref<2x80x128xi32, #tpu.memory_space<hbm>> -> memref<1x80x128xi32, #tpu.memory_space<hbm>>
      %dma_wait3A_242 = tpu.memref_squeeze %dma_wait3A_241 : memref<1x80x128xi32, #tpu.memory_space<hbm>> -> memref<80x128xi32, #tpu.memory_space<hbm>>
      tpu.wait_dma2 semaphore(%run_scoped3A_196 : memref<!tpu.dma_semaphore, #tpu.memory_space<semaphore_mem>>) src(%dma_wait3A_242 : memref<80x128xi32, #tpu.memory_space<hbm>>) dst(%dma_wait3A_233 : memref<80x128xi32, #tpu.memory_space<vmem>>)
      tpu.yield
    }) : () -> ()
    %mul3A_14 = arith.constant 2 : i32
    %mul3A_15 = arith.muli %mul3A_14, %arg1 : i32
    "tpu.region"() ({
      %run_scoped3A_196 = tpu.sem_alloc : memref<!tpu.dma_semaphore, #tpu.memory_space<semaphore_mem>>
      %dma_start3A = arith.constant 0 : i32
      %dma_start3A_197 = tpu.memref_slice %arg6[%mul3A_15, %dma_start3A] : memref<32x128xi32, #tpu.memory_space<hbm>> -> memref<1x128xi32, #tpu.memory_space<hbm>>
      %dma_start3A_198 = tpu.memref_squeeze %dma_start3A_197 : memref<1x128xi32, #tpu.memory_space<hbm>> -> memref<128xi32, #tpu.memory_space<hbm>>
      %dma_start3A_199 = arith.constant 0 : i32
      %dma_start3A_200 = tpu.memref_slice %arg6[%mul3A_15, %dma_start3A_199] : memref<32x128xi32, #tpu.memory_space<hbm>> -> memref<1x128xi32, #tpu.memory_space<hbm>>
      %dma_start3A_201 = tpu.memref_squeeze %dma_start3A_200 : memref<1x128xi32, #tpu.memory_space<hbm>> -> memref<128xi32, #tpu.memory_space<hbm>>
      tpu.enqueue_dma source(%dma_start3A_201 : memref<128xi32, #tpu.memory_space<hbm>>) target(%arg12 : memref<128xi32, #tpu.memory_space<vmem>>) target_semaphore(%run_scoped3A_196 : memref<!tpu.dma_semaphore, #tpu.memory_space<semaphore_mem>>)
      %dma_wait3A = arith.constant 0 : i32
      %dma_wait3A_202 = tpu.memref_slice %arg6[%mul3A_15, %dma_wait3A] : memref<32x128xi32, #tpu.memory_space<hbm>> -> memref<1x128xi32, #tpu.memory_space<hbm>>
      %dma_wait3A_203 = tpu.memref_squeeze %dma_wait3A_202 : memref<1x128xi32, #tpu.memory_space<hbm>> -> memref<128xi32, #tpu.memory_space<hbm>>
      %dma_wait3A_204 = arith.constant 0 : i32
      %dma_wait3A_205 = tpu.memref_slice %arg6[%mul3A_15, %dma_wait3A_204] : memref<32x128xi32, #tpu.memory_space<hbm>> -> memref<1x128xi32, #tpu.memory_space<hbm>>
      %dma_wait3A_206 = tpu.memref_squeeze %dma_wait3A_205 : memref<1x128xi32, #tpu.memory_space<hbm>> -> memref<128xi32, #tpu.memory_space<hbm>>
      tpu.wait_dma2 semaphore(%run_scoped3A_196 : memref<!tpu.dma_semaphore, #tpu.memory_space<semaphore_mem>>) src(%dma_wait3A_206 : memref<128xi32, #tpu.memory_space<hbm>>) dst(%arg12 : memref<128xi32, #tpu.memory_space<vmem>>)
      tpu.yield
    }) : () -> ()
    %get3A = arith.constant 0 : index
    %get3A_16 = tpu.vector_load %arg12[%get3A] {strides = array<i32>} : memref<128xi32, #tpu.memory_space<vmem>>, vector<16xi32>,
    %iota3A = tpu.iota {dimensions = array<i32: 0>} : vector<16xi32>
    %eq3A_17 = arith.constant 0 : i32
    %eq3A_18 = vector.broadcast %eq3A_17 : i32 to vector<16xi32>
    %eq3A_19 = arith.cmpi eq, %iota3A, %eq3A_18 : vector<16xi32>
    %jit3A = arith.constant 0 : i32
    %broadcast_in_dim3A = vector.broadcast %jit3A : i32 to vector<16xi32>
    %select_n3A = arith.select %eq3A_19, %get3A_16, %broadcast_in_dim3A : vector<16xi1>, vector<16xi32>
    %reduce_sum3A = arith.constant true
    %reduce_sum3A_20 = vector.broadcast %reduce_sum3A : i1 to vector<16xi1>
    %reduce_sum3A_21 = tpu.scan <sum>, %select_n3A masked %reduce_sum3A_20 : vector<16xi32>, vector<16xi1> -> vector<16xi32>
    %reduce_sum3A_22 = vector.extract %reduce_sum3A_21[15] : i32 from vector<16xi32>
    %mul3A_23 = arith.constant 2 : i32
    %mul3A_24 = arith.muli %mul3A_23, %arg1 : i32
    %add3A_25 = arith.constant 1 : i32
    %add3A_26 = arith.addi %mul3A_24, %add3A_25 : i32
    "tpu.region"() ({
      %run_scoped3A_196 = tpu.sem_alloc : memref<!tpu.dma_semaphore, #tpu.memory_space<semaphore_mem>>
      %dma_start3A = arith.constant 0 : i32
      %dma_start3A_197 = tpu.memref_slice %arg6[%add3A_26, %dma_start3A] : memref<32x128xi32, #tpu.memory_space<hbm>> -> memref<1x128xi32, #tpu.memory_space<hbm>>
      %dma_start3A_198 = tpu.memref_squeeze %dma_start3A_197 : memref<1x128xi32, #tpu.memory_space<hbm>> -> memref<128xi32, #tpu.memory_space<hbm>>
      %dma_start3A_199 = arith.constant 0 : i32
      %dma_start3A_200 = tpu.memref_slice %arg6[%add3A_26, %dma_start3A_199] : memref<32x128xi32, #tpu.memory_space<hbm>> -> memref<1x128xi32, #tpu.memory_space<hbm>>
      %dma_start3A_201 = tpu.memref_squeeze %dma_start3A_200 : memref<1x128xi32, #tpu.memory_space<hbm>> -> memref<128xi32, #tpu.memory_space<hbm>>
      tpu.enqueue_dma source(%dma_start3A_201 : memref<128xi32, #tpu.memory_space<hbm>>) target(%arg12 : memref<128xi32, #tpu.memory_space<vmem>>) target_semaphore(%run_scoped3A_196 : memref<!tpu.dma_semaphore, #tpu.memory_space<semaphore_mem>>)
      %dma_wait3A = arith.constant 0 : i32
      %dma_wait3A_202 = tpu.memref_slice %arg6[%add3A_26, %dma_wait3A] : memref<32x128xi32, #tpu.memory_space<hbm>> -> memref<1x128xi32, #tpu.memory_space<hbm>>
      %dma_wait3A_203 = tpu.memref_squeeze %dma_wait3A_202 : memref<1x128xi32, #tpu.memory_space<hbm>> -> memref<128xi32, #tpu.memory_space<hbm>>
      %dma_wait3A_204 = arith.constant 0 : i32
      %dma_wait3A_205 = tpu.memref_slice %arg6[%add3A_26, %dma_wait3A_204] : memref<32x128xi32, #tpu.memory_space<hbm>> -> memref<1x128xi32, #tpu.memory_space<hbm>>
      %dma_wait3A_206 = tpu.memref_squeeze %dma_wait3A_205 : memref<1x128xi32, #tpu.memory_space<hbm>> -> memref<128xi32, #tpu.memory_space<hbm>>
      tpu.wait_dma2 semaphore(%run_scoped3A_196 : memref<!tpu.dma_semaphore, #tpu.memory_space<semaphore_mem>>) src(%dma_wait3A_206 : memref<128xi32, #tpu.memory_space<hbm>>) dst(%arg12 : memref<128xi32, #tpu.memory_space<vmem>>)
      tpu.yield
    }) : () -> ()
    %get3A_27 = arith.constant 0 : index
    %get3A_28 = tpu.vector_load %arg12[%get3A_27] {strides = array<i32>} : memref<128xi32, #tpu.memory_space<vmem>>, vector<16xi32>,
    %iota3A_29 = tpu.iota {dimensions = array<i32: 0>} : vector<16xi32>
    %eq3A_30 = arith.constant 0 : i32
    %eq3A_31 = vector.broadcast %eq3A_30 : i32 to vector<16xi32>
    %eq3A_32 = arith.cmpi eq, %iota3A_29, %eq3A_31 : vector<16xi32>
    %jit3A_33 = arith.constant 0 : i32
    %broadcast_in_dim3A_34 = vector.broadcast %jit3A_33 : i32 to vector<16xi32>
    %select_n3A_35 = arith.select %eq3A_32, %get3A_28, %broadcast_in_dim3A_34 : vector<16xi1>, vector<16xi32>
    %reduce_sum3A_36 = arith.constant true
    %reduce_sum3A_37 = vector.broadcast %reduce_sum3A_36 : i1 to vector<16xi1>
    %reduce_sum3A_38 = tpu.scan <sum>, %select_n3A_35 masked %reduce_sum3A_37 : vector<16xi32>, vector<16xi1> -> vector<16xi32>
    %reduce_sum3A_39 = vector.extract %reduce_sum3A_38[15] : i32 from vector<16xi32>
    %add3A_40 = arith.constant 127 : i32
    %add3A_41 = arith.addi %reduce_sum3A_22, %add3A_40 : i32
    %shift_right_arithmetic3A = arith.constant 7 : i32
    %shift_right_arithmetic3A_42 = arith.shrsi %add3A_41, %shift_right_arithmetic3A : i32
    %add3A_43 = arith.constant 127 : i32
    %add3A_44 = arith.addi %reduce_sum3A_39, %add3A_43 : i32
    %shift_right_arithmetic3A_45 = arith.constant 7 : i32
    %shift_right_arithmetic3A_46 = arith.shrsi %add3A_44, %shift_right_arithmetic3A_45 : i32
    %mul3A_47 = arith.constant 10496 : i32
    %mul3A_48 = arith.muli %arg0, %mul3A_47 : i32
    %add3A_49 = arith.constant 0 : i32
    %add3A_50 = arith.addi %mul3A_48, %add3A_49 : i32
    %add3A_51 = arith.addi %add3A_50, %mul3A_0 : i32
    "tpu.region"() ({
      %run_scoped3A_196 = tpu.sem_alloc : memref<!tpu.dma_semaphore, #tpu.memory_space<semaphore_mem>>
      %dma_start3A = arith.constant 0 : i32
      %dma_start3A_197 = tpu.memref_slice %arg13[%mul3A_0, %dma_start3A] : memref<5248x128xf32, #tpu.memory_space<vmem_shared>> -> memref<328x128xf32, #tpu.memory_space<vmem_shared>>
      %dma_start3A_198 = arith.constant 0 : i32
      %dma_start3A_199 = tpu.memref_slice %arg2[%add3A_51, %dma_start3A_198] : memref<20992x128xf32, #tpu.memory_space<hbm>> -> memref<328x128xf32, #tpu.memory_space<hbm>>
      tpu.enqueue_dma source(%dma_start3A_199 : memref<328x128xf32, #tpu.memory_space<hbm>>) target(%dma_start3A_197 : memref<328x128xf32, #tpu.memory_space<vmem_shared>>) target_semaphore(%run_scoped3A_196 : memref<!tpu.dma_semaphore, #tpu.memory_space<semaphore_mem>>)
      %dma_wait3A = arith.constant 0 : i32
      %dma_wait3A_200 = tpu.memref_slice %arg13[%mul3A_0, %dma_wait3A] : memref<5248x128xf32, #tpu.memory_space<vmem_shared>> -> memref<328x128xf32, #tpu.memory_space<vmem_shared>>
      %dma_wait3A_201 = arith.constant 0 : i32
      %dma_wait3A_202 = tpu.memref_slice %arg2[%add3A_51, %dma_wait3A_201] : memref<20992x128xf32, #tpu.memory_space<hbm>> -> memref<328x128xf32, #tpu.memory_space<hbm>>
      tpu.wait_dma2 semaphore(%run_scoped3A_196 : memref<!tpu.dma_semaphore, #tpu.memory_space<semaphore_mem>>) src(%dma_wait3A_202 : memref<328x128xf32, #tpu.memory_space<hbm>>) dst(%dma_wait3A_200 : memref<328x128xf32, #tpu.memory_space<vmem_shared>>)
      tpu.yield
    }) : () -> ()
    %barrier3A = arith.constant 0 : index
    tpu.barrier barrier_id(%barrier3A)
    %add3A_52 = arith.addi %shift_right_arithmetic3A_42, %shift_right_arithmetic3A_46 : i32
    %gt3A = arith.constant 0 : i32
    %gt3A_53 = arith.cmpi sgt, %add3A_52, %gt3A : i32
    %convert_element_type3A_54 = arith.extui %gt3A_53 : i1 to i32
    %cond3A_55 = arith.constant 0 : i32
    %cond3A_56 = arith.cmpi ne, %convert_element_type3A_54, %cond3A_55 : i32
    scf.if %cond3A_56 {
      %gt3A_196 = arith.constant 0 : i32
      %gt3A_197 = arith.cmpi sgt, %shift_right_arithmetic3A_42, %gt3A_196 : i32
      %sub3A_198 = arith.constant 0 : i32
      %sub3A_199 = arith.subi %sub3A_198, %shift_right_arithmetic3A_42 : i32
      %add3A_200 = arith.constant 80 : i32
      %add3A_201 = arith.addi %add3A_200, %sub3A_199 : i32
      %jit3A_202 = arith.constant 0 : i32
      %select_n3A_203 = arith.select %gt3A_197, %jit3A_202, %add3A_201 : i32
      %mul3A_204 = arith.constant 128 : i32
      %mul3A_205 = arith.muli %select_n3A_203, %mul3A_204 : i32
      %multiple_of3A = tpu.assume_multiple %mul3A_205, 128 : i32
      %dma_start3A = tpu.memref_slice %arg8[%multiple_of3A] : memref<20480xi32, #tpu.memory_space<vmem>> -> memref<128xi32, #tpu.memory_space<vmem>>
      %dma_start3A_206 = arith.constant 0 : i32
      %dma_start3A_207 = arith.constant 0 : i32
      %dma_start3A_208 = tpu.memref_slice %arg2[%dma_start3A_206, %dma_start3A_207] : memref<20992x128xf32, #tpu.memory_space<hbm>> -> memref<20992x128xf32, #tpu.memory_space<hbm>>
      tpu.enqueue_indirect_dma source(%dma_start3A_208 : memref<20992x128xf32, #tpu.memory_space<hbm>>) target(%arg10 : memref<128x128xf32, #tpu.memory_space<vmem>>) offsets(%dma_start3A : memref<128xi32, #tpu.memory_space<vmem>>) semaphore(%arg14 : memref<!tpu.dma_semaphore, #tpu.memory_space<semaphore_mem>>)
    } else {
    }
    %add3A_57 = arith.constant 1 : i32
    %add3A_58 = arith.addi %add3A_52, %add3A_57 : i32
    %jit3A_59 = arith.constant 2 : i32
    %div3A = arith.divsi %add3A_58, %jit3A_59 : i32
    %sign3A = arith.constant 0 : i32
    %sign3A_60 = arith.cmpi sgt, %add3A_58, %sign3A : i32
    %sign3A_61 = arith.extui %sign3A_60 : i1 to i32
    %sign3A_62 = arith.constant 0 : i32
    %sign3A_63 = arith.cmpi slt, %add3A_58, %sign3A_62 : i32
    %sign3A_64 = arith.extui %sign3A_63 : i1 to i32
    %sign3A_65 = arith.subi %sign3A_61, %sign3A_64 : i32
    %sign3A_66 = arith.constant 0 : i32
    %sign3A_67 = arith.cmpi sgt, %jit3A_59, %sign3A_66 : i32
    %sign3A_68 = arith.extui %sign3A_67 : i1 to i32
    %sign3A_69 = arith.constant 0 : i32
    %sign3A_70 = arith.cmpi slt, %jit3A_59, %sign3A_69 : i32
    %sign3A_71 = arith.extui %sign3A_70 : i1 to i32
    %sign3A_72 = arith.subi %sign3A_68, %sign3A_71 : i32
    %ne3A = arith.cmpi ne, %sign3A_65, %sign3A_72 : i32
    %rem3A = arith.remsi %add3A_58, %jit3A_59 : i32
    %ne3A_73 = arith.constant 0 : i32
    %ne3A_74 = arith.cmpi ne, %rem3A, %ne3A_73 : i32
    %and3A = arith.andi %ne3A, %ne3A_74 : i1
    %sub3A = arith.constant 1 : i32
    %sub3A_75 = arith.subi %div3A, %sub3A : i32
    %select_n3A_76 = arith.select %and3A, %sub3A_75, %div3A : i32
    %while3A = arith.constant 0 : i32
    %while3A_77 = arith.constant 0 : i32
    %while3A_78 = arith.subi %select_n3A_76, %while3A_77 : i32
    %while3A_79 = arith.addi %while3A_77, %while3A_78 : i32
    %while3A_80 = arith.constant 1 : i32
    %while3A_81 = arith.divsi %while3A_78, %while3A_80 : i32
    %while3A_82 = arith.muli %while3A_81, %while3A_80 : i32
    %while3A_83 = arith.addi %while3A_77, %while3A_82 : i32
    %while3A_84 = arith.constant 1 : i32
    scf.for %while3A_196 = %while3A_77 to %while3A_83 step %while3A_84  : i32 {
      %mul3A_197 = arith.constant 2 : i32
      %mul3A_198 = arith.muli %mul3A_197, %while3A_196 : i32
      %add3A_199 = arith.constant 1 : i32
      %add3A_200 = arith.addi %mul3A_198, %add3A_199 : i32
      %dma_wait3A = arith.constant 0 : i32
      %dma_wait3A_201 = tpu.memref_slice %arg8[%dma_wait3A] : memref<20480xi32, #tpu.memory_space<vmem>> -> memref<128xi32, #tpu.memory_space<vmem>>
      %dma_wait3A_202 = arith.constant 0 : i32
      %dma_wait3A_203 = arith.constant 0 : i32
      %dma_wait3A_204 = tpu.memref_slice %arg2[%dma_wait3A_202, %dma_wait3A_203] : memref<20992x128xf32, #tpu.memory_space<hbm>> -> memref<20992x128xf32, #tpu.memory_space<hbm>>
      tpu.wait_indirect_dma semaphore(%arg14 : memref<!tpu.dma_semaphore, #tpu.memory_space<semaphore_mem>>) src(%dma_wait3A_204 : memref<20992x128xf32, #tpu.memory_space<hbm>>) dst(%arg10 : memref<128x128xf32, #tpu.memory_space<vmem>>)
      %lt3A = arith.cmpi slt, %add3A_200, %add3A_52 : i32
      %convert_element_type3A_205 = arith.extui %lt3A : i1 to i32
      %cond3A_206 = arith.constant 0 : i32
      %cond3A_207 = arith.cmpi ne, %convert_element_type3A_205, %cond3A_206 : i32
      scf.if %cond3A_207 {
        %lt3A_217 = arith.cmpi slt, %add3A_200, %shift_right_arithmetic3A_42 : i32
        %sub3A_218 = arith.subi %add3A_200, %shift_right_arithmetic3A_42 : i32
        %add3A_219 = arith.constant 80 : i32
        %add3A_220 = arith.addi %add3A_219, %sub3A_218 : i32
        %select_n3A_221 = arith.select %lt3A_217, %add3A_200, %add3A_220 : i32
        %mul3A_222 = arith.constant 128 : i32
        %mul3A_223 = arith.muli %select_n3A_221, %mul3A_222 : i32
        %multiple_of3A = tpu.assume_multiple %mul3A_223, 128 : i32
        %dma_start3A = tpu.memref_slice %arg8[%multiple_of3A] : memref<20480xi32, #tpu.memory_space<vmem>> -> memref<128xi32, #tpu.memory_space<vmem>>
        %dma_start3A_224 = arith.constant 0 : i32
        %dma_start3A_225 = arith.constant 0 : i32
        %dma_start3A_226 = tpu.memref_slice %arg2[%dma_start3A_224, %dma_start3A_225] : memref<20992x128xf32, #tpu.memory_space<hbm>> -> memref<20992x128xf32, #tpu.memory_space<hbm>>
        tpu.enqueue_indirect_dma source(%dma_start3A_226 : memref<20992x128xf32, #tpu.memory_space<hbm>>) target(%arg11 : memref<128x128xf32, #tpu.memory_space<vmem>>) offsets(%dma_start3A : memref<128xi32, #tpu.memory_space<vmem>>) semaphore(%arg15 : memref<!tpu.dma_semaphore, #tpu.memory_space<semaphore_mem>>)
      } else {
      }
      %lt3A_208 = arith.cmpi slt, %mul3A_198, %shift_right_arithmetic3A_42 : i32
      %sub3A_209 = arith.subi %mul3A_198, %shift_right_arithmetic3A_42 : i32
      %add3A_210 = arith.constant 80 : i32
      %add3A_211 = arith.addi %add3A_210, %sub3A_209 : i32
      %select_n3A_212 = arith.select %lt3A_208, %mul3A_198, %add3A_211 : i32
      "tpu.region"() ({
        %run_scoped3A_217 = tpu.sem_alloc : memref<!tpu.dma_semaphore, #tpu.memory_space<semaphore_mem>>
        %dma_start3A = arith.constant 0 : i32
        %dma_start3A_218 = tpu.memref_slice %arg9[%select_n3A_212, %dma_start3A] : memref<160x128xi32, #tpu.memory_space<vmem>> -> memref<1x128xi32, #tpu.memory_space<vmem>>
        %dma_start3A_219 = tpu.memref_squeeze %dma_start3A_218 : memref<1x128xi32, #tpu.memory_space<vmem>> -> memref<128xi32, #tpu.memory_space<vmem>>
        %dma_start3A_220 = arith.constant 0 : i32
        %dma_start3A_221 = arith.constant 0 : i32
        %dma_start3A_222 = tpu.memref_slice %arg13[%dma_start3A_220, %dma_start3A_221] : memref<5248x128xf32, #tpu.memory_space<vmem_shared>> -> memref<5248x128xf32, #tpu.memory_space<vmem_shared>>
        tpu.enqueue_indirect_dma source(%arg10 : memref<128x128xf32, #tpu.memory_space<vmem>>) target(%dma_start3A_222 : memref<5248x128xf32, #tpu.memory_space<vmem_shared>>) offsets(%dma_start3A_219 : memref<128xi32, #tpu.memory_space<vmem>>) semaphore(%run_scoped3A_217 : memref<!tpu.dma_semaphore, #tpu.memory_space<semaphore_mem>>) {add = true}
        %dma_wait3A_223 = arith.constant 0 : i32
        %dma_wait3A_224 = tpu.memref_slice %arg9[%select_n3A_212, %dma_wait3A_223] : memref<160x128xi32, #tpu.memory_space<vmem>> -> memref<1x128xi32, #tpu.memory_space<vmem>>
        %dma_wait3A_225 = tpu.memref_squeeze %dma_wait3A_224 : memref<1x128xi32, #tpu.memory_space<vmem>> -> memref<128xi32, #tpu.memory_space<vmem>>
        %dma_wait3A_226 = arith.constant 0 : i32
        %dma_wait3A_227 = arith.constant 0 : i32
        %dma_wait3A_228 = tpu.memref_slice %arg13[%dma_wait3A_226, %dma_wait3A_227] : memref<5248x128xf32, #tpu.memory_space<vmem_shared>> -> memref<5248x128xf32, #tpu.memory_space<vmem_shared>>
        tpu.wait_indirect_dma semaphore(%run_scoped3A_217 : memref<!tpu.dma_semaphore, #tpu.memory_space<semaphore_mem>>) src(%arg10 : memref<128x128xf32, #tpu.memory_space<vmem>>) dst(%dma_wait3A_228 : memref<5248x128xf32, #tpu.memory_space<vmem_shared>>)
        tpu.yield
      }) : () -> ()
      %lt3A_213 = arith.cmpi slt, %add3A_200, %add3A_52 : i32
      %convert_element_type3A_214 = arith.extui %lt3A_213 : i1 to i32
      %cond3A_215 = arith.constant 0 : i32
      %cond3A_216 = arith.cmpi ne, %convert_element_type3A_214, %cond3A_215 : i32
      scf.if %cond3A_216 {
        %dma_wait3A_217 = arith.constant 0 : i32
        %dma_wait3A_218 = tpu.memref_slice %arg8[%dma_wait3A_217] : memref<20480xi32, #tpu.memory_space<vmem>> -> memref<128xi32, #tpu.memory_space<vmem>>
        %dma_wait3A_219 = arith.constant 0 : i32
        %dma_wait3A_220 = arith.constant 0 : i32
        %dma_wait3A_221 = tpu.memref_slice %arg2[%dma_wait3A_219, %dma_wait3A_220] : memref<20992x128xf32, #tpu.memory_space<hbm>> -> memref<20992x128xf32, #tpu.memory_space<hbm>>
        tpu.wait_indirect_dma semaphore(%arg15 : memref<!tpu.dma_semaphore, #tpu.memory_space<semaphore_mem>>) src(%dma_wait3A_221 : memref<20992x128xf32, #tpu.memory_space<hbm>>) dst(%arg11 : memref<128x128xf32, #tpu.memory_space<vmem>>)
        %add3A_222 = arith.constant 2 : i32
        %add3A_223 = arith.addi %mul3A_198, %add3A_222 : i32
        %lt3A_224 = arith.cmpi slt, %add3A_223, %add3A_52 : i32
        %convert_element_type3A_225 = arith.extui %lt3A_224 : i1 to i32
        %cond3A_226 = arith.constant 0 : i32
        %cond3A_227 = arith.cmpi ne, %convert_element_type3A_225, %cond3A_226 : i32
        scf.if %cond3A_227 {
          %add3A_233 = arith.constant 2 : i32
          %add3A_234 = arith.addi %mul3A_198, %add3A_233 : i32
          %lt3A_235 = arith.cmpi slt, %add3A_234, %shift_right_arithmetic3A_42 : i32
          %sub3A_236 = arith.subi %add3A_234, %shift_right_arithmetic3A_42 : i32
          %add3A_237 = arith.constant 80 : i32
          %add3A_238 = arith.addi %add3A_237, %sub3A_236 : i32
          %select_n3A_239 = arith.select %lt3A_235, %add3A_234, %add3A_238 : i32
          %mul3A_240 = arith.constant 128 : i32
          %mul3A_241 = arith.muli %select_n3A_239, %mul3A_240 : i32
          %multiple_of3A = tpu.assume_multiple %mul3A_241, 128 : i32
          %dma_start3A = tpu.memref_slice %arg8[%multiple_of3A] : memref<20480xi32, #tpu.memory_space<vmem>> -> memref<128xi32, #tpu.memory_space<vmem>>
          %dma_start3A_242 = arith.constant 0 : i32
          %dma_start3A_243 = arith.constant 0 : i32
          %dma_start3A_244 = tpu.memref_slice %arg2[%dma_start3A_242, %dma_start3A_243] : memref<20992x128xf32, #tpu.memory_space<hbm>> -> memref<20992x128xf32, #tpu.memory_space<hbm>>
          tpu.enqueue_indirect_dma source(%dma_start3A_244 : memref<20992x128xf32, #tpu.memory_space<hbm>>) target(%arg10 : memref<128x128xf32, #tpu.memory_space<vmem>>) offsets(%dma_start3A : memref<128xi32, #tpu.memory_space<vmem>>) semaphore(%arg14 : memref<!tpu.dma_semaphore, #tpu.memory_space<semaphore_mem>>)
        } else {
        }
        %lt3A_228 = arith.cmpi slt, %add3A_200, %shift_right_arithmetic3A_42 : i32
        %sub3A_229 = arith.subi %add3A_200, %shift_right_arithmetic3A_42 : i32
        %add3A_230 = arith.constant 80 : i32
        %add3A_231 = arith.addi %add3A_230, %sub3A_229 : i32
        %select_n3A_232 = arith.select %lt3A_228, %add3A_200, %add3A_231 : i32
        "tpu.region"() ({
          %run_scoped3A_233 = tpu.sem_alloc : memref<!tpu.dma_semaphore, #tpu.memory_space<semaphore_mem>>
          %dma_start3A = arith.constant 0 : i32
          %dma_start3A_234 = tpu.memref_slice %arg9[%select_n3A_232, %dma_start3A] : memref<160x128xi32, #tpu.memory_space<vmem>> -> memref<1x128xi32, #tpu.memory_space<vmem>>
          %dma_start3A_235 = tpu.memref_squeeze %dma_start3A_234 : memref<1x128xi32, #tpu.memory_space<vmem>> -> memref<128xi32, #tpu.memory_space<vmem>>
          %dma_start3A_236 = arith.constant 0 : i32
          %dma_start3A_237 = arith.constant 0 : i32
          %dma_start3A_238 = tpu.memref_slice %arg13[%dma_start3A_236, %dma_start3A_237] : memref<5248x128xf32, #tpu.memory_space<vmem_shared>> -> memref<5248x128xf32, #tpu.memory_space<vmem_shared>>
          tpu.enqueue_indirect_dma source(%arg11 : memref<128x128xf32, #tpu.memory_space<vmem>>) target(%dma_start3A_238 : memref<5248x128xf32, #tpu.memory_space<vmem_shared>>) offsets(%dma_start3A_235 : memref<128xi32, #tpu.memory_space<vmem>>) semaphore(%run_scoped3A_233 : memref<!tpu.dma_semaphore, #tpu.memory_space<semaphore_mem>>) {add = true}
          %dma_wait3A_239 = arith.constant 0 : i32
          %dma_wait3A_240 = tpu.memref_slice %arg9[%select_n3A_232, %dma_wait3A_239] : memref<160x128xi32, #tpu.memory_space<vmem>> -> memref<1x128xi32, #tpu.memory_space<vmem>>
          %dma_wait3A_241 = tpu.memref_squeeze %dma_wait3A_240 : memref<1x128xi32, #tpu.memory_space<vmem>> -> memref<128xi32, #tpu.memory_space<vmem>>
          %dma_wait3A_242 = arith.constant 0 : i32
          %dma_wait3A_243 = arith.constant 0 : i32
          %dma_wait3A_244 = tpu.memref_slice %arg13[%dma_wait3A_242, %dma_wait3A_243] : memref<5248x128xf32, #tpu.memory_space<vmem_shared>> -> memref<5248x128xf32, #tpu.memory_space<vmem_shared>>
          tpu.wait_indirect_dma semaphore(%run_scoped3A_233 : memref<!tpu.dma_semaphore, #tpu.memory_space<semaphore_mem>>) src(%arg11 : memref<128x128xf32, #tpu.memory_space<vmem>>) dst(%dma_wait3A_244 : memref<5248x128xf32, #tpu.memory_space<vmem_shared>>)
          tpu.yield
        }) : () -> ()
      } else {
      }
    }
    %while3A_85 = arith.constant 1 : i32
    scf.for %while3A_196 = %while3A_83 to %while3A_79 step %while3A_85  : i32 {
      %mul3A_197 = arith.constant 2 : i32
      %mul3A_198 = arith.muli %mul3A_197, %while3A_196 : i32
      %add3A_199 = arith.constant 1 : i32
      %add3A_200 = arith.addi %mul3A_198, %add3A_199 : i32
      %dma_wait3A = arith.constant 0 : i32
      %dma_wait3A_201 = tpu.memref_slice %arg8[%dma_wait3A] : memref<20480xi32, #tpu.memory_space<vmem>> -> memref<128xi32, #tpu.memory_space<vmem>>
      %dma_wait3A_202 = arith.constant 0 : i32
      %dma_wait3A_203 = arith.constant 0 : i32
      %dma_wait3A_204 = tpu.memref_slice %arg2[%dma_wait3A_202, %dma_wait3A_203] : memref<20992x128xf32, #tpu.memory_space<hbm>> -> memref<20992x128xf32, #tpu.memory_space<hbm>>
      tpu.wait_indirect_dma semaphore(%arg14 : memref<!tpu.dma_semaphore, #tpu.memory_space<semaphore_mem>>) src(%dma_wait3A_204 : memref<20992x128xf32, #tpu.memory_space<hbm>>) dst(%arg10 : memref<128x128xf32, #tpu.memory_space<vmem>>)
      %lt3A = arith.cmpi slt, %add3A_200, %add3A_52 : i32
      %convert_element_type3A_205 = arith.extui %lt3A : i1 to i32
      %cond3A_206 = arith.constant 0 : i32
      %cond3A_207 = arith.cmpi ne, %convert_element_type3A_205, %cond3A_206 : i32
      scf.if %cond3A_207 {
        %lt3A_217 = arith.cmpi slt, %add3A_200, %shift_right_arithmetic3A_42 : i32
        %sub3A_218 = arith.subi %add3A_200, %shift_right_arithmetic3A_42 : i32
        %add3A_219 = arith.constant 80 : i32
        %add3A_220 = arith.addi %add3A_219, %sub3A_218 : i32
        %select_n3A_221 = arith.select %lt3A_217, %add3A_200, %add3A_220 : i32
        %mul3A_222 = arith.constant 128 : i32
        %mul3A_223 = arith.muli %select_n3A_221, %mul3A_222 : i32
        %multiple_of3A = tpu.assume_multiple %mul3A_223, 128 : i32
        %dma_start3A = tpu.memref_slice %arg8[%multiple_of3A] : memref<20480xi32, #tpu.memory_space<vmem>> -> memref<128xi32, #tpu.memory_space<vmem>>
        %dma_start3A_224 = arith.constant 0 : i32
        %dma_start3A_225 = arith.constant 0 : i32
        %dma_start3A_226 = tpu.memref_slice %arg2[%dma_start3A_224, %dma_start3A_225] : memref<20992x128xf32, #tpu.memory_space<hbm>> -> memref<20992x128xf32, #tpu.memory_space<hbm>>
        tpu.enqueue_indirect_dma source(%dma_start3A_226 : memref<20992x128xf32, #tpu.memory_space<hbm>>) target(%arg11 : memref<128x128xf32, #tpu.memory_space<vmem>>) offsets(%dma_start3A : memref<128xi32, #tpu.memory_space<vmem>>) semaphore(%arg15 : memref<!tpu.dma_semaphore, #tpu.memory_space<semaphore_mem>>)
      } else {
      }
      %lt3A_208 = arith.cmpi slt, %mul3A_198, %shift_right_arithmetic3A_42 : i32
      %sub3A_209 = arith.subi %mul3A_198, %shift_right_arithmetic3A_42 : i32
      %add3A_210 = arith.constant 80 : i32
      %add3A_211 = arith.addi %add3A_210, %sub3A_209 : i32
      %select_n3A_212 = arith.select %lt3A_208, %mul3A_198, %add3A_211 : i32
      "tpu.region"() ({
        %run_scoped3A_217 = tpu.sem_alloc : memref<!tpu.dma_semaphore, #tpu.memory_space<semaphore_mem>>
        %dma_start3A = arith.constant 0 : i32
        %dma_start3A_218 = tpu.memref_slice %arg9[%select_n3A_212, %dma_start3A] : memref<160x128xi32, #tpu.memory_space<vmem>> -> memref<1x128xi32, #tpu.memory_space<vmem>>
        %dma_start3A_219 = tpu.memref_squeeze %dma_start3A_218 : memref<1x128xi32, #tpu.memory_space<vmem>> -> memref<128xi32, #tpu.memory_space<vmem>>
        %dma_start3A_220 = arith.constant 0 : i32
        %dma_start3A_221 = arith.constant 0 : i32
        %dma_start3A_222 = tpu.memref_slice %arg13[%dma_start3A_220, %dma_start3A_221] : memref<5248x128xf32, #tpu.memory_space<vmem_shared>> -> memref<5248x128xf32, #tpu.memory_space<vmem_shared>>
        tpu.enqueue_indirect_dma source(%arg10 : memref<128x128xf32, #tpu.memory_space<vmem>>) target(%dma_start3A_222 : memref<5248x128xf32, #tpu.memory_space<vmem_shared>>) offsets(%dma_start3A_219 : memref<128xi32, #tpu.memory_space<vmem>>) semaphore(%run_scoped3A_217 : memref<!tpu.dma_semaphore, #tpu.memory_space<semaphore_mem>>) {add = true}
        %dma_wait3A_223 = arith.constant 0 : i32
        %dma_wait3A_224 = tpu.memref_slice %arg9[%select_n3A_212, %dma_wait3A_223] : memref<160x128xi32, #tpu.memory_space<vmem>> -> memref<1x128xi32, #tpu.memory_space<vmem>>
        %dma_wait3A_225 = tpu.memref_squeeze %dma_wait3A_224 : memref<1x128xi32, #tpu.memory_space<vmem>> -> memref<128xi32, #tpu.memory_space<vmem>>
        %dma_wait3A_226 = arith.constant 0 : i32
        %dma_wait3A_227 = arith.constant 0 : i32
        %dma_wait3A_228 = tpu.memref_slice %arg13[%dma_wait3A_226, %dma_wait3A_227] : memref<5248x128xf32, #tpu.memory_space<vmem_shared>> -> memref<5248x128xf32, #tpu.memory_space<vmem_shared>>
        tpu.wait_indirect_dma semaphore(%run_scoped3A_217 : memref<!tpu.dma_semaphore, #tpu.memory_space<semaphore_mem>>) src(%arg10 : memref<128x128xf32, #tpu.memory_space<vmem>>) dst(%dma_wait3A_228 : memref<5248x128xf32, #tpu.memory_space<vmem_shared>>)
        tpu.yield
      }) : () -> ()
      %lt3A_213 = arith.cmpi slt, %add3A_200, %add3A_52 : i32
      %convert_element_type3A_214 = arith.extui %lt3A_213 : i1 to i32
      %cond3A_215 = arith.constant 0 : i32
      %cond3A_216 = arith.cmpi ne, %convert_element_type3A_214, %cond3A_215 : i32
      scf.if %cond3A_216 {
        %dma_wait3A_217 = arith.constant 0 : i32
        %dma_wait3A_218 = tpu.memref_slice %arg8[%dma_wait3A_217] : memref<20480xi32, #tpu.memory_space<vmem>> -> memref<128xi32, #tpu.memory_space<vmem>>
        %dma_wait3A_219 = arith.constant 0 : i32
        %dma_wait3A_220 = arith.constant 0 : i32
        %dma_wait3A_221 = tpu.memref_slice %arg2[%dma_wait3A_219, %dma_wait3A_220] : memref<20992x128xf32, #tpu.memory_space<hbm>> -> memref<20992x128xf32, #tpu.memory_space<hbm>>
        tpu.wait_indirect_dma semaphore(%arg15 : memref<!tpu.dma_semaphore, #tpu.memory_space<semaphore_mem>>) src(%dma_wait3A_221 : memref<20992x128xf32, #tpu.memory_space<hbm>>) dst(%arg11 : memref<128x128xf32, #tpu.memory_space<vmem>>)
        %add3A_222 = arith.constant 2 : i32
        %add3A_223 = arith.addi %mul3A_198, %add3A_222 : i32
        %lt3A_224 = arith.cmpi slt, %add3A_223, %add3A_52 : i32
        %convert_element_type3A_225 = arith.extui %lt3A_224 : i1 to i32
        %cond3A_226 = arith.constant 0 : i32
        %cond3A_227 = arith.cmpi ne, %convert_element_type3A_225, %cond3A_226 : i32
        scf.if %cond3A_227 {
          %add3A_233 = arith.constant 2 : i32
          %add3A_234 = arith.addi %mul3A_198, %add3A_233 : i32
          %lt3A_235 = arith.cmpi slt, %add3A_234, %shift_right_arithmetic3A_42 : i32
          %sub3A_236 = arith.subi %add3A_234, %shift_right_arithmetic3A_42 : i32
          %add3A_237 = arith.constant 80 : i32
          %add3A_238 = arith.addi %add3A_237, %sub3A_236 : i32
          %select_n3A_239 = arith.select %lt3A_235, %add3A_234, %add3A_238 : i32
          %mul3A_240 = arith.constant 128 : i32
          %mul3A_241 = arith.muli %select_n3A_239, %mul3A_240 : i32
          %multiple_of3A = tpu.assume_multiple %mul3A_241, 128 : i32
          %dma_start3A = tpu.memref_slice %arg8[%multiple_of3A] : memref<20480xi32, #tpu.memory_space<vmem>> -> memref<128xi32, #tpu.memory_space<vmem>>
          %dma_start3A_242 = arith.constant 0 : i32
          %dma_start3A_243 = arith.constant 0 : i32
          %dma_start3A_244 = tpu.memref_slice %arg2[%dma_start3A_242, %dma_start3A_243] : memref<20992x128xf32, #tpu.memory_space<hbm>> -> memref<20992x128xf32, #tpu.memory_space<hbm>>
          tpu.enqueue_indirect_dma source(%dma_start3A_244 : memref<20992x128xf32, #tpu.memory_space<hbm>>) target(%arg10 : memref<128x128xf32, #tpu.memory_space<vmem>>) offsets(%dma_start3A : memref<128xi32, #tpu.memory_space<vmem>>) semaphore(%arg14 : memref<!tpu.dma_semaphore, #tpu.memory_space<semaphore_mem>>)
        } else {
        }
        %lt3A_228 = arith.cmpi slt, %add3A_200, %shift_right_arithmetic3A_42 : i32
        %sub3A_229 = arith.subi %add3A_200, %shift_right_arithmetic3A_42 : i32
        %add3A_230 = arith.constant 80 : i32
        %add3A_231 = arith.addi %add3A_230, %sub3A_229 : i32
        %select_n3A_232 = arith.select %lt3A_228, %add3A_200, %add3A_231 : i32
        "tpu.region"() ({
          %run_scoped3A_233 = tpu.sem_alloc : memref<!tpu.dma_semaphore, #tpu.memory_space<semaphore_mem>>
          %dma_start3A = arith.constant 0 : i32
          %dma_start3A_234 = tpu.memref_slice %arg9[%select_n3A_232, %dma_start3A] : memref<160x128xi32, #tpu.memory_space<vmem>> -> memref<1x128xi32, #tpu.memory_space<vmem>>
          %dma_start3A_235 = tpu.memref_squeeze %dma_start3A_234 : memref<1x128xi32, #tpu.memory_space<vmem>> -> memref<128xi32, #tpu.memory_space<vmem>>
          %dma_start3A_236 = arith.constant 0 : i32
          %dma_start3A_237 = arith.constant 0 : i32
          %dma_start3A_238 = tpu.memref_slice %arg13[%dma_start3A_236, %dma_start3A_237] : memref<5248x128xf32, #tpu.memory_space<vmem_shared>> -> memref<5248x128xf32, #tpu.memory_space<vmem_shared>>
          tpu.enqueue_indirect_dma source(%arg11 : memref<128x128xf32, #tpu.memory_space<vmem>>) target(%dma_start3A_238 : memref<5248x128xf32, #tpu.memory_space<vmem_shared>>) offsets(%dma_start3A_235 : memref<128xi32, #tpu.memory_space<vmem>>) semaphore(%run_scoped3A_233 : memref<!tpu.dma_semaphore, #tpu.memory_space<semaphore_mem>>) {add = true}
          %dma_wait3A_239 = arith.constant 0 : i32
          %dma_wait3A_240 = tpu.memref_slice %arg9[%select_n3A_232, %dma_wait3A_239] : memref<160x128xi32, #tpu.memory_space<vmem>> -> memref<1x128xi32, #tpu.memory_space<vmem>>
          %dma_wait3A_241 = tpu.memref_squeeze %dma_wait3A_240 : memref<1x128xi32, #tpu.memory_space<vmem>> -> memref<128xi32, #tpu.memory_space<vmem>>
          %dma_wait3A_242 = arith.constant 0 : i32
          %dma_wait3A_243 = arith.constant 0 : i32
          %dma_wait3A_244 = tpu.memref_slice %arg13[%dma_wait3A_242, %dma_wait3A_243] : memref<5248x128xf32, #tpu.memory_space<vmem_shared>> -> memref<5248x128xf32, #tpu.memory_space<vmem_shared>>
          tpu.wait_indirect_dma semaphore(%run_scoped3A_233 : memref<!tpu.dma_semaphore, #tpu.memory_space<semaphore_mem>>) src(%arg11 : memref<128x128xf32, #tpu.memory_space<vmem>>) dst(%dma_wait3A_244 : memref<5248x128xf32, #tpu.memory_space<vmem_shared>>)
          tpu.yield
        }) : () -> ()
      } else {
      }
    }
    %barrier3A_86 = arith.constant 0 : index
    tpu.barrier barrier_id(%barrier3A_86)
    %run_scoped3A_87 = arith.constant 0 : i32
    "tpu.region"() ({
      %run_scoped3A_196 = tpu.sem_alloc : memref<!tpu.dma_semaphore, #tpu.memory_space<semaphore_mem>>
      %dma_start3A = arith.constant 0 : i32
      %dma_start3A_197 = arith.constant 0 : i32
      %dma_start3A_198 = arith.constant 0 : i32
      %dma_start3A_199 = tpu.memref_slice %arg7[%arg0, %dma_start3A, %dma_start3A_197, %dma_start3A_198] : memref<2x2x5248x128xf32, #tpu.memory_space<hbm>> -> memref<1x2x5248x128xf32, #tpu.memory_space<hbm>>
      %dma_start3A_200 = tpu.memref_squeeze %dma_start3A_199 : memref<1x2x5248x128xf32, #tpu.memory_space<hbm>> -> memref<2x5248x128xf32, #tpu.memory_space<hbm>>
      %dma_start3A_201 = arith.constant 0 : i32
      %dma_start3A_202 = arith.constant 0 : i32
      %dma_start3A_203 = tpu.memref_slice %dma_start3A_200[%run_scoped3A_87, %dma_start3A_201, %dma_start3A_202] : memref<2x5248x128xf32, #tpu.memory_space<hbm>> -> memref<1x5248x128xf32, #tpu.memory_space<hbm>>
      %dma_start3A_204 = tpu.memref_squeeze %dma_start3A_203 : memref<1x5248x128xf32, #tpu.memory_space<hbm>> -> memref<5248x128xf32, #tpu.memory_space<hbm>>
      %dma_start3A_205 = arith.constant 0 : i32
      %dma_start3A_206 = tpu.memref_slice %dma_start3A_204[%mul3A_0, %dma_start3A_205] : memref<5248x128xf32, #tpu.memory_space<hbm>> -> memref<328x128xf32, #tpu.memory_space<hbm>>
      %dma_start3A_207 = arith.constant 0 : i32
      %dma_start3A_208 = tpu.memref_slice %arg13[%mul3A_0, %dma_start3A_207] : memref<5248x128xf32, #tpu.memory_space<vmem_shared>> -> memref<328x128xf32, #tpu.memory_space<vmem_shared>>
      tpu.enqueue_dma source(%dma_start3A_208 : memref<328x128xf32, #tpu.memory_space<vmem_shared>>) target(%dma_start3A_206 : memref<328x128xf32, #tpu.memory_space<hbm>>) target_semaphore(%run_scoped3A_196 : memref<!tpu.dma_semaphore, #tpu.memory_space<semaphore_mem>>)
      %dma_wait3A = arith.constant 0 : i32
      %dma_wait3A_209 = arith.constant 0 : i32
      %dma_wait3A_210 = arith.constant 0 : i32
      %dma_wait3A_211 = tpu.memref_slice %arg7[%arg0, %dma_wait3A, %dma_wait3A_209, %dma_wait3A_210] : memref<2x2x5248x128xf32, #tpu.memory_space<hbm>> -> memref<1x2x5248x128xf32, #tpu.memory_space<hbm>>
      %dma_wait3A_212 = tpu.memref_squeeze %dma_wait3A_211 : memref<1x2x5248x128xf32, #tpu.memory_space<hbm>> -> memref<2x5248x128xf32, #tpu.memory_space<hbm>>
      %dma_wait3A_213 = arith.constant 0 : i32
      %dma_wait3A_214 = arith.constant 0 : i32
      %dma_wait3A_215 = tpu.memref_slice %dma_wait3A_212[%run_scoped3A_87, %dma_wait3A_213, %dma_wait3A_214] : memref<2x5248x128xf32, #tpu.memory_space<hbm>> -> memref<1x5248x128xf32, #tpu.memory_space<hbm>>
      %dma_wait3A_216 = tpu.memref_squeeze %dma_wait3A_215 : memref<1x5248x128xf32, #tpu.memory_space<hbm>> -> memref<5248x128xf32, #tpu.memory_space<hbm>>
      %dma_wait3A_217 = arith.constant 0 : i32
      %dma_wait3A_218 = tpu.memref_slice %dma_wait3A_216[%mul3A_0, %dma_wait3A_217] : memref<5248x128xf32, #tpu.memory_space<hbm>> -> memref<328x128xf32, #tpu.memory_space<hbm>>
      %dma_wait3A_219 = arith.constant 0 : i32
      %dma_wait3A_220 = tpu.memref_slice %arg13[%mul3A_0, %dma_wait3A_219] : memref<5248x128xf32, #tpu.memory_space<vmem_shared>> -> memref<328x128xf32, #tpu.memory_space<vmem_shared>>
      tpu.wait_dma2 semaphore(%run_scoped3A_196 : memref<!tpu.dma_semaphore, #tpu.memory_space<semaphore_mem>>) src(%dma_wait3A_220 : memref<328x128xf32, #tpu.memory_space<vmem_shared>>) dst(%dma_wait3A_218 : memref<328x128xf32, #tpu.memory_space<hbm>>)
      tpu.yield
    }) : () -> ()
    %eq3A_88 = arith.constant 0 : i32
    %eq3A_89 = arith.cmpi eq, %arg0, %eq3A_88 : i32
    %convert_element_type3A_90 = arith.extui %eq3A_89 : i1 to i32
    %cond3A_91 = arith.constant 0 : i32
    %cond3A_92 = arith.cmpi ne, %convert_element_type3A_90, %cond3A_91 : i32
    scf.if %cond3A_92 {
      %mul3A_196 = arith.constant 2 : i32
      %mul3A_197 = arith.muli %mul3A_196, %arg1 : i32
      %run_scoped3A_198 = arith.constant 1 : i32
      "tpu.region"() ({
        %run_scoped3A_204 = tpu.sem_alloc : memref<!tpu.dma_semaphore, #tpu.memory_space<semaphore_mem>>
        %dma_start3A = arith.constant 0 : i32
        %dma_start3A_205 = tpu.memref_slice %arg8[%dma_start3A] : memref<20480xi32, #tpu.memory_space<vmem>> -> memref<10240xi32, #tpu.memory_space<vmem>>
        %dma_start3A_206 = arith.constant 0 : i32
        %dma_start3A_207 = arith.constant 0 : i32
        %dma_start3A_208 = tpu.memref_slice %arg3[%mul3A_197, %dma_start3A_206, %dma_start3A_207] : memref<32x2x10240xi32, #tpu.memory_space<hbm>> -> memref<1x2x10240xi32, #tpu.memory_space<hbm>>
        %dma_start3A_209 = tpu.memref_squeeze %dma_start3A_208 : memref<1x2x10240xi32, #tpu.memory_space<hbm>> -> memref<2x10240xi32, #tpu.memory_space<hbm>>
        %dma_start3A_210 = arith.constant 0 : i32
        %dma_start3A_211 = tpu.memref_slice %dma_start3A_209[%run_scoped3A_198, %dma_start3A_210] : memref<2x10240xi32, #tpu.memory_space<hbm>> -> memref<1x10240xi32, #tpu.memory_space<hbm>>
        %dma_start3A_212 = tpu.memref_squeeze %dma_start3A_211 : memref<1x10240xi32, #tpu.memory_space<hbm>> -> memref<10240xi32, #tpu.memory_space<hbm>>
        %dma_start3A_213 = arith.constant 0 : i32
        %dma_start3A_214 = tpu.memref_slice %arg8[%dma_start3A_213] : memref<20480xi32, #tpu.memory_space<vmem>> -> memref<10240xi32, #tpu.memory_space<vmem>>
        %dma_start3A_215 = arith.constant 0 : i32
        %dma_start3A_216 = arith.constant 0 : i32
        %dma_start3A_217 = tpu.memref_slice %arg3[%mul3A_197, %dma_start3A_215, %dma_start3A_216] : memref<32x2x10240xi32, #tpu.memory_space<hbm>> -> memref<1x2x10240xi32, #tpu.memory_space<hbm>>
        %dma_start3A_218 = tpu.memref_squeeze %dma_start3A_217 : memref<1x2x10240xi32, #tpu.memory_space<hbm>> -> memref<2x10240xi32, #tpu.memory_space<hbm>>
        %dma_start3A_219 = arith.constant 0 : i32
        %dma_start3A_220 = tpu.memref_slice %dma_start3A_218[%run_scoped3A_198, %dma_start3A_219] : memref<2x10240xi32, #tpu.memory_space<hbm>> -> memref<1x10240xi32, #tpu.memory_space<hbm>>
        %dma_start3A_221 = tpu.memref_squeeze %dma_start3A_220 : memref<1x10240xi32, #tpu.memory_space<hbm>> -> memref<10240xi32, #tpu.memory_space<hbm>>
        tpu.enqueue_dma source(%dma_start3A_221 : memref<10240xi32, #tpu.memory_space<hbm>>) target(%dma_start3A_214 : memref<10240xi32, #tpu.memory_space<vmem>>) target_semaphore(%run_scoped3A_204 : memref<!tpu.dma_semaphore, #tpu.memory_space<semaphore_mem>>)
        %dma_wait3A = arith.constant 0 : i32
        %dma_wait3A_222 = tpu.memref_slice %arg8[%dma_wait3A] : memref<20480xi32, #tpu.memory_space<vmem>> -> memref<10240xi32, #tpu.memory_space<vmem>>
        %dma_wait3A_223 = arith.constant 0 : i32
        %dma_wait3A_224 = arith.constant 0 : i32
        %dma_wait3A_225 = tpu.memref_slice %arg3[%mul3A_197, %dma_wait3A_223, %dma_wait3A_224] : memref<32x2x10240xi32, #tpu.memory_space<hbm>> -> memref<1x2x10240xi32, #tpu.memory_space<hbm>>
        %dma_wait3A_226 = tpu.memref_squeeze %dma_wait3A_225 : memref<1x2x10240xi32, #tpu.memory_space<hbm>> -> memref<2x10240xi32, #tpu.memory_space<hbm>>
        %dma_wait3A_227 = arith.constant 0 : i32
        %dma_wait3A_228 = tpu.memref_slice %dma_wait3A_226[%run_scoped3A_198, %dma_wait3A_227] : memref<2x10240xi32, #tpu.memory_space<hbm>> -> memref<1x10240xi32, #tpu.memory_space<hbm>>
        %dma_wait3A_229 = tpu.memref_squeeze %dma_wait3A_228 : memref<1x10240xi32, #tpu.memory_space<hbm>> -> memref<10240xi32, #tpu.memory_space<hbm>>
        %dma_wait3A_230 = arith.constant 0 : i32
        %dma_wait3A_231 = tpu.memref_slice %arg8[%dma_wait3A_230] : memref<20480xi32, #tpu.memory_space<vmem>> -> memref<10240xi32, #tpu.memory_space<vmem>>
        %dma_wait3A_232 = arith.constant 0 : i32
        %dma_wait3A_233 = arith.constant 0 : i32
        %dma_wait3A_234 = tpu.memref_slice %arg3[%mul3A_197, %dma_wait3A_232, %dma_wait3A_233] : memref<32x2x10240xi32, #tpu.memory_space<hbm>> -> memref<1x2x10240xi32, #tpu.memory_space<hbm>>
        %dma_wait3A_235 = tpu.memref_squeeze %dma_wait3A_234 : memref<1x2x10240xi32, #tpu.memory_space<hbm>> -> memref<2x10240xi32, #tpu.memory_space<hbm>>
        %dma_wait3A_236 = arith.constant 0 : i32
        %dma_wait3A_237 = tpu.memref_slice %dma_wait3A_235[%run_scoped3A_198, %dma_wait3A_236] : memref<2x10240xi32, #tpu.memory_space<hbm>> -> memref<1x10240xi32, #tpu.memory_space<hbm>>
        %dma_wait3A_238 = tpu.memref_squeeze %dma_wait3A_237 : memref<1x10240xi32, #tpu.memory_space<hbm>> -> memref<10240xi32, #tpu.memory_space<hbm>>
        tpu.wait_dma2 semaphore(%run_scoped3A_204 : memref<!tpu.dma_semaphore, #tpu.memory_space<semaphore_mem>>) src(%dma_wait3A_238 : memref<10240xi32, #tpu.memory_space<hbm>>) dst(%dma_wait3A_231 : memref<10240xi32, #tpu.memory_space<vmem>>)
        tpu.yield
      }) : () -> ()
      %mul3A_199 = arith.constant 2 : i32
      %mul3A_200 = arith.muli %mul3A_199, %arg1 : i32
      %add3A_201 = arith.constant 1 : i32
      %add3A_202 = arith.addi %mul3A_200, %add3A_201 : i32
      %run_scoped3A_203 = arith.constant 1 : i32
      "tpu.region"() ({
        %run_scoped3A_204 = tpu.sem_alloc : memref<!tpu.dma_semaphore, #tpu.memory_space<semaphore_mem>>
        %dma_start3A = arith.constant 10240 : i32
        %dma_start3A_205 = tpu.memref_slice %arg8[%dma_start3A] : memref<20480xi32, #tpu.memory_space<vmem>> -> memref<10240xi32, #tpu.memory_space<vmem>>
        %dma_start3A_206 = arith.constant 0 : i32
        %dma_start3A_207 = arith.constant 0 : i32
        %dma_start3A_208 = tpu.memref_slice %arg3[%add3A_202, %dma_start3A_206, %dma_start3A_207] : memref<32x2x10240xi32, #tpu.memory_space<hbm>> -> memref<1x2x10240xi32, #tpu.memory_space<hbm>>
        %dma_start3A_209 = tpu.memref_squeeze %dma_start3A_208 : memref<1x2x10240xi32, #tpu.memory_space<hbm>> -> memref<2x10240xi32, #tpu.memory_space<hbm>>
        %dma_start3A_210 = arith.constant 0 : i32
        %dma_start3A_211 = tpu.memref_slice %dma_start3A_209[%run_scoped3A_203, %dma_start3A_210] : memref<2x10240xi32, #tpu.memory_space<hbm>> -> memref<1x10240xi32, #tpu.memory_space<hbm>>
        %dma_start3A_212 = tpu.memref_squeeze %dma_start3A_211 : memref<1x10240xi32, #tpu.memory_space<hbm>> -> memref<10240xi32, #tpu.memory_space<hbm>>
        %dma_start3A_213 = arith.constant 10240 : i32
        %dma_start3A_214 = tpu.memref_slice %arg8[%dma_start3A_213] : memref<20480xi32, #tpu.memory_space<vmem>> -> memref<10240xi32, #tpu.memory_space<vmem>>
        %dma_start3A_215 = arith.constant 0 : i32
        %dma_start3A_216 = arith.constant 0 : i32
        %dma_start3A_217 = tpu.memref_slice %arg3[%add3A_202, %dma_start3A_215, %dma_start3A_216] : memref<32x2x10240xi32, #tpu.memory_space<hbm>> -> memref<1x2x10240xi32, #tpu.memory_space<hbm>>
        %dma_start3A_218 = tpu.memref_squeeze %dma_start3A_217 : memref<1x2x10240xi32, #tpu.memory_space<hbm>> -> memref<2x10240xi32, #tpu.memory_space<hbm>>
        %dma_start3A_219 = arith.constant 0 : i32
        %dma_start3A_220 = tpu.memref_slice %dma_start3A_218[%run_scoped3A_203, %dma_start3A_219] : memref<2x10240xi32, #tpu.memory_space<hbm>> -> memref<1x10240xi32, #tpu.memory_space<hbm>>
        %dma_start3A_221 = tpu.memref_squeeze %dma_start3A_220 : memref<1x10240xi32, #tpu.memory_space<hbm>> -> memref<10240xi32, #tpu.memory_space<hbm>>
        tpu.enqueue_dma source(%dma_start3A_221 : memref<10240xi32, #tpu.memory_space<hbm>>) target(%dma_start3A_214 : memref<10240xi32, #tpu.memory_space<vmem>>) target_semaphore(%run_scoped3A_204 : memref<!tpu.dma_semaphore, #tpu.memory_space<semaphore_mem>>)
        %dma_wait3A = arith.constant 10240 : i32
        %dma_wait3A_222 = tpu.memref_slice %arg8[%dma_wait3A] : memref<20480xi32, #tpu.memory_space<vmem>> -> memref<10240xi32, #tpu.memory_space<vmem>>
        %dma_wait3A_223 = arith.constant 0 : i32
        %dma_wait3A_224 = arith.constant 0 : i32
        %dma_wait3A_225 = tpu.memref_slice %arg3[%add3A_202, %dma_wait3A_223, %dma_wait3A_224] : memref<32x2x10240xi32, #tpu.memory_space<hbm>> -> memref<1x2x10240xi32, #tpu.memory_space<hbm>>
        %dma_wait3A_226 = tpu.memref_squeeze %dma_wait3A_225 : memref<1x2x10240xi32, #tpu.memory_space<hbm>> -> memref<2x10240xi32, #tpu.memory_space<hbm>>
        %dma_wait3A_227 = arith.constant 0 : i32
        %dma_wait3A_228 = tpu.memref_slice %dma_wait3A_226[%run_scoped3A_203, %dma_wait3A_227] : memref<2x10240xi32, #tpu.memory_space<hbm>> -> memref<1x10240xi32, #tpu.memory_space<hbm>>
        %dma_wait3A_229 = tpu.memref_squeeze %dma_wait3A_228 : memref<1x10240xi32, #tpu.memory_space<hbm>> -> memref<10240xi32, #tpu.memory_space<hbm>>
        %dma_wait3A_230 = arith.constant 10240 : i32
        %dma_wait3A_231 = tpu.memref_slice %arg8[%dma_wait3A_230] : memref<20480xi32, #tpu.memory_space<vmem>> -> memref<10240xi32, #tpu.memory_space<vmem>>
        %dma_wait3A_232 = arith.constant 0 : i32
        %dma_wait3A_233 = arith.constant 0 : i32
        %dma_wait3A_234 = tpu.memref_slice %arg3[%add3A_202, %dma_wait3A_232, %dma_wait3A_233] : memref<32x2x10240xi32, #tpu.memory_space<hbm>> -> memref<1x2x10240xi32, #tpu.memory_space<hbm>>
        %dma_wait3A_235 = tpu.memref_squeeze %dma_wait3A_234 : memref<1x2x10240xi32, #tpu.memory_space<hbm>> -> memref<2x10240xi32, #tpu.memory_space<hbm>>
        %dma_wait3A_236 = arith.constant 0 : i32
        %dma_wait3A_237 = tpu.memref_slice %dma_wait3A_235[%run_scoped3A_203, %dma_wait3A_236] : memref<2x10240xi32, #tpu.memory_space<hbm>> -> memref<1x10240xi32, #tpu.memory_space<hbm>>
        %dma_wait3A_238 = tpu.memref_squeeze %dma_wait3A_237 : memref<1x10240xi32, #tpu.memory_space<hbm>> -> memref<10240xi32, #tpu.memory_space<hbm>>
        tpu.wait_dma2 semaphore(%run_scoped3A_204 : memref<!tpu.dma_semaphore, #tpu.memory_space<semaphore_mem>>) src(%dma_wait3A_238 : memref<10240xi32, #tpu.memory_space<hbm>>) dst(%dma_wait3A_231 : memref<10240xi32, #tpu.memory_space<vmem>>)
        tpu.yield
      }) : () -> ()
    } else {
    }
    %eq3A_93 = arith.constant 1 : i32
    %eq3A_94 = arith.cmpi eq, %arg0, %eq3A_93 : i32
    %convert_element_type3A_95 = arith.extui %eq3A_94 : i1 to i32
    %cond3A_96 = arith.constant 0 : i32
    %cond3A_97 = arith.cmpi ne, %convert_element_type3A_95, %cond3A_96 : i32
    scf.if %cond3A_97 {
      %mul3A_196 = arith.constant 2 : i32
      %mul3A_197 = arith.muli %mul3A_196, %arg1 : i32
      %run_scoped3A_198 = arith.constant 1 : i32
      "tpu.region"() ({
        %run_scoped3A_204 = tpu.sem_alloc : memref<!tpu.dma_semaphore, #tpu.memory_space<semaphore_mem>>
        %dma_start3A = arith.constant 0 : i32
        %dma_start3A_205 = tpu.memref_slice %arg8[%dma_start3A] : memref<20480xi32, #tpu.memory_space<vmem>> -> memref<10240xi32, #tpu.memory_space<vmem>>
        %dma_start3A_206 = arith.constant 0 : i32
        %dma_start3A_207 = arith.constant 0 : i32
        %dma_start3A_208 = tpu.memref_slice %arg4[%mul3A_197, %dma_start3A_206, %dma_start3A_207] : memref<32x2x10240xi32, #tpu.memory_space<hbm>> -> memref<1x2x10240xi32, #tpu.memory_space<hbm>>
        %dma_start3A_209 = tpu.memref_squeeze %dma_start3A_208 : memref<1x2x10240xi32, #tpu.memory_space<hbm>> -> memref<2x10240xi32, #tpu.memory_space<hbm>>
        %dma_start3A_210 = arith.constant 0 : i32
        %dma_start3A_211 = tpu.memref_slice %dma_start3A_209[%run_scoped3A_198, %dma_start3A_210] : memref<2x10240xi32, #tpu.memory_space<hbm>> -> memref<1x10240xi32, #tpu.memory_space<hbm>>
        %dma_start3A_212 = tpu.memref_squeeze %dma_start3A_211 : memref<1x10240xi32, #tpu.memory_space<hbm>> -> memref<10240xi32, #tpu.memory_space<hbm>>
        %dma_start3A_213 = arith.constant 0 : i32
        %dma_start3A_214 = tpu.memref_slice %arg8[%dma_start3A_213] : memref<20480xi32, #tpu.memory_space<vmem>> -> memref<10240xi32, #tpu.memory_space<vmem>>
        %dma_start3A_215 = arith.constant 0 : i32
        %dma_start3A_216 = arith.constant 0 : i32
        %dma_start3A_217 = tpu.memref_slice %arg4[%mul3A_197, %dma_start3A_215, %dma_start3A_216] : memref<32x2x10240xi32, #tpu.memory_space<hbm>> -> memref<1x2x10240xi32, #tpu.memory_space<hbm>>
        %dma_start3A_218 = tpu.memref_squeeze %dma_start3A_217 : memref<1x2x10240xi32, #tpu.memory_space<hbm>> -> memref<2x10240xi32, #tpu.memory_space<hbm>>
        %dma_start3A_219 = arith.constant 0 : i32
        %dma_start3A_220 = tpu.memref_slice %dma_start3A_218[%run_scoped3A_198, %dma_start3A_219] : memref<2x10240xi32, #tpu.memory_space<hbm>> -> memref<1x10240xi32, #tpu.memory_space<hbm>>
        %dma_start3A_221 = tpu.memref_squeeze %dma_start3A_220 : memref<1x10240xi32, #tpu.memory_space<hbm>> -> memref<10240xi32, #tpu.memory_space<hbm>>
        tpu.enqueue_dma source(%dma_start3A_221 : memref<10240xi32, #tpu.memory_space<hbm>>) target(%dma_start3A_214 : memref<10240xi32, #tpu.memory_space<vmem>>) target_semaphore(%run_scoped3A_204 : memref<!tpu.dma_semaphore, #tpu.memory_space<semaphore_mem>>)
        %dma_wait3A = arith.constant 0 : i32
        %dma_wait3A_222 = tpu.memref_slice %arg8[%dma_wait3A] : memref<20480xi32, #tpu.memory_space<vmem>> -> memref<10240xi32, #tpu.memory_space<vmem>>
        %dma_wait3A_223 = arith.constant 0 : i32
        %dma_wait3A_224 = arith.constant 0 : i32
        %dma_wait3A_225 = tpu.memref_slice %arg4[%mul3A_197, %dma_wait3A_223, %dma_wait3A_224] : memref<32x2x10240xi32, #tpu.memory_space<hbm>> -> memref<1x2x10240xi32, #tpu.memory_space<hbm>>
        %dma_wait3A_226 = tpu.memref_squeeze %dma_wait3A_225 : memref<1x2x10240xi32, #tpu.memory_space<hbm>> -> memref<2x10240xi32, #tpu.memory_space<hbm>>
        %dma_wait3A_227 = arith.constant 0 : i32
        %dma_wait3A_228 = tpu.memref_slice %dma_wait3A_226[%run_scoped3A_198, %dma_wait3A_227] : memref<2x10240xi32, #tpu.memory_space<hbm>> -> memref<1x10240xi32, #tpu.memory_space<hbm>>
        %dma_wait3A_229 = tpu.memref_squeeze %dma_wait3A_228 : memref<1x10240xi32, #tpu.memory_space<hbm>> -> memref<10240xi32, #tpu.memory_space<hbm>>
        %dma_wait3A_230 = arith.constant 0 : i32
        %dma_wait3A_231 = tpu.memref_slice %arg8[%dma_wait3A_230] : memref<20480xi32, #tpu.memory_space<vmem>> -> memref<10240xi32, #tpu.memory_space<vmem>>
        %dma_wait3A_232 = arith.constant 0 : i32
        %dma_wait3A_233 = arith.constant 0 : i32
        %dma_wait3A_234 = tpu.memref_slice %arg4[%mul3A_197, %dma_wait3A_232, %dma_wait3A_233] : memref<32x2x10240xi32, #tpu.memory_space<hbm>> -> memref<1x2x10240xi32, #tpu.memory_space<hbm>>
        %dma_wait3A_235 = tpu.memref_squeeze %dma_wait3A_234 : memref<1x2x10240xi32, #tpu.memory_space<hbm>> -> memref<2x10240xi32, #tpu.memory_space<hbm>>
        %dma_wait3A_236 = arith.constant 0 : i32
        %dma_wait3A_237 = tpu.memref_slice %dma_wait3A_235[%run_scoped3A_198, %dma_wait3A_236] : memref<2x10240xi32, #tpu.memory_space<hbm>> -> memref<1x10240xi32, #tpu.memory_space<hbm>>
        %dma_wait3A_238 = tpu.memref_squeeze %dma_wait3A_237 : memref<1x10240xi32, #tpu.memory_space<hbm>> -> memref<10240xi32, #tpu.memory_space<hbm>>
        tpu.wait_dma2 semaphore(%run_scoped3A_204 : memref<!tpu.dma_semaphore, #tpu.memory_space<semaphore_mem>>) src(%dma_wait3A_238 : memref<10240xi32, #tpu.memory_space<hbm>>) dst(%dma_wait3A_231 : memref<10240xi32, #tpu.memory_space<vmem>>)
        tpu.yield
      }) : () -> ()
      %mul3A_199 = arith.constant 2 : i32
      %mul3A_200 = arith.muli %mul3A_199, %arg1 : i32
      %add3A_201 = arith.constant 1 : i32
      %add3A_202 = arith.addi %mul3A_200, %add3A_201 : i32
      %run_scoped3A_203 = arith.constant 1 : i32
      "tpu.region"() ({
        %run_scoped3A_204 = tpu.sem_alloc : memref<!tpu.dma_semaphore, #tpu.memory_space<semaphore_mem>>
        %dma_start3A = arith.constant 10240 : i32
        %dma_start3A_205 = tpu.memref_slice %arg8[%dma_start3A] : memref<20480xi32, #tpu.memory_space<vmem>> -> memref<10240xi32, #tpu.memory_space<vmem>>
        %dma_start3A_206 = arith.constant 0 : i32
        %dma_start3A_207 = arith.constant 0 : i32
        %dma_start3A_208 = tpu.memref_slice %arg4[%add3A_202, %dma_start3A_206, %dma_start3A_207] : memref<32x2x10240xi32, #tpu.memory_space<hbm>> -> memref<1x2x10240xi32, #tpu.memory_space<hbm>>
        %dma_start3A_209 = tpu.memref_squeeze %dma_start3A_208 : memref<1x2x10240xi32, #tpu.memory_space<hbm>> -> memref<2x10240xi32, #tpu.memory_space<hbm>>
        %dma_start3A_210 = arith.constant 0 : i32
        %dma_start3A_211 = tpu.memref_slice %dma_start3A_209[%run_scoped3A_203, %dma_start3A_210] : memref<2x10240xi32, #tpu.memory_space<hbm>> -> memref<1x10240xi32, #tpu.memory_space<hbm>>
        %dma_start3A_212 = tpu.memref_squeeze %dma_start3A_211 : memref<1x10240xi32, #tpu.memory_space<hbm>> -> memref<10240xi32, #tpu.memory_space<hbm>>
        %dma_start3A_213 = arith.constant 10240 : i32
        %dma_start3A_214 = tpu.memref_slice %arg8[%dma_start3A_213] : memref<20480xi32, #tpu.memory_space<vmem>> -> memref<10240xi32, #tpu.memory_space<vmem>>
        %dma_start3A_215 = arith.constant 0 : i32
        %dma_start3A_216 = arith.constant 0 : i32
        %dma_start3A_217 = tpu.memref_slice %arg4[%add3A_202, %dma_start3A_215, %dma_start3A_216] : memref<32x2x10240xi32, #tpu.memory_space<hbm>> -> memref<1x2x10240xi32, #tpu.memory_space<hbm>>
        %dma_start3A_218 = tpu.memref_squeeze %dma_start3A_217 : memref<1x2x10240xi32, #tpu.memory_space<hbm>> -> memref<2x10240xi32, #tpu.memory_space<hbm>>
        %dma_start3A_219 = arith.constant 0 : i32
        %dma_start3A_220 = tpu.memref_slice %dma_start3A_218[%run_scoped3A_203, %dma_start3A_219] : memref<2x10240xi32, #tpu.memory_space<hbm>> -> memref<1x10240xi32, #tpu.memory_space<hbm>>
        %dma_start3A_221 = tpu.memref_squeeze %dma_start3A_220 : memref<1x10240xi32, #tpu.memory_space<hbm>> -> memref<10240xi32, #tpu.memory_space<hbm>>
        tpu.enqueue_dma source(%dma_start3A_221 : memref<10240xi32, #tpu.memory_space<hbm>>) target(%dma_start3A_214 : memref<10240xi32, #tpu.memory_space<vmem>>) target_semaphore(%run_scoped3A_204 : memref<!tpu.dma_semaphore, #tpu.memory_space<semaphore_mem>>)
        %dma_wait3A = arith.constant 10240 : i32
        %dma_wait3A_222 = tpu.memref_slice %arg8[%dma_wait3A] : memref<20480xi32, #tpu.memory_space<vmem>> -> memref<10240xi32, #tpu.memory_space<vmem>>
        %dma_wait3A_223 = arith.constant 0 : i32
        %dma_wait3A_224 = arith.constant 0 : i32
        %dma_wait3A_225 = tpu.memref_slice %arg4[%add3A_202, %dma_wait3A_223, %dma_wait3A_224] : memref<32x2x10240xi32, #tpu.memory_space<hbm>> -> memref<1x2x10240xi32, #tpu.memory_space<hbm>>
        %dma_wait3A_226 = tpu.memref_squeeze %dma_wait3A_225 : memref<1x2x10240xi32, #tpu.memory_space<hbm>> -> memref<2x10240xi32, #tpu.memory_space<hbm>>
        %dma_wait3A_227 = arith.constant 0 : i32
        %dma_wait3A_228 = tpu.memref_slice %dma_wait3A_226[%run_scoped3A_203, %dma_wait3A_227] : memref<2x10240xi32, #tpu.memory_space<hbm>> -> memref<1x10240xi32, #tpu.memory_space<hbm>>
        %dma_wait3A_229 = tpu.memref_squeeze %dma_wait3A_228 : memref<1x10240xi32, #tpu.memory_space<hbm>> -> memref<10240xi32, #tpu.memory_space<hbm>>
        %dma_wait3A_230 = arith.constant 10240 : i32
        %dma_wait3A_231 = tpu.memref_slice %arg8[%dma_wait3A_230] : memref<20480xi32, #tpu.memory_space<vmem>> -> memref<10240xi32, #tpu.memory_space<vmem>>
        %dma_wait3A_232 = arith.constant 0 : i32
        %dma_wait3A_233 = arith.constant 0 : i32
        %dma_wait3A_234 = tpu.memref_slice %arg4[%add3A_202, %dma_wait3A_232, %dma_wait3A_233] : memref<32x2x10240xi32, #tpu.memory_space<hbm>> -> memref<1x2x10240xi32, #tpu.memory_space<hbm>>
        %dma_wait3A_235 = tpu.memref_squeeze %dma_wait3A_234 : memref<1x2x10240xi32, #tpu.memory_space<hbm>> -> memref<2x10240xi32, #tpu.memory_space<hbm>>
        %dma_wait3A_236 = arith.constant 0 : i32
        %dma_wait3A_237 = tpu.memref_slice %dma_wait3A_235[%run_scoped3A_203, %dma_wait3A_236] : memref<2x10240xi32, #tpu.memory_space<hbm>> -> memref<1x10240xi32, #tpu.memory_space<hbm>>
        %dma_wait3A_238 = tpu.memref_squeeze %dma_wait3A_237 : memref<1x10240xi32, #tpu.memory_space<hbm>> -> memref<10240xi32, #tpu.memory_space<hbm>>
        tpu.wait_dma2 semaphore(%run_scoped3A_204 : memref<!tpu.dma_semaphore, #tpu.memory_space<semaphore_mem>>) src(%dma_wait3A_238 : memref<10240xi32, #tpu.memory_space<hbm>>) dst(%dma_wait3A_231 : memref<10240xi32, #tpu.memory_space<vmem>>)
        tpu.yield
      }) : () -> ()
    } else {
    }
    %mul3A_98 = arith.constant 2 : i32
    %mul3A_99 = arith.muli %mul3A_98, %arg1 : i32
    %run_scoped3A_100 = arith.constant 1 : i32
    "tpu.region"() ({
      %run_scoped3A_196 = tpu.sem_alloc : memref<!tpu.dma_semaphore, #tpu.memory_space<semaphore_mem>>
      %dma_start3A = arith.constant 0 : i32
      %dma_start3A_197 = arith.constant 0 : i32
      %dma_start3A_198 = tpu.memref_slice %arg9[%dma_start3A, %dma_start3A_197] : memref<160x128xi32, #tpu.memory_space<vmem>> -> memref<80x128xi32, #tpu.memory_space<vmem>>
      %dma_start3A_199 = arith.constant 0 : i32
      %dma_start3A_200 = arith.constant 0 : i32
      %dma_start3A_201 = arith.constant 0 : i32
      %dma_start3A_202 = tpu.memref_slice %arg5[%mul3A_99, %dma_start3A_199, %dma_start3A_200, %dma_start3A_201] : memref<32x2x80x128xi32, #tpu.memory_space<hbm>> -> memref<1x2x80x128xi32, #tpu.memory_space<hbm>>
      %dma_start3A_203 = tpu.memref_squeeze %dma_start3A_202 : memref<1x2x80x128xi32, #tpu.memory_space<hbm>> -> memref<2x80x128xi32, #tpu.memory_space<hbm>>
      %dma_start3A_204 = arith.constant 0 : i32
      %dma_start3A_205 = arith.constant 0 : i32
      %dma_start3A_206 = tpu.memref_slice %dma_start3A_203[%run_scoped3A_100, %dma_start3A_204, %dma_start3A_205] : memref<2x80x128xi32, #tpu.memory_space<hbm>> -> memref<1x80x128xi32, #tpu.memory_space<hbm>>
      %dma_start3A_207 = tpu.memref_squeeze %dma_start3A_206 : memref<1x80x128xi32, #tpu.memory_space<hbm>> -> memref<80x128xi32, #tpu.memory_space<hbm>>
      %dma_start3A_208 = arith.constant 0 : i32
      %dma_start3A_209 = arith.constant 0 : i32
      %dma_start3A_210 = tpu.memref_slice %arg9[%dma_start3A_208, %dma_start3A_209] : memref<160x128xi32, #tpu.memory_space<vmem>> -> memref<80x128xi32, #tpu.memory_space<vmem>>
      %dma_start3A_211 = arith.constant 0 : i32
      %dma_start3A_212 = arith.constant 0 : i32
      %dma_start3A_213 = arith.constant 0 : i32
      %dma_start3A_214 = tpu.memref_slice %arg5[%mul3A_99, %dma_start3A_211, %dma_start3A_212, %dma_start3A_213] : memref<32x2x80x128xi32, #tpu.memory_space<hbm>> -> memref<1x2x80x128xi32, #tpu.memory_space<hbm>>
      %dma_start3A_215 = tpu.memref_squeeze %dma_start3A_214 : memref<1x2x80x128xi32, #tpu.memory_space<hbm>> -> memref<2x80x128xi32, #tpu.memory_space<hbm>>
      %dma_start3A_216 = arith.constant 0 : i32
      %dma_start3A_217 = arith.constant 0 : i32
      %dma_start3A_218 = tpu.memref_slice %dma_start3A_215[%run_scoped3A_100, %dma_start3A_216, %dma_start3A_217] : memref<2x80x128xi32, #tpu.memory_space<hbm>> -> memref<1x80x128xi32, #tpu.memory_space<hbm>>
      %dma_start3A_219 = tpu.memref_squeeze %dma_start3A_218 : memref<1x80x128xi32, #tpu.memory_space<hbm>> -> memref<80x128xi32, #tpu.memory_space<hbm>>
      tpu.enqueue_dma source(%dma_start3A_219 : memref<80x128xi32, #tpu.memory_space<hbm>>) target(%dma_start3A_210 : memref<80x128xi32, #tpu.memory_space<vmem>>) target_semaphore(%run_scoped3A_196 : memref<!tpu.dma_semaphore, #tpu.memory_space<semaphore_mem>>)
      %dma_wait3A = arith.constant 0 : i32
      %dma_wait3A_220 = arith.constant 0 : i32
      %dma_wait3A_221 = tpu.memref_slice %arg9[%dma_wait3A, %dma_wait3A_220] : memref<160x128xi32, #tpu.memory_space<vmem>> -> memref<80x128xi32, #tpu.memory_space<vmem>>
      %dma_wait3A_222 = arith.constant 0 : i32
      %dma_wait3A_223 = arith.constant 0 : i32
      %dma_wait3A_224 = arith.constant 0 : i32
      %dma_wait3A_225 = tpu.memref_slice %arg5[%mul3A_99, %dma_wait3A_222, %dma_wait3A_223, %dma_wait3A_224] : memref<32x2x80x128xi32, #tpu.memory_space<hbm>> -> memref<1x2x80x128xi32, #tpu.memory_space<hbm>>
      %dma_wait3A_226 = tpu.memref_squeeze %dma_wait3A_225 : memref<1x2x80x128xi32, #tpu.memory_space<hbm>> -> memref<2x80x128xi32, #tpu.memory_space<hbm>>
      %dma_wait3A_227 = arith.constant 0 : i32
      %dma_wait3A_228 = arith.constant 0 : i32
      %dma_wait3A_229 = tpu.memref_slice %dma_wait3A_226[%run_scoped3A_100, %dma_wait3A_227, %dma_wait3A_228] : memref<2x80x128xi32, #tpu.memory_space<hbm>> -> memref<1x80x128xi32, #tpu.memory_space<hbm>>
      %dma_wait3A_230 = tpu.memref_squeeze %dma_wait3A_229 : memref<1x80x128xi32, #tpu.memory_space<hbm>> -> memref<80x128xi32, #tpu.memory_space<hbm>>
      %dma_wait3A_231 = arith.constant 0 : i32
      %dma_wait3A_232 = arith.constant 0 : i32
      %dma_wait3A_233 = tpu.memref_slice %arg9[%dma_wait3A_231, %dma_wait3A_232] : memref<160x128xi32, #tpu.memory_space<vmem>> -> memref<80x128xi32, #tpu.memory_space<vmem>>
      %dma_wait3A_234 = arith.constant 0 : i32
      %dma_wait3A_235 = arith.constant 0 : i32
      %dma_wait3A_236 = arith.constant 0 : i32
      %dma_wait3A_237 = tpu.memref_slice %arg5[%mul3A_99, %dma_wait3A_234, %dma_wait3A_235, %dma_wait3A_236] : memref<32x2x80x128xi32, #tpu.memory_space<hbm>> -> memref<1x2x80x128xi32, #tpu.memory_space<hbm>>
      %dma_wait3A_238 = tpu.memref_squeeze %dma_wait3A_237 : memref<1x2x80x128xi32, #tpu.memory_space<hbm>> -> memref<2x80x128xi32, #tpu.memory_space<hbm>>
      %dma_wait3A_239 = arith.constant 0 : i32
      %dma_wait3A_240 = arith.constant 0 : i32
      %dma_wait3A_241 = tpu.memref_slice %dma_wait3A_238[%run_scoped3A_100, %dma_wait3A_239, %dma_wait3A_240] : memref<2x80x128xi32, #tpu.memory_space<hbm>> -> memref<1x80x128xi32, #tpu.memory_space<hbm>>
      %dma_wait3A_242 = tpu.memref_squeeze %dma_wait3A_241 : memref<1x80x128xi32, #tpu.memory_space<hbm>> -> memref<80x128xi32, #tpu.memory_space<hbm>>
      tpu.wait_dma2 semaphore(%run_scoped3A_196 : memref<!tpu.dma_semaphore, #tpu.memory_space<semaphore_mem>>) src(%dma_wait3A_242 : memref<80x128xi32, #tpu.memory_space<hbm>>) dst(%dma_wait3A_233 : memref<80x128xi32, #tpu.memory_space<vmem>>)
      tpu.yield
    }) : () -> ()
    %mul3A_101 = arith.constant 2 : i32
    %mul3A_102 = arith.muli %mul3A_101, %arg1 : i32
    %add3A_103 = arith.constant 1 : i32
    %add3A_104 = arith.addi %mul3A_102, %add3A_103 : i32
    %run_scoped3A_105 = arith.constant 1 : i32
    "tpu.region"() ({
      %run_scoped3A_196 = tpu.sem_alloc : memref<!tpu.dma_semaphore, #tpu.memory_space<semaphore_mem>>
      %dma_start3A = arith.constant 80 : i32
      %dma_start3A_197 = arith.constant 0 : i32
      %dma_start3A_198 = tpu.memref_slice %arg9[%dma_start3A, %dma_start3A_197] : memref<160x128xi32, #tpu.memory_space<vmem>> -> memref<80x128xi32, #tpu.memory_space<vmem>>
      %dma_start3A_199 = arith.constant 0 : i32
      %dma_start3A_200 = arith.constant 0 : i32
      %dma_start3A_201 = arith.constant 0 : i32
      %dma_start3A_202 = tpu.memref_slice %arg5[%add3A_104, %dma_start3A_199, %dma_start3A_200, %dma_start3A_201] : memref<32x2x80x128xi32, #tpu.memory_space<hbm>> -> memref<1x2x80x128xi32, #tpu.memory_space<hbm>>
      %dma_start3A_203 = tpu.memref_squeeze %dma_start3A_202 : memref<1x2x80x128xi32, #tpu.memory_space<hbm>> -> memref<2x80x128xi32, #tpu.memory_space<hbm>>
      %dma_start3A_204 = arith.constant 0 : i32
      %dma_start3A_205 = arith.constant 0 : i32
      %dma_start3A_206 = tpu.memref_slice %dma_start3A_203[%run_scoped3A_105, %dma_start3A_204, %dma_start3A_205] : memref<2x80x128xi32, #tpu.memory_space<hbm>> -> memref<1x80x128xi32, #tpu.memory_space<hbm>>
      %dma_start3A_207 = tpu.memref_squeeze %dma_start3A_206 : memref<1x80x128xi32, #tpu.memory_space<hbm>> -> memref<80x128xi32, #tpu.memory_space<hbm>>
      %dma_start3A_208 = arith.constant 80 : i32
      %dma_start3A_209 = arith.constant 0 : i32
      %dma_start3A_210 = tpu.memref_slice %arg9[%dma_start3A_208, %dma_start3A_209] : memref<160x128xi32, #tpu.memory_space<vmem>> -> memref<80x128xi32, #tpu.memory_space<vmem>>
      %dma_start3A_211 = arith.constant 0 : i32
      %dma_start3A_212 = arith.constant 0 : i32
      %dma_start3A_213 = arith.constant 0 : i32
      %dma_start3A_214 = tpu.memref_slice %arg5[%add3A_104, %dma_start3A_211, %dma_start3A_212, %dma_start3A_213] : memref<32x2x80x128xi32, #tpu.memory_space<hbm>> -> memref<1x2x80x128xi32, #tpu.memory_space<hbm>>
      %dma_start3A_215 = tpu.memref_squeeze %dma_start3A_214 : memref<1x2x80x128xi32, #tpu.memory_space<hbm>> -> memref<2x80x128xi32, #tpu.memory_space<hbm>>
      %dma_start3A_216 = arith.constant 0 : i32
      %dma_start3A_217 = arith.constant 0 : i32
      %dma_start3A_218 = tpu.memref_slice %dma_start3A_215[%run_scoped3A_105, %dma_start3A_216, %dma_start3A_217] : memref<2x80x128xi32, #tpu.memory_space<hbm>> -> memref<1x80x128xi32, #tpu.memory_space<hbm>>
      %dma_start3A_219 = tpu.memref_squeeze %dma_start3A_218 : memref<1x80x128xi32, #tpu.memory_space<hbm>> -> memref<80x128xi32, #tpu.memory_space<hbm>>
      tpu.enqueue_dma source(%dma_start3A_219 : memref<80x128xi32, #tpu.memory_space<hbm>>) target(%dma_start3A_210 : memref<80x128xi32, #tpu.memory_space<vmem>>) target_semaphore(%run_scoped3A_196 : memref<!tpu.dma_semaphore, #tpu.memory_space<semaphore_mem>>)
      %dma_wait3A = arith.constant 80 : i32
      %dma_wait3A_220 = arith.constant 0 : i32
      %dma_wait3A_221 = tpu.memref_slice %arg9[%dma_wait3A, %dma_wait3A_220] : memref<160x128xi32, #tpu.memory_space<vmem>> -> memref<80x128xi32, #tpu.memory_space<vmem>>
      %dma_wait3A_222 = arith.constant 0 : i32
      %dma_wait3A_223 = arith.constant 0 : i32
      %dma_wait3A_224 = arith.constant 0 : i32
      %dma_wait3A_225 = tpu.memref_slice %arg5[%add3A_104, %dma_wait3A_222, %dma_wait3A_223, %dma_wait3A_224] : memref<32x2x80x128xi32, #tpu.memory_space<hbm>> -> memref<1x2x80x128xi32, #tpu.memory_space<hbm>>
      %dma_wait3A_226 = tpu.memref_squeeze %dma_wait3A_225 : memref<1x2x80x128xi32, #tpu.memory_space<hbm>> -> memref<2x80x128xi32, #tpu.memory_space<hbm>>
      %dma_wait3A_227 = arith.constant 0 : i32
      %dma_wait3A_228 = arith.constant 0 : i32
      %dma_wait3A_229 = tpu.memref_slice %dma_wait3A_226[%run_scoped3A_105, %dma_wait3A_227, %dma_wait3A_228] : memref<2x80x128xi32, #tpu.memory_space<hbm>> -> memref<1x80x128xi32, #tpu.memory_space<hbm>>
      %dma_wait3A_230 = tpu.memref_squeeze %dma_wait3A_229 : memref<1x80x128xi32, #tpu.memory_space<hbm>> -> memref<80x128xi32, #tpu.memory_space<hbm>>
      %dma_wait3A_231 = arith.constant 80 : i32
      %dma_wait3A_232 = arith.constant 0 : i32
      %dma_wait3A_233 = tpu.memref_slice %arg9[%dma_wait3A_231, %dma_wait3A_232] : memref<160x128xi32, #tpu.memory_space<vmem>> -> memref<80x128xi32, #tpu.memory_space<vmem>>
      %dma_wait3A_234 = arith.constant 0 : i32
      %dma_wait3A_235 = arith.constant 0 : i32
      %dma_wait3A_236 = arith.constant 0 : i32
      %dma_wait3A_237 = tpu.memref_slice %arg5[%add3A_104, %dma_wait3A_234, %dma_wait3A_235, %dma_wait3A_236] : memref<32x2x80x128xi32, #tpu.memory_space<hbm>> -> memref<1x2x80x128xi32, #tpu.memory_space<hbm>>
      %dma_wait3A_238 = tpu.memref_squeeze %dma_wait3A_237 : memref<1x2x80x128xi32, #tpu.memory_space<hbm>> -> memref<2x80x128xi32, #tpu.memory_space<hbm>>
      %dma_wait3A_239 = arith.constant 0 : i32
      %dma_wait3A_240 = arith.constant 0 : i32
      %dma_wait3A_241 = tpu.memref_slice %dma_wait3A_238[%run_scoped3A_105, %dma_wait3A_239, %dma_wait3A_240] : memref<2x80x128xi32, #tpu.memory_space<hbm>> -> memref<1x80x128xi32, #tpu.memory_space<hbm>>
      %dma_wait3A_242 = tpu.memref_squeeze %dma_wait3A_241 : memref<1x80x128xi32, #tpu.memory_space<hbm>> -> memref<80x128xi32, #tpu.memory_space<hbm>>
      tpu.wait_dma2 semaphore(%run_scoped3A_196 : memref<!tpu.dma_semaphore, #tpu.memory_space<semaphore_mem>>) src(%dma_wait3A_242 : memref<80x128xi32, #tpu.memory_space<hbm>>) dst(%dma_wait3A_233 : memref<80x128xi32, #tpu.memory_space<vmem>>)
      tpu.yield
    }) : () -> ()
    %mul3A_106 = arith.constant 2 : i32
    %mul3A_107 = arith.muli %mul3A_106, %arg1 : i32
    "tpu.region"() ({
      %run_scoped3A_196 = tpu.sem_alloc : memref<!tpu.dma_semaphore, #tpu.memory_space<semaphore_mem>>
      %dma_start3A = arith.constant 0 : i32
      %dma_start3A_197 = tpu.memref_slice %arg6[%mul3A_107, %dma_start3A] : memref<32x128xi32, #tpu.memory_space<hbm>> -> memref<1x128xi32, #tpu.memory_space<hbm>>
      %dma_start3A_198 = tpu.memref_squeeze %dma_start3A_197 : memref<1x128xi32, #tpu.memory_space<hbm>> -> memref<128xi32, #tpu.memory_space<hbm>>
      %dma_start3A_199 = arith.constant 0 : i32
      %dma_start3A_200 = tpu.memref_slice %arg6[%mul3A_107, %dma_start3A_199] : memref<32x128xi32, #tpu.memory_space<hbm>> -> memref<1x128xi32, #tpu.memory_space<hbm>>
      %dma_start3A_201 = tpu.memref_squeeze %dma_start3A_200 : memref<1x128xi32, #tpu.memory_space<hbm>> -> memref<128xi32, #tpu.memory_space<hbm>>
      tpu.enqueue_dma source(%dma_start3A_201 : memref<128xi32, #tpu.memory_space<hbm>>) target(%arg12 : memref<128xi32, #tpu.memory_space<vmem>>) target_semaphore(%run_scoped3A_196 : memref<!tpu.dma_semaphore, #tpu.memory_space<semaphore_mem>>)
      %dma_wait3A = arith.constant 0 : i32
      %dma_wait3A_202 = tpu.memref_slice %arg6[%mul3A_107, %dma_wait3A] : memref<32x128xi32, #tpu.memory_space<hbm>> -> memref<1x128xi32, #tpu.memory_space<hbm>>
      %dma_wait3A_203 = tpu.memref_squeeze %dma_wait3A_202 : memref<1x128xi32, #tpu.memory_space<hbm>> -> memref<128xi32, #tpu.memory_space<hbm>>
      %dma_wait3A_204 = arith.constant 0 : i32
      %dma_wait3A_205 = tpu.memref_slice %arg6[%mul3A_107, %dma_wait3A_204] : memref<32x128xi32, #tpu.memory_space<hbm>> -> memref<1x128xi32, #tpu.memory_space<hbm>>
      %dma_wait3A_206 = tpu.memref_squeeze %dma_wait3A_205 : memref<1x128xi32, #tpu.memory_space<hbm>> -> memref<128xi32, #tpu.memory_space<hbm>>
      tpu.wait_dma2 semaphore(%run_scoped3A_196 : memref<!tpu.dma_semaphore, #tpu.memory_space<semaphore_mem>>) src(%dma_wait3A_206 : memref<128xi32, #tpu.memory_space<hbm>>) dst(%arg12 : memref<128xi32, #tpu.memory_space<vmem>>)
      tpu.yield
    }) : () -> ()
    %get3A_108 = arith.constant 0 : index
    %get3A_109 = tpu.vector_load %arg12[%get3A_108] {strides = array<i32>} : memref<128xi32, #tpu.memory_space<vmem>>, vector<16xi32>,
    %iota3A_110 = tpu.iota {dimensions = array<i32: 0>} : vector<16xi32>
    %eq3A_111 = arith.constant 1 : i32
    %eq3A_112 = vector.broadcast %eq3A_111 : i32 to vector<16xi32>
    %eq3A_113 = arith.cmpi eq, %iota3A_110, %eq3A_112 : vector<16xi32>
    %jit3A_114 = arith.constant 0 : i32
    %broadcast_in_dim3A_115 = vector.broadcast %jit3A_114 : i32 to vector<16xi32>
    %select_n3A_116 = arith.select %eq3A_113, %get3A_109, %broadcast_in_dim3A_115 : vector<16xi1>, vector<16xi32>
    %reduce_sum3A_117 = arith.constant true
    %reduce_sum3A_118 = vector.broadcast %reduce_sum3A_117 : i1 to vector<16xi1>
    %reduce_sum3A_119 = tpu.scan <sum>, %select_n3A_116 masked %reduce_sum3A_118 : vector<16xi32>, vector<16xi1> -> vector<16xi32>
    %reduce_sum3A_120 = vector.extract %reduce_sum3A_119[15] : i32 from vector<16xi32>
    %mul3A_121 = arith.constant 2 : i32
    %mul3A_122 = arith.muli %mul3A_121, %arg1 : i32
    %add3A_123 = arith.constant 1 : i32
    %add3A_124 = arith.addi %mul3A_122, %add3A_123 : i32
    "tpu.region"() ({
      %run_scoped3A_196 = tpu.sem_alloc : memref<!tpu.dma_semaphore, #tpu.memory_space<semaphore_mem>>
      %dma_start3A = arith.constant 0 : i32
      %dma_start3A_197 = tpu.memref_slice %arg6[%add3A_124, %dma_start3A] : memref<32x128xi32, #tpu.memory_space<hbm>> -> memref<1x128xi32, #tpu.memory_space<hbm>>
      %dma_start3A_198 = tpu.memref_squeeze %dma_start3A_197 : memref<1x128xi32, #tpu.memory_space<hbm>> -> memref<128xi32, #tpu.memory_space<hbm>>
      %dma_start3A_199 = arith.constant 0 : i32
      %dma_start3A_200 = tpu.memref_slice %arg6[%add3A_124, %dma_start3A_199] : memref<32x128xi32, #tpu.memory_space<hbm>> -> memref<1x128xi32, #tpu.memory_space<hbm>>
      %dma_start3A_201 = tpu.memref_squeeze %dma_start3A_200 : memref<1x128xi32, #tpu.memory_space<hbm>> -> memref<128xi32, #tpu.memory_space<hbm>>
      tpu.enqueue_dma source(%dma_start3A_201 : memref<128xi32, #tpu.memory_space<hbm>>) target(%arg12 : memref<128xi32, #tpu.memory_space<vmem>>) target_semaphore(%run_scoped3A_196 : memref<!tpu.dma_semaphore, #tpu.memory_space<semaphore_mem>>)
      %dma_wait3A = arith.constant 0 : i32
      %dma_wait3A_202 = tpu.memref_slice %arg6[%add3A_124, %dma_wait3A] : memref<32x128xi32, #tpu.memory_space<hbm>> -> memref<1x128xi32, #tpu.memory_space<hbm>>
      %dma_wait3A_203 = tpu.memref_squeeze %dma_wait3A_202 : memref<1x128xi32, #tpu.memory_space<hbm>> -> memref<128xi32, #tpu.memory_space<hbm>>
      %dma_wait3A_204 = arith.constant 0 : i32
      %dma_wait3A_205 = tpu.memref_slice %arg6[%add3A_124, %dma_wait3A_204] : memref<32x128xi32, #tpu.memory_space<hbm>> -> memref<1x128xi32, #tpu.memory_space<hbm>>
      %dma_wait3A_206 = tpu.memref_squeeze %dma_wait3A_205 : memref<1x128xi32, #tpu.memory_space<hbm>> -> memref<128xi32, #tpu.memory_space<hbm>>
      tpu.wait_dma2 semaphore(%run_scoped3A_196 : memref<!tpu.dma_semaphore, #tpu.memory_space<semaphore_mem>>) src(%dma_wait3A_206 : memref<128xi32, #tpu.memory_space<hbm>>) dst(%arg12 : memref<128xi32, #tpu.memory_space<vmem>>)
      tpu.yield
    }) : () -> ()
    %get3A_125 = arith.constant 0 : index
    %get3A_126 = tpu.vector_load %arg12[%get3A_125] {strides = array<i32>} : memref<128xi32, #tpu.memory_space<vmem>>, vector<16xi32>,
    %iota3A_127 = tpu.iota {dimensions = array<i32: 0>} : vector<16xi32>
    %eq3A_128 = arith.constant 1 : i32
    %eq3A_129 = vector.broadcast %eq3A_128 : i32 to vector<16xi32>
    %eq3A_130 = arith.cmpi eq, %iota3A_127, %eq3A_129 : vector<16xi32>
    %jit3A_131 = arith.constant 0 : i32
    %broadcast_in_dim3A_132 = vector.broadcast %jit3A_131 : i32 to vector<16xi32>
    %select_n3A_133 = arith.select %eq3A_130, %get3A_126, %broadcast_in_dim3A_132 : vector<16xi1>, vector<16xi32>
    %reduce_sum3A_134 = arith.constant true
    %reduce_sum3A_135 = vector.broadcast %reduce_sum3A_134 : i1 to vector<16xi1>
    %reduce_sum3A_136 = tpu.scan <sum>, %select_n3A_133 masked %reduce_sum3A_135 : vector<16xi32>, vector<16xi1> -> vector<16xi32>
    %reduce_sum3A_137 = vector.extract %reduce_sum3A_136[15] : i32 from vector<16xi32>
    %add3A_138 = arith.constant 127 : i32
    %add3A_139 = arith.addi %reduce_sum3A_120, %add3A_138 : i32
    %shift_right_arithmetic3A_140 = arith.constant 7 : i32
    %shift_right_arithmetic3A_141 = arith.shrsi %add3A_139, %shift_right_arithmetic3A_140 : i32
    %add3A_142 = arith.constant 127 : i32
    %add3A_143 = arith.addi %reduce_sum3A_137, %add3A_142 : i32
    %shift_right_arithmetic3A_144 = arith.constant 7 : i32
    %shift_right_arithmetic3A_145 = arith.shrsi %add3A_143, %shift_right_arithmetic3A_144 : i32
    %mul3A_146 = arith.constant 10496 : i32
    %mul3A_147 = arith.muli %arg0, %mul3A_146 : i32
    %add3A_148 = arith.constant 5120 : i32
    %add3A_149 = arith.addi %mul3A_147, %add3A_148 : i32
    %add3A_150 = arith.addi %add3A_149, %mul3A_0 : i32
    "tpu.region"() ({
      %run_scoped3A_196 = tpu.sem_alloc : memref<!tpu.dma_semaphore, #tpu.memory_space<semaphore_mem>>
      %dma_start3A = arith.constant 0 : i32
      %dma_start3A_197 = tpu.memref_slice %arg13[%mul3A_0, %dma_start3A] : memref<5248x128xf32, #tpu.memory_space<vmem_shared>> -> memref<328x128xf32, #tpu.memory_space<vmem_shared>>
      %dma_start3A_198 = arith.constant 0 : i32
      %dma_start3A_199 = tpu.memref_slice %arg2[%add3A_150, %dma_start3A_198] : memref<20992x128xf32, #tpu.memory_space<hbm>> -> memref<328x128xf32, #tpu.memory_space<hbm>>
      tpu.enqueue_dma source(%dma_start3A_199 : memref<328x128xf32, #tpu.memory_space<hbm>>) target(%dma_start3A_197 : memref<328x128xf32, #tpu.memory_space<vmem_shared>>) target_semaphore(%run_scoped3A_196 : memref<!tpu.dma_semaphore, #tpu.memory_space<semaphore_mem>>)
      %dma_wait3A = arith.constant 0 : i32
      %dma_wait3A_200 = tpu.memref_slice %arg13[%mul3A_0, %dma_wait3A] : memref<5248x128xf32, #tpu.memory_space<vmem_shared>> -> memref<328x128xf32, #tpu.memory_space<vmem_shared>>
      %dma_wait3A_201 = arith.constant 0 : i32
      %dma_wait3A_202 = tpu.memref_slice %arg2[%add3A_150, %dma_wait3A_201] : memref<20992x128xf32, #tpu.memory_space<hbm>> -> memref<328x128xf32, #tpu.memory_space<hbm>>
      tpu.wait_dma2 semaphore(%run_scoped3A_196 : memref<!tpu.dma_semaphore, #tpu.memory_space<semaphore_mem>>) src(%dma_wait3A_202 : memref<328x128xf32, #tpu.memory_space<hbm>>) dst(%dma_wait3A_200 : memref<328x128xf32, #tpu.memory_space<vmem_shared>>)
      tpu.yield
    }) : () -> ()
    %barrier3A_151 = arith.constant 0 : index
    tpu.barrier barrier_id(%barrier3A_151)
    %add3A_152 = arith.addi %shift_right_arithmetic3A_141, %shift_right_arithmetic3A_145 : i32
    %gt3A_153 = arith.constant 0 : i32
    %gt3A_154 = arith.cmpi sgt, %add3A_152, %gt3A_153 : i32
    %convert_element_type3A_155 = arith.extui %gt3A_154 : i1 to i32
    %cond3A_156 = arith.constant 0 : i32
    %cond3A_157 = arith.cmpi ne, %convert_element_type3A_155, %cond3A_156 : i32
    scf.if %cond3A_157 {
      %gt3A_196 = arith.constant 0 : i32
      %gt3A_197 = arith.cmpi sgt, %shift_right_arithmetic3A_141, %gt3A_196 : i32
      %sub3A_198 = arith.constant 0 : i32
      %sub3A_199 = arith.subi %sub3A_198, %shift_right_arithmetic3A_141 : i32
      %add3A_200 = arith.constant 80 : i32
      %add3A_201 = arith.addi %add3A_200, %sub3A_199 : i32
      %jit3A_202 = arith.constant 0 : i32
      %select_n3A_203 = arith.select %gt3A_197, %jit3A_202, %add3A_201 : i32
      %mul3A_204 = arith.constant 128 : i32
      %mul3A_205 = arith.muli %select_n3A_203, %mul3A_204 : i32
      %multiple_of3A = tpu.assume_multiple %mul3A_205, 128 : i32
      %dma_start3A = tpu.memref_slice %arg8[%multiple_of3A] : memref<20480xi32, #tpu.memory_space<vmem>> -> memref<128xi32, #tpu.memory_space<vmem>>
      %dma_start3A_206 = arith.constant 0 : i32
      %dma_start3A_207 = arith.constant 0 : i32
      %dma_start3A_208 = tpu.memref_slice %arg2[%dma_start3A_206, %dma_start3A_207] : memref<20992x128xf32, #tpu.memory_space<hbm>> -> memref<20992x128xf32, #tpu.memory_space<hbm>>
      tpu.enqueue_indirect_dma source(%dma_start3A_208 : memref<20992x128xf32, #tpu.memory_space<hbm>>) target(%arg10 : memref<128x128xf32, #tpu.memory_space<vmem>>) offsets(%dma_start3A : memref<128xi32, #tpu.memory_space<vmem>>) semaphore(%arg14 : memref<!tpu.dma_semaphore, #tpu.memory_space<semaphore_mem>>)
    } else {
    }
    %add3A_158 = arith.constant 1 : i32
    %add3A_159 = arith.addi %add3A_152, %add3A_158 : i32
    %jit3A_160 = arith.constant 2 : i32
    %div3A_161 = arith.divsi %add3A_159, %jit3A_160 : i32
    %sign3A_162 = arith.constant 0 : i32
    %sign3A_163 = arith.cmpi sgt, %add3A_159, %sign3A_162 : i32
    %sign3A_164 = arith.extui %sign3A_163 : i1 to i32
    %sign3A_165 = arith.constant 0 : i32
    %sign3A_166 = arith.cmpi slt, %add3A_159, %sign3A_165 : i32
    %sign3A_167 = arith.extui %sign3A_166 : i1 to i32
    %sign3A_168 = arith.subi %sign3A_164, %sign3A_167 : i32
    %sign3A_169 = arith.constant 0 : i32
    %sign3A_170 = arith.cmpi sgt, %jit3A_160, %sign3A_169 : i32
    %sign3A_171 = arith.extui %sign3A_170 : i1 to i32
    %sign3A_172 = arith.constant 0 : i32
    %sign3A_173 = arith.cmpi slt, %jit3A_160, %sign3A_172 : i32
    %sign3A_174 = arith.extui %sign3A_173 : i1 to i32
    %sign3A_175 = arith.subi %sign3A_171, %sign3A_174 : i32
    %ne3A_176 = arith.cmpi ne, %sign3A_168, %sign3A_175 : i32
    %rem3A_177 = arith.remsi %add3A_159, %jit3A_160 : i32
    %ne3A_178 = arith.constant 0 : i32
    %ne3A_179 = arith.cmpi ne, %rem3A_177, %ne3A_178 : i32
    %and3A_180 = arith.andi %ne3A_176, %ne3A_179 : i1
    %sub3A_181 = arith.constant 1 : i32
    %sub3A_182 = arith.subi %div3A_161, %sub3A_181 : i32
    %select_n3A_183 = arith.select %and3A_180, %sub3A_182, %div3A_161 : i32
    %while3A_184 = arith.constant 0 : i32
    %while3A_185 = arith.constant 0 : i32
    %while3A_186 = arith.subi %select_n3A_183, %while3A_185 : i32
    %while3A_187 = arith.addi %while3A_185, %while3A_186 : i32
    %while3A_188 = arith.constant 1 : i32
    %while3A_189 = arith.divsi %while3A_186, %while3A_188 : i32
    %while3A_190 = arith.muli %while3A_189, %while3A_188 : i32
    %while3A_191 = arith.addi %while3A_185, %while3A_190 : i32
    %while3A_192 = arith.constant 1 : i32
    scf.for %while3A_196 = %while3A_185 to %while3A_191 step %while3A_192  : i32 {
      %mul3A_197 = arith.constant 2 : i32
      %mul3A_198 = arith.muli %mul3A_197, %while3A_196 : i32
      %add3A_199 = arith.constant 1 : i32
      %add3A_200 = arith.addi %mul3A_198, %add3A_199 : i32
      %dma_wait3A = arith.constant 0 : i32
      %dma_wait3A_201 = tpu.memref_slice %arg8[%dma_wait3A] : memref<20480xi32, #tpu.memory_space<vmem>> -> memref<128xi32, #tpu.memory_space<vmem>>
      %dma_wait3A_202 = arith.constant 0 : i32
      %dma_wait3A_203 = arith.constant 0 : i32
      %dma_wait3A_204 = tpu.memref_slice %arg2[%dma_wait3A_202, %dma_wait3A_203] : memref<20992x128xf32, #tpu.memory_space<hbm>> -> memref<20992x128xf32, #tpu.memory_space<hbm>>
      tpu.wait_indirect_dma semaphore(%arg14 : memref<!tpu.dma_semaphore, #tpu.memory_space<semaphore_mem>>) src(%dma_wait3A_204 : memref<20992x128xf32, #tpu.memory_space<hbm>>) dst(%arg10 : memref<128x128xf32, #tpu.memory_space<vmem>>)
      %lt3A = arith.cmpi slt, %add3A_200, %add3A_152 : i32
      %convert_element_type3A_205 = arith.extui %lt3A : i1 to i32
      %cond3A_206 = arith.constant 0 : i32
      %cond3A_207 = arith.cmpi ne, %convert_element_type3A_205, %cond3A_206 : i32
      scf.if %cond3A_207 {
        %lt3A_217 = arith.cmpi slt, %add3A_200, %shift_right_arithmetic3A_141 : i32
        %sub3A_218 = arith.subi %add3A_200, %shift_right_arithmetic3A_141 : i32
        %add3A_219 = arith.constant 80 : i32
        %add3A_220 = arith.addi %add3A_219, %sub3A_218 : i32
        %select_n3A_221 = arith.select %lt3A_217, %add3A_200, %add3A_220 : i32
        %mul3A_222 = arith.constant 128 : i32
        %mul3A_223 = arith.muli %select_n3A_221, %mul3A_222 : i32
        %multiple_of3A = tpu.assume_multiple %mul3A_223, 128 : i32
        %dma_start3A = tpu.memref_slice %arg8[%multiple_of3A] : memref<20480xi32, #tpu.memory_space<vmem>> -> memref<128xi32, #tpu.memory_space<vmem>>
        %dma_start3A_224 = arith.constant 0 : i32
        %dma_start3A_225 = arith.constant 0 : i32
        %dma_start3A_226 = tpu.memref_slice %arg2[%dma_start3A_224, %dma_start3A_225] : memref<20992x128xf32, #tpu.memory_space<hbm>> -> memref<20992x128xf32, #tpu.memory_space<hbm>>
        tpu.enqueue_indirect_dma source(%dma_start3A_226 : memref<20992x128xf32, #tpu.memory_space<hbm>>) target(%arg11 : memref<128x128xf32, #tpu.memory_space<vmem>>) offsets(%dma_start3A : memref<128xi32, #tpu.memory_space<vmem>>) semaphore(%arg15 : memref<!tpu.dma_semaphore, #tpu.memory_space<semaphore_mem>>)
      } else {
      }
      %lt3A_208 = arith.cmpi slt, %mul3A_198, %shift_right_arithmetic3A_141 : i32
      %sub3A_209 = arith.subi %mul3A_198, %shift_right_arithmetic3A_141 : i32
      %add3A_210 = arith.constant 80 : i32
      %add3A_211 = arith.addi %add3A_210, %sub3A_209 : i32
      %select_n3A_212 = arith.select %lt3A_208, %mul3A_198, %add3A_211 : i32
      "tpu.region"() ({
        %run_scoped3A_217 = tpu.sem_alloc : memref<!tpu.dma_semaphore, #tpu.memory_space<semaphore_mem>>
        %dma_start3A = arith.constant 0 : i32
        %dma_start3A_218 = tpu.memref_slice %arg9[%select_n3A_212, %dma_start3A] : memref<160x128xi32, #tpu.memory_space<vmem>> -> memref<1x128xi32, #tpu.memory_space<vmem>>
        %dma_start3A_219 = tpu.memref_squeeze %dma_start3A_218 : memref<1x128xi32, #tpu.memory_space<vmem>> -> memref<128xi32, #tpu.memory_space<vmem>>
        %dma_start3A_220 = arith.constant 0 : i32
        %dma_start3A_221 = arith.constant 0 : i32
        %dma_start3A_222 = tpu.memref_slice %arg13[%dma_start3A_220, %dma_start3A_221] : memref<5248x128xf32, #tpu.memory_space<vmem_shared>> -> memref<5248x128xf32, #tpu.memory_space<vmem_shared>>
        tpu.enqueue_indirect_dma source(%arg10 : memref<128x128xf32, #tpu.memory_space<vmem>>) target(%dma_start3A_222 : memref<5248x128xf32, #tpu.memory_space<vmem_shared>>) offsets(%dma_start3A_219 : memref<128xi32, #tpu.memory_space<vmem>>) semaphore(%run_scoped3A_217 : memref<!tpu.dma_semaphore, #tpu.memory_space<semaphore_mem>>) {add = true}
        %dma_wait3A_223 = arith.constant 0 : i32
        %dma_wait3A_224 = tpu.memref_slice %arg9[%select_n3A_212, %dma_wait3A_223] : memref<160x128xi32, #tpu.memory_space<vmem>> -> memref<1x128xi32, #tpu.memory_space<vmem>>
        %dma_wait3A_225 = tpu.memref_squeeze %dma_wait3A_224 : memref<1x128xi32, #tpu.memory_space<vmem>> -> memref<128xi32, #tpu.memory_space<vmem>>
        %dma_wait3A_226 = arith.constant 0 : i32
        %dma_wait3A_227 = arith.constant 0 : i32
        %dma_wait3A_228 = tpu.memref_slice %arg13[%dma_wait3A_226, %dma_wait3A_227] : memref<5248x128xf32, #tpu.memory_space<vmem_shared>> -> memref<5248x128xf32, #tpu.memory_space<vmem_shared>>
        tpu.wait_indirect_dma semaphore(%run_scoped3A_217 : memref<!tpu.dma_semaphore, #tpu.memory_space<semaphore_mem>>) src(%arg10 : memref<128x128xf32, #tpu.memory_space<vmem>>) dst(%dma_wait3A_228 : memref<5248x128xf32, #tpu.memory_space<vmem_shared>>)
        tpu.yield
      }) : () -> ()
      %lt3A_213 = arith.cmpi slt, %add3A_200, %add3A_152 : i32
      %convert_element_type3A_214 = arith.extui %lt3A_213 : i1 to i32
      %cond3A_215 = arith.constant 0 : i32
      %cond3A_216 = arith.cmpi ne, %convert_element_type3A_214, %cond3A_215 : i32
      scf.if %cond3A_216 {
        %dma_wait3A_217 = arith.constant 0 : i32
        %dma_wait3A_218 = tpu.memref_slice %arg8[%dma_wait3A_217] : memref<20480xi32, #tpu.memory_space<vmem>> -> memref<128xi32, #tpu.memory_space<vmem>>
        %dma_wait3A_219 = arith.constant 0 : i32
        %dma_wait3A_220 = arith.constant 0 : i32
        %dma_wait3A_221 = tpu.memref_slice %arg2[%dma_wait3A_219, %dma_wait3A_220] : memref<20992x128xf32, #tpu.memory_space<hbm>> -> memref<20992x128xf32, #tpu.memory_space<hbm>>
        tpu.wait_indirect_dma semaphore(%arg15 : memref<!tpu.dma_semaphore, #tpu.memory_space<semaphore_mem>>) src(%dma_wait3A_221 : memref<20992x128xf32, #tpu.memory_space<hbm>>) dst(%arg11 : memref<128x128xf32, #tpu.memory_space<vmem>>)
        %add3A_222 = arith.constant 2 : i32
        %add3A_223 = arith.addi %mul3A_198, %add3A_222 : i32
        %lt3A_224 = arith.cmpi slt, %add3A_223, %add3A_152 : i32
        %convert_element_type3A_225 = arith.extui %lt3A_224 : i1 to i32
        %cond3A_226 = arith.constant 0 : i32
        %cond3A_227 = arith.cmpi ne, %convert_element_type3A_225, %cond3A_226 : i32
        scf.if %cond3A_227 {
          %add3A_233 = arith.constant 2 : i32
          %add3A_234 = arith.addi %mul3A_198, %add3A_233 : i32
          %lt3A_235 = arith.cmpi slt, %add3A_234, %shift_right_arithmetic3A_141 : i32
          %sub3A_236 = arith.subi %add3A_234, %shift_right_arithmetic3A_141 : i32
          %add3A_237 = arith.constant 80 : i32
          %add3A_238 = arith.addi %add3A_237, %sub3A_236 : i32
          %select_n3A_239 = arith.select %lt3A_235, %add3A_234, %add3A_238 : i32
          %mul3A_240 = arith.constant 128 : i32
          %mul3A_241 = arith.muli %select_n3A_239, %mul3A_240 : i32
          %multiple_of3A = tpu.assume_multiple %mul3A_241, 128 : i32
          %dma_start3A = tpu.memref_slice %arg8[%multiple_of3A] : memref<20480xi32, #tpu.memory_space<vmem>> -> memref<128xi32, #tpu.memory_space<vmem>>
          %dma_start3A_242 = arith.constant 0 : i32
          %dma_start3A_243 = arith.constant 0 : i32
          %dma_start3A_244 = tpu.memref_slice %arg2[%dma_start3A_242, %dma_start3A_243] : memref<20992x128xf32, #tpu.memory_space<hbm>> -> memref<20992x128xf32, #tpu.memory_space<hbm>>
          tpu.enqueue_indirect_dma source(%dma_start3A_244 : memref<20992x128xf32, #tpu.memory_space<hbm>>) target(%arg10 : memref<128x128xf32, #tpu.memory_space<vmem>>) offsets(%dma_start3A : memref<128xi32, #tpu.memory_space<vmem>>) semaphore(%arg14 : memref<!tpu.dma_semaphore, #tpu.memory_space<semaphore_mem>>)
        } else {
        }
        %lt3A_228 = arith.cmpi slt, %add3A_200, %shift_right_arithmetic3A_141 : i32
        %sub3A_229 = arith.subi %add3A_200, %shift_right_arithmetic3A_141 : i32
        %add3A_230 = arith.constant 80 : i32
        %add3A_231 = arith.addi %add3A_230, %sub3A_229 : i32
        %select_n3A_232 = arith.select %lt3A_228, %add3A_200, %add3A_231 : i32
        "tpu.region"() ({
          %run_scoped3A_233 = tpu.sem_alloc : memref<!tpu.dma_semaphore, #tpu.memory_space<semaphore_mem>>
          %dma_start3A = arith.constant 0 : i32
          %dma_start3A_234 = tpu.memref_slice %arg9[%select_n3A_232, %dma_start3A] : memref<160x128xi32, #tpu.memory_space<vmem>> -> memref<1x128xi32, #tpu.memory_space<vmem>>
          %dma_start3A_235 = tpu.memref_squeeze %dma_start3A_234 : memref<1x128xi32, #tpu.memory_space<vmem>> -> memref<128xi32, #tpu.memory_space<vmem>>
          %dma_start3A_236 = arith.constant 0 : i32
          %dma_start3A_237 = arith.constant 0 : i32
          %dma_start3A_238 = tpu.memref_slice %arg13[%dma_start3A_236, %dma_start3A_237] : memref<5248x128xf32, #tpu.memory_space<vmem_shared>> -> memref<5248x128xf32, #tpu.memory_space<vmem_shared>>
          tpu.enqueue_indirect_dma source(%arg11 : memref<128x128xf32, #tpu.memory_space<vmem>>) target(%dma_start3A_238 : memref<5248x128xf32, #tpu.memory_space<vmem_shared>>) offsets(%dma_start3A_235 : memref<128xi32, #tpu.memory_space<vmem>>) semaphore(%run_scoped3A_233 : memref<!tpu.dma_semaphore, #tpu.memory_space<semaphore_mem>>) {add = true}
          %dma_wait3A_239 = arith.constant 0 : i32
          %dma_wait3A_240 = tpu.memref_slice %arg9[%select_n3A_232, %dma_wait3A_239] : memref<160x128xi32, #tpu.memory_space<vmem>> -> memref<1x128xi32, #tpu.memory_space<vmem>>
          %dma_wait3A_241 = tpu.memref_squeeze %dma_wait3A_240 : memref<1x128xi32, #tpu.memory_space<vmem>> -> memref<128xi32, #tpu.memory_space<vmem>>
          %dma_wait3A_242 = arith.constant 0 : i32
          %dma_wait3A_243 = arith.constant 0 : i32
          %dma_wait3A_244 = tpu.memref_slice %arg13[%dma_wait3A_242, %dma_wait3A_243] : memref<5248x128xf32, #tpu.memory_space<vmem_shared>> -> memref<5248x128xf32, #tpu.memory_space<vmem_shared>>
          tpu.wait_indirect_dma semaphore(%run_scoped3A_233 : memref<!tpu.dma_semaphore, #tpu.memory_space<semaphore_mem>>) src(%arg11 : memref<128x128xf32, #tpu.memory_space<vmem>>) dst(%dma_wait3A_244 : memref<5248x128xf32, #tpu.memory_space<vmem_shared>>)
          tpu.yield
        }) : () -> ()
      } else {
      }
    }
    %while3A_193 = arith.constant 1 : i32
    scf.for %while3A_196 = %while3A_191 to %while3A_187 step %while3A_193  : i32 {
      %mul3A_197 = arith.constant 2 : i32
      %mul3A_198 = arith.muli %mul3A_197, %while3A_196 : i32
      %add3A_199 = arith.constant 1 : i32
      %add3A_200 = arith.addi %mul3A_198, %add3A_199 : i32
      %dma_wait3A = arith.constant 0 : i32
      %dma_wait3A_201 = tpu.memref_slice %arg8[%dma_wait3A] : memref<20480xi32, #tpu.memory_space<vmem>> -> memref<128xi32, #tpu.memory_space<vmem>>
      %dma_wait3A_202 = arith.constant 0 : i32
      %dma_wait3A_203 = arith.constant 0 : i32
      %dma_wait3A_204 = tpu.memref_slice %arg2[%dma_wait3A_202, %dma_wait3A_203] : memref<20992x128xf32, #tpu.memory_space<hbm>> -> memref<20992x128xf32, #tpu.memory_space<hbm>>
      tpu.wait_indirect_dma semaphore(%arg14 : memref<!tpu.dma_semaphore, #tpu.memory_space<semaphore_mem>>) src(%dma_wait3A_204 : memref<20992x128xf32, #tpu.memory_space<hbm>>) dst(%arg10 : memref<128x128xf32, #tpu.memory_space<vmem>>)
      %lt3A = arith.cmpi slt, %add3A_200, %add3A_152 : i32
      %convert_element_type3A_205 = arith.extui %lt3A : i1 to i32
      %cond3A_206 = arith.constant 0 : i32
      %cond3A_207 = arith.cmpi ne, %convert_element_type3A_205, %cond3A_206 : i32
      scf.if %cond3A_207 {
        %lt3A_217 = arith.cmpi slt, %add3A_200, %shift_right_arithmetic3A_141 : i32
        %sub3A_218 = arith.subi %add3A_200, %shift_right_arithmetic3A_141 : i32
        %add3A_219 = arith.constant 80 : i32
        %add3A_220 = arith.addi %add3A_219, %sub3A_218 : i32
        %select_n3A_221 = arith.select %lt3A_217, %add3A_200, %add3A_220 : i32
        %mul3A_222 = arith.constant 128 : i32
        %mul3A_223 = arith.muli %select_n3A_221, %mul3A_222 : i32
        %multiple_of3A = tpu.assume_multiple %mul3A_223, 128 : i32
        %dma_start3A = tpu.memref_slice %arg8[%multiple_of3A] : memref<20480xi32, #tpu.memory_space<vmem>> -> memref<128xi32, #tpu.memory_space<vmem>>
        %dma_start3A_224 = arith.constant 0 : i32
        %dma_start3A_225 = arith.constant 0 : i32
        %dma_start3A_226 = tpu.memref_slice %arg2[%dma_start3A_224, %dma_start3A_225] : memref<20992x128xf32, #tpu.memory_space<hbm>> -> memref<20992x128xf32, #tpu.memory_space<hbm>>
        tpu.enqueue_indirect_dma source(%dma_start3A_226 : memref<20992x128xf32, #tpu.memory_space<hbm>>) target(%arg11 : memref<128x128xf32, #tpu.memory_space<vmem>>) offsets(%dma_start3A : memref<128xi32, #tpu.memory_space<vmem>>) semaphore(%arg15 : memref<!tpu.dma_semaphore, #tpu.memory_space<semaphore_mem>>)
      } else {
      }
      %lt3A_208 = arith.cmpi slt, %mul3A_198, %shift_right_arithmetic3A_141 : i32
      %sub3A_209 = arith.subi %mul3A_198, %shift_right_arithmetic3A_141 : i32
      %add3A_210 = arith.constant 80 : i32
      %add3A_211 = arith.addi %add3A_210, %sub3A_209 : i32
      %select_n3A_212 = arith.select %lt3A_208, %mul3A_198, %add3A_211 : i32
      "tpu.region"() ({
        %run_scoped3A_217 = tpu.sem_alloc : memref<!tpu.dma_semaphore, #tpu.memory_space<semaphore_mem>>
        %dma_start3A = arith.constant 0 : i32
        %dma_start3A_218 = tpu.memref_slice %arg9[%select_n3A_212, %dma_start3A] : memref<160x128xi32, #tpu.memory_space<vmem>> -> memref<1x128xi32, #tpu.memory_space<vmem>>
        %dma_start3A_219 = tpu.memref_squeeze %dma_start3A_218 : memref<1x128xi32, #tpu.memory_space<vmem>> -> memref<128xi32, #tpu.memory_space<vmem>>
        %dma_start3A_220 = arith.constant 0 : i32
        %dma_start3A_221 = arith.constant 0 : i32
        %dma_start3A_222 = tpu.memref_slice %arg13[%dma_start3A_220, %dma_start3A_221] : memref<5248x128xf32, #tpu.memory_space<vmem_shared>> -> memref<5248x128xf32, #tpu.memory_space<vmem_shared>>
        tpu.enqueue_indirect_dma source(%arg10 : memref<128x128xf32, #tpu.memory_space<vmem>>) target(%dma_start3A_222 : memref<5248x128xf32, #tpu.memory_space<vmem_shared>>) offsets(%dma_start3A_219 : memref<128xi32, #tpu.memory_space<vmem>>) semaphore(%run_scoped3A_217 : memref<!tpu.dma_semaphore, #tpu.memory_space<semaphore_mem>>) {add = true}
        %dma_wait3A_223 = arith.constant 0 : i32
        %dma_wait3A_224 = tpu.memref_slice %arg9[%select_n3A_212, %dma_wait3A_223] : memref<160x128xi32, #tpu.memory_space<vmem>> -> memref<1x128xi32, #tpu.memory_space<vmem>>
        %dma_wait3A_225 = tpu.memref_squeeze %dma_wait3A_224 : memref<1x128xi32, #tpu.memory_space<vmem>> -> memref<128xi32, #tpu.memory_space<vmem>>
        %dma_wait3A_226 = arith.constant 0 : i32
        %dma_wait3A_227 = arith.constant 0 : i32
        %dma_wait3A_228 = tpu.memref_slice %arg13[%dma_wait3A_226, %dma_wait3A_227] : memref<5248x128xf32, #tpu.memory_space<vmem_shared>> -> memref<5248x128xf32, #tpu.memory_space<vmem_shared>>
        tpu.wait_indirect_dma semaphore(%run_scoped3A_217 : memref<!tpu.dma_semaphore, #tpu.memory_space<semaphore_mem>>) src(%arg10 : memref<128x128xf32, #tpu.memory_space<vmem>>) dst(%dma_wait3A_228 : memref<5248x128xf32, #tpu.memory_space<vmem_shared>>)
        tpu.yield
      }) : () -> ()
      %lt3A_213 = arith.cmpi slt, %add3A_200, %add3A_152 : i32
      %convert_element_type3A_214 = arith.extui %lt3A_213 : i1 to i32
      %cond3A_215 = arith.constant 0 : i32
      %cond3A_216 = arith.cmpi ne, %convert_element_type3A_214, %cond3A_215 : i32
      scf.if %cond3A_216 {
        %dma_wait3A_217 = arith.constant 0 : i32
        %dma_wait3A_218 = tpu.memref_slice %arg8[%dma_wait3A_217] : memref<20480xi32, #tpu.memory_space<vmem>> -> memref<128xi32, #tpu.memory_space<vmem>>
        %dma_wait3A_219 = arith.constant 0 : i32
        %dma_wait3A_220 = arith.constant 0 : i32
        %dma_wait3A_221 = tpu.memref_slice %arg2[%dma_wait3A_219, %dma_wait3A_220] : memref<20992x128xf32, #tpu.memory_space<hbm>> -> memref<20992x128xf32, #tpu.memory_space<hbm>>
        tpu.wait_indirect_dma semaphore(%arg15 : memref<!tpu.dma_semaphore, #tpu.memory_space<semaphore_mem>>) src(%dma_wait3A_221 : memref<20992x128xf32, #tpu.memory_space<hbm>>) dst(%arg11 : memref<128x128xf32, #tpu.memory_space<vmem>>)
        %add3A_222 = arith.constant 2 : i32
        %add3A_223 = arith.addi %mul3A_198, %add3A_222 : i32
        %lt3A_224 = arith.cmpi slt, %add3A_223, %add3A_152 : i32
        %convert_element_type3A_225 = arith.extui %lt3A_224 : i1 to i32
        %cond3A_226 = arith.constant 0 : i32
        %cond3A_227 = arith.cmpi ne, %convert_element_type3A_225, %cond3A_226 : i32
        scf.if %cond3A_227 {
          %add3A_233 = arith.constant 2 : i32
          %add3A_234 = arith.addi %mul3A_198, %add3A_233 : i32
          %lt3A_235 = arith.cmpi slt, %add3A_234, %shift_right_arithmetic3A_141 : i32
          %sub3A_236 = arith.subi %add3A_234, %shift_right_arithmetic3A_141 : i32
          %add3A_237 = arith.constant 80 : i32
          %add3A_238 = arith.addi %add3A_237, %sub3A_236 : i32
          %select_n3A_239 = arith.select %lt3A_235, %add3A_234, %add3A_238 : i32
          %mul3A_240 = arith.constant 128 : i32
          %mul3A_241 = arith.muli %select_n3A_239, %mul3A_240 : i32
          %multiple_of3A = tpu.assume_multiple %mul3A_241, 128 : i32
          %dma_start3A = tpu.memref_slice %arg8[%multiple_of3A] : memref<20480xi32, #tpu.memory_space<vmem>> -> memref<128xi32, #tpu.memory_space<vmem>>
          %dma_start3A_242 = arith.constant 0 : i32
          %dma_start3A_243 = arith.constant 0 : i32
          %dma_start3A_244 = tpu.memref_slice %arg2[%dma_start3A_242, %dma_start3A_243] : memref<20992x128xf32, #tpu.memory_space<hbm>> -> memref<20992x128xf32, #tpu.memory_space<hbm>>
          tpu.enqueue_indirect_dma source(%dma_start3A_244 : memref<20992x128xf32, #tpu.memory_space<hbm>>) target(%arg10 : memref<128x128xf32, #tpu.memory_space<vmem>>) offsets(%dma_start3A : memref<128xi32, #tpu.memory_space<vmem>>) semaphore(%arg14 : memref<!tpu.dma_semaphore, #tpu.memory_space<semaphore_mem>>)
        } else {
        }
        %lt3A_228 = arith.cmpi slt, %add3A_200, %shift_right_arithmetic3A_141 : i32
        %sub3A_229 = arith.subi %add3A_200, %shift_right_arithmetic3A_141 : i32
        %add3A_230 = arith.constant 80 : i32
        %add3A_231 = arith.addi %add3A_230, %sub3A_229 : i32
        %select_n3A_232 = arith.select %lt3A_228, %add3A_200, %add3A_231 : i32
        "tpu.region"() ({
          %run_scoped3A_233 = tpu.sem_alloc : memref<!tpu.dma_semaphore, #tpu.memory_space<semaphore_mem>>
          %dma_start3A = arith.constant 0 : i32
          %dma_start3A_234 = tpu.memref_slice %arg9[%select_n3A_232, %dma_start3A] : memref<160x128xi32, #tpu.memory_space<vmem>> -> memref<1x128xi32, #tpu.memory_space<vmem>>
          %dma_start3A_235 = tpu.memref_squeeze %dma_start3A_234 : memref<1x128xi32, #tpu.memory_space<vmem>> -> memref<128xi32, #tpu.memory_space<vmem>>
          %dma_start3A_236 = arith.constant 0 : i32
          %dma_start3A_237 = arith.constant 0 : i32
          %dma_start3A_238 = tpu.memref_slice %arg13[%dma_start3A_236, %dma_start3A_237] : memref<5248x128xf32, #tpu.memory_space<vmem_shared>> -> memref<5248x128xf32, #tpu.memory_space<vmem_shared>>
          tpu.enqueue_indirect_dma source(%arg11 : memref<128x128xf32, #tpu.memory_space<vmem>>) target(%dma_start3A_238 : memref<5248x128xf32, #tpu.memory_space<vmem_shared>>) offsets(%dma_start3A_235 : memref<128xi32, #tpu.memory_space<vmem>>) semaphore(%run_scoped3A_233 : memref<!tpu.dma_semaphore, #tpu.memory_space<semaphore_mem>>) {add = true}
          %dma_wait3A_239 = arith.constant 0 : i32
          %dma_wait3A_240 = tpu.memref_slice %arg9[%select_n3A_232, %dma_wait3A_239] : memref<160x128xi32, #tpu.memory_space<vmem>> -> memref<1x128xi32, #tpu.memory_space<vmem>>
          %dma_wait3A_241 = tpu.memref_squeeze %dma_wait3A_240 : memref<1x128xi32, #tpu.memory_space<vmem>> -> memref<128xi32, #tpu.memory_space<vmem>>
          %dma_wait3A_242 = arith.constant 0 : i32
          %dma_wait3A_243 = arith.constant 0 : i32
          %dma_wait3A_244 = tpu.memref_slice %arg13[%dma_wait3A_242, %dma_wait3A_243] : memref<5248x128xf32, #tpu.memory_space<vmem_shared>> -> memref<5248x128xf32, #tpu.memory_space<vmem_shared>>
          tpu.wait_indirect_dma semaphore(%run_scoped3A_233 : memref<!tpu.dma_semaphore, #tpu.memory_space<semaphore_mem>>) src(%arg11 : memref<128x128xf32, #tpu.memory_space<vmem>>) dst(%dma_wait3A_244 : memref<5248x128xf32, #tpu.memory_space<vmem_shared>>)
          tpu.yield
        }) : () -> ()
      } else {
      }
    }
    %barrier3A_194 = arith.constant 0 : index
    tpu.barrier barrier_id(%barrier3A_194)
    %run_scoped3A_195 = arith.constant 1 : i32
    "tpu.region"() ({
      %run_scoped3A_196 = tpu.sem_alloc : memref<!tpu.dma_semaphore, #tpu.memory_space<semaphore_mem>>
      %dma_start3A = arith.constant 0 : i32
      %dma_start3A_197 = arith.constant 0 : i32
      %dma_start3A_198 = arith.constant 0 : i32
      %dma_start3A_199 = tpu.memref_slice %arg7[%arg0, %dma_start3A, %dma_start3A_197, %dma_start3A_198] : memref<2x2x5248x128xf32, #tpu.memory_space<hbm>> -> memref<1x2x5248x128xf32, #tpu.memory_space<hbm>>
      %dma_start3A_200 = tpu.memref_squeeze %dma_start3A_199 : memref<1x2x5248x128xf32, #tpu.memory_space<hbm>> -> memref<2x5248x128xf32, #tpu.memory_space<hbm>>
      %dma_start3A_201 = arith.constant 0 : i32
      %dma_start3A_202 = arith.constant 0 : i32
      %dma_start3A_203 = tpu.memref_slice %dma_start3A_200[%run_scoped3A_195, %dma_start3A_201, %dma_start3A_202] : memref<2x5248x128xf32, #tpu.memory_space<hbm>> -> memref<1x5248x128xf32, #tpu.memory_space<hbm>>
      %dma_start3A_204 = tpu.memref_squeeze %dma_start3A_203 : memref<1x5248x128xf32, #tpu.memory_space<hbm>> -> memref<5248x128xf32, #tpu.memory_space<hbm>>
      %dma_start3A_205 = arith.constant 0 : i32
      %dma_start3A_206 = tpu.memref_slice %dma_start3A_204[%mul3A_0, %dma_start3A_205] : memref<5248x128xf32, #tpu.memory_space<hbm>> -> memref<328x128xf32, #tpu.memory_space<hbm>>
      %dma_start3A_207 = arith.constant 0 : i32
      %dma_start3A_208 = tpu.memref_slice %arg13[%mul3A_0, %dma_start3A_207] : memref<5248x128xf32, #tpu.memory_space<vmem_shared>> -> memref<328x128xf32, #tpu.memory_space<vmem_shared>>
      tpu.enqueue_dma source(%dma_start3A_208 : memref<328x128xf32, #tpu.memory_space<vmem_shared>>) target(%dma_start3A_206 : memref<328x128xf32, #tpu.memory_space<hbm>>) target_semaphore(%run_scoped3A_196 : memref<!tpu.dma_semaphore, #tpu.memory_space<semaphore_mem>>)
      %dma_wait3A = arith.constant 0 : i32
      %dma_wait3A_209 = arith.constant 0 : i32
      %dma_wait3A_210 = arith.constant 0 : i32
      %dma_wait3A_211 = tpu.memref_slice %arg7[%arg0, %dma_wait3A, %dma_wait3A_209, %dma_wait3A_210] : memref<2x2x5248x128xf32, #tpu.memory_space<hbm>> -> memref<1x2x5248x128xf32, #tpu.memory_space<hbm>>
      %dma_wait3A_212 = tpu.memref_squeeze %dma_wait3A_211 : memref<1x2x5248x128xf32, #tpu.memory_space<hbm>> -> memref<2x5248x128xf32, #tpu.memory_space<hbm>>
      %dma_wait3A_213 = arith.constant 0 : i32
      %dma_wait3A_214 = arith.constant 0 : i32
      %dma_wait3A_215 = tpu.memref_slice %dma_wait3A_212[%run_scoped3A_195, %dma_wait3A_213, %dma_wait3A_214] : memref<2x5248x128xf32, #tpu.memory_space<hbm>> -> memref<1x5248x128xf32, #tpu.memory_space<hbm>>
      %dma_wait3A_216 = tpu.memref_squeeze %dma_wait3A_215 : memref<1x5248x128xf32, #tpu.memory_space<hbm>> -> memref<5248x128xf32, #tpu.memory_space<hbm>>
      %dma_wait3A_217 = arith.constant 0 : i32
      %dma_wait3A_218 = tpu.memref_slice %dma_wait3A_216[%mul3A_0, %dma_wait3A_217] : memref<5248x128xf32, #tpu.memory_space<hbm>> -> memref<328x128xf32, #tpu.memory_space<hbm>>
      %dma_wait3A_219 = arith.constant 0 : i32
      %dma_wait3A_220 = tpu.memref_slice %arg13[%mul3A_0, %dma_wait3A_219] : memref<5248x128xf32, #tpu.memory_space<vmem_shared>> -> memref<328x128xf32, #tpu.memory_space<vmem_shared>>
      tpu.wait_dma2 semaphore(%run_scoped3A_196 : memref<!tpu.dma_semaphore, #tpu.memory_space<semaphore_mem>>) src(%dma_wait3A_220 : memref<328x128xf32, #tpu.memory_space<vmem_shared>>) dst(%dma_wait3A_218 : memref<328x128xf32, #tpu.memory_space<hbm>>)
      tpu.yield
    }) : () -> ()
    return
  }
}

#map = affine_map<(d0, d1) -> (0, 0)>
#map1 = affine_map<(d0, d1) -> (0, 0, 0)>
#map2 = affine_map<(d0, d1) -> (0, 0, 0, 0)>
module attributes {stable_mosaic.version = 14 : i64} {
  func.func @_scat_l2_body(%arg0: i32, %arg1: i32, %arg2: memref<10496x128xf32, #tpu.memory_space<hbm>>, %arg3: memref<32x2x10240xi32, #tpu.memory_space<hbm>>, %arg4: memref<32x2x80x128xi32, #tpu.memory_space<hbm>>, %arg5: memref<32x128xi32, #tpu.memory_space<hbm>>, %arg6: memref<2x5248x128xf32, #tpu.memory_space<hbm>>, %arg7: memref<20480xi32, #tpu.memory_space<vmem>>, %arg8: memref<160x128xi32, #tpu.memory_space<vmem>>, %arg9: memref<128x128xf32, #tpu.memory_space<vmem>>, %arg10: memref<128x128xf32, #tpu.memory_space<vmem>>, %arg11: memref<128xi32, #tpu.memory_space<vmem>>, %arg12: memref<5248x128xf32, #tpu.memory_space<vmem_shared>>, %arg13: memref<!tpu.dma_semaphore, #tpu.memory_space<semaphore_mem>>, %arg14: memref<!tpu.dma_semaphore, #tpu.memory_space<semaphore_mem>>) attributes {dimension_semantics = [#tpu.dimension_semantics<core_parallel>, #tpu.dimension_semantics<subcore_parallel>], iteration_bounds = array<i64: 2, 16>, scalar_prefetch = 0 : i64, scratch_operands = 8 : i64, tpu.core_type = #tpu.core_type<sc_vector_subcore>, window_params = [{transform_indices = #map}, {transform_indices = #map1}, {transform_indices = #map2}, {transform_indices = #map}, {transform_indices = #map1}]} {
    %mul3A = arith.constant 328 : i32
    %mul3A_0 = arith.muli %mul3A, %arg1 : i32
    %mul3A_1 = arith.constant 2 : i32
    %mul3A_2 = arith.muli %mul3A_1, %arg1 : i32
    %mul3A_3 = arith.constant 2 : i32
    %mul3A_4 = arith.muli %mul3A_3, %arg1 : i32
    %add3A = arith.constant 1 : i32
    %add3A_5 = arith.addi %mul3A_4, %add3A : i32
    "tpu.region"() ({
      %run_scoped3A = tpu.sem_alloc : memref<!tpu.dma_semaphore, #tpu.memory_space<semaphore_mem>>
      %dma_start3A = arith.constant 0 : i32
      %dma_start3A_66 = tpu.memref_slice %arg7[%dma_start3A] : memref<20480xi32, #tpu.memory_space<vmem>> -> memref<10240xi32, #tpu.memory_space<vmem>>
      %dma_start3A_67 = arith.constant 0 : i32
      %dma_start3A_68 = arith.constant 0 : i32
      %dma_start3A_69 = tpu.memref_slice %arg3[%mul3A_2, %dma_start3A_67, %dma_start3A_68] : memref<32x2x10240xi32, #tpu.memory_space<hbm>> -> memref<1x2x10240xi32, #tpu.memory_space<hbm>>
      %dma_start3A_70 = tpu.memref_squeeze %dma_start3A_69 : memref<1x2x10240xi32, #tpu.memory_space<hbm>> -> memref<2x10240xi32, #tpu.memory_space<hbm>>
      %dma_start3A_71 = arith.constant 0 : i32
      %dma_start3A_72 = tpu.memref_slice %dma_start3A_70[%arg0, %dma_start3A_71] : memref<2x10240xi32, #tpu.memory_space<hbm>> -> memref<1x10240xi32, #tpu.memory_space<hbm>>
      %dma_start3A_73 = tpu.memref_squeeze %dma_start3A_72 : memref<1x10240xi32, #tpu.memory_space<hbm>> -> memref<10240xi32, #tpu.memory_space<hbm>>
      %dma_start3A_74 = arith.constant 0 : i32
      %dma_start3A_75 = tpu.memref_slice %arg7[%dma_start3A_74] : memref<20480xi32, #tpu.memory_space<vmem>> -> memref<10240xi32, #tpu.memory_space<vmem>>
      %dma_start3A_76 = arith.constant 0 : i32
      %dma_start3A_77 = arith.constant 0 : i32
      %dma_start3A_78 = tpu.memref_slice %arg3[%mul3A_2, %dma_start3A_76, %dma_start3A_77] : memref<32x2x10240xi32, #tpu.memory_space<hbm>> -> memref<1x2x10240xi32, #tpu.memory_space<hbm>>
      %dma_start3A_79 = tpu.memref_squeeze %dma_start3A_78 : memref<1x2x10240xi32, #tpu.memory_space<hbm>> -> memref<2x10240xi32, #tpu.memory_space<hbm>>
      %dma_start3A_80 = arith.constant 0 : i32
      %dma_start3A_81 = tpu.memref_slice %dma_start3A_79[%arg0, %dma_start3A_80] : memref<2x10240xi32, #tpu.memory_space<hbm>> -> memref<1x10240xi32, #tpu.memory_space<hbm>>
      %dma_start3A_82 = tpu.memref_squeeze %dma_start3A_81 : memref<1x10240xi32, #tpu.memory_space<hbm>> -> memref<10240xi32, #tpu.memory_space<hbm>>
      tpu.enqueue_dma source(%dma_start3A_82 : memref<10240xi32, #tpu.memory_space<hbm>>) target(%dma_start3A_75 : memref<10240xi32, #tpu.memory_space<vmem>>) target_semaphore(%run_scoped3A : memref<!tpu.dma_semaphore, #tpu.memory_space<semaphore_mem>>)
      %dma_wait3A = arith.constant 0 : i32
      %dma_wait3A_83 = tpu.memref_slice %arg7[%dma_wait3A] : memref<20480xi32, #tpu.memory_space<vmem>> -> memref<10240xi32, #tpu.memory_space<vmem>>
      %dma_wait3A_84 = arith.constant 0 : i32
      %dma_wait3A_85 = arith.constant 0 : i32
      %dma_wait3A_86 = tpu.memref_slice %arg3[%mul3A_2, %dma_wait3A_84, %dma_wait3A_85] : memref<32x2x10240xi32, #tpu.memory_space<hbm>> -> memref<1x2x10240xi32, #tpu.memory_space<hbm>>
      %dma_wait3A_87 = tpu.memref_squeeze %dma_wait3A_86 : memref<1x2x10240xi32, #tpu.memory_space<hbm>> -> memref<2x10240xi32, #tpu.memory_space<hbm>>
      %dma_wait3A_88 = arith.constant 0 : i32
      %dma_wait3A_89 = tpu.memref_slice %dma_wait3A_87[%arg0, %dma_wait3A_88] : memref<2x10240xi32, #tpu.memory_space<hbm>> -> memref<1x10240xi32, #tpu.memory_space<hbm>>
      %dma_wait3A_90 = tpu.memref_squeeze %dma_wait3A_89 : memref<1x10240xi32, #tpu.memory_space<hbm>> -> memref<10240xi32, #tpu.memory_space<hbm>>
      %dma_wait3A_91 = arith.constant 0 : i32
      %dma_wait3A_92 = tpu.memref_slice %arg7[%dma_wait3A_91] : memref<20480xi32, #tpu.memory_space<vmem>> -> memref<10240xi32, #tpu.memory_space<vmem>>
      %dma_wait3A_93 = arith.constant 0 : i32
      %dma_wait3A_94 = arith.constant 0 : i32
      %dma_wait3A_95 = tpu.memref_slice %arg3[%mul3A_2, %dma_wait3A_93, %dma_wait3A_94] : memref<32x2x10240xi32, #tpu.memory_space<hbm>> -> memref<1x2x10240xi32, #tpu.memory_space<hbm>>
      %dma_wait3A_96 = tpu.memref_squeeze %dma_wait3A_95 : memref<1x2x10240xi32, #tpu.memory_space<hbm>> -> memref<2x10240xi32, #tpu.memory_space<hbm>>
      %dma_wait3A_97 = arith.constant 0 : i32
      %dma_wait3A_98 = tpu.memref_slice %dma_wait3A_96[%arg0, %dma_wait3A_97] : memref<2x10240xi32, #tpu.memory_space<hbm>> -> memref<1x10240xi32, #tpu.memory_space<hbm>>
      %dma_wait3A_99 = tpu.memref_squeeze %dma_wait3A_98 : memref<1x10240xi32, #tpu.memory_space<hbm>> -> memref<10240xi32, #tpu.memory_space<hbm>>
      tpu.wait_dma2 semaphore(%run_scoped3A : memref<!tpu.dma_semaphore, #tpu.memory_space<semaphore_mem>>) src(%dma_wait3A_99 : memref<10240xi32, #tpu.memory_space<hbm>>) dst(%dma_wait3A_92 : memref<10240xi32, #tpu.memory_space<vmem>>)
      tpu.yield
    }) : () -> ()
    "tpu.region"() ({
      %run_scoped3A = tpu.sem_alloc : memref<!tpu.dma_semaphore, #tpu.memory_space<semaphore_mem>>
      %dma_start3A = arith.constant 10240 : i32
      %dma_start3A_66 = tpu.memref_slice %arg7[%dma_start3A] : memref<20480xi32, #tpu.memory_space<vmem>> -> memref<10240xi32, #tpu.memory_space<vmem>>
      %dma_start3A_67 = arith.constant 0 : i32
      %dma_start3A_68 = arith.constant 0 : i32
      %dma_start3A_69 = tpu.memref_slice %arg3[%add3A_5, %dma_start3A_67, %dma_start3A_68] : memref<32x2x10240xi32, #tpu.memory_space<hbm>> -> memref<1x2x10240xi32, #tpu.memory_space<hbm>>
      %dma_start3A_70 = tpu.memref_squeeze %dma_start3A_69 : memref<1x2x10240xi32, #tpu.memory_space<hbm>> -> memref<2x10240xi32, #tpu.memory_space<hbm>>
      %dma_start3A_71 = arith.constant 0 : i32
      %dma_start3A_72 = tpu.memref_slice %dma_start3A_70[%arg0, %dma_start3A_71] : memref<2x10240xi32, #tpu.memory_space<hbm>> -> memref<1x10240xi32, #tpu.memory_space<hbm>>
      %dma_start3A_73 = tpu.memref_squeeze %dma_start3A_72 : memref<1x10240xi32, #tpu.memory_space<hbm>> -> memref<10240xi32, #tpu.memory_space<hbm>>
      %dma_start3A_74 = arith.constant 10240 : i32
      %dma_start3A_75 = tpu.memref_slice %arg7[%dma_start3A_74] : memref<20480xi32, #tpu.memory_space<vmem>> -> memref<10240xi32, #tpu.memory_space<vmem>>
      %dma_start3A_76 = arith.constant 0 : i32
      %dma_start3A_77 = arith.constant 0 : i32
      %dma_start3A_78 = tpu.memref_slice %arg3[%add3A_5, %dma_start3A_76, %dma_start3A_77] : memref<32x2x10240xi32, #tpu.memory_space<hbm>> -> memref<1x2x10240xi32, #tpu.memory_space<hbm>>
      %dma_start3A_79 = tpu.memref_squeeze %dma_start3A_78 : memref<1x2x10240xi32, #tpu.memory_space<hbm>> -> memref<2x10240xi32, #tpu.memory_space<hbm>>
      %dma_start3A_80 = arith.constant 0 : i32
      %dma_start3A_81 = tpu.memref_slice %dma_start3A_79[%arg0, %dma_start3A_80] : memref<2x10240xi32, #tpu.memory_space<hbm>> -> memref<1x10240xi32, #tpu.memory_space<hbm>>
      %dma_start3A_82 = tpu.memref_squeeze %dma_start3A_81 : memref<1x10240xi32, #tpu.memory_space<hbm>> -> memref<10240xi32, #tpu.memory_space<hbm>>
      tpu.enqueue_dma source(%dma_start3A_82 : memref<10240xi32, #tpu.memory_space<hbm>>) target(%dma_start3A_75 : memref<10240xi32, #tpu.memory_space<vmem>>) target_semaphore(%run_scoped3A : memref<!tpu.dma_semaphore, #tpu.memory_space<semaphore_mem>>)
      %dma_wait3A = arith.constant 10240 : i32
      %dma_wait3A_83 = tpu.memref_slice %arg7[%dma_wait3A] : memref<20480xi32, #tpu.memory_space<vmem>> -> memref<10240xi32, #tpu.memory_space<vmem>>
      %dma_wait3A_84 = arith.constant 0 : i32
      %dma_wait3A_85 = arith.constant 0 : i32
      %dma_wait3A_86 = tpu.memref_slice %arg3[%add3A_5, %dma_wait3A_84, %dma_wait3A_85] : memref<32x2x10240xi32, #tpu.memory_space<hbm>> -> memref<1x2x10240xi32, #tpu.memory_space<hbm>>
      %dma_wait3A_87 = tpu.memref_squeeze %dma_wait3A_86 : memref<1x2x10240xi32, #tpu.memory_space<hbm>> -> memref<2x10240xi32, #tpu.memory_space<hbm>>
      %dma_wait3A_88 = arith.constant 0 : i32
      %dma_wait3A_89 = tpu.memref_slice %dma_wait3A_87[%arg0, %dma_wait3A_88] : memref<2x10240xi32, #tpu.memory_space<hbm>> -> memref<1x10240xi32, #tpu.memory_space<hbm>>
      %dma_wait3A_90 = tpu.memref_squeeze %dma_wait3A_89 : memref<1x10240xi32, #tpu.memory_space<hbm>> -> memref<10240xi32, #tpu.memory_space<hbm>>
      %dma_wait3A_91 = arith.constant 10240 : i32
      %dma_wait3A_92 = tpu.memref_slice %arg7[%dma_wait3A_91] : memref<20480xi32, #tpu.memory_space<vmem>> -> memref<10240xi32, #tpu.memory_space<vmem>>
      %dma_wait3A_93 = arith.constant 0 : i32
      %dma_wait3A_94 = arith.constant 0 : i32
      %dma_wait3A_95 = tpu.memref_slice %arg3[%add3A_5, %dma_wait3A_93, %dma_wait3A_94] : memref<32x2x10240xi32, #tpu.memory_space<hbm>> -> memref<1x2x10240xi32, #tpu.memory_space<hbm>>
      %dma_wait3A_96 = tpu.memref_squeeze %dma_wait3A_95 : memref<1x2x10240xi32, #tpu.memory_space<hbm>> -> memref<2x10240xi32, #tpu.memory_space<hbm>>
      %dma_wait3A_97 = arith.constant 0 : i32
      %dma_wait3A_98 = tpu.memref_slice %dma_wait3A_96[%arg0, %dma_wait3A_97] : memref<2x10240xi32, #tpu.memory_space<hbm>> -> memref<1x10240xi32, #tpu.memory_space<hbm>>
      %dma_wait3A_99 = tpu.memref_squeeze %dma_wait3A_98 : memref<1x10240xi32, #tpu.memory_space<hbm>> -> memref<10240xi32, #tpu.memory_space<hbm>>
      tpu.wait_dma2 semaphore(%run_scoped3A : memref<!tpu.dma_semaphore, #tpu.memory_space<semaphore_mem>>) src(%dma_wait3A_99 : memref<10240xi32, #tpu.memory_space<hbm>>) dst(%dma_wait3A_92 : memref<10240xi32, #tpu.memory_space<vmem>>)
      tpu.yield
    }) : () -> ()
    "tpu.region"() ({
      %run_scoped3A = tpu.sem_alloc : memref<!tpu.dma_semaphore, #tpu.memory_space<semaphore_mem>>
      %dma_start3A = arith.constant 0 : i32
      %dma_start3A_66 = arith.constant 0 : i32
      %dma_start3A_67 = tpu.memref_slice %arg8[%dma_start3A, %dma_start3A_66] : memref<160x128xi32, #tpu.memory_space<vmem>> -> memref<80x128xi32, #tpu.memory_space<vmem>>
      %dma_start3A_68 = arith.constant 0 : i32
      %dma_start3A_69 = arith.constant 0 : i32
      %dma_start3A_70 = arith.constant 0 : i32
      %dma_start3A_71 = tpu.memref_slice %arg4[%mul3A_2, %dma_start3A_68, %dma_start3A_69, %dma_start3A_70] : memref<32x2x80x128xi32, #tpu.memory_space<hbm>> -> memref<1x2x80x128xi32, #tpu.memory_space<hbm>>
      %dma_start3A_72 = tpu.memref_squeeze %dma_start3A_71 : memref<1x2x80x128xi32, #tpu.memory_space<hbm>> -> memref<2x80x128xi32, #tpu.memory_space<hbm>>
      %dma_start3A_73 = arith.constant 0 : i32
      %dma_start3A_74 = arith.constant 0 : i32
      %dma_start3A_75 = tpu.memref_slice %dma_start3A_72[%arg0, %dma_start3A_73, %dma_start3A_74] : memref<2x80x128xi32, #tpu.memory_space<hbm>> -> memref<1x80x128xi32, #tpu.memory_space<hbm>>
      %dma_start3A_76 = tpu.memref_squeeze %dma_start3A_75 : memref<1x80x128xi32, #tpu.memory_space<hbm>> -> memref<80x128xi32, #tpu.memory_space<hbm>>
      %dma_start3A_77 = arith.constant 0 : i32
      %dma_start3A_78 = arith.constant 0 : i32
      %dma_start3A_79 = tpu.memref_slice %arg8[%dma_start3A_77, %dma_start3A_78] : memref<160x128xi32, #tpu.memory_space<vmem>> -> memref<80x128xi32, #tpu.memory_space<vmem>>
      %dma_start3A_80 = arith.constant 0 : i32
      %dma_start3A_81 = arith.constant 0 : i32
      %dma_start3A_82 = arith.constant 0 : i32
      %dma_start3A_83 = tpu.memref_slice %arg4[%mul3A_2, %dma_start3A_80, %dma_start3A_81, %dma_start3A_82] : memref<32x2x80x128xi32, #tpu.memory_space<hbm>> -> memref<1x2x80x128xi32, #tpu.memory_space<hbm>>
      %dma_start3A_84 = tpu.memref_squeeze %dma_start3A_83 : memref<1x2x80x128xi32, #tpu.memory_space<hbm>> -> memref<2x80x128xi32, #tpu.memory_space<hbm>>
      %dma_start3A_85 = arith.constant 0 : i32
      %dma_start3A_86 = arith.constant 0 : i32
      %dma_start3A_87 = tpu.memref_slice %dma_start3A_84[%arg0, %dma_start3A_85, %dma_start3A_86] : memref<2x80x128xi32, #tpu.memory_space<hbm>> -> memref<1x80x128xi32, #tpu.memory_space<hbm>>
      %dma_start3A_88 = tpu.memref_squeeze %dma_start3A_87 : memref<1x80x128xi32, #tpu.memory_space<hbm>> -> memref<80x128xi32, #tpu.memory_space<hbm>>
      tpu.enqueue_dma source(%dma_start3A_88 : memref<80x128xi32, #tpu.memory_space<hbm>>) target(%dma_start3A_79 : memref<80x128xi32, #tpu.memory_space<vmem>>) target_semaphore(%run_scoped3A : memref<!tpu.dma_semaphore, #tpu.memory_space<semaphore_mem>>)
      %dma_wait3A = arith.constant 0 : i32
      %dma_wait3A_89 = arith.constant 0 : i32
      %dma_wait3A_90 = tpu.memref_slice %arg8[%dma_wait3A, %dma_wait3A_89] : memref<160x128xi32, #tpu.memory_space<vmem>> -> memref<80x128xi32, #tpu.memory_space<vmem>>
      %dma_wait3A_91 = arith.constant 0 : i32
      %dma_wait3A_92 = arith.constant 0 : i32
      %dma_wait3A_93 = arith.constant 0 : i32
      %dma_wait3A_94 = tpu.memref_slice %arg4[%mul3A_2, %dma_wait3A_91, %dma_wait3A_92, %dma_wait3A_93] : memref<32x2x80x128xi32, #tpu.memory_space<hbm>> -> memref<1x2x80x128xi32, #tpu.memory_space<hbm>>
      %dma_wait3A_95 = tpu.memref_squeeze %dma_wait3A_94 : memref<1x2x80x128xi32, #tpu.memory_space<hbm>> -> memref<2x80x128xi32, #tpu.memory_space<hbm>>
      %dma_wait3A_96 = arith.constant 0 : i32
      %dma_wait3A_97 = arith.constant 0 : i32
      %dma_wait3A_98 = tpu.memref_slice %dma_wait3A_95[%arg0, %dma_wait3A_96, %dma_wait3A_97] : memref<2x80x128xi32, #tpu.memory_space<hbm>> -> memref<1x80x128xi32, #tpu.memory_space<hbm>>
      %dma_wait3A_99 = tpu.memref_squeeze %dma_wait3A_98 : memref<1x80x128xi32, #tpu.memory_space<hbm>> -> memref<80x128xi32, #tpu.memory_space<hbm>>
      %dma_wait3A_100 = arith.constant 0 : i32
      %dma_wait3A_101 = arith.constant 0 : i32
      %dma_wait3A_102 = tpu.memref_slice %arg8[%dma_wait3A_100, %dma_wait3A_101] : memref<160x128xi32, #tpu.memory_space<vmem>> -> memref<80x128xi32, #tpu.memory_space<vmem>>
      %dma_wait3A_103 = arith.constant 0 : i32
      %dma_wait3A_104 = arith.constant 0 : i32
      %dma_wait3A_105 = arith.constant 0 : i32
      %dma_wait3A_106 = tpu.memref_slice %arg4[%mul3A_2, %dma_wait3A_103, %dma_wait3A_104, %dma_wait3A_105] : memref<32x2x80x128xi32, #tpu.memory_space<hbm>> -> memref<1x2x80x128xi32, #tpu.memory_space<hbm>>
      %dma_wait3A_107 = tpu.memref_squeeze %dma_wait3A_106 : memref<1x2x80x128xi32, #tpu.memory_space<hbm>> -> memref<2x80x128xi32, #tpu.memory_space<hbm>>
      %dma_wait3A_108 = arith.constant 0 : i32
      %dma_wait3A_109 = arith.constant 0 : i32
      %dma_wait3A_110 = tpu.memref_slice %dma_wait3A_107[%arg0, %dma_wait3A_108, %dma_wait3A_109] : memref<2x80x128xi32, #tpu.memory_space<hbm>> -> memref<1x80x128xi32, #tpu.memory_space<hbm>>
      %dma_wait3A_111 = tpu.memref_squeeze %dma_wait3A_110 : memref<1x80x128xi32, #tpu.memory_space<hbm>> -> memref<80x128xi32, #tpu.memory_space<hbm>>
      tpu.wait_dma2 semaphore(%run_scoped3A : memref<!tpu.dma_semaphore, #tpu.memory_space<semaphore_mem>>) src(%dma_wait3A_111 : memref<80x128xi32, #tpu.memory_space<hbm>>) dst(%dma_wait3A_102 : memref<80x128xi32, #tpu.memory_space<vmem>>)
      tpu.yield
    }) : () -> ()
    "tpu.region"() ({
      %run_scoped3A = tpu.sem_alloc : memref<!tpu.dma_semaphore, #tpu.memory_space<semaphore_mem>>
      %dma_start3A = arith.constant 80 : i32
      %dma_start3A_66 = arith.constant 0 : i32
      %dma_start3A_67 = tpu.memref_slice %arg8[%dma_start3A, %dma_start3A_66] : memref<160x128xi32, #tpu.memory_space<vmem>> -> memref<80x128xi32, #tpu.memory_space<vmem>>
      %dma_start3A_68 = arith.constant 0 : i32
      %dma_start3A_69 = arith.constant 0 : i32
      %dma_start3A_70 = arith.constant 0 : i32
      %dma_start3A_71 = tpu.memref_slice %arg4[%add3A_5, %dma_start3A_68, %dma_start3A_69, %dma_start3A_70] : memref<32x2x80x128xi32, #tpu.memory_space<hbm>> -> memref<1x2x80x128xi32, #tpu.memory_space<hbm>>
      %dma_start3A_72 = tpu.memref_squeeze %dma_start3A_71 : memref<1x2x80x128xi32, #tpu.memory_space<hbm>> -> memref<2x80x128xi32, #tpu.memory_space<hbm>>
      %dma_start3A_73 = arith.constant 0 : i32
      %dma_start3A_74 = arith.constant 0 : i32
      %dma_start3A_75 = tpu.memref_slice %dma_start3A_72[%arg0, %dma_start3A_73, %dma_start3A_74] : memref<2x80x128xi32, #tpu.memory_space<hbm>> -> memref<1x80x128xi32, #tpu.memory_space<hbm>>
      %dma_start3A_76 = tpu.memref_squeeze %dma_start3A_75 : memref<1x80x128xi32, #tpu.memory_space<hbm>> -> memref<80x128xi32, #tpu.memory_space<hbm>>
      %dma_start3A_77 = arith.constant 80 : i32
      %dma_start3A_78 = arith.constant 0 : i32
      %dma_start3A_79 = tpu.memref_slice %arg8[%dma_start3A_77, %dma_start3A_78] : memref<160x128xi32, #tpu.memory_space<vmem>> -> memref<80x128xi32, #tpu.memory_space<vmem>>
      %dma_start3A_80 = arith.constant 0 : i32
      %dma_start3A_81 = arith.constant 0 : i32
      %dma_start3A_82 = arith.constant 0 : i32
      %dma_start3A_83 = tpu.memref_slice %arg4[%add3A_5, %dma_start3A_80, %dma_start3A_81, %dma_start3A_82] : memref<32x2x80x128xi32, #tpu.memory_space<hbm>> -> memref<1x2x80x128xi32, #tpu.memory_space<hbm>>
      %dma_start3A_84 = tpu.memref_squeeze %dma_start3A_83 : memref<1x2x80x128xi32, #tpu.memory_space<hbm>> -> memref<2x80x128xi32, #tpu.memory_space<hbm>>
      %dma_start3A_85 = arith.constant 0 : i32
      %dma_start3A_86 = arith.constant 0 : i32
      %dma_start3A_87 = tpu.memref_slice %dma_start3A_84[%arg0, %dma_start3A_85, %dma_start3A_86] : memref<2x80x128xi32, #tpu.memory_space<hbm>> -> memref<1x80x128xi32, #tpu.memory_space<hbm>>
      %dma_start3A_88 = tpu.memref_squeeze %dma_start3A_87 : memref<1x80x128xi32, #tpu.memory_space<hbm>> -> memref<80x128xi32, #tpu.memory_space<hbm>>
      tpu.enqueue_dma source(%dma_start3A_88 : memref<80x128xi32, #tpu.memory_space<hbm>>) target(%dma_start3A_79 : memref<80x128xi32, #tpu.memory_space<vmem>>) target_semaphore(%run_scoped3A : memref<!tpu.dma_semaphore, #tpu.memory_space<semaphore_mem>>)
      %dma_wait3A = arith.constant 80 : i32
      %dma_wait3A_89 = arith.constant 0 : i32
      %dma_wait3A_90 = tpu.memref_slice %arg8[%dma_wait3A, %dma_wait3A_89] : memref<160x128xi32, #tpu.memory_space<vmem>> -> memref<80x128xi32, #tpu.memory_space<vmem>>
      %dma_wait3A_91 = arith.constant 0 : i32
      %dma_wait3A_92 = arith.constant 0 : i32
      %dma_wait3A_93 = arith.constant 0 : i32
      %dma_wait3A_94 = tpu.memref_slice %arg4[%add3A_5, %dma_wait3A_91, %dma_wait3A_92, %dma_wait3A_93] : memref<32x2x80x128xi32, #tpu.memory_space<hbm>> -> memref<1x2x80x128xi32, #tpu.memory_space<hbm>>
      %dma_wait3A_95 = tpu.memref_squeeze %dma_wait3A_94 : memref<1x2x80x128xi32, #tpu.memory_space<hbm>> -> memref<2x80x128xi32, #tpu.memory_space<hbm>>
      %dma_wait3A_96 = arith.constant 0 : i32
      %dma_wait3A_97 = arith.constant 0 : i32
      %dma_wait3A_98 = tpu.memref_slice %dma_wait3A_95[%arg0, %dma_wait3A_96, %dma_wait3A_97] : memref<2x80x128xi32, #tpu.memory_space<hbm>> -> memref<1x80x128xi32, #tpu.memory_space<hbm>>
      %dma_wait3A_99 = tpu.memref_squeeze %dma_wait3A_98 : memref<1x80x128xi32, #tpu.memory_space<hbm>> -> memref<80x128xi32, #tpu.memory_space<hbm>>
      %dma_wait3A_100 = arith.constant 80 : i32
      %dma_wait3A_101 = arith.constant 0 : i32
      %dma_wait3A_102 = tpu.memref_slice %arg8[%dma_wait3A_100, %dma_wait3A_101] : memref<160x128xi32, #tpu.memory_space<vmem>> -> memref<80x128xi32, #tpu.memory_space<vmem>>
      %dma_wait3A_103 = arith.constant 0 : i32
      %dma_wait3A_104 = arith.constant 0 : i32
      %dma_wait3A_105 = arith.constant 0 : i32
      %dma_wait3A_106 = tpu.memref_slice %arg4[%add3A_5, %dma_wait3A_103, %dma_wait3A_104, %dma_wait3A_105] : memref<32x2x80x128xi32, #tpu.memory_space<hbm>> -> memref<1x2x80x128xi32, #tpu.memory_space<hbm>>
      %dma_wait3A_107 = tpu.memref_squeeze %dma_wait3A_106 : memref<1x2x80x128xi32, #tpu.memory_space<hbm>> -> memref<2x80x128xi32, #tpu.memory_space<hbm>>
      %dma_wait3A_108 = arith.constant 0 : i32
      %dma_wait3A_109 = arith.constant 0 : i32
      %dma_wait3A_110 = tpu.memref_slice %dma_wait3A_107[%arg0, %dma_wait3A_108, %dma_wait3A_109] : memref<2x80x128xi32, #tpu.memory_space<hbm>> -> memref<1x80x128xi32, #tpu.memory_space<hbm>>
      %dma_wait3A_111 = tpu.memref_squeeze %dma_wait3A_110 : memref<1x80x128xi32, #tpu.memory_space<hbm>> -> memref<80x128xi32, #tpu.memory_space<hbm>>
      tpu.wait_dma2 semaphore(%run_scoped3A : memref<!tpu.dma_semaphore, #tpu.memory_space<semaphore_mem>>) src(%dma_wait3A_111 : memref<80x128xi32, #tpu.memory_space<hbm>>) dst(%dma_wait3A_102 : memref<80x128xi32, #tpu.memory_space<vmem>>)
      tpu.yield
    }) : () -> ()
    "tpu.region"() ({
      %run_scoped3A = tpu.sem_alloc : memref<!tpu.dma_semaphore, #tpu.memory_space<semaphore_mem>>
      %dma_start3A = arith.constant 0 : i32
      %dma_start3A_66 = tpu.memref_slice %arg5[%mul3A_2, %dma_start3A] : memref<32x128xi32, #tpu.memory_space<hbm>> -> memref<1x128xi32, #tpu.memory_space<hbm>>
      %dma_start3A_67 = tpu.memref_squeeze %dma_start3A_66 : memref<1x128xi32, #tpu.memory_space<hbm>> -> memref<128xi32, #tpu.memory_space<hbm>>
      %dma_start3A_68 = arith.constant 0 : i32
      %dma_start3A_69 = tpu.memref_slice %arg5[%mul3A_2, %dma_start3A_68] : memref<32x128xi32, #tpu.memory_space<hbm>> -> memref<1x128xi32, #tpu.memory_space<hbm>>
      %dma_start3A_70 = tpu.memref_squeeze %dma_start3A_69 : memref<1x128xi32, #tpu.memory_space<hbm>> -> memref<128xi32, #tpu.memory_space<hbm>>
      tpu.enqueue_dma source(%dma_start3A_70 : memref<128xi32, #tpu.memory_space<hbm>>) target(%arg11 : memref<128xi32, #tpu.memory_space<vmem>>) target_semaphore(%run_scoped3A : memref<!tpu.dma_semaphore, #tpu.memory_space<semaphore_mem>>)
      %dma_wait3A = arith.constant 0 : i32
      %dma_wait3A_71 = tpu.memref_slice %arg5[%mul3A_2, %dma_wait3A] : memref<32x128xi32, #tpu.memory_space<hbm>> -> memref<1x128xi32, #tpu.memory_space<hbm>>
      %dma_wait3A_72 = tpu.memref_squeeze %dma_wait3A_71 : memref<1x128xi32, #tpu.memory_space<hbm>> -> memref<128xi32, #tpu.memory_space<hbm>>
      %dma_wait3A_73 = arith.constant 0 : i32
      %dma_wait3A_74 = tpu.memref_slice %arg5[%mul3A_2, %dma_wait3A_73] : memref<32x128xi32, #tpu.memory_space<hbm>> -> memref<1x128xi32, #tpu.memory_space<hbm>>
      %dma_wait3A_75 = tpu.memref_squeeze %dma_wait3A_74 : memref<1x128xi32, #tpu.memory_space<hbm>> -> memref<128xi32, #tpu.memory_space<hbm>>
      tpu.wait_dma2 semaphore(%run_scoped3A : memref<!tpu.dma_semaphore, #tpu.memory_space<semaphore_mem>>) src(%dma_wait3A_75 : memref<128xi32, #tpu.memory_space<hbm>>) dst(%arg11 : memref<128xi32, #tpu.memory_space<vmem>>)
      tpu.yield
    }) : () -> ()
    %get3A = arith.constant 0 : index
    %get3A_6 = tpu.vector_load %arg11[%get3A] {strides = array<i32>} : memref<128xi32, #tpu.memory_space<vmem>>, vector<16xi32>,
    %iota3A = tpu.iota {dimensions = array<i32: 0>} : vector<16xi32>
    %eq3A = vector.broadcast %arg0 : i32 to vector<16xi32>
    %eq3A_7 = arith.cmpi eq, %iota3A, %eq3A : vector<16xi32>
    %jit3A = arith.constant 0 : i32
    %broadcast_in_dim3A = vector.broadcast %jit3A : i32 to vector<16xi32>
    %select_n3A = arith.select %eq3A_7, %get3A_6, %broadcast_in_dim3A : vector<16xi1>, vector<16xi32>
    %reduce_sum3A = arith.constant true
    %reduce_sum3A_8 = vector.broadcast %reduce_sum3A : i1 to vector<16xi1>
    %reduce_sum3A_9 = tpu.scan <sum>, %select_n3A masked %reduce_sum3A_8 : vector<16xi32>, vector<16xi1> -> vector<16xi32>
    %reduce_sum3A_10 = vector.extract %reduce_sum3A_9[15] : i32 from vector<16xi32>
    "tpu.region"() ({
      %run_scoped3A = tpu.sem_alloc : memref<!tpu.dma_semaphore, #tpu.memory_space<semaphore_mem>>
      %dma_start3A = arith.constant 0 : i32
      %dma_start3A_66 = tpu.memref_slice %arg5[%add3A_5, %dma_start3A] : memref<32x128xi32, #tpu.memory_space<hbm>> -> memref<1x128xi32, #tpu.memory_space<hbm>>
      %dma_start3A_67 = tpu.memref_squeeze %dma_start3A_66 : memref<1x128xi32, #tpu.memory_space<hbm>> -> memref<128xi32, #tpu.memory_space<hbm>>
      %dma_start3A_68 = arith.constant 0 : i32
      %dma_start3A_69 = tpu.memref_slice %arg5[%add3A_5, %dma_start3A_68] : memref<32x128xi32, #tpu.memory_space<hbm>> -> memref<1x128xi32, #tpu.memory_space<hbm>>
      %dma_start3A_70 = tpu.memref_squeeze %dma_start3A_69 : memref<1x128xi32, #tpu.memory_space<hbm>> -> memref<128xi32, #tpu.memory_space<hbm>>
      tpu.enqueue_dma source(%dma_start3A_70 : memref<128xi32, #tpu.memory_space<hbm>>) target(%arg11 : memref<128xi32, #tpu.memory_space<vmem>>) target_semaphore(%run_scoped3A : memref<!tpu.dma_semaphore, #tpu.memory_space<semaphore_mem>>)
      %dma_wait3A = arith.constant 0 : i32
      %dma_wait3A_71 = tpu.memref_slice %arg5[%add3A_5, %dma_wait3A] : memref<32x128xi32, #tpu.memory_space<hbm>> -> memref<1x128xi32, #tpu.memory_space<hbm>>
      %dma_wait3A_72 = tpu.memref_squeeze %dma_wait3A_71 : memref<1x128xi32, #tpu.memory_space<hbm>> -> memref<128xi32, #tpu.memory_space<hbm>>
      %dma_wait3A_73 = arith.constant 0 : i32
      %dma_wait3A_74 = tpu.memref_slice %arg5[%add3A_5, %dma_wait3A_73] : memref<32x128xi32, #tpu.memory_space<hbm>> -> memref<1x128xi32, #tpu.memory_space<hbm>>
      %dma_wait3A_75 = tpu.memref_squeeze %dma_wait3A_74 : memref<1x128xi32, #tpu.memory_space<hbm>> -> memref<128xi32, #tpu.memory_space<hbm>>
      tpu.wait_dma2 semaphore(%run_scoped3A : memref<!tpu.dma_semaphore, #tpu.memory_space<semaphore_mem>>) src(%dma_wait3A_75 : memref<128xi32, #tpu.memory_space<hbm>>) dst(%arg11 : memref<128xi32, #tpu.memory_space<vmem>>)
      tpu.yield
    }) : () -> ()
    %get3A_11 = arith.constant 0 : index
    %get3A_12 = tpu.vector_load %arg11[%get3A_11] {strides = array<i32>} : memref<128xi32, #tpu.memory_space<vmem>>, vector<16xi32>,
    %iota3A_13 = tpu.iota {dimensions = array<i32: 0>} : vector<16xi32>
    %eq3A_14 = vector.broadcast %arg0 : i32 to vector<16xi32>
    %eq3A_15 = arith.cmpi eq, %iota3A_13, %eq3A_14 : vector<16xi32>
    %jit3A_16 = arith.constant 0 : i32
    %broadcast_in_dim3A_17 = vector.broadcast %jit3A_16 : i32 to vector<16xi32>
    %select_n3A_18 = arith.select %eq3A_15, %get3A_12, %broadcast_in_dim3A_17 : vector<16xi1>, vector<16xi32>
    %reduce_sum3A_19 = arith.constant true
    %reduce_sum3A_20 = vector.broadcast %reduce_sum3A_19 : i1 to vector<16xi1>
    %reduce_sum3A_21 = tpu.scan <sum>, %select_n3A_18 masked %reduce_sum3A_20 : vector<16xi32>, vector<16xi1> -> vector<16xi32>
    %reduce_sum3A_22 = vector.extract %reduce_sum3A_21[15] : i32 from vector<16xi32>
    %add3A_23 = arith.constant 127 : i32
    %add3A_24 = arith.addi %reduce_sum3A_10, %add3A_23 : i32
    %shift_right_arithmetic3A = arith.constant 7 : i32
    %shift_right_arithmetic3A_25 = arith.shrsi %add3A_24, %shift_right_arithmetic3A : i32
    %add3A_26 = arith.constant 127 : i32
    %add3A_27 = arith.addi %reduce_sum3A_22, %add3A_26 : i32
    %shift_right_arithmetic3A_28 = arith.constant 7 : i32
    %shift_right_arithmetic3A_29 = arith.shrsi %add3A_27, %shift_right_arithmetic3A_28 : i32
    %mul3A_30 = arith.constant 5120 : i32
    %mul3A_31 = arith.muli %mul3A_30, %arg0 : i32
    %add3A_32 = arith.addi %mul3A_31, %mul3A_0 : i32
    "tpu.region"() ({
      %run_scoped3A = tpu.sem_alloc : memref<!tpu.dma_semaphore, #tpu.memory_space<semaphore_mem>>
      %dma_start3A = arith.constant 0 : i32
      %dma_start3A_66 = tpu.memref_slice %arg12[%mul3A_0, %dma_start3A] : memref<5248x128xf32, #tpu.memory_space<vmem_shared>> -> memref<328x128xf32, #tpu.memory_space<vmem_shared>>
      %dma_start3A_67 = arith.constant 0 : i32
      %dma_start3A_68 = tpu.memref_slice %arg2[%add3A_32, %dma_start3A_67] : memref<10496x128xf32, #tpu.memory_space<hbm>> -> memref<328x128xf32, #tpu.memory_space<hbm>>
      tpu.enqueue_dma source(%dma_start3A_68 : memref<328x128xf32, #tpu.memory_space<hbm>>) target(%dma_start3A_66 : memref<328x128xf32, #tpu.memory_space<vmem_shared>>) target_semaphore(%run_scoped3A : memref<!tpu.dma_semaphore, #tpu.memory_space<semaphore_mem>>)
      %dma_wait3A = arith.constant 0 : i32
      %dma_wait3A_69 = tpu.memref_slice %arg12[%mul3A_0, %dma_wait3A] : memref<5248x128xf32, #tpu.memory_space<vmem_shared>> -> memref<328x128xf32, #tpu.memory_space<vmem_shared>>
      %dma_wait3A_70 = arith.constant 0 : i32
      %dma_wait3A_71 = tpu.memref_slice %arg2[%add3A_32, %dma_wait3A_70] : memref<10496x128xf32, #tpu.memory_space<hbm>> -> memref<328x128xf32, #tpu.memory_space<hbm>>
      tpu.wait_dma2 semaphore(%run_scoped3A : memref<!tpu.dma_semaphore, #tpu.memory_space<semaphore_mem>>) src(%dma_wait3A_71 : memref<328x128xf32, #tpu.memory_space<hbm>>) dst(%dma_wait3A_69 : memref<328x128xf32, #tpu.memory_space<vmem_shared>>)
      tpu.yield
    }) : () -> ()
    %barrier3A = arith.constant 0 : index
    tpu.barrier barrier_id(%barrier3A)
    %add3A_33 = arith.addi %shift_right_arithmetic3A_25, %shift_right_arithmetic3A_29 : i32
    %gt3A = arith.constant 0 : i32
    %gt3A_34 = arith.cmpi sgt, %add3A_33, %gt3A : i32
    %convert_element_type3A = arith.extui %gt3A_34 : i1 to i32
    %cond3A = arith.constant 0 : i32
    %cond3A_35 = arith.cmpi ne, %convert_element_type3A, %cond3A : i32
    scf.if %cond3A_35 {
      %gt3A_66 = arith.constant 0 : i32
      %gt3A_67 = arith.cmpi sgt, %shift_right_arithmetic3A_25, %gt3A_66 : i32
      %sub3A_68 = arith.constant 0 : i32
      %sub3A_69 = arith.subi %sub3A_68, %shift_right_arithmetic3A_25 : i32
      %add3A_70 = arith.constant 80 : i32
      %add3A_71 = arith.addi %add3A_70, %sub3A_69 : i32
      %jit3A_72 = arith.constant 0 : i32
      %select_n3A_73 = arith.select %gt3A_67, %jit3A_72, %add3A_71 : i32
      %mul3A_74 = arith.constant 128 : i32
      %mul3A_75 = arith.muli %select_n3A_73, %mul3A_74 : i32
      %multiple_of3A = tpu.assume_multiple %mul3A_75, 128 : i32
      %dma_start3A = tpu.memref_slice %arg7[%multiple_of3A] : memref<20480xi32, #tpu.memory_space<vmem>> -> memref<128xi32, #tpu.memory_space<vmem>>
      %dma_start3A_76 = arith.constant 0 : i32
      %dma_start3A_77 = arith.constant 0 : i32
      %dma_start3A_78 = tpu.memref_slice %arg2[%dma_start3A_76, %dma_start3A_77] : memref<10496x128xf32, #tpu.memory_space<hbm>> -> memref<10496x128xf32, #tpu.memory_space<hbm>>
      tpu.enqueue_indirect_dma source(%dma_start3A_78 : memref<10496x128xf32, #tpu.memory_space<hbm>>) target(%arg9 : memref<128x128xf32, #tpu.memory_space<vmem>>) offsets(%dma_start3A : memref<128xi32, #tpu.memory_space<vmem>>) semaphore(%arg13 : memref<!tpu.dma_semaphore, #tpu.memory_space<semaphore_mem>>)
    } else {
    }
    %add3A_36 = arith.constant 1 : i32
    %add3A_37 = arith.addi %add3A_33, %add3A_36 : i32
    %jit3A_38 = arith.constant 2 : i32
    %div3A = arith.divsi %add3A_37, %jit3A_38 : i32
    %sign3A = arith.constant 0 : i32
    %sign3A_39 = arith.cmpi sgt, %add3A_37, %sign3A : i32
    %sign3A_40 = arith.extui %sign3A_39 : i1 to i32
    %sign3A_41 = arith.constant 0 : i32
    %sign3A_42 = arith.cmpi slt, %add3A_37, %sign3A_41 : i32
    %sign3A_43 = arith.extui %sign3A_42 : i1 to i32
    %sign3A_44 = arith.subi %sign3A_40, %sign3A_43 : i32
    %sign3A_45 = arith.constant 0 : i32
    %sign3A_46 = arith.cmpi sgt, %jit3A_38, %sign3A_45 : i32
    %sign3A_47 = arith.extui %sign3A_46 : i1 to i32
    %sign3A_48 = arith.constant 0 : i32
    %sign3A_49 = arith.cmpi slt, %jit3A_38, %sign3A_48 : i32
    %sign3A_50 = arith.extui %sign3A_49 : i1 to i32
    %sign3A_51 = arith.subi %sign3A_47, %sign3A_50 : i32
    %ne3A = arith.cmpi ne, %sign3A_44, %sign3A_51 : i32
    %rem3A = arith.remsi %add3A_37, %jit3A_38 : i32
    %ne3A_52 = arith.constant 0 : i32
    %ne3A_53 = arith.cmpi ne, %rem3A, %ne3A_52 : i32
    %and3A = arith.andi %ne3A, %ne3A_53 : i1
    %sub3A = arith.constant 1 : i32
    %sub3A_54 = arith.subi %div3A, %sub3A : i32
    %select_n3A_55 = arith.select %and3A, %sub3A_54, %div3A : i32
    %while3A = arith.constant 0 : i32
    %while3A_56 = arith.constant 0 : i32
    %while3A_57 = arith.subi %select_n3A_55, %while3A_56 : i32
    %while3A_58 = arith.addi %while3A_56, %while3A_57 : i32
    %while3A_59 = arith.constant 1 : i32
    %while3A_60 = arith.divsi %while3A_57, %while3A_59 : i32
    %while3A_61 = arith.muli %while3A_60, %while3A_59 : i32
    %while3A_62 = arith.addi %while3A_56, %while3A_61 : i32
    %while3A_63 = arith.constant 1 : i32
    scf.for %while3A_66 = %while3A_56 to %while3A_62 step %while3A_63  : i32 {
      %mul3A_67 = arith.constant 2 : i32
      %mul3A_68 = arith.muli %mul3A_67, %while3A_66 : i32
      %add3A_69 = arith.constant 1 : i32
      %add3A_70 = arith.addi %mul3A_68, %add3A_69 : i32
      %dma_wait3A = arith.constant 0 : i32
      %dma_wait3A_71 = tpu.memref_slice %arg7[%dma_wait3A] : memref<20480xi32, #tpu.memory_space<vmem>> -> memref<128xi32, #tpu.memory_space<vmem>>
      %dma_wait3A_72 = arith.constant 0 : i32
      %dma_wait3A_73 = arith.constant 0 : i32
      %dma_wait3A_74 = tpu.memref_slice %arg2[%dma_wait3A_72, %dma_wait3A_73] : memref<10496x128xf32, #tpu.memory_space<hbm>> -> memref<10496x128xf32, #tpu.memory_space<hbm>>
      tpu.wait_indirect_dma semaphore(%arg13 : memref<!tpu.dma_semaphore, #tpu.memory_space<semaphore_mem>>) src(%dma_wait3A_74 : memref<10496x128xf32, #tpu.memory_space<hbm>>) dst(%arg9 : memref<128x128xf32, #tpu.memory_space<vmem>>)
      %lt3A = arith.cmpi slt, %add3A_70, %add3A_33 : i32
      %convert_element_type3A_75 = arith.extui %lt3A : i1 to i32
      %cond3A_76 = arith.constant 0 : i32
      %cond3A_77 = arith.cmpi ne, %convert_element_type3A_75, %cond3A_76 : i32
      scf.if %cond3A_77 {
        %lt3A_87 = arith.cmpi slt, %add3A_70, %shift_right_arithmetic3A_25 : i32
        %sub3A_88 = arith.subi %add3A_70, %shift_right_arithmetic3A_25 : i32
        %add3A_89 = arith.constant 80 : i32
        %add3A_90 = arith.addi %add3A_89, %sub3A_88 : i32
        %select_n3A_91 = arith.select %lt3A_87, %add3A_70, %add3A_90 : i32
        %mul3A_92 = arith.constant 128 : i32
        %mul3A_93 = arith.muli %select_n3A_91, %mul3A_92 : i32
        %multiple_of3A = tpu.assume_multiple %mul3A_93, 128 : i32
        %dma_start3A = tpu.memref_slice %arg7[%multiple_of3A] : memref<20480xi32, #tpu.memory_space<vmem>> -> memref<128xi32, #tpu.memory_space<vmem>>
        %dma_start3A_94 = arith.constant 0 : i32
        %dma_start3A_95 = arith.constant 0 : i32
        %dma_start3A_96 = tpu.memref_slice %arg2[%dma_start3A_94, %dma_start3A_95] : memref<10496x128xf32, #tpu.memory_space<hbm>> -> memref<10496x128xf32, #tpu.memory_space<hbm>>
        tpu.enqueue_indirect_dma source(%dma_start3A_96 : memref<10496x128xf32, #tpu.memory_space<hbm>>) target(%arg10 : memref<128x128xf32, #tpu.memory_space<vmem>>) offsets(%dma_start3A : memref<128xi32, #tpu.memory_space<vmem>>) semaphore(%arg14 : memref<!tpu.dma_semaphore, #tpu.memory_space<semaphore_mem>>)
      } else {
      }
      %lt3A_78 = arith.cmpi slt, %mul3A_68, %shift_right_arithmetic3A_25 : i32
      %sub3A_79 = arith.subi %mul3A_68, %shift_right_arithmetic3A_25 : i32
      %add3A_80 = arith.constant 80 : i32
      %add3A_81 = arith.addi %add3A_80, %sub3A_79 : i32
      %select_n3A_82 = arith.select %lt3A_78, %mul3A_68, %add3A_81 : i32
      "tpu.region"() ({
        %run_scoped3A = tpu.sem_alloc : memref<!tpu.dma_semaphore, #tpu.memory_space<semaphore_mem>>
        %dma_start3A = arith.constant 0 : i32
        %dma_start3A_87 = tpu.memref_slice %arg8[%select_n3A_82, %dma_start3A] : memref<160x128xi32, #tpu.memory_space<vmem>> -> memref<1x128xi32, #tpu.memory_space<vmem>>
        %dma_start3A_88 = tpu.memref_squeeze %dma_start3A_87 : memref<1x128xi32, #tpu.memory_space<vmem>> -> memref<128xi32, #tpu.memory_space<vmem>>
        %dma_start3A_89 = arith.constant 0 : i32
        %dma_start3A_90 = arith.constant 0 : i32
        %dma_start3A_91 = tpu.memref_slice %arg12[%dma_start3A_89, %dma_start3A_90] : memref<5248x128xf32, #tpu.memory_space<vmem_shared>> -> memref<5248x128xf32, #tpu.memory_space<vmem_shared>>
        tpu.enqueue_indirect_dma source(%arg9 : memref<128x128xf32, #tpu.memory_space<vmem>>) target(%dma_start3A_91 : memref<5248x128xf32, #tpu.memory_space<vmem_shared>>) offsets(%dma_start3A_88 : memref<128xi32, #tpu.memory_space<vmem>>) semaphore(%run_scoped3A : memref<!tpu.dma_semaphore, #tpu.memory_space<semaphore_mem>>) {add = true}
        %dma_wait3A_92 = arith.constant 0 : i32
        %dma_wait3A_93 = tpu.memref_slice %arg8[%select_n3A_82, %dma_wait3A_92] : memref<160x128xi32, #tpu.memory_space<vmem>> -> memref<1x128xi32, #tpu.memory_space<vmem>>
        %dma_wait3A_94 = tpu.memref_squeeze %dma_wait3A_93 : memref<1x128xi32, #tpu.memory_space<vmem>> -> memref<128xi32, #tpu.memory_space<vmem>>
        %dma_wait3A_95 = arith.constant 0 : i32
        %dma_wait3A_96 = arith.constant 0 : i32
        %dma_wait3A_97 = tpu.memref_slice %arg12[%dma_wait3A_95, %dma_wait3A_96] : memref<5248x128xf32, #tpu.memory_space<vmem_shared>> -> memref<5248x128xf32, #tpu.memory_space<vmem_shared>>
        tpu.wait_indirect_dma semaphore(%run_scoped3A : memref<!tpu.dma_semaphore, #tpu.memory_space<semaphore_mem>>) src(%arg9 : memref<128x128xf32, #tpu.memory_space<vmem>>) dst(%dma_wait3A_97 : memref<5248x128xf32, #tpu.memory_space<vmem_shared>>)
        tpu.yield
      }) : () -> ()
      %lt3A_83 = arith.cmpi slt, %add3A_70, %add3A_33 : i32
      %convert_element_type3A_84 = arith.extui %lt3A_83 : i1 to i32
      %cond3A_85 = arith.constant 0 : i32
      %cond3A_86 = arith.cmpi ne, %convert_element_type3A_84, %cond3A_85 : i32
      scf.if %cond3A_86 {
        %dma_wait3A_87 = arith.constant 0 : i32
        %dma_wait3A_88 = tpu.memref_slice %arg7[%dma_wait3A_87] : memref<20480xi32, #tpu.memory_space<vmem>> -> memref<128xi32, #tpu.memory_space<vmem>>
        %dma_wait3A_89 = arith.constant 0 : i32
        %dma_wait3A_90 = arith.constant 0 : i32
        %dma_wait3A_91 = tpu.memref_slice %arg2[%dma_wait3A_89, %dma_wait3A_90] : memref<10496x128xf32, #tpu.memory_space<hbm>> -> memref<10496x128xf32, #tpu.memory_space<hbm>>
        tpu.wait_indirect_dma semaphore(%arg14 : memref<!tpu.dma_semaphore, #tpu.memory_space<semaphore_mem>>) src(%dma_wait3A_91 : memref<10496x128xf32, #tpu.memory_space<hbm>>) dst(%arg10 : memref<128x128xf32, #tpu.memory_space<vmem>>)
        %add3A_92 = arith.constant 2 : i32
        %add3A_93 = arith.addi %mul3A_68, %add3A_92 : i32
        %lt3A_94 = arith.cmpi slt, %add3A_93, %add3A_33 : i32
        %convert_element_type3A_95 = arith.extui %lt3A_94 : i1 to i32
        %cond3A_96 = arith.constant 0 : i32
        %cond3A_97 = arith.cmpi ne, %convert_element_type3A_95, %cond3A_96 : i32
        scf.if %cond3A_97 {
          %add3A_103 = arith.constant 2 : i32
          %add3A_104 = arith.addi %mul3A_68, %add3A_103 : i32
          %lt3A_105 = arith.cmpi slt, %add3A_104, %shift_right_arithmetic3A_25 : i32
          %sub3A_106 = arith.subi %add3A_104, %shift_right_arithmetic3A_25 : i32
          %add3A_107 = arith.constant 80 : i32
          %add3A_108 = arith.addi %add3A_107, %sub3A_106 : i32
          %select_n3A_109 = arith.select %lt3A_105, %add3A_104, %add3A_108 : i32
          %mul3A_110 = arith.constant 128 : i32
          %mul3A_111 = arith.muli %select_n3A_109, %mul3A_110 : i32
          %multiple_of3A = tpu.assume_multiple %mul3A_111, 128 : i32
          %dma_start3A = tpu.memref_slice %arg7[%multiple_of3A] : memref<20480xi32, #tpu.memory_space<vmem>> -> memref<128xi32, #tpu.memory_space<vmem>>
          %dma_start3A_112 = arith.constant 0 : i32
          %dma_start3A_113 = arith.constant 0 : i32
          %dma_start3A_114 = tpu.memref_slice %arg2[%dma_start3A_112, %dma_start3A_113] : memref<10496x128xf32, #tpu.memory_space<hbm>> -> memref<10496x128xf32, #tpu.memory_space<hbm>>
          tpu.enqueue_indirect_dma source(%dma_start3A_114 : memref<10496x128xf32, #tpu.memory_space<hbm>>) target(%arg9 : memref<128x128xf32, #tpu.memory_space<vmem>>) offsets(%dma_start3A : memref<128xi32, #tpu.memory_space<vmem>>) semaphore(%arg13 : memref<!tpu.dma_semaphore, #tpu.memory_space<semaphore_mem>>)
        } else {
        }
        %lt3A_98 = arith.cmpi slt, %add3A_70, %shift_right_arithmetic3A_25 : i32
        %sub3A_99 = arith.subi %add3A_70, %shift_right_arithmetic3A_25 : i32
        %add3A_100 = arith.constant 80 : i32
        %add3A_101 = arith.addi %add3A_100, %sub3A_99 : i32
        %select_n3A_102 = arith.select %lt3A_98, %add3A_70, %add3A_101 : i32
        "tpu.region"() ({
          %run_scoped3A = tpu.sem_alloc : memref<!tpu.dma_semaphore, #tpu.memory_space<semaphore_mem>>
          %dma_start3A = arith.constant 0 : i32
          %dma_start3A_103 = tpu.memref_slice %arg8[%select_n3A_102, %dma_start3A] : memref<160x128xi32, #tpu.memory_space<vmem>> -> memref<1x128xi32, #tpu.memory_space<vmem>>
          %dma_start3A_104 = tpu.memref_squeeze %dma_start3A_103 : memref<1x128xi32, #tpu.memory_space<vmem>> -> memref<128xi32, #tpu.memory_space<vmem>>
          %dma_start3A_105 = arith.constant 0 : i32
          %dma_start3A_106 = arith.constant 0 : i32
          %dma_start3A_107 = tpu.memref_slice %arg12[%dma_start3A_105, %dma_start3A_106] : memref<5248x128xf32, #tpu.memory_space<vmem_shared>> -> memref<5248x128xf32, #tpu.memory_space<vmem_shared>>
          tpu.enqueue_indirect_dma source(%arg10 : memref<128x128xf32, #tpu.memory_space<vmem>>) target(%dma_start3A_107 : memref<5248x128xf32, #tpu.memory_space<vmem_shared>>) offsets(%dma_start3A_104 : memref<128xi32, #tpu.memory_space<vmem>>) semaphore(%run_scoped3A : memref<!tpu.dma_semaphore, #tpu.memory_space<semaphore_mem>>) {add = true}
          %dma_wait3A_108 = arith.constant 0 : i32
          %dma_wait3A_109 = tpu.memref_slice %arg8[%select_n3A_102, %dma_wait3A_108] : memref<160x128xi32, #tpu.memory_space<vmem>> -> memref<1x128xi32, #tpu.memory_space<vmem>>
          %dma_wait3A_110 = tpu.memref_squeeze %dma_wait3A_109 : memref<1x128xi32, #tpu.memory_space<vmem>> -> memref<128xi32, #tpu.memory_space<vmem>>
          %dma_wait3A_111 = arith.constant 0 : i32
          %dma_wait3A_112 = arith.constant 0 : i32
          %dma_wait3A_113 = tpu.memref_slice %arg12[%dma_wait3A_111, %dma_wait3A_112] : memref<5248x128xf32, #tpu.memory_space<vmem_shared>> -> memref<5248x128xf32, #tpu.memory_space<vmem_shared>>
          tpu.wait_indirect_dma semaphore(%run_scoped3A : memref<!tpu.dma_semaphore, #tpu.memory_space<semaphore_mem>>) src(%arg10 : memref<128x128xf32, #tpu.memory_space<vmem>>) dst(%dma_wait3A_113 : memref<5248x128xf32, #tpu.memory_space<vmem_shared>>)
          tpu.yield
        }) : () -> ()
      } else {
      }
    }
    %while3A_64 = arith.constant 1 : i32
    scf.for %while3A_66 = %while3A_62 to %while3A_58 step %while3A_64  : i32 {
      %mul3A_67 = arith.constant 2 : i32
      %mul3A_68 = arith.muli %mul3A_67, %while3A_66 : i32
      %add3A_69 = arith.constant 1 : i32
      %add3A_70 = arith.addi %mul3A_68, %add3A_69 : i32
      %dma_wait3A = arith.constant 0 : i32
      %dma_wait3A_71 = tpu.memref_slice %arg7[%dma_wait3A] : memref<20480xi32, #tpu.memory_space<vmem>> -> memref<128xi32, #tpu.memory_space<vmem>>
      %dma_wait3A_72 = arith.constant 0 : i32
      %dma_wait3A_73 = arith.constant 0 : i32
      %dma_wait3A_74 = tpu.memref_slice %arg2[%dma_wait3A_72, %dma_wait3A_73] : memref<10496x128xf32, #tpu.memory_space<hbm>> -> memref<10496x128xf32, #tpu.memory_space<hbm>>
      tpu.wait_indirect_dma semaphore(%arg13 : memref<!tpu.dma_semaphore, #tpu.memory_space<semaphore_mem>>) src(%dma_wait3A_74 : memref<10496x128xf32, #tpu.memory_space<hbm>>) dst(%arg9 : memref<128x128xf32, #tpu.memory_space<vmem>>)
      %lt3A = arith.cmpi slt, %add3A_70, %add3A_33 : i32
      %convert_element_type3A_75 = arith.extui %lt3A : i1 to i32
      %cond3A_76 = arith.constant 0 : i32
      %cond3A_77 = arith.cmpi ne, %convert_element_type3A_75, %cond3A_76 : i32
      scf.if %cond3A_77 {
        %lt3A_87 = arith.cmpi slt, %add3A_70, %shift_right_arithmetic3A_25 : i32
        %sub3A_88 = arith.subi %add3A_70, %shift_right_arithmetic3A_25 : i32
        %add3A_89 = arith.constant 80 : i32
        %add3A_90 = arith.addi %add3A_89, %sub3A_88 : i32
        %select_n3A_91 = arith.select %lt3A_87, %add3A_70, %add3A_90 : i32
        %mul3A_92 = arith.constant 128 : i32
        %mul3A_93 = arith.muli %select_n3A_91, %mul3A_92 : i32
        %multiple_of3A = tpu.assume_multiple %mul3A_93, 128 : i32
        %dma_start3A = tpu.memref_slice %arg7[%multiple_of3A] : memref<20480xi32, #tpu.memory_space<vmem>> -> memref<128xi32, #tpu.memory_space<vmem>>
        %dma_start3A_94 = arith.constant 0 : i32
        %dma_start3A_95 = arith.constant 0 : i32
        %dma_start3A_96 = tpu.memref_slice %arg2[%dma_start3A_94, %dma_start3A_95] : memref<10496x128xf32, #tpu.memory_space<hbm>> -> memref<10496x128xf32, #tpu.memory_space<hbm>>
        tpu.enqueue_indirect_dma source(%dma_start3A_96 : memref<10496x128xf32, #tpu.memory_space<hbm>>) target(%arg10 : memref<128x128xf32, #tpu.memory_space<vmem>>) offsets(%dma_start3A : memref<128xi32, #tpu.memory_space<vmem>>) semaphore(%arg14 : memref<!tpu.dma_semaphore, #tpu.memory_space<semaphore_mem>>)
      } else {
      }
      %lt3A_78 = arith.cmpi slt, %mul3A_68, %shift_right_arithmetic3A_25 : i32
      %sub3A_79 = arith.subi %mul3A_68, %shift_right_arithmetic3A_25 : i32
      %add3A_80 = arith.constant 80 : i32
      %add3A_81 = arith.addi %add3A_80, %sub3A_79 : i32
      %select_n3A_82 = arith.select %lt3A_78, %mul3A_68, %add3A_81 : i32
      "tpu.region"() ({
        %run_scoped3A = tpu.sem_alloc : memref<!tpu.dma_semaphore, #tpu.memory_space<semaphore_mem>>
        %dma_start3A = arith.constant 0 : i32
        %dma_start3A_87 = tpu.memref_slice %arg8[%select_n3A_82, %dma_start3A] : memref<160x128xi32, #tpu.memory_space<vmem>> -> memref<1x128xi32, #tpu.memory_space<vmem>>
        %dma_start3A_88 = tpu.memref_squeeze %dma_start3A_87 : memref<1x128xi32, #tpu.memory_space<vmem>> -> memref<128xi32, #tpu.memory_space<vmem>>
        %dma_start3A_89 = arith.constant 0 : i32
        %dma_start3A_90 = arith.constant 0 : i32
        %dma_start3A_91 = tpu.memref_slice %arg12[%dma_start3A_89, %dma_start3A_90] : memref<5248x128xf32, #tpu.memory_space<vmem_shared>> -> memref<5248x128xf32, #tpu.memory_space<vmem_shared>>
        tpu.enqueue_indirect_dma source(%arg9 : memref<128x128xf32, #tpu.memory_space<vmem>>) target(%dma_start3A_91 : memref<5248x128xf32, #tpu.memory_space<vmem_shared>>) offsets(%dma_start3A_88 : memref<128xi32, #tpu.memory_space<vmem>>) semaphore(%run_scoped3A : memref<!tpu.dma_semaphore, #tpu.memory_space<semaphore_mem>>) {add = true}
        %dma_wait3A_92 = arith.constant 0 : i32
        %dma_wait3A_93 = tpu.memref_slice %arg8[%select_n3A_82, %dma_wait3A_92] : memref<160x128xi32, #tpu.memory_space<vmem>> -> memref<1x128xi32, #tpu.memory_space<vmem>>
        %dma_wait3A_94 = tpu.memref_squeeze %dma_wait3A_93 : memref<1x128xi32, #tpu.memory_space<vmem>> -> memref<128xi32, #tpu.memory_space<vmem>>
        %dma_wait3A_95 = arith.constant 0 : i32
        %dma_wait3A_96 = arith.constant 0 : i32
        %dma_wait3A_97 = tpu.memref_slice %arg12[%dma_wait3A_95, %dma_wait3A_96] : memref<5248x128xf32, #tpu.memory_space<vmem_shared>> -> memref<5248x128xf32, #tpu.memory_space<vmem_shared>>
        tpu.wait_indirect_dma semaphore(%run_scoped3A : memref<!tpu.dma_semaphore, #tpu.memory_space<semaphore_mem>>) src(%arg9 : memref<128x128xf32, #tpu.memory_space<vmem>>) dst(%dma_wait3A_97 : memref<5248x128xf32, #tpu.memory_space<vmem_shared>>)
        tpu.yield
      }) : () -> ()
      %lt3A_83 = arith.cmpi slt, %add3A_70, %add3A_33 : i32
      %convert_element_type3A_84 = arith.extui %lt3A_83 : i1 to i32
      %cond3A_85 = arith.constant 0 : i32
      %cond3A_86 = arith.cmpi ne, %convert_element_type3A_84, %cond3A_85 : i32
      scf.if %cond3A_86 {
        %dma_wait3A_87 = arith.constant 0 : i32
        %dma_wait3A_88 = tpu.memref_slice %arg7[%dma_wait3A_87] : memref<20480xi32, #tpu.memory_space<vmem>> -> memref<128xi32, #tpu.memory_space<vmem>>
        %dma_wait3A_89 = arith.constant 0 : i32
        %dma_wait3A_90 = arith.constant 0 : i32
        %dma_wait3A_91 = tpu.memref_slice %arg2[%dma_wait3A_89, %dma_wait3A_90] : memref<10496x128xf32, #tpu.memory_space<hbm>> -> memref<10496x128xf32, #tpu.memory_space<hbm>>
        tpu.wait_indirect_dma semaphore(%arg14 : memref<!tpu.dma_semaphore, #tpu.memory_space<semaphore_mem>>) src(%dma_wait3A_91 : memref<10496x128xf32, #tpu.memory_space<hbm>>) dst(%arg10 : memref<128x128xf32, #tpu.memory_space<vmem>>)
        %add3A_92 = arith.constant 2 : i32
        %add3A_93 = arith.addi %mul3A_68, %add3A_92 : i32
        %lt3A_94 = arith.cmpi slt, %add3A_93, %add3A_33 : i32
        %convert_element_type3A_95 = arith.extui %lt3A_94 : i1 to i32
        %cond3A_96 = arith.constant 0 : i32
        %cond3A_97 = arith.cmpi ne, %convert_element_type3A_95, %cond3A_96 : i32
        scf.if %cond3A_97 {
          %add3A_103 = arith.constant 2 : i32
          %add3A_104 = arith.addi %mul3A_68, %add3A_103 : i32
          %lt3A_105 = arith.cmpi slt, %add3A_104, %shift_right_arithmetic3A_25 : i32
          %sub3A_106 = arith.subi %add3A_104, %shift_right_arithmetic3A_25 : i32
          %add3A_107 = arith.constant 80 : i32
          %add3A_108 = arith.addi %add3A_107, %sub3A_106 : i32
          %select_n3A_109 = arith.select %lt3A_105, %add3A_104, %add3A_108 : i32
          %mul3A_110 = arith.constant 128 : i32
          %mul3A_111 = arith.muli %select_n3A_109, %mul3A_110 : i32
          %multiple_of3A = tpu.assume_multiple %mul3A_111, 128 : i32
          %dma_start3A = tpu.memref_slice %arg7[%multiple_of3A] : memref<20480xi32, #tpu.memory_space<vmem>> -> memref<128xi32, #tpu.memory_space<vmem>>
          %dma_start3A_112 = arith.constant 0 : i32
          %dma_start3A_113 = arith.constant 0 : i32
          %dma_start3A_114 = tpu.memref_slice %arg2[%dma_start3A_112, %dma_start3A_113] : memref<10496x128xf32, #tpu.memory_space<hbm>> -> memref<10496x128xf32, #tpu.memory_space<hbm>>
          tpu.enqueue_indirect_dma source(%dma_start3A_114 : memref<10496x128xf32, #tpu.memory_space<hbm>>) target(%arg9 : memref<128x128xf32, #tpu.memory_space<vmem>>) offsets(%dma_start3A : memref<128xi32, #tpu.memory_space<vmem>>) semaphore(%arg13 : memref<!tpu.dma_semaphore, #tpu.memory_space<semaphore_mem>>)
        } else {
        }
        %lt3A_98 = arith.cmpi slt, %add3A_70, %shift_right_arithmetic3A_25 : i32
        %sub3A_99 = arith.subi %add3A_70, %shift_right_arithmetic3A_25 : i32
        %add3A_100 = arith.constant 80 : i32
        %add3A_101 = arith.addi %add3A_100, %sub3A_99 : i32
        %select_n3A_102 = arith.select %lt3A_98, %add3A_70, %add3A_101 : i32
        "tpu.region"() ({
          %run_scoped3A = tpu.sem_alloc : memref<!tpu.dma_semaphore, #tpu.memory_space<semaphore_mem>>
          %dma_start3A = arith.constant 0 : i32
          %dma_start3A_103 = tpu.memref_slice %arg8[%select_n3A_102, %dma_start3A] : memref<160x128xi32, #tpu.memory_space<vmem>> -> memref<1x128xi32, #tpu.memory_space<vmem>>
          %dma_start3A_104 = tpu.memref_squeeze %dma_start3A_103 : memref<1x128xi32, #tpu.memory_space<vmem>> -> memref<128xi32, #tpu.memory_space<vmem>>
          %dma_start3A_105 = arith.constant 0 : i32
          %dma_start3A_106 = arith.constant 0 : i32
          %dma_start3A_107 = tpu.memref_slice %arg12[%dma_start3A_105, %dma_start3A_106] : memref<5248x128xf32, #tpu.memory_space<vmem_shared>> -> memref<5248x128xf32, #tpu.memory_space<vmem_shared>>
          tpu.enqueue_indirect_dma source(%arg10 : memref<128x128xf32, #tpu.memory_space<vmem>>) target(%dma_start3A_107 : memref<5248x128xf32, #tpu.memory_space<vmem_shared>>) offsets(%dma_start3A_104 : memref<128xi32, #tpu.memory_space<vmem>>) semaphore(%run_scoped3A : memref<!tpu.dma_semaphore, #tpu.memory_space<semaphore_mem>>) {add = true}
          %dma_wait3A_108 = arith.constant 0 : i32
          %dma_wait3A_109 = tpu.memref_slice %arg8[%select_n3A_102, %dma_wait3A_108] : memref<160x128xi32, #tpu.memory_space<vmem>> -> memref<1x128xi32, #tpu.memory_space<vmem>>
          %dma_wait3A_110 = tpu.memref_squeeze %dma_wait3A_109 : memref<1x128xi32, #tpu.memory_space<vmem>> -> memref<128xi32, #tpu.memory_space<vmem>>
          %dma_wait3A_111 = arith.constant 0 : i32
          %dma_wait3A_112 = arith.constant 0 : i32
          %dma_wait3A_113 = tpu.memref_slice %arg12[%dma_wait3A_111, %dma_wait3A_112] : memref<5248x128xf32, #tpu.memory_space<vmem_shared>> -> memref<5248x128xf32, #tpu.memory_space<vmem_shared>>
          tpu.wait_indirect_dma semaphore(%run_scoped3A : memref<!tpu.dma_semaphore, #tpu.memory_space<semaphore_mem>>) src(%arg10 : memref<128x128xf32, #tpu.memory_space<vmem>>) dst(%dma_wait3A_113 : memref<5248x128xf32, #tpu.memory_space<vmem_shared>>)
          tpu.yield
        }) : () -> ()
      } else {
      }
    }
    %barrier3A_65 = arith.constant 0 : index
    tpu.barrier barrier_id(%barrier3A_65)
    "tpu.region"() ({
      %run_scoped3A = tpu.sem_alloc : memref<!tpu.dma_semaphore, #tpu.memory_space<semaphore_mem>>
      %dma_start3A = arith.constant 0 : i32
      %dma_start3A_66 = arith.constant 0 : i32
      %dma_start3A_67 = tpu.memref_slice %arg6[%arg0, %dma_start3A, %dma_start3A_66] : memref<2x5248x128xf32, #tpu.memory_space<hbm>> -> memref<1x5248x128xf32, #tpu.memory_space<hbm>>
      %dma_start3A_68 = tpu.memref_squeeze %dma_start3A_67 : memref<1x5248x128xf32, #tpu.memory_space<hbm>> -> memref<5248x128xf32, #tpu.memory_space<hbm>>
      %dma_start3A_69 = arith.constant 0 : i32
      %dma_start3A_70 = tpu.memref_slice %dma_start3A_68[%mul3A_0, %dma_start3A_69] : memref<5248x128xf32, #tpu.memory_space<hbm>> -> memref<328x128xf32, #tpu.memory_space<hbm>>
      %dma_start3A_71 = arith.constant 0 : i32
      %dma_start3A_72 = tpu.memref_slice %arg12[%mul3A_0, %dma_start3A_71] : memref<5248x128xf32, #tpu.memory_space<vmem_shared>> -> memref<328x128xf32, #tpu.memory_space<vmem_shared>>
      tpu.enqueue_dma source(%dma_start3A_72 : memref<328x128xf32, #tpu.memory_space<vmem_shared>>) target(%dma_start3A_70 : memref<328x128xf32, #tpu.memory_space<hbm>>) target_semaphore(%run_scoped3A : memref<!tpu.dma_semaphore, #tpu.memory_space<semaphore_mem>>)
      %dma_wait3A = arith.constant 0 : i32
      %dma_wait3A_73 = arith.constant 0 : i32
      %dma_wait3A_74 = tpu.memref_slice %arg6[%arg0, %dma_wait3A, %dma_wait3A_73] : memref<2x5248x128xf32, #tpu.memory_space<hbm>> -> memref<1x5248x128xf32, #tpu.memory_space<hbm>>
      %dma_wait3A_75 = tpu.memref_squeeze %dma_wait3A_74 : memref<1x5248x128xf32, #tpu.memory_space<hbm>> -> memref<5248x128xf32, #tpu.memory_space<hbm>>
      %dma_wait3A_76 = arith.constant 0 : i32
      %dma_wait3A_77 = tpu.memref_slice %dma_wait3A_75[%mul3A_0, %dma_wait3A_76] : memref<5248x128xf32, #tpu.memory_space<hbm>> -> memref<328x128xf32, #tpu.memory_space<hbm>>
      %dma_wait3A_78 = arith.constant 0 : i32
      %dma_wait3A_79 = tpu.memref_slice %arg12[%mul3A_0, %dma_wait3A_78] : memref<5248x128xf32, #tpu.memory_space<vmem_shared>> -> memref<328x128xf32, #tpu.memory_space<vmem_shared>>
      tpu.wait_dma2 semaphore(%run_scoped3A : memref<!tpu.dma_semaphore, #tpu.memory_space<semaphore_mem>>) src(%dma_wait3A_79 : memref<328x128xf32, #tpu.memory_space<vmem_shared>>) dst(%dma_wait3A_77 : memref<328x128xf32, #tpu.memory_space<hbm>>)
      tpu.yield
    }) : () -> ()
    return
  }
}

#map = affine_map<(d0, d1) -> (0)>
#map1 = affine_map<(d0, d1) -> (0, 0, 0)>
#map2 = affine_map<(d0, d1) -> (0, 0, 0, 0)>
#map3 = affine_map<(d0, d1) -> (0, 0)>
module attributes {stable_mosaic.version = 14 : i64} {
  func.func @_bucket_body(%arg0: i32, %arg1: i32, %arg2: memref<320000xi32, #tpu.memory_space<hbm>>, %arg3: memref<320000xi32, #tpu.memory_space<hbm>>, %arg4: memref<32x2x10240xi32, #tpu.memory_space<hbm>>, %arg5: memref<32x2x10240xi32, #tpu.memory_space<hbm>>, %arg6: memref<32x2x80x128xi32, #tpu.memory_space<hbm>>, %arg7: memref<32x128xi32, #tpu.memory_space<hbm>>, %arg8: memref<32x10240xf32, #tpu.memory_space<hbm>>, %arg9: memref<10112xi32, #tpu.memory_space<vmem>>, %arg10: memref<10112xi32, #tpu.memory_space<vmem>>, %arg11: memref<10240xf32, #tpu.memory_space<vmem>>, %arg12: memref<10240xi32, #tpu.memory_space<vmem>>, %arg13: memref<10240xi32, #tpu.memory_space<vmem>>, %arg14: memref<10240xi32, #tpu.memory_space<vmem>>, %arg15: memref<10240xi32, #tpu.memory_space<vmem>>, %arg16: memref<80x128xi32, #tpu.memory_space<vmem>>, %arg17: memref<80x128xi32, #tpu.memory_space<vmem>>, %arg18: memref<128xi32, #tpu.memory_space<vmem>>) attributes {dimension_semantics = [#tpu.dimension_semantics<core_parallel>, #tpu.dimension_semantics<subcore_parallel>], iteration_bounds = array<i64: 2, 16>, scalar_prefetch = 0 : i64, scratch_operands = 10 : i64, tpu.core_type = #tpu.core_type<sc_vector_subcore>, window_params = [{transform_indices = #map}, {transform_indices = #map}, {transform_indices = #map1}, {transform_indices = #map1}, {transform_indices = #map2}, {transform_indices = #map3}, {transform_indices = #map3}]} {
    %mul3A = arith.constant 16 : i32
    %mul3A_0 = arith.muli %arg0, %mul3A : i32
    %add3A = arith.addi %mul3A_0, %arg1 : i32
    %broadcast_in_dim3A = arith.constant 0.000000e+00 : f32
    %broadcast_in_dim3A_1 = vector.broadcast %broadcast_in_dim3A : f32 to vector<16xf32>
    %broadcast_in_dim3A_2 = arith.constant 0 : i32
    %broadcast_in_dim3A_3 = vector.broadcast %broadcast_in_dim3A_2 : i32 to vector<16xi32>
    %broadcast_in_dim3A_4 = arith.constant 1.000000e+00 : f32
    %broadcast_in_dim3A_5 = vector.broadcast %broadcast_in_dim3A_4 : f32 to vector<16xf32>
    %broadcast_in_dim3A_6 = arith.constant 5200 : i32
    %broadcast_in_dim3A_7 = vector.broadcast %broadcast_in_dim3A_6 : i32 to vector<16xi32>
    %iota3A = tpu.iota {dimensions = array<i32: 0>} : vector<16xi32>
    %scan3A = arith.constant 0 : i32
    %scan3A_8 = arith.constant 0 : i32
    %scan3A_9 = arith.constant 640 : i32
    %scan3A_10 = arith.addi %scan3A_8, %scan3A_9 : i32
    %scan3A_11 = arith.constant 1 : i32
    scf.for %scan3A_75 = %scan3A_8 to %scan3A_10 step %scan3A_11  : i32 {
      %mul3A_76 = arith.constant 16 : i32
      %mul3A_77 = arith.muli %mul3A_76, %scan3A_75 : i32
      %multiple_of3A = tpu.assume_multiple %mul3A_77, 16 : i32
      %swap3A_78 = arith.index_cast %multiple_of3A : i32 to index
      %swap3A_79 = tpu.vector_load %arg11[%swap3A_78] {strides = array<i32>} : memref<10240xf32, #tpu.memory_space<vmem>>, vector<16xf32>,
      tpu.vector_store %arg11[%swap3A_78], %broadcast_in_dim3A_1 {strides = array<i32>} : memref<10240xf32, #tpu.memory_space<vmem>>, vector<16xf32>,
    }
    %scan3A_12 = arith.constant 640 : i32
    %scan3A_13 = arith.constant 0 : i32
    %scan3A_14 = arith.constant 0 : i32
    %scan3A_15 = arith.constant 640 : i32
    %scan3A_16 = arith.addi %scan3A_14, %scan3A_15 : i32
    %scan3A_17 = arith.constant 1 : i32
    scf.for %scan3A_75 = %scan3A_14 to %scan3A_16 step %scan3A_17  : i32 {
      %mul3A_76 = arith.constant 16 : i32
      %mul3A_77 = arith.muli %mul3A_76, %scan3A_75 : i32
      %multiple_of3A = tpu.assume_multiple %mul3A_77, 16 : i32
      %swap3A_78 = arith.index_cast %multiple_of3A : i32 to index
      %swap3A_79 = tpu.vector_load %arg12[%swap3A_78] {strides = array<i32>} : memref<10240xi32, #tpu.memory_space<vmem>>, vector<16xi32>,
      tpu.vector_store %arg12[%swap3A_78], %broadcast_in_dim3A_3 {strides = array<i32>} : memref<10240xi32, #tpu.memory_space<vmem>>, vector<16xi32>,
      %swap3A_80 = arith.index_cast %multiple_of3A : i32 to index
      %swap3A_81 = tpu.vector_load %arg13[%swap3A_80] {strides = array<i32>} : memref<10240xi32, #tpu.memory_space<vmem>>, vector<16xi32>,
      tpu.vector_store %arg13[%swap3A_80], %broadcast_in_dim3A_3 {strides = array<i32>} : memref<10240xi32, #tpu.memory_space<vmem>>, vector<16xi32>,
      %add3A_82 = arith.constant 10496 : i32
      %add3A_83 = vector.broadcast %add3A_82 : i32 to vector<16xi32>
      %add3A_84 = arith.addi %broadcast_in_dim3A_3, %add3A_83 : vector<16xi32>
      %swap3A_85 = arith.index_cast %multiple_of3A : i32 to index
      %swap3A_86 = tpu.vector_load %arg14[%swap3A_85] {strides = array<i32>} : memref<10240xi32, #tpu.memory_space<vmem>>, vector<16xi32>,
      tpu.vector_store %arg14[%swap3A_85], %add3A_84 {strides = array<i32>} : memref<10240xi32, #tpu.memory_space<vmem>>, vector<16xi32>,
      %add3A_87 = arith.constant 10496 : i32
      %add3A_88 = vector.broadcast %add3A_87 : i32 to vector<16xi32>
      %add3A_89 = arith.addi %broadcast_in_dim3A_3, %add3A_88 : vector<16xi32>
      %swap3A_90 = arith.index_cast %multiple_of3A : i32 to index
      %swap3A_91 = tpu.vector_load %arg15[%swap3A_90] {strides = array<i32>} : memref<10240xi32, #tpu.memory_space<vmem>>, vector<16xi32>,
      tpu.vector_store %arg15[%swap3A_90], %add3A_89 {strides = array<i32>} : memref<10240xi32, #tpu.memory_space<vmem>>, vector<16xi32>,
      %mul3A_92 = arith.constant 16 : i32
      %mul3A_93 = arith.muli %mul3A_92, %scan3A_75 : i32
      %add3A_94 = vector.broadcast %mul3A_93 : i32 to vector<16xi32>
      %add3A_95 = arith.addi %iota3A, %add3A_94 : vector<16xi32>
      %shift_right_arithmetic3A = arith.constant 7 : i32
      %shift_right_arithmetic3A_96 = vector.broadcast %shift_right_arithmetic3A : i32 to vector<16xi32>
      %shift_right_arithmetic3A_97 = arith.shrsi %add3A_95, %shift_right_arithmetic3A_96 : vector<16xi32>
      %and3A = arith.constant 127 : i32
      %and3A_98 = vector.broadcast %and3A : i32 to vector<16xi32>
      %and3A_99 = arith.andi %add3A_95, %and3A_98 : vector<16xi32>
      tpu.vector_store_idx %arg16[%shift_right_arithmetic3A_97, %and3A_99], %broadcast_in_dim3A_7 : memref<80x128xi32, #tpu.memory_space<vmem>>[vector<16xi32>, vector<16xi32>], vector<16xi32>,
      tpu.vector_store_idx %arg17[%shift_right_arithmetic3A_97, %and3A_99], %broadcast_in_dim3A_7 : memref<80x128xi32, #tpu.memory_space<vmem>>[vector<16xi32>, vector<16xi32>], vector<16xi32>,
    }
    %scan3A_18 = arith.constant 640 : i32
    %lt3A = arith.constant 31 : i32
    %lt3A_19 = arith.cmpi slt, %add3A, %lt3A : i32
    %convert_element_type3A = arith.extui %lt3A_19 : i1 to i32
    %cond3A = arith.constant 0 : i32
    %cond3A_20 = arith.cmpi ne, %convert_element_type3A, %cond3A : i32
    scf.if %cond3A_20 {
      %mul3A_75 = arith.constant 10112 : i32
      %mul3A_76 = arith.muli %mul3A_75, %add3A : i32
      "tpu.region"() ({
        %run_scoped3A_79 = tpu.sem_alloc : memref<!tpu.dma_semaphore, #tpu.memory_space<semaphore_mem>>
        %dma_start3A = tpu.memref_slice %arg2[%mul3A_76] : memref<320000xi32, #tpu.memory_space<hbm>> -> memref<10112xi32, #tpu.memory_space<hbm>>
        %dma_start3A_80 = tpu.memref_slice %arg2[%mul3A_76] : memref<320000xi32, #tpu.memory_space<hbm>> -> memref<10112xi32, #tpu.memory_space<hbm>>
        tpu.enqueue_dma source(%dma_start3A_80 : memref<10112xi32, #tpu.memory_space<hbm>>) target(%arg9 : memref<10112xi32, #tpu.memory_space<vmem>>) target_semaphore(%run_scoped3A_79 : memref<!tpu.dma_semaphore, #tpu.memory_space<semaphore_mem>>)
        %dma_wait3A = tpu.memref_slice %arg2[%mul3A_76] : memref<320000xi32, #tpu.memory_space<hbm>> -> memref<10112xi32, #tpu.memory_space<hbm>>
        %dma_wait3A_81 = tpu.memref_slice %arg2[%mul3A_76] : memref<320000xi32, #tpu.memory_space<hbm>> -> memref<10112xi32, #tpu.memory_space<hbm>>
        tpu.wait_dma2 semaphore(%run_scoped3A_79 : memref<!tpu.dma_semaphore, #tpu.memory_space<semaphore_mem>>) src(%dma_wait3A_81 : memref<10112xi32, #tpu.memory_space<hbm>>) dst(%arg9 : memref<10112xi32, #tpu.memory_space<vmem>>)
        tpu.yield
      }) : () -> ()
      %mul3A_77 = arith.constant 10112 : i32
      %mul3A_78 = arith.muli %mul3A_77, %add3A : i32
      "tpu.region"() ({
        %run_scoped3A_79 = tpu.sem_alloc : memref<!tpu.dma_semaphore, #tpu.memory_space<semaphore_mem>>
        %dma_start3A = tpu.memref_slice %arg3[%mul3A_78] : memref<320000xi32, #tpu.memory_space<hbm>> -> memref<10112xi32, #tpu.memory_space<hbm>>
        %dma_start3A_80 = tpu.memref_slice %arg3[%mul3A_78] : memref<320000xi32, #tpu.memory_space<hbm>> -> memref<10112xi32, #tpu.memory_space<hbm>>
        tpu.enqueue_dma source(%dma_start3A_80 : memref<10112xi32, #tpu.memory_space<hbm>>) target(%arg10 : memref<10112xi32, #tpu.memory_space<vmem>>) target_semaphore(%run_scoped3A_79 : memref<!tpu.dma_semaphore, #tpu.memory_space<semaphore_mem>>)
        %dma_wait3A = tpu.memref_slice %arg3[%mul3A_78] : memref<320000xi32, #tpu.memory_space<hbm>> -> memref<10112xi32, #tpu.memory_space<hbm>>
        %dma_wait3A_81 = tpu.memref_slice %arg3[%mul3A_78] : memref<320000xi32, #tpu.memory_space<hbm>> -> memref<10112xi32, #tpu.memory_space<hbm>>
        tpu.wait_dma2 semaphore(%run_scoped3A_79 : memref<!tpu.dma_semaphore, #tpu.memory_space<semaphore_mem>>) src(%dma_wait3A_81 : memref<10112xi32, #tpu.memory_space<hbm>>) dst(%arg10 : memref<10112xi32, #tpu.memory_space<vmem>>)
        tpu.yield
      }) : () -> ()
    } else {
    }
    %eq3A = arith.constant 31 : i32
    %eq3A_21 = arith.cmpi eq, %add3A, %eq3A : i32
    %convert_element_type3A_22 = arith.extui %eq3A_21 : i1 to i32
    %cond3A_23 = arith.constant 0 : i32
    %cond3A_24 = arith.cmpi ne, %convert_element_type3A_22, %cond3A_23 : i32
    scf.if %cond3A_24 {
      %mul3A_75 = arith.constant 10112 : i32
      %mul3A_76 = arith.muli %mul3A_75, %add3A : i32
      "tpu.region"() ({
        %run_scoped3A_79 = tpu.sem_alloc : memref<!tpu.dma_semaphore, #tpu.memory_space<semaphore_mem>>
        %dma_start3A = arith.constant 0 : i32
        %dma_start3A_80 = tpu.memref_slice %arg9[%dma_start3A] : memref<10112xi32, #tpu.memory_space<vmem>> -> memref<6528xi32, #tpu.memory_space<vmem>>
        %dma_start3A_81 = tpu.memref_slice %arg2[%mul3A_76] : memref<320000xi32, #tpu.memory_space<hbm>> -> memref<6528xi32, #tpu.memory_space<hbm>>
        %dma_start3A_82 = arith.constant 0 : i32
        %dma_start3A_83 = tpu.memref_slice %arg9[%dma_start3A_82] : memref<10112xi32, #tpu.memory_space<vmem>> -> memref<6528xi32, #tpu.memory_space<vmem>>
        %dma_start3A_84 = tpu.memref_slice %arg2[%mul3A_76] : memref<320000xi32, #tpu.memory_space<hbm>> -> memref<6528xi32, #tpu.memory_space<hbm>>
        tpu.enqueue_dma source(%dma_start3A_84 : memref<6528xi32, #tpu.memory_space<hbm>>) target(%dma_start3A_83 : memref<6528xi32, #tpu.memory_space<vmem>>) target_semaphore(%run_scoped3A_79 : memref<!tpu.dma_semaphore, #tpu.memory_space<semaphore_mem>>)
        %dma_wait3A = arith.constant 0 : i32
        %dma_wait3A_85 = tpu.memref_slice %arg9[%dma_wait3A] : memref<10112xi32, #tpu.memory_space<vmem>> -> memref<6528xi32, #tpu.memory_space<vmem>>
        %dma_wait3A_86 = tpu.memref_slice %arg2[%mul3A_76] : memref<320000xi32, #tpu.memory_space<hbm>> -> memref<6528xi32, #tpu.memory_space<hbm>>
        %dma_wait3A_87 = arith.constant 0 : i32
        %dma_wait3A_88 = tpu.memref_slice %arg9[%dma_wait3A_87] : memref<10112xi32, #tpu.memory_space<vmem>> -> memref<6528xi32, #tpu.memory_space<vmem>>
        %dma_wait3A_89 = tpu.memref_slice %arg2[%mul3A_76] : memref<320000xi32, #tpu.memory_space<hbm>> -> memref<6528xi32, #tpu.memory_space<hbm>>
        tpu.wait_dma2 semaphore(%run_scoped3A_79 : memref<!tpu.dma_semaphore, #tpu.memory_space<semaphore_mem>>) src(%dma_wait3A_89 : memref<6528xi32, #tpu.memory_space<hbm>>) dst(%dma_wait3A_88 : memref<6528xi32, #tpu.memory_space<vmem>>)
        tpu.yield
      }) : () -> ()
      %mul3A_77 = arith.constant 10112 : i32
      %mul3A_78 = arith.muli %mul3A_77, %add3A : i32
      "tpu.region"() ({
        %run_scoped3A_79 = tpu.sem_alloc : memref<!tpu.dma_semaphore, #tpu.memory_space<semaphore_mem>>
        %dma_start3A = arith.constant 0 : i32
        %dma_start3A_80 = tpu.memref_slice %arg10[%dma_start3A] : memref<10112xi32, #tpu.memory_space<vmem>> -> memref<6528xi32, #tpu.memory_space<vmem>>
        %dma_start3A_81 = tpu.memref_slice %arg3[%mul3A_78] : memref<320000xi32, #tpu.memory_space<hbm>> -> memref<6528xi32, #tpu.memory_space<hbm>>
        %dma_start3A_82 = arith.constant 0 : i32
        %dma_start3A_83 = tpu.memref_slice %arg10[%dma_start3A_82] : memref<10112xi32, #tpu.memory_space<vmem>> -> memref<6528xi32, #tpu.memory_space<vmem>>
        %dma_start3A_84 = tpu.memref_slice %arg3[%mul3A_78] : memref<320000xi32, #tpu.memory_space<hbm>> -> memref<6528xi32, #tpu.memory_space<hbm>>
        tpu.enqueue_dma source(%dma_start3A_84 : memref<6528xi32, #tpu.memory_space<hbm>>) target(%dma_start3A_83 : memref<6528xi32, #tpu.memory_space<vmem>>) target_semaphore(%run_scoped3A_79 : memref<!tpu.dma_semaphore, #tpu.memory_space<semaphore_mem>>)
        %dma_wait3A = arith.constant 0 : i32
        %dma_wait3A_85 = tpu.memref_slice %arg10[%dma_wait3A] : memref<10112xi32, #tpu.memory_space<vmem>> -> memref<6528xi32, #tpu.memory_space<vmem>>
        %dma_wait3A_86 = tpu.memref_slice %arg3[%mul3A_78] : memref<320000xi32, #tpu.memory_space<hbm>> -> memref<6528xi32, #tpu.memory_space<hbm>>
        %dma_wait3A_87 = arith.constant 0 : i32
        %dma_wait3A_88 = tpu.memref_slice %arg10[%dma_wait3A_87] : memref<10112xi32, #tpu.memory_space<vmem>> -> memref<6528xi32, #tpu.memory_space<vmem>>
        %dma_wait3A_89 = tpu.memref_slice %arg3[%mul3A_78] : memref<320000xi32, #tpu.memory_space<hbm>> -> memref<6528xi32, #tpu.memory_space<hbm>>
        tpu.wait_dma2 semaphore(%run_scoped3A_79 : memref<!tpu.dma_semaphore, #tpu.memory_space<semaphore_mem>>) src(%dma_wait3A_89 : memref<6528xi32, #tpu.memory_space<hbm>>) dst(%dma_wait3A_88 : memref<6528xi32, #tpu.memory_space<vmem>>)
        tpu.yield
      }) : () -> ()
    } else {
    }
    %eq3A_25 = arith.constant 31 : i32
    %eq3A_26 = arith.cmpi eq, %add3A, %eq3A_25 : i32
    %jit3A = arith.constant 408 : i32
    %jit3A_27 = arith.constant 632 : i32
    %select_n3A = arith.select %eq3A_26, %jit3A, %jit3A_27 : i32
    %while3A = arith.constant 0 : i32
    %while3A_28 = arith.constant 0 : i32
    %while3A_29 = arith.constant 0 : i32
    %while3A_30 = arith.subi %select_n3A, %while3A : i32
    %while3A_31 = arith.addi %while3A, %while3A_30 : i32
    %while3A_32 = arith.constant 1 : i32
    %while3A_33 = arith.divsi %while3A_30, %while3A_32 : i32
    %while3A_34 = arith.muli %while3A_33, %while3A_32 : i32
    %while3A_35 = arith.addi %while3A, %while3A_34 : i32
    %while3A_36 = arith.constant 1 : i32
    %while3A_37:2 = scf.for %while3A_75 = %while3A to %while3A_35 step %while3A_36 iter_args(%while3A_76 = %while3A_28, %while3A_77 = %while3A_29) -> (i32, i32)  : i32 {
      %mul3A_78 = arith.constant 16 : i32
      %mul3A_79 = arith.muli %mul3A_78, %while3A_75 : i32
      %multiple_of3A = tpu.assume_multiple %mul3A_79, 16 : i32
      %get3A = arith.index_cast %multiple_of3A : i32 to index
      %get3A_80 = tpu.vector_load %arg9[%get3A] {strides = array<i32>} : memref<10112xi32, #tpu.memory_space<vmem>>, vector<16xi32>,
      %get3A_81 = arith.index_cast %multiple_of3A : i32 to index
      %get3A_82 = tpu.vector_load %arg10[%get3A_81] {strides = array<i32>} : memref<10112xi32, #tpu.memory_space<vmem>>, vector<16xi32>,
      tpu.vector_store_idx %arg11[%get3A_82], %broadcast_in_dim3A_5 {add = true} : memref<10240xf32, #tpu.memory_space<vmem>>[vector<16xi32>], vector<16xf32>,
      %lt3A_83 = arith.constant 5120 : i32
      %lt3A_84 = vector.broadcast %lt3A_83 : i32 to vector<16xi32>
      %lt3A_85 = arith.cmpi slt, %get3A_82, %lt3A_84 : vector<16xi32>
      %not3A = arith.constant dense<true> : vector<16xi1>
      %not3A_86 = arith.xori %lt3A_85, %not3A : vector<16xi1>
      %convert_element_type3A_87 = arith.extui %lt3A_85 : vector<16xi1> to vector<16xi32>
      %broadcast_in_dim3A_88 = arith.constant true
      %broadcast_in_dim3A_89 = vector.broadcast %broadcast_in_dim3A_88 : i1 to vector<16xi1>
      %masked_cumsum3A = tpu.scan <sum>, %convert_element_type3A_87 masked %broadcast_in_dim3A_89 : vector<16xi32>, vector<16xi1> -> vector<16xi32>
      %convert_element_type3A_90 = arith.extui %not3A_86 : vector<16xi1> to vector<16xi32>
      %broadcast_in_dim3A_91 = arith.constant true
      %broadcast_in_dim3A_92 = vector.broadcast %broadcast_in_dim3A_91 : i1 to vector<16xi1>
      %masked_cumsum3A_93 = tpu.scan <sum>, %convert_element_type3A_90 masked %broadcast_in_dim3A_92 : vector<16xi32>, vector<16xi1> -> vector<16xi32>
      %add3A_94 = vector.broadcast %while3A_76 : i32 to vector<16xi32>
      %add3A_95 = arith.addi %add3A_94, %masked_cumsum3A : vector<16xi32>
      %sub3A = arith.constant 1 : i32
      %sub3A_96 = vector.broadcast %sub3A : i32 to vector<16xi32>
      %sub3A_97 = arith.subi %add3A_95, %sub3A_96 : vector<16xi32>
      %add3A_98 = vector.broadcast %while3A_77 : i32 to vector<16xi32>
      %add3A_99 = arith.addi %add3A_98, %masked_cumsum3A_93 : vector<16xi32>
      %sub3A_100 = arith.constant 1 : i32
      %sub3A_101 = vector.broadcast %sub3A_100 : i32 to vector<16xi32>
      %sub3A_102 = arith.subi %add3A_99, %sub3A_101 : vector<16xi32>
      tpu.vector_store_idx %arg12[%sub3A_97], %get3A_80 masked %lt3A_85 : memref<10240xi32, #tpu.memory_space<vmem>>[vector<16xi32>], vector<16xi32>, vector<16xi1>
      tpu.vector_store_idx %arg13[%sub3A_102], %get3A_80 masked %not3A_86 : memref<10240xi32, #tpu.memory_space<vmem>>[vector<16xi32>], vector<16xi32>, vector<16xi1>
      %add3A_103 = arith.constant 10496 : i32
      %add3A_104 = vector.broadcast %add3A_103 : i32 to vector<16xi32>
      %add3A_105 = arith.addi %get3A_80, %add3A_104 : vector<16xi32>
      tpu.vector_store_idx %arg14[%sub3A_97], %add3A_105 masked %lt3A_85 : memref<10240xi32, #tpu.memory_space<vmem>>[vector<16xi32>], vector<16xi32>, vector<16xi1>
      %add3A_106 = arith.constant 10496 : i32
      %add3A_107 = vector.broadcast %add3A_106 : i32 to vector<16xi32>
      %add3A_108 = arith.addi %get3A_80, %add3A_107 : vector<16xi32>
      tpu.vector_store_idx %arg15[%sub3A_102], %add3A_108 masked %not3A_86 : memref<10240xi32, #tpu.memory_space<vmem>>[vector<16xi32>], vector<16xi32>, vector<16xi1>
      %shift_right_arithmetic3A = arith.constant 7 : i32
      %shift_right_arithmetic3A_109 = vector.broadcast %shift_right_arithmetic3A : i32 to vector<16xi32>
      %shift_right_arithmetic3A_110 = arith.shrsi %sub3A_97, %shift_right_arithmetic3A_109 : vector<16xi32>
      %and3A = arith.constant 127 : i32
      %and3A_111 = vector.broadcast %and3A : i32 to vector<16xi32>
      %and3A_112 = arith.andi %sub3A_97, %and3A_111 : vector<16xi32>
      tpu.vector_store_idx %arg16[%shift_right_arithmetic3A_110, %and3A_112], %get3A_82 masked %lt3A_85 : memref<80x128xi32, #tpu.memory_space<vmem>>[vector<16xi32>, vector<16xi32>], vector<16xi32>, vector<16xi1>
      %shift_right_arithmetic3A_113 = arith.constant 7 : i32
      %shift_right_arithmetic3A_114 = vector.broadcast %shift_right_arithmetic3A_113 : i32 to vector<16xi32>
      %shift_right_arithmetic3A_115 = arith.shrsi %sub3A_102, %shift_right_arithmetic3A_114 : vector<16xi32>
      %and3A_116 = arith.constant 127 : i32
      %and3A_117 = vector.broadcast %and3A_116 : i32 to vector<16xi32>
      %and3A_118 = arith.andi %sub3A_102, %and3A_117 : vector<16xi32>
      %sub3A_119 = arith.constant 5120 : i32
      %sub3A_120 = vector.broadcast %sub3A_119 : i32 to vector<16xi32>
      %sub3A_121 = arith.subi %get3A_82, %sub3A_120 : vector<16xi32>
      tpu.vector_store_idx %arg17[%shift_right_arithmetic3A_115, %and3A_118], %sub3A_121 masked %not3A_86 : memref<80x128xi32, #tpu.memory_space<vmem>>[vector<16xi32>, vector<16xi32>], vector<16xi32>, vector<16xi1>
      %reduce_max3A = arith.constant true
      %reduce_max3A_122 = vector.broadcast %reduce_max3A : i1 to vector<16xi1>
      %reduce_max3A_123 = arith.constant -2147483648 : i32
      %reduce_max3A_124 = vector.broadcast %reduce_max3A_123 : i32 to vector<16xi32>
      %reduce_max3A_125 = arith.xori %masked_cumsum3A, %reduce_max3A_124 : vector<16xi32>
      %reduce_max3A_126 = tpu.scan <max>, %reduce_max3A_125 masked %reduce_max3A_122 : vector<16xi32>, vector<16xi1> -> vector<16xi32>
      %reduce_max3A_127 = arith.xori %reduce_max3A_126, %reduce_max3A_124 : vector<16xi32>
      %reduce_max3A_128 = vector.extract %reduce_max3A_127[15] : i32 from vector<16xi32>
      %add3A_129 = arith.addi %while3A_76, %reduce_max3A_128 : i32
      %reduce_max3A_130 = arith.constant true
      %reduce_max3A_131 = vector.broadcast %reduce_max3A_130 : i1 to vector<16xi1>
      %reduce_max3A_132 = arith.constant -2147483648 : i32
      %reduce_max3A_133 = vector.broadcast %reduce_max3A_132 : i32 to vector<16xi32>
      %reduce_max3A_134 = arith.xori %masked_cumsum3A_93, %reduce_max3A_133 : vector<16xi32>
      %reduce_max3A_135 = tpu.scan <max>, %reduce_max3A_134 masked %reduce_max3A_131 : vector<16xi32>, vector<16xi1> -> vector<16xi32>
      %reduce_max3A_136 = arith.xori %reduce_max3A_135, %reduce_max3A_133 : vector<16xi32>
      %reduce_max3A_137 = vector.extract %reduce_max3A_136[15] : i32 from vector<16xi32>
      %add3A_138 = arith.addi %while3A_77, %reduce_max3A_137 : i32
      scf.yield %add3A_129, %add3A_138 : i32, i32
    }
    %while3A_38 = arith.constant 1 : i32
    %while3A_39:2 = scf.for %while3A_75 = %while3A_35 to %while3A_31 step %while3A_38 iter_args(%while3A_76 = %while3A_37#0, %while3A_77 = %while3A_37#1) -> (i32, i32)  : i32 {
      %mul3A_78 = arith.constant 16 : i32
      %mul3A_79 = arith.muli %mul3A_78, %while3A_75 : i32
      %multiple_of3A = tpu.assume_multiple %mul3A_79, 16 : i32
      %get3A = arith.index_cast %multiple_of3A : i32 to index
      %get3A_80 = tpu.vector_load %arg9[%get3A] {strides = array<i32>} : memref<10112xi32, #tpu.memory_space<vmem>>, vector<16xi32>,
      %get3A_81 = arith.index_cast %multiple_of3A : i32 to index
      %get3A_82 = tpu.vector_load %arg10[%get3A_81] {strides = array<i32>} : memref<10112xi32, #tpu.memory_space<vmem>>, vector<16xi32>,
      tpu.vector_store_idx %arg11[%get3A_82], %broadcast_in_dim3A_5 {add = true} : memref<10240xf32, #tpu.memory_space<vmem>>[vector<16xi32>], vector<16xf32>,
      %lt3A_83 = arith.constant 5120 : i32
      %lt3A_84 = vector.broadcast %lt3A_83 : i32 to vector<16xi32>
      %lt3A_85 = arith.cmpi slt, %get3A_82, %lt3A_84 : vector<16xi32>
      %not3A = arith.constant dense<true> : vector<16xi1>
      %not3A_86 = arith.xori %lt3A_85, %not3A : vector<16xi1>
      %convert_element_type3A_87 = arith.extui %lt3A_85 : vector<16xi1> to vector<16xi32>
      %broadcast_in_dim3A_88 = arith.constant true
      %broadcast_in_dim3A_89 = vector.broadcast %broadcast_in_dim3A_88 : i1 to vector<16xi1>
      %masked_cumsum3A = tpu.scan <sum>, %convert_element_type3A_87 masked %broadcast_in_dim3A_89 : vector<16xi32>, vector<16xi1> -> vector<16xi32>
      %convert_element_type3A_90 = arith.extui %not3A_86 : vector<16xi1> to vector<16xi32>
      %broadcast_in_dim3A_91 = arith.constant true
      %broadcast_in_dim3A_92 = vector.broadcast %broadcast_in_dim3A_91 : i1 to vector<16xi1>
      %masked_cumsum3A_93 = tpu.scan <sum>, %convert_element_type3A_90 masked %broadcast_in_dim3A_92 : vector<16xi32>, vector<16xi1> -> vector<16xi32>
      %add3A_94 = vector.broadcast %while3A_76 : i32 to vector<16xi32>
      %add3A_95 = arith.addi %add3A_94, %masked_cumsum3A : vector<16xi32>
      %sub3A = arith.constant 1 : i32
      %sub3A_96 = vector.broadcast %sub3A : i32 to vector<16xi32>
      %sub3A_97 = arith.subi %add3A_95, %sub3A_96 : vector<16xi32>
      %add3A_98 = vector.broadcast %while3A_77 : i32 to vector<16xi32>
      %add3A_99 = arith.addi %add3A_98, %masked_cumsum3A_93 : vector<16xi32>
      %sub3A_100 = arith.constant 1 : i32
      %sub3A_101 = vector.broadcast %sub3A_100 : i32 to vector<16xi32>
      %sub3A_102 = arith.subi %add3A_99, %sub3A_101 : vector<16xi32>
      tpu.vector_store_idx %arg12[%sub3A_97], %get3A_80 masked %lt3A_85 : memref<10240xi32, #tpu.memory_space<vmem>>[vector<16xi32>], vector<16xi32>, vector<16xi1>
      tpu.vector_store_idx %arg13[%sub3A_102], %get3A_80 masked %not3A_86 : memref<10240xi32, #tpu.memory_space<vmem>>[vector<16xi32>], vector<16xi32>, vector<16xi1>
      %add3A_103 = arith.constant 10496 : i32
      %add3A_104 = vector.broadcast %add3A_103 : i32 to vector<16xi32>
      %add3A_105 = arith.addi %get3A_80, %add3A_104 : vector<16xi32>
      tpu.vector_store_idx %arg14[%sub3A_97], %add3A_105 masked %lt3A_85 : memref<10240xi32, #tpu.memory_space<vmem>>[vector<16xi32>], vector<16xi32>, vector<16xi1>
      %add3A_106 = arith.constant 10496 : i32
      %add3A_107 = vector.broadcast %add3A_106 : i32 to vector<16xi32>
      %add3A_108 = arith.addi %get3A_80, %add3A_107 : vector<16xi32>
      tpu.vector_store_idx %arg15[%sub3A_102], %add3A_108 masked %not3A_86 : memref<10240xi32, #tpu.memory_space<vmem>>[vector<16xi32>], vector<16xi32>, vector<16xi1>
      %shift_right_arithmetic3A = arith.constant 7 : i32
      %shift_right_arithmetic3A_109 = vector.broadcast %shift_right_arithmetic3A : i32 to vector<16xi32>
      %shift_right_arithmetic3A_110 = arith.shrsi %sub3A_97, %shift_right_arithmetic3A_109 : vector<16xi32>
      %and3A = arith.constant 127 : i32
      %and3A_111 = vector.broadcast %and3A : i32 to vector<16xi32>
      %and3A_112 = arith.andi %sub3A_97, %and3A_111 : vector<16xi32>
      tpu.vector_store_idx %arg16[%shift_right_arithmetic3A_110, %and3A_112], %get3A_82 masked %lt3A_85 : memref<80x128xi32, #tpu.memory_space<vmem>>[vector<16xi32>, vector<16xi32>], vector<16xi32>, vector<16xi1>
      %shift_right_arithmetic3A_113 = arith.constant 7 : i32
      %shift_right_arithmetic3A_114 = vector.broadcast %shift_right_arithmetic3A_113 : i32 to vector<16xi32>
      %shift_right_arithmetic3A_115 = arith.shrsi %sub3A_102, %shift_right_arithmetic3A_114 : vector<16xi32>
      %and3A_116 = arith.constant 127 : i32
      %and3A_117 = vector.broadcast %and3A_116 : i32 to vector<16xi32>
      %and3A_118 = arith.andi %sub3A_102, %and3A_117 : vector<16xi32>
      %sub3A_119 = arith.constant 5120 : i32
      %sub3A_120 = vector.broadcast %sub3A_119 : i32 to vector<16xi32>
      %sub3A_121 = arith.subi %get3A_82, %sub3A_120 : vector<16xi32>
      tpu.vector_store_idx %arg17[%shift_right_arithmetic3A_115, %and3A_118], %sub3A_121 masked %not3A_86 : memref<80x128xi32, #tpu.memory_space<vmem>>[vector<16xi32>, vector<16xi32>], vector<16xi32>, vector<16xi1>
      %reduce_max3A = arith.constant true
      %reduce_max3A_122 = vector.broadcast %reduce_max3A : i1 to vector<16xi1>
      %reduce_max3A_123 = arith.constant -2147483648 : i32
      %reduce_max3A_124 = vector.broadcast %reduce_max3A_123 : i32 to vector<16xi32>
      %reduce_max3A_125 = arith.xori %masked_cumsum3A, %reduce_max3A_124 : vector<16xi32>
      %reduce_max3A_126 = tpu.scan <max>, %reduce_max3A_125 masked %reduce_max3A_122 : vector<16xi32>, vector<16xi1> -> vector<16xi32>
      %reduce_max3A_127 = arith.xori %reduce_max3A_126, %reduce_max3A_124 : vector<16xi32>
      %reduce_max3A_128 = vector.extract %reduce_max3A_127[15] : i32 from vector<16xi32>
      %add3A_129 = arith.addi %while3A_76, %reduce_max3A_128 : i32
      %reduce_max3A_130 = arith.constant true
      %reduce_max3A_131 = vector.broadcast %reduce_max3A_130 : i1 to vector<16xi1>
      %reduce_max3A_132 = arith.constant -2147483648 : i32
      %reduce_max3A_133 = vector.broadcast %reduce_max3A_132 : i32 to vector<16xi32>
      %reduce_max3A_134 = arith.xori %masked_cumsum3A_93, %reduce_max3A_133 : vector<16xi32>
      %reduce_max3A_135 = tpu.scan <max>, %reduce_max3A_134 masked %reduce_max3A_131 : vector<16xi32>, vector<16xi1> -> vector<16xi32>
      %reduce_max3A_136 = arith.xori %reduce_max3A_135, %reduce_max3A_133 : vector<16xi32>
      %reduce_max3A_137 = vector.extract %reduce_max3A_136[15] : i32 from vector<16xi32>
      %add3A_138 = arith.addi %while3A_77, %reduce_max3A_137 : i32
      scf.yield %add3A_129, %add3A_138 : i32, i32
    }
    %swap3A = arith.constant 0 : index
    %swap3A_40 = tpu.vector_load %arg18[%swap3A] {strides = array<i32>} : memref<128xi32, #tpu.memory_space<vmem>>, vector<16xi32>,
    tpu.vector_store %arg18[%swap3A], %broadcast_in_dim3A_3 {strides = array<i32>} : memref<128xi32, #tpu.memory_space<vmem>>, vector<16xi32>,
    %swap3A_41 = arith.constant 16 : index
    %swap3A_42 = tpu.vector_load %arg18[%swap3A_41] {strides = array<i32>} : memref<128xi32, #tpu.memory_space<vmem>>, vector<16xi32>,
    tpu.vector_store %arg18[%swap3A_41], %broadcast_in_dim3A_3 {strides = array<i32>} : memref<128xi32, #tpu.memory_space<vmem>>, vector<16xi32>,
    %swap3A_43 = arith.constant 32 : index
    %swap3A_44 = tpu.vector_load %arg18[%swap3A_43] {strides = array<i32>} : memref<128xi32, #tpu.memory_space<vmem>>, vector<16xi32>,
    tpu.vector_store %arg18[%swap3A_43], %broadcast_in_dim3A_3 {strides = array<i32>} : memref<128xi32, #tpu.memory_space<vmem>>, vector<16xi32>,
    %swap3A_45 = arith.constant 48 : index
    %swap3A_46 = tpu.vector_load %arg18[%swap3A_45] {strides = array<i32>} : memref<128xi32, #tpu.memory_space<vmem>>, vector<16xi32>,
    tpu.vector_store %arg18[%swap3A_45], %broadcast_in_dim3A_3 {strides = array<i32>} : memref<128xi32, #tpu.memory_space<vmem>>, vector<16xi32>,
    %swap3A_47 = arith.constant 64 : index
    %swap3A_48 = tpu.vector_load %arg18[%swap3A_47] {strides = array<i32>} : memref<128xi32, #tpu.memory_space<vmem>>, vector<16xi32>,
    tpu.vector_store %arg18[%swap3A_47], %broadcast_in_dim3A_3 {strides = array<i32>} : memref<128xi32, #tpu.memory_space<vmem>>, vector<16xi32>,
    %swap3A_49 = arith.constant 80 : index
    %swap3A_50 = tpu.vector_load %arg18[%swap3A_49] {strides = array<i32>} : memref<128xi32, #tpu.memory_space<vmem>>, vector<16xi32>,
    tpu.vector_store %arg18[%swap3A_49], %broadcast_in_dim3A_3 {strides = array<i32>} : memref<128xi32, #tpu.memory_space<vmem>>, vector<16xi32>,
    %swap3A_51 = arith.constant 96 : index
    %swap3A_52 = tpu.vector_load %arg18[%swap3A_51] {strides = array<i32>} : memref<128xi32, #tpu.memory_space<vmem>>, vector<16xi32>,
    tpu.vector_store %arg18[%swap3A_51], %broadcast_in_dim3A_3 {strides = array<i32>} : memref<128xi32, #tpu.memory_space<vmem>>, vector<16xi32>,
    %swap3A_53 = arith.constant 112 : index
    %swap3A_54 = tpu.vector_load %arg18[%swap3A_53] {strides = array<i32>} : memref<128xi32, #tpu.memory_space<vmem>>, vector<16xi32>,
    tpu.vector_store %arg18[%swap3A_53], %broadcast_in_dim3A_3 {strides = array<i32>} : memref<128xi32, #tpu.memory_space<vmem>>, vector<16xi32>,
    %eq3A_55 = arith.constant 0 : i32
    %eq3A_56 = vector.broadcast %eq3A_55 : i32 to vector<16xi32>
    %eq3A_57 = arith.cmpi eq, %iota3A, %eq3A_56 : vector<16xi32>
    %convert_element_type3A_58 = arith.extui %eq3A_57 : vector<16xi1> to vector<16xi32>
    %mul3A_59 = vector.broadcast %while3A_39#0 : i32 to vector<16xi32>
    %mul3A_60 = arith.muli %mul3A_59, %convert_element_type3A_58 : vector<16xi32>
    %eq3A_61 = arith.constant 1 : i32
    %eq3A_62 = vector.broadcast %eq3A_61 : i32 to vector<16xi32>
    %eq3A_63 = arith.cmpi eq, %iota3A, %eq3A_62 : vector<16xi32>
    %convert_element_type3A_64 = arith.extui %eq3A_63 : vector<16xi1> to vector<16xi32>
    %mul3A_65 = vector.broadcast %while3A_39#1 : i32 to vector<16xi32>
    %mul3A_66 = arith.muli %mul3A_65, %convert_element_type3A_64 : vector<16xi32>
    %add3A_67 = arith.addi %mul3A_60, %mul3A_66 : vector<16xi32>
    %swap3A_68 = arith.constant 0 : index
    %swap3A_69 = tpu.vector_load %arg18[%swap3A_68] {strides = array<i32>} : memref<128xi32, #tpu.memory_space<vmem>>, vector<16xi32>,
    tpu.vector_store %arg18[%swap3A_68], %add3A_67 {strides = array<i32>} : memref<128xi32, #tpu.memory_space<vmem>>, vector<16xi32>,
    "tpu.region"() ({
      %run_scoped3A_75 = tpu.sem_alloc : memref<!tpu.dma_semaphore, #tpu.memory_space<semaphore_mem>>
      %dma_start3A = arith.constant 0 : i32
      %dma_start3A_76 = tpu.memref_slice %arg8[%add3A, %dma_start3A] : memref<32x10240xf32, #tpu.memory_space<hbm>> -> memref<1x10240xf32, #tpu.memory_space<hbm>>
      %dma_start3A_77 = tpu.memref_squeeze %dma_start3A_76 : memref<1x10240xf32, #tpu.memory_space<hbm>> -> memref<10240xf32, #tpu.memory_space<hbm>>
      %dma_start3A_78 = arith.constant 0 : i32
      %dma_start3A_79 = tpu.memref_slice %arg8[%add3A, %dma_start3A_78] : memref<32x10240xf32, #tpu.memory_space<hbm>> -> memref<1x10240xf32, #tpu.memory_space<hbm>>
      %dma_start3A_80 = tpu.memref_squeeze %dma_start3A_79 : memref<1x10240xf32, #tpu.memory_space<hbm>> -> memref<10240xf32, #tpu.memory_space<hbm>>
      tpu.enqueue_dma source(%arg11 : memref<10240xf32, #tpu.memory_space<vmem>>) target(%dma_start3A_80 : memref<10240xf32, #tpu.memory_space<hbm>>) target_semaphore(%run_scoped3A_75 : memref<!tpu.dma_semaphore, #tpu.memory_space<semaphore_mem>>)
      %dma_wait3A = arith.constant 0 : i32
      %dma_wait3A_81 = tpu.memref_slice %arg8[%add3A, %dma_wait3A] : memref<32x10240xf32, #tpu.memory_space<hbm>> -> memref<1x10240xf32, #tpu.memory_space<hbm>>
      %dma_wait3A_82 = tpu.memref_squeeze %dma_wait3A_81 : memref<1x10240xf32, #tpu.memory_space<hbm>> -> memref<10240xf32, #tpu.memory_space<hbm>>
      %dma_wait3A_83 = arith.constant 0 : i32
      %dma_wait3A_84 = tpu.memref_slice %arg8[%add3A, %dma_wait3A_83] : memref<32x10240xf32, #tpu.memory_space<hbm>> -> memref<1x10240xf32, #tpu.memory_space<hbm>>
      %dma_wait3A_85 = tpu.memref_squeeze %dma_wait3A_84 : memref<1x10240xf32, #tpu.memory_space<hbm>> -> memref<10240xf32, #tpu.memory_space<hbm>>
      tpu.wait_dma2 semaphore(%run_scoped3A_75 : memref<!tpu.dma_semaphore, #tpu.memory_space<semaphore_mem>>) src(%arg11 : memref<10240xf32, #tpu.memory_space<vmem>>) dst(%dma_wait3A_85 : memref<10240xf32, #tpu.memory_space<hbm>>)
      tpu.yield
    }) : () -> ()
    "tpu.region"() ({
      %run_scoped3A_75 = tpu.sem_alloc : memref<!tpu.dma_semaphore, #tpu.memory_space<semaphore_mem>>
      %dma_start3A = arith.constant 0 : i32
      %dma_start3A_76 = tpu.memref_slice %arg7[%add3A, %dma_start3A] : memref<32x128xi32, #tpu.memory_space<hbm>> -> memref<1x128xi32, #tpu.memory_space<hbm>>
      %dma_start3A_77 = tpu.memref_squeeze %dma_start3A_76 : memref<1x128xi32, #tpu.memory_space<hbm>> -> memref<128xi32, #tpu.memory_space<hbm>>
      %dma_start3A_78 = arith.constant 0 : i32
      %dma_start3A_79 = tpu.memref_slice %arg7[%add3A, %dma_start3A_78] : memref<32x128xi32, #tpu.memory_space<hbm>> -> memref<1x128xi32, #tpu.memory_space<hbm>>
      %dma_start3A_80 = tpu.memref_squeeze %dma_start3A_79 : memref<1x128xi32, #tpu.memory_space<hbm>> -> memref<128xi32, #tpu.memory_space<hbm>>
      tpu.enqueue_dma source(%arg18 : memref<128xi32, #tpu.memory_space<vmem>>) target(%dma_start3A_80 : memref<128xi32, #tpu.memory_space<hbm>>) target_semaphore(%run_scoped3A_75 : memref<!tpu.dma_semaphore, #tpu.memory_space<semaphore_mem>>)
      %dma_wait3A = arith.constant 0 : i32
      %dma_wait3A_81 = tpu.memref_slice %arg7[%add3A, %dma_wait3A] : memref<32x128xi32, #tpu.memory_space<hbm>> -> memref<1x128xi32, #tpu.memory_space<hbm>>
      %dma_wait3A_82 = tpu.memref_squeeze %dma_wait3A_81 : memref<1x128xi32, #tpu.memory_space<hbm>> -> memref<128xi32, #tpu.memory_space<hbm>>
      %dma_wait3A_83 = arith.constant 0 : i32
      %dma_wait3A_84 = tpu.memref_slice %arg7[%add3A, %dma_wait3A_83] : memref<32x128xi32, #tpu.memory_space<hbm>> -> memref<1x128xi32, #tpu.memory_space<hbm>>
      %dma_wait3A_85 = tpu.memref_squeeze %dma_wait3A_84 : memref<1x128xi32, #tpu.memory_space<hbm>> -> memref<128xi32, #tpu.memory_space<hbm>>
      tpu.wait_dma2 semaphore(%run_scoped3A_75 : memref<!tpu.dma_semaphore, #tpu.memory_space<semaphore_mem>>) src(%arg18 : memref<128xi32, #tpu.memory_space<vmem>>) dst(%dma_wait3A_85 : memref<128xi32, #tpu.memory_space<hbm>>)
      tpu.yield
    }) : () -> ()
    %run_scoped3A = arith.constant 0 : i32
    "tpu.region"() ({
      %run_scoped3A_75 = tpu.sem_alloc : memref<!tpu.dma_semaphore, #tpu.memory_space<semaphore_mem>>
      %dma_start3A = arith.constant 0 : i32
      %dma_start3A_76 = arith.constant 0 : i32
      %dma_start3A_77 = tpu.memref_slice %arg4[%add3A, %dma_start3A, %dma_start3A_76] : memref<32x2x10240xi32, #tpu.memory_space<hbm>> -> memref<1x2x10240xi32, #tpu.memory_space<hbm>>
      %dma_start3A_78 = tpu.memref_squeeze %dma_start3A_77 : memref<1x2x10240xi32, #tpu.memory_space<hbm>> -> memref<2x10240xi32, #tpu.memory_space<hbm>>
      %dma_start3A_79 = arith.constant 0 : i32
      %dma_start3A_80 = tpu.memref_slice %dma_start3A_78[%run_scoped3A, %dma_start3A_79] : memref<2x10240xi32, #tpu.memory_space<hbm>> -> memref<1x10240xi32, #tpu.memory_space<hbm>>
      %dma_start3A_81 = tpu.memref_squeeze %dma_start3A_80 : memref<1x10240xi32, #tpu.memory_space<hbm>> -> memref<10240xi32, #tpu.memory_space<hbm>>
      %dma_start3A_82 = arith.constant 0 : i32
      %dma_start3A_83 = arith.constant 0 : i32
      %dma_start3A_84 = tpu.memref_slice %arg4[%add3A, %dma_start3A_82, %dma_start3A_83] : memref<32x2x10240xi32, #tpu.memory_space<hbm>> -> memref<1x2x10240xi32, #tpu.memory_space<hbm>>
      %dma_start3A_85 = tpu.memref_squeeze %dma_start3A_84 : memref<1x2x10240xi32, #tpu.memory_space<hbm>> -> memref<2x10240xi32, #tpu.memory_space<hbm>>
      %dma_start3A_86 = arith.constant 0 : i32
      %dma_start3A_87 = tpu.memref_slice %dma_start3A_85[%run_scoped3A, %dma_start3A_86] : memref<2x10240xi32, #tpu.memory_space<hbm>> -> memref<1x10240xi32, #tpu.memory_space<hbm>>
      %dma_start3A_88 = tpu.memref_squeeze %dma_start3A_87 : memref<1x10240xi32, #tpu.memory_space<hbm>> -> memref<10240xi32, #tpu.memory_space<hbm>>
      tpu.enqueue_dma source(%arg12 : memref<10240xi32, #tpu.memory_space<vmem>>) target(%dma_start3A_88 : memref<10240xi32, #tpu.memory_space<hbm>>) target_semaphore(%run_scoped3A_75 : memref<!tpu.dma_semaphore, #tpu.memory_space<semaphore_mem>>)
      %dma_wait3A = arith.constant 0 : i32
      %dma_wait3A_89 = arith.constant 0 : i32
      %dma_wait3A_90 = tpu.memref_slice %arg4[%add3A, %dma_wait3A, %dma_wait3A_89] : memref<32x2x10240xi32, #tpu.memory_space<hbm>> -> memref<1x2x10240xi32, #tpu.memory_space<hbm>>
      %dma_wait3A_91 = tpu.memref_squeeze %dma_wait3A_90 : memref<1x2x10240xi32, #tpu.memory_space<hbm>> -> memref<2x10240xi32, #tpu.memory_space<hbm>>
      %dma_wait3A_92 = arith.constant 0 : i32
      %dma_wait3A_93 = tpu.memref_slice %dma_wait3A_91[%run_scoped3A, %dma_wait3A_92] : memref<2x10240xi32, #tpu.memory_space<hbm>> -> memref<1x10240xi32, #tpu.memory_space<hbm>>
      %dma_wait3A_94 = tpu.memref_squeeze %dma_wait3A_93 : memref<1x10240xi32, #tpu.memory_space<hbm>> -> memref<10240xi32, #tpu.memory_space<hbm>>
      %dma_wait3A_95 = arith.constant 0 : i32
      %dma_wait3A_96 = arith.constant 0 : i32
      %dma_wait3A_97 = tpu.memref_slice %arg4[%add3A, %dma_wait3A_95, %dma_wait3A_96] : memref<32x2x10240xi32, #tpu.memory_space<hbm>> -> memref<1x2x10240xi32, #tpu.memory_space<hbm>>
      %dma_wait3A_98 = tpu.memref_squeeze %dma_wait3A_97 : memref<1x2x10240xi32, #tpu.memory_space<hbm>> -> memref<2x10240xi32, #tpu.memory_space<hbm>>
      %dma_wait3A_99 = arith.constant 0 : i32
      %dma_wait3A_100 = tpu.memref_slice %dma_wait3A_98[%run_scoped3A, %dma_wait3A_99] : memref<2x10240xi32, #tpu.memory_space<hbm>> -> memref<1x10240xi32, #tpu.memory_space<hbm>>
      %dma_wait3A_101 = tpu.memref_squeeze %dma_wait3A_100 : memref<1x10240xi32, #tpu.memory_space<hbm>> -> memref<10240xi32, #tpu.memory_space<hbm>>
      tpu.wait_dma2 semaphore(%run_scoped3A_75 : memref<!tpu.dma_semaphore, #tpu.memory_space<semaphore_mem>>) src(%arg12 : memref<10240xi32, #tpu.memory_space<vmem>>) dst(%dma_wait3A_101 : memref<10240xi32, #tpu.memory_space<hbm>>)
      tpu.yield
    }) : () -> ()
    %run_scoped3A_70 = arith.constant 1 : i32
    "tpu.region"() ({
      %run_scoped3A_75 = tpu.sem_alloc : memref<!tpu.dma_semaphore, #tpu.memory_space<semaphore_mem>>
      %dma_start3A = arith.constant 0 : i32
      %dma_start3A_76 = arith.constant 0 : i32
      %dma_start3A_77 = tpu.memref_slice %arg4[%add3A, %dma_start3A, %dma_start3A_76] : memref<32x2x10240xi32, #tpu.memory_space<hbm>> -> memref<1x2x10240xi32, #tpu.memory_space<hbm>>
      %dma_start3A_78 = tpu.memref_squeeze %dma_start3A_77 : memref<1x2x10240xi32, #tpu.memory_space<hbm>> -> memref<2x10240xi32, #tpu.memory_space<hbm>>
      %dma_start3A_79 = arith.constant 0 : i32
      %dma_start3A_80 = tpu.memref_slice %dma_start3A_78[%run_scoped3A_70, %dma_start3A_79] : memref<2x10240xi32, #tpu.memory_space<hbm>> -> memref<1x10240xi32, #tpu.memory_space<hbm>>
      %dma_start3A_81 = tpu.memref_squeeze %dma_start3A_80 : memref<1x10240xi32, #tpu.memory_space<hbm>> -> memref<10240xi32, #tpu.memory_space<hbm>>
      %dma_start3A_82 = arith.constant 0 : i32
      %dma_start3A_83 = arith.constant 0 : i32
      %dma_start3A_84 = tpu.memref_slice %arg4[%add3A, %dma_start3A_82, %dma_start3A_83] : memref<32x2x10240xi32, #tpu.memory_space<hbm>> -> memref<1x2x10240xi32, #tpu.memory_space<hbm>>
      %dma_start3A_85 = tpu.memref_squeeze %dma_start3A_84 : memref<1x2x10240xi32, #tpu.memory_space<hbm>> -> memref<2x10240xi32, #tpu.memory_space<hbm>>
      %dma_start3A_86 = arith.constant 0 : i32
      %dma_start3A_87 = tpu.memref_slice %dma_start3A_85[%run_scoped3A_70, %dma_start3A_86] : memref<2x10240xi32, #tpu.memory_space<hbm>> -> memref<1x10240xi32, #tpu.memory_space<hbm>>
      %dma_start3A_88 = tpu.memref_squeeze %dma_start3A_87 : memref<1x10240xi32, #tpu.memory_space<hbm>> -> memref<10240xi32, #tpu.memory_space<hbm>>
      tpu.enqueue_dma source(%arg13 : memref<10240xi32, #tpu.memory_space<vmem>>) target(%dma_start3A_88 : memref<10240xi32, #tpu.memory_space<hbm>>) target_semaphore(%run_scoped3A_75 : memref<!tpu.dma_semaphore, #tpu.memory_space<semaphore_mem>>)
      %dma_wait3A = arith.constant 0 : i32
      %dma_wait3A_89 = arith.constant 0 : i32
      %dma_wait3A_90 = tpu.memref_slice %arg4[%add3A, %dma_wait3A, %dma_wait3A_89] : memref<32x2x10240xi32, #tpu.memory_space<hbm>> -> memref<1x2x10240xi32, #tpu.memory_space<hbm>>
      %dma_wait3A_91 = tpu.memref_squeeze %dma_wait3A_90 : memref<1x2x10240xi32, #tpu.memory_space<hbm>> -> memref<2x10240xi32, #tpu.memory_space<hbm>>
      %dma_wait3A_92 = arith.constant 0 : i32
      %dma_wait3A_93 = tpu.memref_slice %dma_wait3A_91[%run_scoped3A_70, %dma_wait3A_92] : memref<2x10240xi32, #tpu.memory_space<hbm>> -> memref<1x10240xi32, #tpu.memory_space<hbm>>
      %dma_wait3A_94 = tpu.memref_squeeze %dma_wait3A_93 : memref<1x10240xi32, #tpu.memory_space<hbm>> -> memref<10240xi32, #tpu.memory_space<hbm>>
      %dma_wait3A_95 = arith.constant 0 : i32
      %dma_wait3A_96 = arith.constant 0 : i32
      %dma_wait3A_97 = tpu.memref_slice %arg4[%add3A, %dma_wait3A_95, %dma_wait3A_96] : memref<32x2x10240xi32, #tpu.memory_space<hbm>> -> memref<1x2x10240xi32, #tpu.memory_space<hbm>>
      %dma_wait3A_98 = tpu.memref_squeeze %dma_wait3A_97 : memref<1x2x10240xi32, #tpu.memory_space<hbm>> -> memref<2x10240xi32, #tpu.memory_space<hbm>>
      %dma_wait3A_99 = arith.constant 0 : i32
      %dma_wait3A_100 = tpu.memref_slice %dma_wait3A_98[%run_scoped3A_70, %dma_wait3A_99] : memref<2x10240xi32, #tpu.memory_space<hbm>> -> memref<1x10240xi32, #tpu.memory_space<hbm>>
      %dma_wait3A_101 = tpu.memref_squeeze %dma_wait3A_100 : memref<1x10240xi32, #tpu.memory_space<hbm>> -> memref<10240xi32, #tpu.memory_space<hbm>>
      tpu.wait_dma2 semaphore(%run_scoped3A_75 : memref<!tpu.dma_semaphore, #tpu.memory_space<semaphore_mem>>) src(%arg13 : memref<10240xi32, #tpu.memory_space<vmem>>) dst(%dma_wait3A_101 : memref<10240xi32, #tpu.memory_space<hbm>>)
      tpu.yield
    }) : () -> ()
    %run_scoped3A_71 = arith.constant 0 : i32
    "tpu.region"() ({
      %run_scoped3A_75 = tpu.sem_alloc : memref<!tpu.dma_semaphore, #tpu.memory_space<semaphore_mem>>
      %dma_start3A = arith.constant 0 : i32
      %dma_start3A_76 = arith.constant 0 : i32
      %dma_start3A_77 = tpu.memref_slice %arg5[%add3A, %dma_start3A, %dma_start3A_76] : memref<32x2x10240xi32, #tpu.memory_space<hbm>> -> memref<1x2x10240xi32, #tpu.memory_space<hbm>>
      %dma_start3A_78 = tpu.memref_squeeze %dma_start3A_77 : memref<1x2x10240xi32, #tpu.memory_space<hbm>> -> memref<2x10240xi32, #tpu.memory_space<hbm>>
      %dma_start3A_79 = arith.constant 0 : i32
      %dma_start3A_80 = tpu.memref_slice %dma_start3A_78[%run_scoped3A_71, %dma_start3A_79] : memref<2x10240xi32, #tpu.memory_space<hbm>> -> memref<1x10240xi32, #tpu.memory_space<hbm>>
      %dma_start3A_81 = tpu.memref_squeeze %dma_start3A_80 : memref<1x10240xi32, #tpu.memory_space<hbm>> -> memref<10240xi32, #tpu.memory_space<hbm>>
      %dma_start3A_82 = arith.constant 0 : i32
      %dma_start3A_83 = arith.constant 0 : i32
      %dma_start3A_84 = tpu.memref_slice %arg5[%add3A, %dma_start3A_82, %dma_start3A_83] : memref<32x2x10240xi32, #tpu.memory_space<hbm>> -> memref<1x2x10240xi32, #tpu.memory_space<hbm>>
      %dma_start3A_85 = tpu.memref_squeeze %dma_start3A_84 : memref<1x2x10240xi32, #tpu.memory_space<hbm>> -> memref<2x10240xi32, #tpu.memory_space<hbm>>
      %dma_start3A_86 = arith.constant 0 : i32
      %dma_start3A_87 = tpu.memref_slice %dma_start3A_85[%run_scoped3A_71, %dma_start3A_86] : memref<2x10240xi32, #tpu.memory_space<hbm>> -> memref<1x10240xi32, #tpu.memory_space<hbm>>
      %dma_start3A_88 = tpu.memref_squeeze %dma_start3A_87 : memref<1x10240xi32, #tpu.memory_space<hbm>> -> memref<10240xi32, #tpu.memory_space<hbm>>
      tpu.enqueue_dma source(%arg14 : memref<10240xi32, #tpu.memory_space<vmem>>) target(%dma_start3A_88 : memref<10240xi32, #tpu.memory_space<hbm>>) target_semaphore(%run_scoped3A_75 : memref<!tpu.dma_semaphore, #tpu.memory_space<semaphore_mem>>)
      %dma_wait3A = arith.constant 0 : i32
      %dma_wait3A_89 = arith.constant 0 : i32
      %dma_wait3A_90 = tpu.memref_slice %arg5[%add3A, %dma_wait3A, %dma_wait3A_89] : memref<32x2x10240xi32, #tpu.memory_space<hbm>> -> memref<1x2x10240xi32, #tpu.memory_space<hbm>>
      %dma_wait3A_91 = tpu.memref_squeeze %dma_wait3A_90 : memref<1x2x10240xi32, #tpu.memory_space<hbm>> -> memref<2x10240xi32, #tpu.memory_space<hbm>>
      %dma_wait3A_92 = arith.constant 0 : i32
      %dma_wait3A_93 = tpu.memref_slice %dma_wait3A_91[%run_scoped3A_71, %dma_wait3A_92] : memref<2x10240xi32, #tpu.memory_space<hbm>> -> memref<1x10240xi32, #tpu.memory_space<hbm>>
      %dma_wait3A_94 = tpu.memref_squeeze %dma_wait3A_93 : memref<1x10240xi32, #tpu.memory_space<hbm>> -> memref<10240xi32, #tpu.memory_space<hbm>>
      %dma_wait3A_95 = arith.constant 0 : i32
      %dma_wait3A_96 = arith.constant 0 : i32
      %dma_wait3A_97 = tpu.memref_slice %arg5[%add3A, %dma_wait3A_95, %dma_wait3A_96] : memref<32x2x10240xi32, #tpu.memory_space<hbm>> -> memref<1x2x10240xi32, #tpu.memory_space<hbm>>
      %dma_wait3A_98 = tpu.memref_squeeze %dma_wait3A_97 : memref<1x2x10240xi32, #tpu.memory_space<hbm>> -> memref<2x10240xi32, #tpu.memory_space<hbm>>
      %dma_wait3A_99 = arith.constant 0 : i32
      %dma_wait3A_100 = tpu.memref_slice %dma_wait3A_98[%run_scoped3A_71, %dma_wait3A_99] : memref<2x10240xi32, #tpu.memory_space<hbm>> -> memref<1x10240xi32, #tpu.memory_space<hbm>>
      %dma_wait3A_101 = tpu.memref_squeeze %dma_wait3A_100 : memref<1x10240xi32, #tpu.memory_space<hbm>> -> memref<10240xi32, #tpu.memory_space<hbm>>
      tpu.wait_dma2 semaphore(%run_scoped3A_75 : memref<!tpu.dma_semaphore, #tpu.memory_space<semaphore_mem>>) src(%arg14 : memref<10240xi32, #tpu.memory_space<vmem>>) dst(%dma_wait3A_101 : memref<10240xi32, #tpu.memory_space<hbm>>)
      tpu.yield
    }) : () -> ()
    %run_scoped3A_72 = arith.constant 1 : i32
    "tpu.region"() ({
      %run_scoped3A_75 = tpu.sem_alloc : memref<!tpu.dma_semaphore, #tpu.memory_space<semaphore_mem>>
      %dma_start3A = arith.constant 0 : i32
      %dma_start3A_76 = arith.constant 0 : i32
      %dma_start3A_77 = tpu.memref_slice %arg5[%add3A, %dma_start3A, %dma_start3A_76] : memref<32x2x10240xi32, #tpu.memory_space<hbm>> -> memref<1x2x10240xi32, #tpu.memory_space<hbm>>
      %dma_start3A_78 = tpu.memref_squeeze %dma_start3A_77 : memref<1x2x10240xi32, #tpu.memory_space<hbm>> -> memref<2x10240xi32, #tpu.memory_space<hbm>>
      %dma_start3A_79 = arith.constant 0 : i32
      %dma_start3A_80 = tpu.memref_slice %dma_start3A_78[%run_scoped3A_72, %dma_start3A_79] : memref<2x10240xi32, #tpu.memory_space<hbm>> -> memref<1x10240xi32, #tpu.memory_space<hbm>>
      %dma_start3A_81 = tpu.memref_squeeze %dma_start3A_80 : memref<1x10240xi32, #tpu.memory_space<hbm>> -> memref<10240xi32, #tpu.memory_space<hbm>>
      %dma_start3A_82 = arith.constant 0 : i32
      %dma_start3A_83 = arith.constant 0 : i32
      %dma_start3A_84 = tpu.memref_slice %arg5[%add3A, %dma_start3A_82, %dma_start3A_83] : memref<32x2x10240xi32, #tpu.memory_space<hbm>> -> memref<1x2x10240xi32, #tpu.memory_space<hbm>>
      %dma_start3A_85 = tpu.memref_squeeze %dma_start3A_84 : memref<1x2x10240xi32, #tpu.memory_space<hbm>> -> memref<2x10240xi32, #tpu.memory_space<hbm>>
      %dma_start3A_86 = arith.constant 0 : i32
      %dma_start3A_87 = tpu.memref_slice %dma_start3A_85[%run_scoped3A_72, %dma_start3A_86] : memref<2x10240xi32, #tpu.memory_space<hbm>> -> memref<1x10240xi32, #tpu.memory_space<hbm>>
      %dma_start3A_88 = tpu.memref_squeeze %dma_start3A_87 : memref<1x10240xi32, #tpu.memory_space<hbm>> -> memref<10240xi32, #tpu.memory_space<hbm>>
      tpu.enqueue_dma source(%arg15 : memref<10240xi32, #tpu.memory_space<vmem>>) target(%dma_start3A_88 : memref<10240xi32, #tpu.memory_space<hbm>>) target_semaphore(%run_scoped3A_75 : memref<!tpu.dma_semaphore, #tpu.memory_space<semaphore_mem>>)
      %dma_wait3A = arith.constant 0 : i32
      %dma_wait3A_89 = arith.constant 0 : i32
      %dma_wait3A_90 = tpu.memref_slice %arg5[%add3A, %dma_wait3A, %dma_wait3A_89] : memref<32x2x10240xi32, #tpu.memory_space<hbm>> -> memref<1x2x10240xi32, #tpu.memory_space<hbm>>
      %dma_wait3A_91 = tpu.memref_squeeze %dma_wait3A_90 : memref<1x2x10240xi32, #tpu.memory_space<hbm>> -> memref<2x10240xi32, #tpu.memory_space<hbm>>
      %dma_wait3A_92 = arith.constant 0 : i32
      %dma_wait3A_93 = tpu.memref_slice %dma_wait3A_91[%run_scoped3A_72, %dma_wait3A_92] : memref<2x10240xi32, #tpu.memory_space<hbm>> -> memref<1x10240xi32, #tpu.memory_space<hbm>>
      %dma_wait3A_94 = tpu.memref_squeeze %dma_wait3A_93 : memref<1x10240xi32, #tpu.memory_space<hbm>> -> memref<10240xi32, #tpu.memory_space<hbm>>
      %dma_wait3A_95 = arith.constant 0 : i32
      %dma_wait3A_96 = arith.constant 0 : i32
      %dma_wait3A_97 = tpu.memref_slice %arg5[%add3A, %dma_wait3A_95, %dma_wait3A_96] : memref<32x2x10240xi32, #tpu.memory_space<hbm>> -> memref<1x2x10240xi32, #tpu.memory_space<hbm>>
      %dma_wait3A_98 = tpu.memref_squeeze %dma_wait3A_97 : memref<1x2x10240xi32, #tpu.memory_space<hbm>> -> memref<2x10240xi32, #tpu.memory_space<hbm>>
      %dma_wait3A_99 = arith.constant 0 : i32
      %dma_wait3A_100 = tpu.memref_slice %dma_wait3A_98[%run_scoped3A_72, %dma_wait3A_99] : memref<2x10240xi32, #tpu.memory_space<hbm>> -> memref<1x10240xi32, #tpu.memory_space<hbm>>
      %dma_wait3A_101 = tpu.memref_squeeze %dma_wait3A_100 : memref<1x10240xi32, #tpu.memory_space<hbm>> -> memref<10240xi32, #tpu.memory_space<hbm>>
      tpu.wait_dma2 semaphore(%run_scoped3A_75 : memref<!tpu.dma_semaphore, #tpu.memory_space<semaphore_mem>>) src(%arg15 : memref<10240xi32, #tpu.memory_space<vmem>>) dst(%dma_wait3A_101 : memref<10240xi32, #tpu.memory_space<hbm>>)
      tpu.yield
    }) : () -> ()
    %run_scoped3A_73 = arith.constant 0 : i32
    "tpu.region"() ({
      %run_scoped3A_75 = tpu.sem_alloc : memref<!tpu.dma_semaphore, #tpu.memory_space<semaphore_mem>>
      %dma_start3A = arith.constant 0 : i32
      %dma_start3A_76 = arith.constant 0 : i32
      %dma_start3A_77 = arith.constant 0 : i32
      %dma_start3A_78 = tpu.memref_slice %arg6[%add3A, %dma_start3A, %dma_start3A_76, %dma_start3A_77] : memref<32x2x80x128xi32, #tpu.memory_space<hbm>> -> memref<1x2x80x128xi32, #tpu.memory_space<hbm>>
      %dma_start3A_79 = tpu.memref_squeeze %dma_start3A_78 : memref<1x2x80x128xi32, #tpu.memory_space<hbm>> -> memref<2x80x128xi32, #tpu.memory_space<hbm>>
      %dma_start3A_80 = arith.constant 0 : i32
      %dma_start3A_81 = arith.constant 0 : i32
      %dma_start3A_82 = tpu.memref_slice %dma_start3A_79[%run_scoped3A_73, %dma_start3A_80, %dma_start3A_81] : memref<2x80x128xi32, #tpu.memory_space<hbm>> -> memref<1x80x128xi32, #tpu.memory_space<hbm>>
      %dma_start3A_83 = tpu.memref_squeeze %dma_start3A_82 : memref<1x80x128xi32, #tpu.memory_space<hbm>> -> memref<80x128xi32, #tpu.memory_space<hbm>>
      %dma_start3A_84 = arith.constant 0 : i32
      %dma_start3A_85 = arith.constant 0 : i32
      %dma_start3A_86 = arith.constant 0 : i32
      %dma_start3A_87 = tpu.memref_slice %arg6[%add3A, %dma_start3A_84, %dma_start3A_85, %dma_start3A_86] : memref<32x2x80x128xi32, #tpu.memory_space<hbm>> -> memref<1x2x80x128xi32, #tpu.memory_space<hbm>>
      %dma_start3A_88 = tpu.memref_squeeze %dma_start3A_87 : memref<1x2x80x128xi32, #tpu.memory_space<hbm>> -> memref<2x80x128xi32, #tpu.memory_space<hbm>>
      %dma_start3A_89 = arith.constant 0 : i32
      %dma_start3A_90 = arith.constant 0 : i32
      %dma_start3A_91 = tpu.memref_slice %dma_start3A_88[%run_scoped3A_73, %dma_start3A_89, %dma_start3A_90] : memref<2x80x128xi32, #tpu.memory_space<hbm>> -> memref<1x80x128xi32, #tpu.memory_space<hbm>>
      %dma_start3A_92 = tpu.memref_squeeze %dma_start3A_91 : memref<1x80x128xi32, #tpu.memory_space<hbm>> -> memref<80x128xi32, #tpu.memory_space<hbm>>
      tpu.enqueue_dma source(%arg16 : memref<80x128xi32, #tpu.memory_space<vmem>>) target(%dma_start3A_92 : memref<80x128xi32, #tpu.memory_space<hbm>>) target_semaphore(%run_scoped3A_75 : memref<!tpu.dma_semaphore, #tpu.memory_space<semaphore_mem>>)
      %dma_wait3A = arith.constant 0 : i32
      %dma_wait3A_93 = arith.constant 0 : i32
      %dma_wait3A_94 = arith.constant 0 : i32
      %dma_wait3A_95 = tpu.memref_slice %arg6[%add3A, %dma_wait3A, %dma_wait3A_93, %dma_wait3A_94] : memref<32x2x80x128xi32, #tpu.memory_space<hbm>> -> memref<1x2x80x128xi32, #tpu.memory_space<hbm>>
      %dma_wait3A_96 = tpu.memref_squeeze %dma_wait3A_95 : memref<1x2x80x128xi32, #tpu.memory_space<hbm>> -> memref<2x80x128xi32, #tpu.memory_space<hbm>>
      %dma_wait3A_97 = arith.constant 0 : i32
      %dma_wait3A_98 = arith.constant 0 : i32
      %dma_wait3A_99 = tpu.memref_slice %dma_wait3A_96[%run_scoped3A_73, %dma_wait3A_97, %dma_wait3A_98] : memref<2x80x128xi32, #tpu.memory_space<hbm>> -> memref<1x80x128xi32, #tpu.memory_space<hbm>>
      %dma_wait3A_100 = tpu.memref_squeeze %dma_wait3A_99 : memref<1x80x128xi32, #tpu.memory_space<hbm>> -> memref<80x128xi32, #tpu.memory_space<hbm>>
      %dma_wait3A_101 = arith.constant 0 : i32
      %dma_wait3A_102 = arith.constant 0 : i32
      %dma_wait3A_103 = arith.constant 0 : i32
      %dma_wait3A_104 = tpu.memref_slice %arg6[%add3A, %dma_wait3A_101, %dma_wait3A_102, %dma_wait3A_103] : memref<32x2x80x128xi32, #tpu.memory_space<hbm>> -> memref<1x2x80x128xi32, #tpu.memory_space<hbm>>
      %dma_wait3A_105 = tpu.memref_squeeze %dma_wait3A_104 : memref<1x2x80x128xi32, #tpu.memory_space<hbm>> -> memref<2x80x128xi32, #tpu.memory_space<hbm>>
      %dma_wait3A_106 = arith.constant 0 : i32
      %dma_wait3A_107 = arith.constant 0 : i32
      %dma_wait3A_108 = tpu.memref_slice %dma_wait3A_105[%run_scoped3A_73, %dma_wait3A_106, %dma_wait3A_107] : memref<2x80x128xi32, #tpu.memory_space<hbm>> -> memref<1x80x128xi32, #tpu.memory_space<hbm>>
      %dma_wait3A_109 = tpu.memref_squeeze %dma_wait3A_108 : memref<1x80x128xi32, #tpu.memory_space<hbm>> -> memref<80x128xi32, #tpu.memory_space<hbm>>
      tpu.wait_dma2 semaphore(%run_scoped3A_75 : memref<!tpu.dma_semaphore, #tpu.memory_space<semaphore_mem>>) src(%arg16 : memref<80x128xi32, #tpu.memory_space<vmem>>) dst(%dma_wait3A_109 : memref<80x128xi32, #tpu.memory_space<hbm>>)
      tpu.yield
    }) : () -> ()
    %run_scoped3A_74 = arith.constant 1 : i32
    "tpu.region"() ({
      %run_scoped3A_75 = tpu.sem_alloc : memref<!tpu.dma_semaphore, #tpu.memory_space<semaphore_mem>>
      %dma_start3A = arith.constant 0 : i32
      %dma_start3A_76 = arith.constant 0 : i32
      %dma_start3A_77 = arith.constant 0 : i32
      %dma_start3A_78 = tpu.memref_slice %arg6[%add3A, %dma_start3A, %dma_start3A_76, %dma_start3A_77] : memref<32x2x80x128xi32, #tpu.memory_space<hbm>> -> memref<1x2x80x128xi32, #tpu.memory_space<hbm>>
      %dma_start3A_79 = tpu.memref_squeeze %dma_start3A_78 : memref<1x2x80x128xi32, #tpu.memory_space<hbm>> -> memref<2x80x128xi32, #tpu.memory_space<hbm>>
      %dma_start3A_80 = arith.constant 0 : i32
      %dma_start3A_81 = arith.constant 0 : i32
      %dma_start3A_82 = tpu.memref_slice %dma_start3A_79[%run_scoped3A_74, %dma_start3A_80, %dma_start3A_81] : memref<2x80x128xi32, #tpu.memory_space<hbm>> -> memref<1x80x128xi32, #tpu.memory_space<hbm>>
      %dma_start3A_83 = tpu.memref_squeeze %dma_start3A_82 : memref<1x80x128xi32, #tpu.memory_space<hbm>> -> memref<80x128xi32, #tpu.memory_space<hbm>>
      %dma_start3A_84 = arith.constant 0 : i32
      %dma_start3A_85 = arith.constant 0 : i32
      %dma_start3A_86 = arith.constant 0 : i32
      %dma_start3A_87 = tpu.memref_slice %arg6[%add3A, %dma_start3A_84, %dma_start3A_85, %dma_start3A_86] : memref<32x2x80x128xi32, #tpu.memory_space<hbm>> -> memref<1x2x80x128xi32, #tpu.memory_space<hbm>>
      %dma_start3A_88 = tpu.memref_squeeze %dma_start3A_87 : memref<1x2x80x128xi32, #tpu.memory_space<hbm>> -> memref<2x80x128xi32, #tpu.memory_space<hbm>>
      %dma_start3A_89 = arith.constant 0 : i32
      %dma_start3A_90 = arith.constant 0 : i32
      %dma_start3A_91 = tpu.memref_slice %dma_start3A_88[%run_scoped3A_74, %dma_start3A_89, %dma_start3A_90] : memref<2x80x128xi32, #tpu.memory_space<hbm>> -> memref<1x80x128xi32, #tpu.memory_space<hbm>>
      %dma_start3A_92 = tpu.memref_squeeze %dma_start3A_91 : memref<1x80x128xi32, #tpu.memory_space<hbm>> -> memref<80x128xi32, #tpu.memory_space<hbm>>
      tpu.enqueue_dma source(%arg17 : memref<80x128xi32, #tpu.memory_space<vmem>>) target(%dma_start3A_92 : memref<80x128xi32, #tpu.memory_space<hbm>>) target_semaphore(%run_scoped3A_75 : memref<!tpu.dma_semaphore, #tpu.memory_space<semaphore_mem>>)
      %dma_wait3A = arith.constant 0 : i32
      %dma_wait3A_93 = arith.constant 0 : i32
      %dma_wait3A_94 = arith.constant 0 : i32
      %dma_wait3A_95 = tpu.memref_slice %arg6[%add3A, %dma_wait3A, %dma_wait3A_93, %dma_wait3A_94] : memref<32x2x80x128xi32, #tpu.memory_space<hbm>> -> memref<1x2x80x128xi32, #tpu.memory_space<hbm>>
      %dma_wait3A_96 = tpu.memref_squeeze %dma_wait3A_95 : memref<1x2x80x128xi32, #tpu.memory_space<hbm>> -> memref<2x80x128xi32, #tpu.memory_space<hbm>>
      %dma_wait3A_97 = arith.constant 0 : i32
      %dma_wait3A_98 = arith.constant 0 : i32
      %dma_wait3A_99 = tpu.memref_slice %dma_wait3A_96[%run_scoped3A_74, %dma_wait3A_97, %dma_wait3A_98] : memref<2x80x128xi32, #tpu.memory_space<hbm>> -> memref<1x80x128xi32, #tpu.memory_space<hbm>>
      %dma_wait3A_100 = tpu.memref_squeeze %dma_wait3A_99 : memref<1x80x128xi32, #tpu.memory_space<hbm>> -> memref<80x128xi32, #tpu.memory_space<hbm>>
      %dma_wait3A_101 = arith.constant 0 : i32
      %dma_wait3A_102 = arith.constant 0 : i32
      %dma_wait3A_103 = arith.constant 0 : i32
      %dma_wait3A_104 = tpu.memref_slice %arg6[%add3A, %dma_wait3A_101, %dma_wait3A_102, %dma_wait3A_103] : memref<32x2x80x128xi32, #tpu.memory_space<hbm>> -> memref<1x2x80x128xi32, #tpu.memory_space<hbm>>
      %dma_wait3A_105 = tpu.memref_squeeze %dma_wait3A_104 : memref<1x2x80x128xi32, #tpu.memory_space<hbm>> -> memref<2x80x128xi32, #tpu.memory_space<hbm>>
      %dma_wait3A_106 = arith.constant 0 : i32
      %dma_wait3A_107 = arith.constant 0 : i32
      %dma_wait3A_108 = tpu.memref_slice %dma_wait3A_105[%run_scoped3A_74, %dma_wait3A_106, %dma_wait3A_107] : memref<2x80x128xi32, #tpu.memory_space<hbm>> -> memref<1x80x128xi32, #tpu.memory_space<hbm>>
      %dma_wait3A_109 = tpu.memref_squeeze %dma_wait3A_108 : memref<1x80x128xi32, #tpu.memory_space<hbm>> -> memref<80x128xi32, #tpu.memory_space<hbm>>
      tpu.wait_dma2 semaphore(%run_scoped3A_75 : memref<!tpu.dma_semaphore, #tpu.memory_space<semaphore_mem>>) src(%arg17 : memref<80x128xi32, #tpu.memory_space<vmem>>) dst(%dma_wait3A_109 : memref<80x128xi32, #tpu.memory_space<hbm>>)
      tpu.yield
    }) : () -> ()
    return
  }
}

module attributes {stable_mosaic.version = 14 : i64} {
  func.func @f(%arg0: i32, %arg1: memref<1000x128xf32, #tpu.memory_space<vmem>>, %arg2: memref<128x256xf32, #tpu.memory_space<vmem>>, %arg3: memref<1000x32xf32, #tpu.memory_space<vmem>>, %arg4: memref<2x1000x128xf32, #tpu.memory_space<vmem>>, %arg5: memref<1000x1xf32, #tpu.memory_space<vmem>>) attributes {dimension_semantics = [#tpu.dimension_semantics<arbitrary>], iteration_bounds = array<i64: 10>, scalar_prefetch = 0 : i64, scratch_operands = 0 : i64, tpu.core_type = #tpu.core_type<tc>, window_params = [{transform_indices = @transform_0, window_bounds = array<i64: 1000, 128>}, {pipeline_mode = #tpu.pipeline_mode<synchronous>, transform_indices = @transform_1, window_bounds = array<i64: 128, 256>}, {transform_indices = @transform_2, window_bounds = array<i64: 1000, 32>}, {transform_indices = @transform_3, window_bounds = array<i64: 2, 1000, 128>}, {transform_indices = @transform_4, window_bounds = array<i64: 1000, 1>}]} {
    %get3A = arith.constant 0 : index
    %get3A_0 = arith.constant 0 : index
    %get3A_1 = vector.load %arg1[%get3A, %get3A_0] : memref<1000x128xf32, #tpu.memory_space<vmem>>, vector<1000x128xf32>
    %get3A_2 = arith.constant 0 : index
    %get3A_3 = arith.constant 0 : index
    %get3A_4 = vector.load %arg2[%get3A_2, %get3A_3] : memref<128x256xf32, #tpu.memory_space<vmem>>, vector<128x256xf32>
    %dot_general3A = arith.constant dense<0.000000e+00> : vector<1000x256xf32>
    %dot_general3A_5 = tpu.matmul %get3A_1, %get3A_4, %dot_general3A {dimension_numbers = #tpu.dot_dimension_numbers<[1], [0], [0], [1], [0, 0, 1, 1], [], []>, transpose_lhs_hint = false} : vector<1000x128xf32>, vector<128x256xf32>, vector<1000x256xf32> -> vector<1000x256xf32>
    %get3A_6 = arith.constant 0 : index
    %get3A_7 = arith.constant 0 : index
    %get3A_8 = vector.load %arg3[%get3A_6, %get3A_7] : memref<1000x32xf32, #tpu.memory_space<vmem>>, vector<1000x32xf32>
    %reduce_sum3A = arith.constant dense<0.000000e+00> : vector<1000xf32>
    %reduce_sum3A_9 = vector.multi_reduction <add>, %get3A_8, %reduce_sum3A [1] : vector<1000x32xf32> to vector<1000xf32>
    %broadcast_in_dim3A = vector.shape_cast %reduce_sum3A_9 : vector<1000xf32> to vector<1000x1xf32>
    %swap3A = arith.constant 0 : index
    %swap3A_10 = arith.constant 0 : index
    %swap3A_11 = vector.load %arg5[%swap3A, %swap3A_10] : memref<1000x1xf32, #tpu.memory_space<vmem>>, vector<1000x1xf32>
    tpu.vector_store %arg5[%swap3A, %swap3A_10], %broadcast_in_dim3A {strides = array<i32>} : memref<1000x1xf32, #tpu.memory_space<vmem>>, vector<1000x1xf32>,
    %add3A = arith.constant 1.000000e+00 : f32
    %add3A_12 = vector.broadcast %add3A : f32 to vector<1000x1xf32>
    %add3A_13 = arith.addf %broadcast_in_dim3A, %add3A_12 : vector<1000x1xf32>
    %rsqrt3A = math.rsqrt %add3A_13 : vector<1000x1xf32>
    %mul3A = vector.broadcast %rsqrt3A : vector<1000x1xf32> to vector<1000x256xf32>
    %mul3A_14 = arith.mulf %dot_general3A_5, %mul3A : vector<1000x256xf32>
    %slice3A = vector.extract_strided_slice %mul3A_14 {offsets = [0, 0], sizes = [1000, 128], strides = [1, 1]} : vector<1000x256xf32> to vector<1000x128xf32>
    %swap3A_15 = arith.constant 0 : index
    %swap3A_16 = arith.constant 0 : index
    %swap3A_17 = arith.constant 0 : index
    %swap3A_18 = vector.load %arg4[%swap3A_15, %swap3A_16, %swap3A_17] : memref<2x1000x128xf32, #tpu.memory_space<vmem>>, vector<1x1000x128xf32>
    %swap3A_19 = vector.shape_cast %swap3A_18 : vector<1x1000x128xf32> to vector<1000x128xf32>
    %swap3A_20 = vector.shape_cast %slice3A : vector<1000x128xf32> to vector<1x1000x128xf32>
    tpu.vector_store %arg4[%swap3A_15, %swap3A_16, %swap3A_17], %swap3A_20 {strides = array<i32>} : memref<2x1000x128xf32, #tpu.memory_space<vmem>>, vector<1x1000x128xf32>,
    %slice3A_21 = vector.extract_strided_slice %mul3A_14 {offsets = [0, 128], sizes = [1000, 128], strides = [1, 1]} : vector<1000x256xf32> to vector<1000x128xf32>
    %swap3A_22 = arith.constant 1 : index
    %swap3A_23 = arith.constant 0 : index
    %swap3A_24 = arith.constant 0 : index
    %swap3A_25 = vector.load %arg4[%swap3A_22, %swap3A_23, %swap3A_24] : memref<2x1000x128xf32, #tpu.memory_space<vmem>>, vector<1x1000x128xf32>
    %swap3A_26 = vector.shape_cast %swap3A_25 : vector<1x1000x128xf32> to vector<1000x128xf32>
    %swap3A_27 = vector.shape_cast %slice3A_21 : vector<1000x128xf32> to vector<1x1000x128xf32>
    tpu.vector_store %arg4[%swap3A_22, %swap3A_23, %swap3A_24], %swap3A_27 {strides = array<i32>} : memref<2x1000x128xf32, #tpu.memory_space<vmem>>, vector<1x1000x128xf32>,
    return
  }
  func.func @transform_0(%arg0: i32) -> (i32, i32) {
    %c0_i32 = arith.constant 0 : i32
    %c0_i32_0 = arith.constant 0 : i32
    return %arg0, %c0_i32 : i32, i32
  }
  func.func @transform_1(%arg0: i32) -> (i32, i32) {
    %c0_i32 = arith.constant 0 : i32
    %c0_i32_0 = arith.constant 0 : i32
    %c0_i32_1 = arith.constant 0 : i32
    return %c0_i32, %c0_i32_0 : i32, i32
  }
  func.func @transform_2(%arg0: i32) -> (i32, i32) {
    %c0_i32 = arith.constant 0 : i32
    %c0_i32_0 = arith.constant 0 : i32
    return %arg0, %c0_i32 : i32, i32
  }
  func.func @transform_3(%arg0: i32) -> (i32, i32, i32) {
    %c0_i32 = arith.constant 0 : i32
    %c0_i32_0 = arith.constant 0 : i32
    %c0_i32_1 = arith.constant 0 : i32
    return %c0_i32, %arg0, %c0_i32_0 : i32, i32, i32
  }
  func.func @transform_4(%arg0: i32) -> (i32, i32) {
    %c0_i32 = arith.constant 0 : i32
    %c0_i32_0 = arith.constant 0 : i32
    return %arg0, %c0_i32 : i32, i32
  }
}

module attributes {stable_mosaic.version = 14 : i64} {
  func.func @f(%arg0: i32, %arg1: memref<2x1000x128xf32, #tpu.memory_space<vmem>>, %arg2: memref<1000x1xf32, #tpu.memory_space<vmem>>, %arg3: memref<1x256xf32, #tpu.memory_space<vmem>>, %arg4: memref<256x128xf32, #tpu.memory_space<vmem>>, %arg5: memref<1000x128xf32, #tpu.memory_space<vmem>>) attributes {dimension_semantics = [#tpu.dimension_semantics<arbitrary>], iteration_bounds = array<i64: 10>, scalar_prefetch = 0 : i64, scratch_operands = 0 : i64, tpu.core_type = #tpu.core_type<tc>, window_params = [{transform_indices = @transform_0, window_bounds = array<i64: 2, 1000, 128>}, {transform_indices = @transform_1, window_bounds = array<i64: 1000, 1>}, {pipeline_mode = #tpu.pipeline_mode<synchronous>, transform_indices = @transform_2, window_bounds = array<i64: 1, 256>}, {pipeline_mode = #tpu.pipeline_mode<synchronous>, transform_indices = @transform_3, window_bounds = array<i64: 256, 128>}, {transform_indices = @transform_4, window_bounds = array<i64: 1000, 128>}]} {
    %get3A = arith.constant 0 : index
    %get3A_0 = arith.constant 0 : index
    %get3A_1 = arith.constant 0 : index
    %get3A_2 = vector.load %arg1[%get3A, %get3A_0, %get3A_1] : memref<2x1000x128xf32, #tpu.memory_space<vmem>>, vector<1x1000x128xf32>
    %get3A_3 = vector.shape_cast %get3A_2 : vector<1x1000x128xf32> to vector<1000x128xf32>
    %get3A_4 = arith.constant 1 : index
    %get3A_5 = arith.constant 0 : index
    %get3A_6 = arith.constant 0 : index
    %get3A_7 = vector.load %arg1[%get3A_4, %get3A_5, %get3A_6] : memref<2x1000x128xf32, #tpu.memory_space<vmem>>, vector<1x1000x128xf32>
    %get3A_8 = vector.shape_cast %get3A_7 : vector<1x1000x128xf32> to vector<1000x128xf32>
    %concatenate3A = tpu.concatenate %get3A_3, %get3A_8 in 1 : vector<1000x128xf32>, vector<1000x128xf32> -> vector<1000x256xf32>
    %get3A_9 = arith.constant 0 : index
    %get3A_10 = arith.constant 0 : index
    %get3A_11 = vector.load %arg2[%get3A_9, %get3A_10] : memref<1000x1xf32, #tpu.memory_space<vmem>>, vector<1000x1xf32>
    %add3A = arith.constant 1.000000e+00 : f32
    %add3A_12 = vector.broadcast %add3A : f32 to vector<1000x1xf32>
    %add3A_13 = arith.addf %get3A_11, %add3A_12 : vector<1000x1xf32>
    %rsqrt3A = math.rsqrt %add3A_13 : vector<1000x1xf32>
    %mul3A = vector.broadcast %rsqrt3A : vector<1000x1xf32> to vector<1000x256xf32>
    %mul3A_14 = arith.mulf %concatenate3A, %mul3A : vector<1000x256xf32>
    %get3A_15 = arith.constant 0 : index
    %get3A_16 = arith.constant 0 : index
    %get3A_17 = vector.load %arg3[%get3A_15, %get3A_16] : memref<1x256xf32, #tpu.memory_space<vmem>>, vector<1x256xf32>
    %add3A_18 = vector.broadcast %get3A_17 : vector<1x256xf32> to vector<1000x256xf32>
    %add3A_19 = arith.addf %mul3A_14, %add3A_18 : vector<1000x256xf32>
    %max3A = arith.constant 0.000000e+00 : f32
    %max3A_20 = vector.broadcast %max3A : f32 to vector<1000x256xf32>
    %max3A_21 = arith.maximumf %add3A_19, %max3A_20 : vector<1000x256xf32>
    %get3A_22 = arith.constant 0 : index
    %get3A_23 = arith.constant 0 : index
    %get3A_24 = vector.load %arg4[%get3A_22, %get3A_23] : memref<256x128xf32, #tpu.memory_space<vmem>>, vector<256x128xf32>
    %dot_general3A = arith.constant dense<0.000000e+00> : vector<1000x128xf32>
    %dot_general3A_25 = tpu.matmul %max3A_21, %get3A_24, %dot_general3A {dimension_numbers = #tpu.dot_dimension_numbers<[1], [0], [0], [1], [0, 0, 1, 1], [], []>, transpose_lhs_hint = false} : vector<1000x256xf32>, vector<256x128xf32>, vector<1000x128xf32> -> vector<1000x128xf32>
    %mul3A_26 = vector.broadcast %rsqrt3A : vector<1000x1xf32> to vector<1000x128xf32>
    %mul3A_27 = arith.mulf %dot_general3A_25, %mul3A_26 : vector<1000x128xf32>
    %swap3A = arith.constant 0 : index
    %swap3A_28 = arith.constant 0 : index
    %swap3A_29 = vector.load %arg5[%swap3A, %swap3A_28] : memref<1000x128xf32, #tpu.memory_space<vmem>>, vector<1000x128xf32>
    tpu.vector_store %arg5[%swap3A, %swap3A_28], %mul3A_27 {strides = array<i32>} : memref<1000x128xf32, #tpu.memory_space<vmem>>, vector<1000x128xf32>,
    return
  }
  func.func @transform_0(%arg0: i32) -> (i32, i32, i32) {
    %c0_i32 = arith.constant 0 : i32
    %c0_i32_0 = arith.constant 0 : i32
    %c0_i32_1 = arith.constant 0 : i32
    return %c0_i32, %arg0, %c0_i32_0 : i32, i32, i32
  }
  func.func @transform_1(%arg0: i32) -> (i32, i32) {
    %c0_i32 = arith.constant 0 : i32
    %c0_i32_0 = arith.constant 0 : i32
    return %arg0, %c0_i32 : i32, i32
  }
  func.func @transform_2(%arg0: i32) -> (i32, i32) {
    %c0_i32 = arith.constant 0 : i32
    %c0_i32_0 = arith.constant 0 : i32
    %c0_i32_1 = arith.constant 0 : i32
    return %c0_i32, %c0_i32_0 : i32, i32
  }
  func.func @transform_3(%arg0: i32) -> (i32, i32) {
    %c0_i32 = arith.constant 0 : i32
    %c0_i32_0 = arith.constant 0 : i32
    %c0_i32_1 = arith.constant 0 : i32
    return %c0_i32, %c0_i32_0 : i32, i32
  }
  func.func @transform_4(%arg0: i32) -> (i32, i32) {
    %c0_i32 = arith.constant 0 : i32
    %c0_i32_0 = arith.constant 0 : i32
    return %arg0, %c0_i32 : i32, i32
  }
}

module attributes {stable_mosaic.version = 14 : i64} {
  func.func @f(%arg0: i32, %arg1: memref<1000x128xf32, #tpu.memory_space<vmem>>, %arg2: memref<1000x1xf32, #tpu.memory_space<vmem>>, %arg3: memref<1x128xf32, #tpu.memory_space<vmem>>, %arg4: memref<128x128xf32, #tpu.memory_space<vmem>>, %arg5: memref<1x128xf32, #tpu.memory_space<vmem>>, %arg6: memref<1000x128xf32, #tpu.memory_space<vmem>>) attributes {dimension_semantics = [#tpu.dimension_semantics<arbitrary>], iteration_bounds = array<i64: 10>, scalar_prefetch = 0 : i64, scratch_operands = 0 : i64, tpu.core_type = #tpu.core_type<tc>, window_params = [{transform_indices = @transform_0, window_bounds = array<i64: 1000, 128>}, {transform_indices = @transform_1, window_bounds = array<i64: 1000, 1>}, {pipeline_mode = #tpu.pipeline_mode<synchronous>, transform_indices = @transform_2, window_bounds = array<i64: 1, 128>}, {pipeline_mode = #tpu.pipeline_mode<synchronous>, transform_indices = @transform_3, window_bounds = array<i64: 128, 128>}, {pipeline_mode = #tpu.pipeline_mode<synchronous>, transform_indices = @transform_4, window_bounds = array<i64: 1, 128>}, {transform_indices = @transform_5, window_bounds = array<i64: 1000, 128>}]} {
    %get3A = arith.constant 0 : index
    %get3A_0 = arith.constant 0 : index
    %get3A_1 = vector.load %arg2[%get3A, %get3A_0] : memref<1000x1xf32, #tpu.memory_space<vmem>>, vector<1000x1xf32>
    %add3A = arith.constant 1.000000e+00 : f32
    %add3A_2 = vector.broadcast %add3A : f32 to vector<1000x1xf32>
    %add3A_3 = arith.addf %get3A_1, %add3A_2 : vector<1000x1xf32>
    %rsqrt3A = math.rsqrt %add3A_3 : vector<1000x1xf32>
    %get3A_4 = arith.constant 0 : index
    %get3A_5 = arith.constant 0 : index
    %get3A_6 = vector.load %arg1[%get3A_4, %get3A_5] : memref<1000x128xf32, #tpu.memory_space<vmem>>, vector<1000x128xf32>
    %mul3A = vector.broadcast %rsqrt3A : vector<1000x1xf32> to vector<1000x128xf32>
    %mul3A_7 = arith.mulf %get3A_6, %mul3A : vector<1000x128xf32>
    %get3A_8 = arith.constant 0 : index
    %get3A_9 = arith.constant 0 : index
    %get3A_10 = vector.load %arg3[%get3A_8, %get3A_9] : memref<1x128xf32, #tpu.memory_space<vmem>>, vector<1x128xf32>
    %add3A_11 = vector.broadcast %get3A_10 : vector<1x128xf32> to vector<1000x128xf32>
    %add3A_12 = arith.addf %mul3A_7, %add3A_11 : vector<1000x128xf32>
    %get3A_13 = arith.constant 0 : index
    %get3A_14 = arith.constant 0 : index
    %get3A_15 = vector.load %arg4[%get3A_13, %get3A_14] : memref<128x128xf32, #tpu.memory_space<vmem>>, vector<128x128xf32>
    %dot_general3A = arith.constant dense<0.000000e+00> : vector<1000x128xf32>
    %dot_general3A_16 = tpu.matmul %add3A_12, %get3A_15, %dot_general3A {dimension_numbers = #tpu.dot_dimension_numbers<[1], [0], [0], [1], [0, 0, 1, 1], [], []>, transpose_lhs_hint = false} : vector<1000x128xf32>, vector<128x128xf32>, vector<1000x128xf32> -> vector<1000x128xf32>
    %get3A_17 = arith.constant 0 : index
    %get3A_18 = arith.constant 0 : index
    %get3A_19 = vector.load %arg5[%get3A_17, %get3A_18] : memref<1x128xf32, #tpu.memory_space<vmem>>, vector<1x128xf32>
    %add3A_20 = vector.broadcast %get3A_19 : vector<1x128xf32> to vector<1000x128xf32>
    %add3A_21 = arith.addf %dot_general3A_16, %add3A_20 : vector<1000x128xf32>
    %swap3A = arith.constant 0 : index
    %swap3A_22 = arith.constant 0 : index
    %swap3A_23 = vector.load %arg6[%swap3A, %swap3A_22] : memref<1000x128xf32, #tpu.memory_space<vmem>>, vector<1000x128xf32>
    tpu.vector_store %arg6[%swap3A, %swap3A_22], %add3A_21 {strides = array<i32>} : memref<1000x128xf32, #tpu.memory_space<vmem>>, vector<1000x128xf32>,
    return
  }
  func.func @transform_0(%arg0: i32) -> (i32, i32) {
    %c0_i32 = arith.constant 0 : i32
    %c0_i32_0 = arith.constant 0 : i32
    return %arg0, %c0_i32 : i32, i32
  }
  func.func @transform_1(%arg0: i32) -> (i32, i32) {
    %c0_i32 = arith.constant 0 : i32
    %c0_i32_0 = arith.constant 0 : i32
    return %arg0, %c0_i32 : i32, i32
  }
  func.func @transform_2(%arg0: i32) -> (i32, i32) {
    %c0_i32 = arith.constant 0 : i32
    %c0_i32_0 = arith.constant 0 : i32
    %c0_i32_1 = arith.constant 0 : i32
    return %c0_i32, %c0_i32_0 : i32, i32
  }
  func.func @transform_3(%arg0: i32) -> (i32, i32) {
    %c0_i32 = arith.constant 0 : i32
    %c0_i32_0 = arith.constant 0 : i32
    %c0_i32_1 = arith.constant 0 : i32
    return %c0_i32, %c0_i32_0 : i32, i32
  }
  func.func @transform_4(%arg0: i32) -> (i32, i32) {
    %c0_i32 = arith.constant 0 : i32
    %c0_i32_0 = arith.constant 0 : i32
    %c0_i32_1 = arith.constant 0 : i32
    return %c0_i32, %c0_i32_0 : i32, i32
  }
  func.func @transform_5(%arg0: i32) -> (i32, i32) {
    %c0_i32 = arith.constant 0 : i32
    %c0_i32_0 = arith.constant 0 : i32
    return %arg0, %c0_i32 : i32, i32
  }
}

</mosaic_0001>

<sc_bundles>
// kernel: kernel.11.cloned.1.call-start
scs
__scs_entry_jumppad:
0x0: {  	(pc) =	sbr.rel $0x88, $3  }
0x1: {  	(tag) =	ssettag $0x0;
	lr =	simm.s32 $0x1  }
0x2: {  	[smem:$0x3F99] =	sst lr;
	_ =	strace $0xD0000000  }
0x3: {  	_ = 	snop  }
0x4: {  	_ = 	snop  }
0x5: {  	_ = 	snop  }
0x6: {  	_ = 	snop  }
0x7: {  	_ = 	snop  }
__scs_overlays_trampoline_lowered:
0x8: {  	[smem:$0x3FA8] =	sst s0  }
0x9: {  	[smem:$0x3FA9] =	sst s1  }
0xa: {  	[smem:$0x3FAA] =	sst s2  }
0xb: {  	[smem:$0x3FAB] =	sst s3  }
0xc: {  	[smem:$0x3FAC] =	sst s4  }
0xd: {  	[smem:$0x3FAD] =	sst s5  }
0xe: {  	[smem:$0x3FAE] =	sst s6  }
0xf: {  	[smem:$0x3FAF] =	sst s7  }
0x10: {  	[smem:$0x3FB0] =	sst s8  }
0x11: {  	[smem:$0x3FB1] =	sst s9;
	s0 =	simm.s32 @!p0 $0x0  }
0x12: {  	s1 =	sld [smem:$0x3F97];
	s0 =	simm.s32 @p0 $0x1  }
0x13: {  	[smem:$0x3FB2] =	sst s0;
	s0 =	simm.s32 @!p1 $0x0  }
0x14: {  	s2 =	sld [smem:$0x3F96];
	s0 =	simm.s32 @p1 $0x1  }
0x15: {  	[smem:$0x3FB3] =	sst s0;
	s0 =	simm.s32 @!p2 $0x0  }
0x16: {  	s3 =	sld [smem:$0x3FDB];
	s0 =	simm.s32 @p2 $0x1  }
0x17: {  	s4 =	simm.s32 $0x1BF5;
	[smem:$0x3FB5] =	sst s0  }
0x18: {  	s0 =	sld [smem:$0x3F98];
	_ =	swait.ge [sflag:s4], $0x0  }
0x19: {  	s7 =	sld [smem:$0x3F99]  }
0x1a: {  	s8 =	sadd.s32 $0xFFFFE003, lr  }
0x1b: {  	s9 =	sadd.s32 $0xFFFFFEF7, lr;
	s5 =	simm.s32 $0xFFFFFFFF;
	p2 =	slt.u32 s8, $0xFFFFF086  }
0x1c: {  	p1 =	slt.u32 s9, $0xF7A;
	s5 =	simm.s32 @!p2 $0x0  }
0x1d: {  	s5 =	simm.s32 @p1 $0x1;
	p0 =	seq.s32 s7, s2  }
0x1e: {  	s7 =	smul.u32 @!p0 $0xF7A, s2;
	p2 =	seq.s32 @!p0 s5, $0x0  }
0x1f: {  	s9 =	smul.u32 $0xF7A, s1;
	s8 =	simm.s32 @!p0 $0x1BF5;
	p2 =	por !p2, p0  }
0x20: {  	[sflag:s8] =	ssyncset.s32 @!p0 $0xFFFFF086;
	s6 =	sadd.s32 @!p0 s3, s7;
	s7 =	simm.s32 @!p0 $0x108  }
0x21: {  	s3 =	sadd.s32 s3, s9;
	s6 =	sadd.s32 @!p0 $0x88, s6;
	s7 =	simm.s32 @p2 $0x1082  }
0x22: {  	[simem:s7], [sflag:s8] =	dma.local @!p0 [hbm:s6], $0xF7A  }
0x23: {  	s9 =	sor.u32 $0xD0000000, s2;
	s6 =	simm.s32 $0x108;
	_ =	swait.ge @!p0 [sflag:s8], $0x0  }
0x24: {  	s3 =	sadd.s32 $0x88, s3;
	s6 =	simm.s32 @!p1 $0x1082;
	[sflag:s4] =	ssyncset.s32 $0xFFFFF086  }
0x25: {  	[simem:s6], [sflag:s4] =	dma.local [hbm:s3], $0xF7A  }
0x26: {  	[smem:$0x3F99] =	sst s1;
	(tag) =	ssettag s2;
	_ =	strace s9  }
0x27: {  	s1 =	sld [smem:$0x3FA9]  }
0x28: {  	s2 =	sld [smem:$0x3FAA]  }
0x29: {  	s4 =	sld [smem:$0x3FAC]  }
0x2a: {  	p0 =	seq.s32 s5, $0x0;
	s5 =	sld [smem:$0x3FAD]  }
0x2b: {  	s6 =	sld [smem:$0x3FAE]  }
0x2c: {  	s7 =	sld [smem:$0x3FAF]  }
0x2d: {  	s3 =	simm.s32 $0x108;
	s8 =	sld [smem:$0x3FB0]  }
0x2e: {  	s3 =	simm.s32 @!p0 $0x1082;
	s9 =	sld [smem:$0x3FB1]  }
0x2f: {  	lr =	sadd.s32 s0, s3;
	s0 =	sld [smem:$0x3FA8]  }
0x30: {  	s3 =	sld [smem:$0x3FAB]  }
0x31: {  	[smem:$0x3FB4] =	sst s10  }
0x32: {  	s10 =	sld [smem:$0x3FB2];
	_ =	sdelay $0x3  }
0x33: {  	p0 =	seq.s32 s10, $0x1;
	s10 =	sld [smem:$0x3FB4];
	_ =	sdelay $0x3  }
0x34: {  	[smem:$0x3FB4] =	sst s10  }
0x35: {  	s10 =	sld [smem:$0x3FB3];
	_ =	sdelay $0x3  }
0x36: {  	p1 =	seq.s32 s10, $0x1;
	s10 =	sld [smem:$0x3FB4];
	_ =	sdelay $0x3  }
0x37: {  	[smem:$0x3FB4] =	sst s10  }
0x38: {  	s10 =	sld [smem:$0x3FB5]  }
0x39: {  	_ = 	snop;
	(pc) =	sbr.ind lr, $3  }
0x3a: {  	_ = 	snop  }
0x3b: {  	_ = 	snop  }
0x3c: {  	p2 =	seq.s32 s10, $0x1;
	s10 =	sld [smem:$0x3FB4]  }
0x3d: {  	_ =	shalt  }
0x3e: {  	_ =	shalt  }
0x3f: {  	_ =	shalt  }
0x40: {  	_ =	shalt  }
0x41: {  	_ =	shalt  }
0x42: {  	_ =	shalt  }
0x43: {  	_ =	shalt  }
0x44: {  	_ =	shalt  }
0x45: {  	_ =	shalt  }
0x46: {  	_ =	shalt  }
0x47: {  	_ =	shalt  }
0x48: {  	_ =	shalt  }
0x49: {  	_ =	shalt  }
0x4a: {  	_ =	shalt  }
0x4b: {  	_ =	shalt  }
0x4c: {  	_ =	shalt  }
0x4d: {  	_ =	shalt  }
0x4e: {  	_ =	shalt  }
0x4f: {  	_ =	shalt  }
0x50: {  	_ =	shalt  }
0x51: {  	_ =	shalt  }
0x52: {  	_ =	shalt  }
0x53: {  	_ =	shalt  }
0x54: {  	_ =	shalt  }
0x55: {  	_ =	shalt  }
0x56: {  	_ =	shalt  }
0x57: {  	_ =	shalt  }
0x58: {  	_ =	shalt  }
0x59: {  	_ =	shalt  }
0x5a: {  	_ =	shalt  }
0x5b: {  	_ =	shalt  }
0x5c: {  	_ =	shalt  }
0x5d: {  	_ =	shalt  }
0x5e: {  	_ =	shalt  }
0x5f: {  	_ =	shalt  }
0x60: {  	_ =	shalt  }
0x61: {  	_ =	shalt  }
0x62: {  	_ =	shalt  }
0x63: {  	_ =	shalt  }
0x64: {  	_ =	shalt  }
0x65: {  	_ =	shalt  }
0x66: {  	_ =	shalt  }
0x67: {  	_ =	shalt  }
0x68: {  	_ =	shalt  }
0x69: {  	_ =	shalt  }
0x6a: {  	_ =	shalt  }
0x6b: {  	_ =	shalt  }
0x6c: {  	_ =	shalt  }
0x6d: {  	_ =	shalt  }
0x6e: {  	_ =	shalt  }
0x6f: {  	_ =	shalt  }
0x70: {  	_ =	shalt  }
0x71: {  	_ =	shalt  }
0x72: {  	_ =	shalt  }
0x73: {  	_ =	shalt  }
0x74: {  	_ =	shalt  }
0x75: {  	_ =	shalt  }
0x76: {  	_ =	shalt  }
0x77: {  	_ =	shalt  }
0x78: {  	_ =	shalt  }
0x79: {  	_ =	shalt  }
0x7a: {  	_ =	shalt  }
0x7b: {  	_ =	shalt  }
0x7c: {  	_ =	shalt  }
0x7d: {  	_ =	shalt  }
0x7e: {  	_ =	shalt  }
0x7f: {  	_ =	shalt  }
0x80: {  	_ =	shalt  }
0x81: {  	_ =	shalt  }
0x82: {  	_ =	shalt  }
0x83: {  	_ =	shalt  }
0x84: {  	_ =	shalt  }
0x85: {  	_ =	shalt  }
0x86: {  	_ =	shalt  }
0x87: {  	_ =	shalt  }
.Lfunc_end0:
.L_simem_size_0:
called_computation.1_lowered:
.L_overlay_start_0:
0x88: {  	s2 =	sld [smem:$0x3FD9]  }
0x89: {  	s3 =	sld [smem:$0x3FFE];
	_ =	sdelay $0x1  }
0x8a: {  	s1 =	srdreg.scid  }
0x8b: {  	s0 =	sand.u32 $0x1, s1  }
0x8c: {  	s17 =	sshll.u32 s0, $0xA;
	s2 =	sadd.s32 s3, s2  }
0x8d: {  	s2 =	sadd.s32 s2, s17  }
0x8e: {  	[smem:$0x3FC0] =	sst s2  }
0x8f: {  	_ = 	snop  }
0x90: {  	s2 =	sld [smem:$0x3FD0];
	(tm) =	ssettm $0x1  }
0x91: {  	s18 =	sld [smem:$0x3FFB];
	_ =	sdelay $0x3  }
0x92: {  	_ =	strace s18  }
0x93: {  	s3 =	sld [smem:$0x3FFC];
	_ =	sdelay $0x3  }
0x94: {  	_ =	strace s3  }
0x95: {  	s3 =	sld [smem:$0x3FFD];
	_ =	sdelay $0x3  }
0x96: {  	_ =	strace s3  }
0x97: {  	_ =	strace $0x8FFFFFFF  }
0x98: {  	s19 =	sld [smem:$0x3FDB];
	_ =	sdelay $0x1  }
0x99: {  	s4 =	simm.s32 $_scs_section_size  }
0x9a: {  	s5 =	simm.s32 $_size__tile_overlayer_lowered;
	s6 =	simm.s32 $_tile_overlayer_lowered  }
0x9b: {  	s22 =	simm.s32 $0x1BFF;
	s21 =	sshll.u32 s6, $0x1;
	s3 =	sadd.s32 s4, s19  }
0x9c: {  	s7 =	simm.s32 $0x0;
	s20 =	sshll.u32 s5, $0x1;
	s5 =	sadd.s32 s21, s3  }
0x9d: {  	[timem:s7], [sflag:s22] =	dma.local [hbm:s5], s20  }
0x9e: {  	_ =	swait.ge [sflag:s22], s20  }
0x9f: {  	s4 =	ssub.s32 $0x0, s20;
	[sflag:s22] =	ssyncset.done $0x0  }
0xa0: {  	[sflag:s22] =	ssyncadd.s32 s4;
	_ =	sdelay $0x1  }
0xa1: {  	s23 =	simm.s32 $0x1B8B  }
0xa2: {  	_ =	swait.ge [sflag:s23], $0x1  }
0xa3: {  	[sflag:s23] =	ssyncset.done $0x0  }
0xa4: {  	s25 =	simm.s32 $0x1B8E;
	s24 =	sld [smem:$0x3FFE];
	[sflag:s23] =	ssyncadd.s32 $0xFFFFFFFF  }
0xa5: {  	s26 =	simm.s32 $execute0_lowered;
	[smem:$0x3FD2] =	sst s25  }
0xa6: {  	s5 =	sshll.u32 s26, $0x1;
	_ =	strace $0x80000049;
	[dreg:$0x1] =	wrdreg $0xFFFFFFFF  }
0xa7: {  	s28 =	simm.s32 $_size_execute0_lowered;
	s3 =	sadd.s32 s3, s5;
	[dreg:$0x0] =	wrdreg $0x0  }
0xa8: {  	s5 =	sshll.u32 s28, $0x1;
	[dreg:$0x2] =	wrdreg s3  }
0xa9: {  	[dreg:$0x3] =	wrdreg s5  }
0xaa: {  	[dreg:$0x4] =	wrdreg $0xC0  }
0xab: {  	_ =	task [dreg:s7], $0x5FFFF  }
0xac: {  	[dreg:$0x1] =	wrdreg $0xFFFFFFFF  }
0xad: {  	[dreg:$0x0] =	wrdreg $0x60  }
0xae: {  	[dreg:$0x2] =	wrdreg s24  }
0xaf: {  	[dreg:$0x3] =	wrdreg s2  }
0xb0: {  	[dreg:$0x4] =	wrdreg $0x120800  }
0xb1: {  	[dreg:$0x5] =	wrdreg $0x9  }
0xb2: {  	_ =	task.clear_ibuf [dreg:s7], $0x6FFFF;
	_ =	strace $0x90000049  }
0xb3: {  	s29 =	simm.s32 $0x9;
	_ =	strace $0x8000004B  }
0xb4: {  	_ =	swait.ge [sflag:s29], $0x1  }
0xb5: {  	[sflag:s29] =	ssyncadd.s32 $0xFFFFFFFF  }
0xb6: {  	_ =	strace $0x9000004B  }
0xb7: {  	_ =	sfence  }
0xb8: {  	s30 =	sld [smem:$0x0];
	_ =	sdelay $0x2  }
0xb9: {  	s31 =	sshll.u32 s1, $0xD;
	s1 =	sshrl.u32 s1, $0x2  }
0xba: {  	s3 =	sand.u32 $0x4000, s31;
	s1 =	sadd.s32 s1, s30  }
0xbb: {  	s0 =	sor.u32 s3, s0;
	s1 =	sshll.u32 s1, $0x11  }
0xbc: {  	s0 =	sor.u32 s1, s0  }
0xbd: {  	s0 =	sadd.s32 $0x8F2B, s0  }
0xbe: {  	[sflag:s0] =	ssyncadd.remote.s32 $0x1  }
0xbf: {  	_ =	sfence.sel $0xFFFF  }
0xc0: {  	[dreg:$0x0] =	wrdreg $0xFFFFFFFF;
	(pc) =	sbr.abs _section_cstart, $3  }
0xc1: {  	[dreg:$0x1] =	wrdreg $0xFFFFFFFF  }
0xc2: {  	_ =	task.clear_ibuf [dreg:s7], $0x2FFFF;
	_ =	strace $0x9FFFFFFF  }
0xc3: {  	(tm) =	ssettm $0x7FFFFFFF  }
tec
execute0_lowered:
.L_overlay_start_1:
0x0: {  	(tag) =	ssettag $0x1  }
0x1: {  	s0 =	rddreg [dreg:$0x0]  }
0x2: {  	s4 =	rddreg [dreg:$0x1];
	s18 =	stileid.u32  }
0x3: {  	s1 =	rddreg [dreg:$0x2];
	s11 =	smul.u32 $0xA000, s18  }
0x4: {  	s2 =	simm.s32 $0x0;
	s5 =	srdreg.scid;
	s12 =	smul.u32 $0x1400, s18  }
0x5: {  	[smem:$0x7FF] =	sst s2;
	s3 =	sadd.s32 $0x47E00, s0;
	s20 =	smul.u32 $0x148, s18  }
0x6: {  	s7 =	sand.u32 $0x1, s5;
	s9 =	sadd.s32 $0x1FC00, s0;
	s16 =	smul.u32 $0x29000, s18  }
0x7: {  	s6 =	sadd.s32 $0x33C00, s0;
	s8 =	sadd.s32 $0x47C00, s0;
	s26 =	smul.u32 $0x1480, s18  }
0x8: {  	s13 =	sshllo.u32 s18, $0x1;
	s22 =	sshll.u32 s18, $0x5;
	s5 =	smul.u32 $0x29000, s7  }
0x9: {  	s18 =	simm.s32 $0x80;
	_ =	strace $0x8000004A;
	s31 =	smul.u32 $0xA00, s13  }
0xa: {  	s10 =	ssub.s32 $0x2, s7;
	p0 =	seq.s32 s7, $0x0;
	s15 =	smul.u32 $0x2900, s7  }
0xb: {  	s13 =	sshll.u32 s13, $0x4;
	s17 =	sand.u32 $0x180, s22;
	s23 =	sadd.s32 s8, s22  }
0xc: {  	s30 =	sshrl.u32 s10, $0x1;
	s11 =	sshrl.u32 s11, $0x3;
	s9 =	smov.u32 @p0 s4  }
0xd: {  	s21 =	sadd.s32 s6, s12;
	s13 =	sand.u32 $0x70, s13;
	s8 =	sadd.s32 s8, s17  }
0xe: {  	s16 =	sshrl.u32 s16, $0x2;
	[dreg:$0x9] =	wrdreg s26;
	s26 =	simm.s32 $0x0  }
0xf: {  	s0 =	sadd.s32 s5, s0;
	s14 =	ssub.s32 s10, s30;
	s11 =	sadd.s32 s9, s11  }
0x10: {  	s19 =	sadd.s32 s6, s31;
	s6 =	smov.u32 s21;
	s10 =	sadd.s32 s20, s15  }
0x11: {  	s17 =	sadd.s32 s13, s8;
	s8 =	smov.u32 s23;
	s24 =	sadd.s32 s16, s1  }
0x12: {  	s15 =	sadd.s32 s9, s12;
	[dreg:$0x6] =	wrdreg s24;
	s0 =	sadd.s32 $0x99E00, s0  }
0x13: {  	s10 =	sshll.u32 s10, $0x4;
	s29 =	smax.u32 s14, $0x1;
	[dreg:$0x8] =	wrdreg s0  }
.Ltmp0:
0x14: {  	s30 =	sadd.s32 $0xA00, s11;
	[dreg:$0xb] =	wrdreg s29;
	(pc) =	sbr.rel .LBB2_1-.Ltmp0, $4  }
0x15: {  	s31 =	sadd.s32 s9, s31;
	s25 =	sadd.s32 s3, s10;
	[dreg:$0xc] =	wrdreg s30  }
0x16: {  	s23 =	simm.s32 $0x100;
	s0 =	sadd.s32 $0x10, s31;
	[dreg:$0x7] =	wrdreg s25  }
0x17: {  	s7 =	smov.u32 s19;
	s28 =	sadd.s32 $0x14000, s25;
	[dreg:$0xd] =	wrdreg s0  }
0x18: {  	vm0 =	vmmov $0x1;
	vm1 =	vcmask $0x308;
	s19 =	simm.s32 $0x3;
	s24 =	simm.s32 $0x1;
	[dreg:$0xa] =	wrdreg s28  }
.LBB2_9:
0x19: {  	p1 =	por $0x0, $0x0  }
0x1a: {  	s5 =	simm.s32 @!p1 $0x0  }
0x1b: {  	s5 =	simm.s32 @p1 $0x1  }
0x1c: {  	s9 =	simm.s32 $0x0;
	[smem:$0x7F9] =	sst s5  }
.LBB2_12:
0x1d: {  	s5 =	sld [smem:$0x7F9];
	_ =	sdelay $0x2  }
0x1e: {  	p5 =	seq.s32 s5, $0x1  }
0x1f: {  	s5 =	simm.s32 @!p5 $0x0  }
0x20: {  	p1 =	por p2, !p5;
	s5 =	simm.s32 @p5 $0x1  }
0x21: {  	[smem:$0x7F9] =	sst s5;
	s5 =	simm.s32 @!p1 $0x0  }
0x22: {  	s5 =	simm.s32 @p1 $0x1  }
0x23: {  	[smem:$0x7F8] =	sst s5  }
0x24: {  	p1 =	por @p5 p4, p2;
	s10 =	sld [smem:$0x7F8]  }
0x25: {  	s5 =	simm.s32 @!p1 $0x0  }
0x26: {  	s5 =	simm.s32 @p1 $0x1  }
0x27: {  	[smem:$0x7F6] =	sst s5;
	p1 =	seq.s32 s10, $0x1  }
0x28: {  	_ =	swait.ge @!p1 [sflag:s16], $0x4000  }
0x29: {  	s22 =	sld [smem:$0x7F6];
	_ =	sdelay $0x2  }
0x2a: {  	p1 =	seq.s32 s22, $0x1  }
0x2b: {  	s6 =	sld [smem:$0x7F8];
	p1 =	por p1, !p5  }
0x2c: {  	s7 =	sld [smem:$0x7F9];
	s5 =	simm.s32 @!p1 $0x0  }
0x2d: {  	s25 =	sld [smem:$0x7F8];
	s5 =	simm.s32 @p1 $0x1  }
0x2e: {  	p3 =	por !p3, p0;
	p5 =	slt.s32 @!p1 s14, s31;
	[smem:$0x7F7] =	sst s5  }
0x2f: {  	p1 =	seq.s32 s6, $0x1;
	s6 =	smov.u32 s4;
	s10 =	sld [smem:$0x7F7]  }
0x30: {  	s5 =	rddreg [dreg:$0x5];
	p4 =	por @!p1 !p5, p4;
	p5 =	por !p6, !p0  }
0x31: {  	s6 =	simm.s32 @!p5 $0x0;
	p5 =	seq.s32 s7, $0x1;
	s7 =	smov.u32 s4  }
0x32: {  	p2 =	por @p5 !p4, p2;
	s7 =	simm.s32 @!p3 $0x0;
	p1 =	seq.s32 s10, $0x1  }
0x33: {  	p3 =	seq.s32 s25, $0x1;
	p2 =	por !p2, !p5;
	s5 =	sadd.s32 @!p1 s21, s5  }
0x34: {  	s6 =	sadd.s32 @p0 s9, s6;
	[sflag:s16] =	ssyncset.done @!p3 $0x0;
	s14 =	smov.u32 @p2 s5  }
0x35: {  	s6 =	sshll.u32 @p0 s6, $0x9;
	[sflag:s16] =	ssyncadd.s32 @!p3 $0xFFFFC000;
	s5 =	sshll.u32 @!p1 s14, $0x9  }
0x36: {  	s10 =	simm.s32 @!p1 $0xA000;
	s14 =	simm.s32 @!p1 $0x80;
	s5 =	sshra.s32 @!p1 s5, $0x2  }
0x37: {  	[tilespmem:s10], [sflag:$0x1] =	stream.indirect.gather @!p1 [hbm4b:s3+s14], $0x80, s5, s14, $0xb8;
	[tilespmem:$0x1C480] =	vst v63  }
0x38: {  	s6 =	sshra.s32 @p0 s6, $0x2;
	p2 =	slt.s32 @!p0 s9, s31  }
0x39: {  	[spmem:s1] =	stream.indirect.scatter.add.f32 @!p3 [tilespmem:s12], [sflag:$0x3], $0x80, s13, s11, $0xb8;
	[tilespmem:$0x1C480] =	vst v63  }
0x3a: {  	s6 =	sadd.s32 @p0 $0x5000, s6;
	p1 =	por !p2, p0;
	_ =	swait.ge @p5 [sflag:s20], $0x4000  }
0x3b: {  	s5 =	sadd.s32 @!p0 s9, s7;
	s7 =	simm.s32 @p0 $0x80;
	[sflag:s20] =	ssyncset.done @p5 $0x0  }
0x3c: {  	s10 =	simm.s32 @p0 $0xA000;
	s5 =	sshll.u32 @!p0 s5, $0x9;
	[sflag:s20] =	ssyncadd.s32 @p5 $0xFFFFC000  }
0x3d: {  	s4 =	simm.s32 @!p1 $0x0;
	p1 =	por p0, p0;
	_ =	swait.ge [sflag:s24], $0x4000  }
0x3e: {  	s5 =	sadd.s32 @!p0 $0x200, s5;
	s4 =	sadd.s32 @!p0 s9, s4;
	[sflag:s24] =	ssyncset.done $0x0  }
0x3f: {  	s4 =	sshll.u32 @!p0 s4, $0x9;
	s5 =	sshra.s32 @!p1 s5, $0x2;
	[sflag:s24] =	ssyncadd.s32 $0xFFFFC000  }
0x40: {  	[spmem:s1] =	stream.indirect.scatter.add.f32 @p1 [tilespmem:s10], [sflag:$0x4], $0x80, s6, s7, $0xb8;
	[tilespmem:$0x1C480] =	vst v63  }
0x41: {  	s4 =	sshra.s32 @!p0 s4, $0x2;
	s6 =	simm.s32 @!p1 $0x80;
	s7 =	simm.s32 @!p1 $0xE000  }
0x42: {  	[tilespmem:s7], [sflag:$0x2] =	stream.indirect.gather @!p1 [hbm4b:s3+s6], $0x80, s5, s6, $0xb8;
	[tilespmem:$0x1C480] =	vst v63  }
0x43: {  	s11 =	simm.s32 @!p1 $0x4;
	s4 =	sadd.s32 @!p0 $0x5000, s4;
	s10 =	simm.s32 @!p1 $0xA000  }
0x44: {  	[spmem:s1] =	stream.indirect.scatter.add.f32 @!p1 [tilespmem:s10], [sflag:$0x4], $0x80, s4, s6, $0xb8;
	[tilespmem:$0x1C480] =	vst v63  }
0x45: {  	s4 =	sadd.s32 @!p1 $0x2, s9;
	_ =	swait.ge @!p1 [sflag:s11], $0x4000  }
0x46: {  	p2 =	sge.s32 @!p1 s4, s0;
	[sflag:s11] =	ssyncset.done @!p1 $0x0  }
0x47: {  	s10 =	simm.s32 @!p1 $0x2;
	p3 =	por p2, p1;
	[sflag:s11] =	ssyncadd.s32 @!p1 $0xFFFFC000  }
0x48: {  	p4 =	slt.s32 @!p3 s4, s31;
	_ =	swait.ge @!p1 [sflag:s10], $0x4000  }
0x49: {  	p2 =	por @!p1 !p4, p2;
	s0 =	rddreg [dreg:$0x5]  }
0x4a: {  	p2 =	por !p2, p1;
	s0 =	sadd.s32 @!p3 s9, s0  }
0x4b: {  	[sflag:s10] =	ssyncset.done @!p1 $0x0;
	s0 =	smov.u32 @p2 s4  }
0x4c: {  	[sflag:s10] =	ssyncadd.s32 @!p1 $0xFFFFC000;
	s0 =	sshll.u32 @!p3 s0, $0x9  }
0x4d: {  	s9 =	simm.s32 @!p3 $0xA000;
	s10 =	simm.s32 @!p3 $0x80;
	s0 =	sshra.s32 @!p3 s0, $0x2  }
0x4e: {  	[tilespmem:s9], [sflag:$0x1] =	stream.indirect.gather @!p3 [hbm4b:s3+s10], $0x80, s0, s10, $0xb8;
	[tilespmem:$0x1C480] =	vst v63  }
0x4f: {  	s4 =	simm.s32 @!p0 $0x3;
	s0 =	sadd.s32 @!p1 $0x5000, s5  }
0x50: {  	[spmem:s1] =	stream.indirect.scatter.add.f32 @!p1 [tilespmem:s7], [sflag:$0x3], $0x80, s0, s6, $0xb8;
	[tilespmem:$0x1C480] =	vst v63  }
0x51: {  	s4 =	simm.s32 @p1 $0x4;
	s6 =	smov.u32 s8  }
0x52: {  	s7 =	smov.u32 s17;
	s8 =	smov.u32 s18;
	_ =	swait.ge [sflag:s4], $0x4000  }
0x53: {  	s17 =	smov.u32 s15;
	s15 =	smov.u32 s23;
	[sflag:s4] =	ssyncset.done $0x0  }
0x54: {  	s18 =	simm.s32 $0x80;
	s23 =	simm.s32 $0x100;
	[sflag:s4] =	ssyncadd.s32 $0xFFFFC000  }
.LBB2_13:
0x55: {  	[bflag:$0x0] =	sbarrier.arrive $0xFFFF;
	s0 =	sadd.s32 $0x14800, s30  }
0x56: {  	[hbm:s0], [sflag:s28] =	dma.local [spmem:s29], $0x1480  }
0x57: {  	_ =	swait.ge [sflag:s19], $0x1480  }
0x58: {  	s26 =	sadd.s32 $0x1, s26;
	s31 =	rddreg [dreg:$0xb]  }
0x59: {  	p0 =	sne.s32 s26, s31  }
.Ltmp1:
0x5a: {  	_ = 	snop;
	(pc) =	sbr.rel @!p0 .LBB2_14-.Ltmp1, $3  }
0x5b: {  	_ =	sdelay $0x1  }
0x5c: {  	[sflag:s19] =	ssyncset.done $0x0  }
0x5d: {  	[sflag:s19] =	ssyncadd.s32 $0xFFFFEB80  }
.LBB2_1:
0x5e: {  	[tilespmem:s2], [sflag:$0x3] =	stream.strided.gather [hbm4b:s15+s18], $0x2800, s23, s18, $0x38;
	[tilespmem:$0x1C480] =	vst v63  }
0x5f: {  	_ =	swait.ge [sflag:s19], $0x2800  }
0x60: {  	[sflag:s19] =	ssyncset.done $0x0  }
0x61: {  	s4 =	simm.s32 $0x2800;
	s0 =	rddreg [dreg:$0xc];
	[sflag:s19] =	ssyncadd.s32 $0xFFFFD800  }
0x62: {  	[tilespmem:s4], [sflag:$0x3] =	stream.strided.gather [hbm4b:s0+s18], $0x2800, s23, s18, $0x38;
	[tilespmem:$0x1C480] =	vst v63  }
0x63: {  	_ =	swait.ge [sflag:s19], $0x2800  }
0x64: {  	[sflag:s19] =	ssyncset.done $0x0  }
0x65: {  	s10 =	simm.s32 $0x5000;
	[sflag:s19] =	ssyncadd.s32 $0xFFFFD800  }
0x66: {  	[tilespmem:s10], [sflag:$0x3] =	stream.linear.gather [hbm4b:s6+s2], $0x2800, $0x38;
	[tilespmem:$0x1C480] =	vst v63  }
0x67: {  	_ =	swait.ge [sflag:s19], $0x2800  }
0x68: {  	[sflag:s19] =	ssyncset.done $0x0  }
0x69: {  	s11 =	simm.s32 $0x7800;
	[sflag:s19] =	ssyncadd.s32 $0xFFFFD800  }
0x6a: {  	[tilespmem:s11], [sflag:$0x3] =	stream.linear.gather [hbm4b:s7+s2], $0x2800, $0x38;
	[tilespmem:$0x1C480] =	vst v63  }
0x6b: {  	_ =	swait.ge [sflag:s19], $0x2800  }
0x6c: {  	[sflag:s19] =	ssyncset.done $0x0  }
0x6d: {  	s12 =	simm.s32 $0x12000;
	[sflag:s19] =	ssyncadd.s32 $0xFFFFD800  }
0x6e: {  	[tilespmem:s12], [sflag:$0x3] =	stream.linear.gather [hbm4b:s8+s2], $0x80, $0x38;
	[tilespmem:$0x1C480] =	vst v63  }
0x6f: {  	_ =	swait.ge [sflag:s19], $0x80  }
0x70: {  	[sflag:s19] =	ssyncset.done $0x0  }
0x71: {  	[sflag:s19] =	ssyncadd.s32 $0xFFFFFF80  }
0x72: {  	v0 =	vld [tilespmem:$0x12000];
	_ =	sdelay $0x4  }
0x73: {  	v0 =	vnsel vm0, $0x0, v0  }
0x74: {  	(xrf0) =	vadd.scan.msk.s32 $0xffff, v0;
	_ =	sdelay $0x5  }
0x75: {  	v0, _, _ =	vpop (xrf0)  }
0x76: {  	(v2sf) =	vpush v0, $0xF;
	_ =	sdelay $0xd  }
0x77: {  	[tilespmem:s12], [sflag:$0x3] =	stream.linear.gather [hbm4b:s17+s2], $0x80, $0x38;
	[tilespmem:$0x1C480] =	vst v63  }
0x78: {  	s13 =	spop (v2sf)  }
0x79: {  	_ =	swait.ge [sflag:s19], $0x80  }
0x7a: {  	[sflag:s19] =	ssyncset.done $0x0  }
0x7b: {  	[sflag:s19] =	ssyncadd.s32 $0xFFFFFF80  }
0x7c: {  	v63 =	vld [tilespmem:$0x12000];
	_ =	sdelay $0x4  }
0x7d: {  	v0 =	vnsel vm0, $0x0, v63  }
0x7e: {  	(xrf0) =	vadd.scan.msk.s32 $0xffff, v0;
	_ =	sdelay $0x5  }
0x7f: {  	v0, _, _ =	vpop (xrf0)  }
0x80: {  	(v2sf) =	vpush v0, $0xF;
	_ =	sdelay $0xb  }
0x81: {  	s5 =	stileid.u32  }
0x82: {  	s9 =	sshll.u32 s5, $0x6  }
0x83: {  	s28 =	sor.u32 $0x1C03, s9  }
0x84: {  	s0 =	sadd.s32 $0x7F, s13;
	s16 =	rddreg [dreg:$0x6];
	s14 =	spop (v2sf)  }
0x85: {  	s20 =	rddreg [dreg:$0x7];
	s29 =	sshrl.u32 s16, $0x3;
	s4 =	sadd.s32 $0x7F, s14  }
0x86: {  	[spmem:s29], [sflag:s28] =	dma.local [hbm:s20], $0x1480  }
0x87: {  	s30 =	sshra.s32 s0, $0x7;
	s4 =	sshra.s32 s4, $0x7;
	_ =	swait.ge [sflag:s19], $0x1480  }
0x88: {  	s31 =	sadd.s32 s30, s4;
	[sflag:s19] =	ssyncset.done $0x0  }
0x89: {  	p0 =	slt.s32 s31, $0x1;
	[sflag:s19] =	ssyncadd.s32 $0xFFFFEB80  }
0x8a: {  	s21 =	sadd.s32 $0x1, s31;
	p5 =	slt.s32 s31, $0x0;
	p1 =	sgt.s32 @!p0 s30, $0x0  }
0x8b: {  	s0 =	sand.u32 @!p0 $0xFFFFFF80, s0;
	[bflag:$0x0] =	sbarrier.arrive $0xFFFF;
	s4 =	simm.s32 @!p0 $0x80  }
0x8c: {  	s22 =	sand.u32 $0x1, s21;
	s0 =	ssub.s32 @!p0 $0x2800, s0;
	p1 =	por !p1, p0  }
0x8d: {  	s9 =	simm.s32 @!p0 $0xA000;
	p6 =	seq.s32 s22, $0x1;
	s0 =	simm.s32 @!p1 $0x0  }
0x8e: {  	[tilespmem:s9], [sflag:$0x1] =	stream.indirect.gather @!p0 [hbm4b:s3+s4], $0x80, s0, s4, $0xb8;
	[tilespmem:$0x1C480] =	vst v63  }
0x8f: {  	s25 =	sshrl.u32 s21, $0x1F;
	p0 =	por !p5, !p6  }
0x90: {  	s0 =	sadd.s32 s25, s21;
	s4 =	simm.s32 $0x1;
	p0 =	por !p0, !p0  }
0x91: {  	s0 =	sshra.s32 s0, $0x1;
	s4 =	simm.s32 @!p0 $0x0  }
0x92: {  	s4 =	ssub.s32 s0, s4  }
0x93: {  	p0 =	slt.s32 s4, $0x1  }
.Ltmp2:
0x94: {  	_ = 	snop;
	(pc) =	sbr.rel @p0 .LBB2_7-.Ltmp2, $1  }
0x95: {  	_ =	sdelay $0x3  }
0x96: {  	s4 =	sadd.s32 $0xFFFFFFFF, s4  }
0x97: {  	p1 =	sne.s32 s4, $0x0  }
.Ltmp3:
0x98: {  	_ = 	snop;
	(pc) =	sbr.rel @!p1 .LBB2_3-.Ltmp3, $4  }
0x99: {  	_ = 	snop  }
0x9a: {  	s9 =	ssub.s32 $0x52, s30  }
0x9b: {  	s0 =	ssub.s32 $0x50, s30;
	s20 =	simm.s32 $0x0;
	p0 =	sle.s32 s31, $0x1  }
0x9c: {  	[dreg:$0x4] =	wrdreg s9;
	p6 =	sgt.s32 @p0 s30, $0x0;
	p3 =	sgt.s32 @!p0 s30, $0x1  }
0x9d: {  	p1 =	sgt.s32 @!p0 s30, $0x0  }
0x9e: {  	p2 =	por !p6, !p0;
	s9 =	smov.u32 s0;
	p3 =	por !p3, p0  }
0x9f: {  	s11 =	smov.u32 s0;
	s12 =	smov.u32 s0;
	_ =	swait.ge [sflag:s24], $0x4000  }
0xa0: {  	s16 =	simm.s32 @p0 $0xA000;
	p1 =	por !p1, p0;
	s9 =	simm.s32 @!p2 $0x0  }
0xa1: {  	s11 =	simm.s32 @!p3 $0x0;
	p2 =	por p0, p0;
	[sflag:s24] =	ssyncset.done $0x0  }
0xa2: {  	s11 =	sadd.s32 @!p0 $0x0, s11;
	s9 =	sadd.s32 @p0 $0x0, s9;
	s12 =	simm.s32 @!p1 $0x0  }
0xa3: {  	s21 =	simm.s32 @!p2 $0x80;
	[sflag:s24] =	ssyncadd.s32 $0xFFFFC000;
	s10 =	simm.s32 @!p2 $0xA000  }
0xa4: {  	s22 =	simm.s32 @!p2 $0xE000;
	p4 =	sle.s32 @!p2 s31, $0x2;
	p1 =	por $0x1, $0x1  }
0xa5: {  	s11 =	sshll.u32 @!p0 s11, $0x9;
	s9 =	sshll.u32 @p0 s9, $0x9;
	s12 =	sadd.s32 @!p0 $0x0, s12  }
0xa6: {  	s5 =	simm.s32 @!p1 $0x0;
	s13 =	sadd.s32 @!p0 $0x200, s11;
	s14 =	sshra.s32 @p0 s9, $0x2  }
0xa7: {  	s12 =	sshll.u32 @!p0 s12, $0x9;
	s9 =	simm.s32 @!p0 $0x3;
	s11 =	sadd.s32 $0xFFFFFFFF, s4  }
0xa8: {  	s5 =	simm.s32 @p1 $0x1;
	s4 =	sshra.s32 @!p0 s12, $0x2;
	s12 =	sadd.s32 @p0 $0x5000, s14  }
0xa9: {  	p5 =	sne.s32 s11, $0x0;
	s14 =	sadd.s32 @!p0 $0x5000, s4;
	s4 =	simm.s32 @p0 $0x80  }
0xaa: {  	[spmem:s1] =	stream.indirect.scatter.add.f32 @p2 [tilespmem:s16], [sflag:$0x4], $0x80, s12, s4, $0xb8;
	[tilespmem:$0x1C480] =	vst v63  }
0xab: {  	s25 =	sshra.s32 @!p2 s13, $0x2;
	s13 =	simm.s32 @!p2 $0x2;
	s9 =	simm.s32 @p2 $0x4  }
0xac: {  	[tilespmem:s22], [sflag:$0x2] =	stream.indirect.gather @!p2 [hbm4b:s3+s21], $0x80, s25, s21, $0xb8;
	[tilespmem:$0x1C480] =	vst v63  }
.Ltmp4:
0xad: {  	p0 =	sle.s32 s31, $0x3;
	s16 =	simm.s32 @!p2 $0x4;
	(pc) =	sbr.rel @!p5 .LBB2_6-.Ltmp4, $4  }
0xae: {  	[spmem:s1] =	stream.indirect.scatter.add.f32 @!p2 [tilespmem:s10], [sflag:$0x4], $0x80, s14, s21, $0xb8;
	[tilespmem:$0x1C480] =	vst v63  }
0xaf: {  	s4 =	simm.s32 $0x2;
	s12 =	sadd.s32 @!p2 $0x5000, s25;
	_ =	swait.ge @!p2 [sflag:s16], $0x4000  }
0xb0: {  	p6 =	sgt.s32 @p0 s30, $0x2;
	p3 =	sgt.s32 @!p0 s30, $0x3;
	[sflag:s16] =	ssyncset.done @!p2 $0x0  }
0xb1: {  	s14 =	simm.s32 @!p2 $0x2;
	[smem:$0x7FD] =	sst s5;
	[sflag:s16] =	ssyncadd.s32 @!p2 $0xFFFFC000  }
.LBB2_5:
0xb2: {  	p1 =	slt.s32 @!p0 s4, s30;
	_ =	swait.ge @!p2 [sflag:s14], $0x4000  }
0xb3: {  	p5 =	por p4, p2;
	p6 =	por !p6, !p0;
	s16 =	smov.u32 s0  }
0xb4: {  	p3 =	por !p3, p0;
	s25 =	smov.u32 s0;
	s11 =	sadd.s32 $0xFFFFFFFF, s11  }
0xb5: {  	p1 =	por !p1, p0;
	s10 =	rddreg [dreg:$0x4];
	s16 =	simm.s32 @!p6 $0x0  }
0xb6: {  	p6 =	slt.s32 @!p5 s13, s30;
	s25 =	simm.s32 @!p3 $0x0;
	[sflag:s14] =	ssyncset.done @!p2 $0x0  }
0xb7: {  	p3 =	por @!p2 !p6, p4;
	s25 =	sadd.s32 @!p0 s4, s25;
	[sflag:s14] =	ssyncadd.s32 @!p2 $0xFFFFC000  }
0xb8: {  	s14 =	sadd.s32 @p0 s4, s16;
	s10 =	sadd.s32 @!p5 s20, s10;
	p3 =	por !p3, p2  }
0xb9: {  	s20 =	smov.u32 s0;
	s16 =	sshll.u32 @!p0 s25, $0x9;
	s10 =	smov.u32 @p3 s13  }
0xba: {  	s20 =	simm.s32 @!p1 $0x0;
	s14 =	sshll.u32 @p0 s14, $0x9;
	s10 =	sshll.u32 @!p5 s10, $0x9  }
0xbb: {  	s25 =	simm.s32 @!p5 $0x80;
	s13 =	simm.s32 @!p5 $0xA000;
	s10 =	sshra.s32 @!p5 s10, $0x2  }
0xbc: {  	[tilespmem:s13], [sflag:$0x1] =	stream.indirect.gather @!p5 [hbm4b:s3+s25], $0x80, s10, s25, $0xb8;
	[tilespmem:$0x1C480] =	vst v63  }
0xbd: {  	s16 =	sadd.s32 @!p0 $0x200, s16;
	s20 =	sadd.s32 @!p0 s4, s20;
	s10 =	sshra.s32 @p0 s14, $0x2  }
0xbe: {  	s13 =	sshll.u32 @!p0 s20, $0x9;
	s14 =	simm.s32 @!p0 $0x3;
	p5 =	sne.s32 s11, $0x0  }
0xbf: {  	[spmem:s1] =	stream.indirect.scatter.add.f32 @!p2 [tilespmem:s22], [sflag:$0x3], $0x80, s12, s21, $0xb8;
	[tilespmem:$0x1C480] =	vst v63  }
0xc0: {  	s20 =	smov.u32 s4;
	s4 =	sadd.s32 $0x2, s4;
	_ =	swait.ge [sflag:s9], $0x4000  }
0xc1: {  	s10 =	sadd.s32 @p0 $0x5000, s10;
	s13 =	sshra.s32 @!p0 s13, $0x2;
	[sflag:s9] =	ssyncset.done $0x0  }
0xc2: {  	s25 =	sadd.s32 @!p0 $0x5000, s13;
	s12 =	simm.s32 @p0 $0x80;
	[sflag:s9] =	ssyncadd.s32 $0xFFFFC000  }
0xc3: {  	s13 =	simm.s32 @p0 $0xA000;
	p2 =	por p0, p0;
	_ =	swait.ge [sflag:s24], $0x4000  }
0xc4: {  	s21 =	simm.s32 @!p2 $0x80;
	s5 =	simm.s32 @!p2 $0x4;
	[sflag:s24] =	ssyncset.done $0x0  }
0xc5: {  	s22 =	simm.s32 @!p2 $0xE000;
	s9 =	sshra.s32 @!p2 s16, $0x2;
	[sflag:s24] =	ssyncadd.s32 $0xFFFFC000  }
0xc6: {  	[spmem:s1] =	stream.indirect.scatter.add.f32 @p2 [tilespmem:s13], [sflag:$0x4], $0x80, s10, s12, $0xb8;
	[tilespmem:$0x1C480] =	vst v63  }
0xc7: {  	s16 =	simm.s32 @!p2 $0xA000;
	s13 =	sadd.s32 @!p2 $0x2, s20;
	s10 =	sadd.s32 $0x1, s4  }
0xc8: {  	[tilespmem:s22], [sflag:$0x2] =	stream.indirect.gather @!p2 [hbm4b:s3+s21], $0x80, s9, s21, $0xb8;
	[tilespmem:$0x1C480] =	vst v63  }
.Ltmp5:
0xc9: {  	s12 =	sadd.s32 @!p2 $0x5000, s9;
	p0 =	sge.s32 s10, s31;
	(pc) =	sbr.rel @p5 .LBB2_5-.Ltmp5, $4  }
0xca: {  	[spmem:s1] =	stream.indirect.scatter.add.f32 @!p2 [tilespmem:s16], [sflag:$0x4], $0x80, s25, s21, $0xb8;
	[tilespmem:$0x1C480] =	vst v63  }
0xcb: {  	p4 =	sge.s32 @!p2 s13, s31;
	s9 =	smov.u32 s14;
	_ =	swait.ge @!p2 [sflag:s5], $0x4000  }
0xcc: {  	s14 =	simm.s32 @!p2 $0x2;
	p6 =	slt.s32 @p0 s4, s30;
	[sflag:s5] =	ssyncset.done @!p2 $0x0  }
0xcd: {  	p3 =	slt.s32 @!p0 s10, s30;
	s9 =	simm.s32 @p2 $0x4;
	[sflag:s5] =	ssyncadd.s32 @!p2 $0xFFFFC000  }
.LBB2_6:
0xce: {  	s5 =	sld [smem:$0x7FD];
	_ =	sdelay $0x2  }
0xcf: {  	p5 =	seq.s32 s5, $0x1  }
0xd0: {  	s5 =	simm.s32 @!p5 $0x0  }
0xd1: {  	p1 =	por p2, !p5;
	s5 =	simm.s32 @p5 $0x1  }
0xd2: {  	[smem:$0x7FD] =	sst s5;
	s5 =	simm.s32 @!p1 $0x0  }
0xd3: {  	s5 =	simm.s32 @p1 $0x1  }
0xd4: {  	[smem:$0x7FC] =	sst s5  }
0xd5: {  	p1 =	por @p5 p4, p2;
	s11 =	sld [smem:$0x7FC]  }
0xd6: {  	s5 =	simm.s32 @!p1 $0x0  }
0xd7: {  	s5 =	simm.s32 @p1 $0x1  }
0xd8: {  	[smem:$0x7FA] =	sst s5;
	p1 =	seq.s32 s11, $0x1  }
0xd9: {  	_ =	swait.ge @!p1 [sflag:s14], $0x4000  }
0xda: {  	s16 =	sld [smem:$0x7FA];
	_ =	sdelay $0x2  }
0xdb: {  	p1 =	seq.s32 s16, $0x1  }
0xdc: {  	s10 =	sld [smem:$0x7FC];
	p1 =	por p1, !p5  }
0xdd: {  	s11 =	sld [smem:$0x7FD];
	s5 =	simm.s32 @!p1 $0x0  }
0xde: {  	s25 =	sld [smem:$0x7FC];
	s5 =	simm.s32 @p1 $0x1  }
0xdf: {  	p3 =	por !p3, p0;
	p5 =	slt.s32 @!p1 s13, s30;
	[smem:$0x7FB] =	sst s5  }
0xe0: {  	p1 =	seq.s32 s10, $0x1;
	s10 =	smov.u32 s0;
	s16 =	sld [smem:$0x7FB]  }
0xe1: {  	s5 =	rddreg [dreg:$0x4];
	p4 =	por @!p1 !p5, p4;
	p5 =	por !p6, !p0  }
0xe2: {  	s10 =	simm.s32 @!p5 $0x0;
	p5 =	seq.s32 s11, $0x1;
	s11 =	smov.u32 s0  }
0xe3: {  	p2 =	por @p5 !p4, p2;
	s11 =	simm.s32 @!p3 $0x0;
	p1 =	seq.s32 s16, $0x1  }
0xe4: {  	p3 =	seq.s32 s25, $0x1;
	p2 =	por !p2, !p5;
	s5 =	sadd.s32 @!p1 s20, s5  }
0xe5: {  	s10 =	sadd.s32 @p0 s4, s10;
	[sflag:s14] =	ssyncset.done @!p3 $0x0;
	s13 =	smov.u32 @p2 s5  }
0xe6: {  	s10 =	sshll.u32 @p0 s10, $0x9;
	[sflag:s14] =	ssyncadd.s32 @!p3 $0xFFFFC000;
	s5 =	sshll.u32 @!p1 s13, $0x9  }
0xe7: {  	s14 =	simm.s32 @!p1 $0x80;
	s13 =	simm.s32 @!p1 $0xA000;
	s5 =	sshra.s32 @!p1 s5, $0x2  }
0xe8: {  	[tilespmem:s13], [sflag:$0x1] =	stream.indirect.gather @!p1 [hbm4b:s3+s14], $0x80, s5, s14, $0xb8;
	[tilespmem:$0x1C480] =	vst v63  }
0xe9: {  	s10 =	sshra.s32 @p0 s10, $0x2;
	p2 =	slt.s32 @!p0 s4, s30  }
0xea: {  	[spmem:s1] =	stream.indirect.scatter.add.f32 @!p3 [tilespmem:s22], [sflag:$0x3], $0x80, s12, s21, $0xb8;
	[tilespmem:$0x1C480] =	vst v63  }
0xeb: {  	p1 =	por !p2, p0;
	s5 =	sadd.s32 @!p0 s4, s11;
	_ =	swait.ge @p5 [sflag:s9], $0x4000  }
0xec: {  	s11 =	simm.s32 @p0 $0xA000;
	s5 =	sshll.u32 @!p0 s5, $0x9;
	[sflag:s9] =	ssyncset.done @p5 $0x0  }
0xed: {  	s0 =	simm.s32 @!p1 $0x0;
	p1 =	por p0, p0;
	[sflag:s9] =	ssyncadd.s32 @p5 $0xFFFFC000  }
0xee: {  	s5 =	sadd.s32 @!p0 $0x200, s5;
	s0 =	sadd.s32 @!p0 s4, s0;
	_ =	swait.ge [sflag:s24], $0x4000  }
0xef: {  	s0 =	sshll.u32 @!p0 s0, $0x9;
	s5 =	sshra.s32 @!p1 s5, $0x2;
	[sflag:s24] =	ssyncset.done $0x0  }
0xf0: {  	s9 =	sadd.s32 @p0 $0x5000, s10;
	s10 =	simm.s32 @p0 $0x80;
	[sflag:s24] =	ssyncadd.s32 $0xFFFFC000  }
0xf1: {  	[spmem:s1] =	stream.indirect.scatter.add.f32 @p1 [tilespmem:s11], [sflag:$0x4], $0x80, s9, s10, $0xb8;
	[tilespmem:$0x1C480] =	vst v63  }
0xf2: {  	s0 =	sshra.s32 @!p0 s0, $0x2;
	s9 =	simm.s32 @!p1 $0x80;
	s10 =	simm.s32 @!p1 $0xE000  }
0xf3: {  	[tilespmem:s10], [sflag:$0x2] =	stream.indirect.gather @!p1 [hbm4b:s3+s9], $0x80, s5, s9, $0xb8;
	[tilespmem:$0x1C480] =	vst v63  }
0xf4: {  	s12 =	simm.s32 @!p1 $0x4;
	s0 =	sadd.s32 @!p0 $0x5000, s0;
	s11 =	simm.s32 @!p1 $0xA000  }
0xf5: {  	[spmem:s1] =	stream.indirect.scatter.add.f32 @!p1 [tilespmem:s11], [sflag:$0x4], $0x80, s0, s9, $0xb8;
	[tilespmem:$0x1C480] =	vst v63  }
0xf6: {  	s0 =	sadd.s32 @!p1 $0x2, s4;
	_ =	swait.ge @!p1 [sflag:s12], $0x4000  }
0xf7: {  	p2 =	sge.s32 @!p1 s0, s31;
	[sflag:s12] =	ssyncset.done @!p1 $0x0  }
0xf8: {  	s11 =	simm.s32 @!p1 $0x2;
	p3 =	por p2, p1;
	[sflag:s12] =	ssyncadd.s32 @!p1 $0xFFFFC000  }
0xf9: {  	p4 =	slt.s32 @!p3 s0, s30;
	_ =	swait.ge @!p1 [sflag:s11], $0x4000  }
0xfa: {  	p2 =	por @!p1 !p4, p2;
	s12 =	rddreg [dreg:$0x4]  }
0xfb: {  	p2 =	por !p2, p1;
	s4 =	sadd.s32 @!p3 s4, s12  }
0xfc: {  	[sflag:s11] =	ssyncset.done @!p1 $0x0;
	s4 =	smov.u32 @p2 s0  }
0xfd: {  	[sflag:s11] =	ssyncadd.s32 @!p1 $0xFFFFC000;
	s11 =	simm.s32 @!p3 $0xA000;
	s4 =	sshll.u32 @!p3 s4, $0x9  }
0xfe: {  	s12 =	simm.s32 @!p3 $0x80;
	s0 =	simm.s32 @!p0 $0x3;
	s4 =	sshra.s32 @!p3 s4, $0x2  }
0xff: {  	[tilespmem:s11], [sflag:$0x1] =	stream.indirect.gather @!p3 [hbm4b:s3+s12], $0x80, s4, s12, $0xb8;
	[tilespmem:$0x1C480] =	vst v63  }
0x100: {  	s0 =	simm.s32 @p1 $0x4;
	s4 =	sadd.s32 @!p1 $0x5000, s5  }
0x101: {  	[spmem:s1] =	stream.indirect.scatter.add.f32 @!p1 [tilespmem:s10], [sflag:$0x3], $0x80, s4, s9, $0xb8;
	[tilespmem:$0x1C480] =	vst v63  }
0x102: {  	_ =	swait.ge [sflag:s0], $0x4000  }
0x103: {  	[sflag:s0] =	ssyncset.done $0x0  }
0x104: {  	[sflag:s0] =	ssyncadd.s32 $0xFFFFC000  }
.LBB2_7:
0x105: {  	[bflag:$0x0] =	sbarrier.arrive $0xFFFF  }
0x106: {  	s0 =	rddreg [dreg:$0x8]  }
0x107: {  	s4 =	rddreg [dreg:$0x9]  }
0x108: {  	s30 =	sadd.s32 s4, s0  }
0x109: {  	[hbm:s30], [sflag:s28] =	dma.local [spmem:s29], $0x1480  }
0x10a: {  	_ =	swait.ge [sflag:s19], $0x1480  }
0x10b: {  	[sflag:s19] =	ssyncset.done $0x0  }
0x10c: {  	s21 =	sadd.s32 $0x10, s15;
	[sflag:s19] =	ssyncadd.s32 $0xFFFFEB80  }
0x10d: {  	[tilespmem:s2], [sflag:$0x3] =	stream.strided.gather [hbm4b:s21+s18], $0x2800, s23, s18, $0x38;
	[tilespmem:$0x1C480] =	vst v63  }
0x10e: {  	_ =	swait.ge [sflag:s19], $0x2800  }
0x10f: {  	[sflag:s19] =	ssyncset.done $0x0  }
0x110: {  	s22 =	simm.s32 $0x2800;
	s25 =	rddreg [dreg:$0xd];
	[sflag:s19] =	ssyncadd.s32 $0xFFFFD800  }
0x111: {  	[tilespmem:s22], [sflag:$0x3] =	stream.strided.gather [hbm4b:s25+s18], $0x2800, s23, s18, $0x38;
	[tilespmem:$0x1C480] =	vst v63  }
0x112: {  	_ =	swait.ge [sflag:s19], $0x2800  }
0x113: {  	[sflag:s19] =	ssyncset.done $0x0  }
0x114: {  	s5 =	sadd.s32 $0x500, s6;
	s9 =	simm.s32 $0x5000;
	[sflag:s19] =	ssyncadd.s32 $0xFFFFD800  }
0x115: {  	[tilespmem:s9], [sflag:$0x3] =	stream.linear.gather [hbm4b:s5+s2], $0x2800, $0x38;
	[tilespmem:$0x1C480] =	vst v63  }
0x116: {  	_ =	swait.ge [sflag:s19], $0x2800  }
0x117: {  	[sflag:s19] =	ssyncset.done $0x0  }
0x118: {  	s10 =	sadd.s32 $0x500, s7;
	s11 =	simm.s32 $0x7800;
	[sflag:s19] =	ssyncadd.s32 $0xFFFFD800  }
0x119: {  	[tilespmem:s11], [sflag:$0x3] =	stream.linear.gather [hbm4b:s10+s2], $0x2800, $0x38;
	[tilespmem:$0x1C480] =	vst v63  }
0x11a: {  	_ =	swait.ge [sflag:s19], $0x2800  }
0x11b: {  	[sflag:s19] =	ssyncset.done $0x0  }
0x11c: {  	s12 =	simm.s32 $0x12000;
	[sflag:s19] =	ssyncadd.s32 $0xFFFFD800  }
0x11d: {  	[tilespmem:s12], [sflag:$0x3] =	stream.linear.gather [hbm4b:s8+s2], $0x80, $0x38;
	[tilespmem:$0x1C480] =	vst v63  }
0x11e: {  	_ =	swait.ge [sflag:s19], $0x80  }
0x11f: {  	[sflag:s19] =	ssyncset.done $0x0  }
0x120: {  	[sflag:s19] =	ssyncadd.s32 $0xFFFFFF80  }
0x121: {  	v0 =	vld [tilespmem:$0x12000];
	_ =	sdelay $0x4  }
0x122: {  	v0 =	vsel vm1, $0x0, v0  }
0x123: {  	(xrf0) =	vadd.scan.msk.s32 $0xffff, v0;
	_ =	sdelay $0x5  }
0x124: {  	v0, _, _ =	vpop (xrf0)  }
0x125: {  	(v2sf) =	vpush v0, $0xF;
	_ =	sdelay $0xd  }
0x126: {  	[tilespmem:s12], [sflag:$0x3] =	stream.linear.gather [hbm4b:s17+s2], $0x80, $0x38;
	[tilespmem:$0x1C480] =	vst v63  }
0x127: {  	s13 =	spop (v2sf)  }
0x128: {  	_ =	swait.ge [sflag:s19], $0x80  }
0x129: {  	[sflag:s19] =	ssyncset.done $0x0  }
0x12a: {  	[sflag:s19] =	ssyncadd.s32 $0xFFFFFF80  }
0x12b: {  	v63 =	vld [tilespmem:$0x12000];
	_ =	sdelay $0x4  }
0x12c: {  	v0 =	vsel vm1, $0x0, v63  }
0x12d: {  	(xrf0) =	vadd.scan.msk.s32 $0xffff, v0;
	_ =	sdelay $0x5  }
0x12e: {  	v0, _, _ =	vpop (xrf0)  }
0x12f: {  	(v2sf) =	vpush v0, $0xF;
	_ =	sdelay $0xe  }
0x130: {  	s14 =	spop (v2sf)  }
0x131: {  	s5 =	sadd.s32 $0x7F, s13;
	s20 =	rddreg [dreg:$0xa];
	s16 =	sadd.s32 $0x7F, s14  }
0x132: {  	[spmem:s29], [sflag:s28] =	dma.local [hbm:s20], $0x1480  }
0x133: {  	s31 =	sshra.s32 s5, $0x7;
	s0 =	sshra.s32 s16, $0x7;
	_ =	swait.ge [sflag:s19], $0x1480  }
0x134: {  	s0 =	sadd.s32 s31, s0;
	[sflag:s19] =	ssyncset.done $0x0  }
0x135: {  	p0 =	slt.s32 s0, $0x1;
	[sflag:s19] =	ssyncadd.s32 $0xFFFFEB80  }
0x136: {  	s21 =	sadd.s32 $0x1, s0;
	p5 =	slt.s32 s0, $0x0;
	p1 =	sgt.s32 @!p0 s31, $0x0  }
0x137: {  	s4 =	sand.u32 @!p0 $0xFFFFFF80, s5;
	[bflag:$0x0] =	sbarrier.arrive $0xFFFF;
	s5 =	simm.s32 @!p0 $0x80  }
0x138: {  	s22 =	sand.u32 $0x1, s21;
	s4 =	ssub.s32 @!p0 $0x2800, s4;
	p1 =	por !p1, p0  }
0x139: {  	s9 =	simm.s32 @!p0 $0xA000;
	p6 =	seq.s32 s22, $0x1;
	s4 =	simm.s32 @!p1 $0x0  }
0x13a: {  	[tilespmem:s9], [sflag:$0x1] =	stream.indirect.gather @!p0 [hbm4b:s3+s5], $0x80, s4, s5, $0xb8;
	[tilespmem:$0x1C480] =	vst v63  }
0x13b: {  	s25 =	sshrl.u32 s21, $0x1F;
	p0 =	por !p5, !p6  }
0x13c: {  	s4 =	sadd.s32 s25, s21;
	s5 =	simm.s32 $0x1;
	p0 =	por !p0, !p0  }
0x13d: {  	s4 =	sshra.s32 s4, $0x1;
	s5 =	simm.s32 @!p0 $0x0  }
0x13e: {  	s9 =	ssub.s32 s4, s5  }
0x13f: {  	p0 =	slt.s32 s9, $0x1  }
.Ltmp6:
0x140: {  	_ = 	snop;
	(pc) =	sbr.rel @p0 .LBB2_13-.Ltmp6, $1  }
0x141: {  	_ =	sdelay $0x3  }
0x142: {  	s9 =	sadd.s32 $0xFFFFFFFF, s9  }
0x143: {  	p1 =	sne.s32 s9, $0x0  }
.Ltmp7:
0x144: {  	_ = 	snop;
	(pc) =	sbr.rel @!p1 .LBB2_9-.Ltmp7, $4  }
0x145: {  	s23 =	smov.u32 s15;
	s15 =	smov.u32 s17;
	s18 =	smov.u32 s8  }
0x146: {  	s17 =	smov.u32 s7;
	s8 =	smov.u32 s6;
	s5 =	ssub.s32 $0x52, s31  }
0x147: {  	s4 =	ssub.s32 $0x50, s31;
	s21 =	simm.s32 $0x0;
	p0 =	sle.s32 s0, $0x1  }
0x148: {  	[dreg:$0x5] =	wrdreg s5;
	p6 =	sgt.s32 @p0 s31, $0x0;
	p3 =	sgt.s32 @!p0 s31, $0x1  }
0x149: {  	p1 =	sgt.s32 @!p0 s31, $0x0  }
0x14a: {  	p2 =	por !p6, !p0;
	s5 =	smov.u32 s4;
	p3 =	por !p3, p0  }
0x14b: {  	s10 =	smov.u32 s4;
	s11 =	smov.u32 s4;
	s20 =	simm.s32 @!p0 $0x3  }
0x14c: {  	s22 =	sadd.s32 $0xFFFFFFFF, s9;
	_ =	swait.ge [sflag:s24], $0x4000;
	s12 =	simm.s32 @p0 $0xA000  }
0x14d: {  	p1 =	por !p1, p0;
	s5 =	simm.s32 @!p2 $0x0;
	s10 =	simm.s32 @!p3 $0x0  }
0x14e: {  	p5 =	sne.s32 s22, $0x0;
	p2 =	por p0, p0;
	[sflag:s24] =	ssyncset.done $0x0  }
0x14f: {  	s10 =	sadd.s32 @!p0 $0x0, s10;
	s5 =	sadd.s32 @p0 $0x0, s5;
	s11 =	simm.s32 @!p1 $0x0  }
0x150: {  	[sflag:s24] =	ssyncadd.s32 $0xFFFFC000;
	s25 =	simm.s32 @!p2 $0xA000;
	s11 =	sadd.s32 @!p0 $0x0, s11  }
0x151: {  	s10 =	sshll.u32 @!p0 s10, $0x9;
	s5 =	sshll.u32 @p0 s5, $0x9;
	s11 =	sshll.u32 @!p0 s11, $0x9  }
0x152: {  	s10 =	sadd.s32 @!p0 $0x200, s10;
	s5 =	sshra.s32 @p0 s5, $0x2;
	s9 =	sshra.s32 @!p0 s11, $0x2  }
0x153: {  	s5 =	sadd.s32 @p0 $0x5000, s5;
	s16 =	sadd.s32 @!p0 $0x5000, s9;
	s9 =	simm.s32 @p0 $0x80  }
0x154: {  	[spmem:s1] =	stream.indirect.scatter.add.f32 @p2 [tilespmem:s12], [sflag:$0x4], $0x80, s5, s9, $0xb8;
	[tilespmem:$0x1C480] =	vst v63  }
0x155: {  	s10 =	sshra.s32 @!p2 s10, $0x2;
	s11 =	simm.s32 @!p2 $0x80;
	s12 =	simm.s32 @!p2 $0xE000  }
0x156: {  	[tilespmem:s12], [sflag:$0x2] =	stream.indirect.gather @!p2 [hbm4b:s3+s11], $0x80, s10, s11, $0xb8;
	[tilespmem:$0x1C480] =	vst v63  }
0x157: {  	s14 =	simm.s32 @!p2 $0x2;
	s20 =	simm.s32 @p2 $0x4;
	s5 =	simm.s32 @!p2 $0x4  }
0x158: {  	[spmem:s1] =	stream.indirect.scatter.add.f32 @!p2 [tilespmem:s25], [sflag:$0x4], $0x80, s16, s11, $0xb8;
	[tilespmem:$0x1C480] =	vst v63  }
.Ltmp8:
0x159: {  	p4 =	sle.s32 @!p2 s0, $0x2;
	_ =	swait.ge @!p2 [sflag:s5], $0x4000;
	(pc) =	sbr.rel @!p5 .LBB2_12-.Ltmp8, $4  }
0x15a: {  	p1 =	por $0x1, $0x1;
	s13 =	sadd.s32 @!p2 $0x5000, s10;
	[sflag:s5] =	ssyncset.done @!p2 $0x0  }
0x15b: {  	p0 =	sle.s32 s0, $0x3;
	[sflag:s5] =	ssyncadd.s32 @!p2 $0xFFFFC000;
	s5 =	simm.s32 @!p1 $0x0  }
0x15c: {  	s9 =	simm.s32 $0x2;
	p6 =	sgt.s32 @p0 s31, $0x2;
	s5 =	simm.s32 @p1 $0x1  }
0x15d: {  	p3 =	sgt.s32 @!p0 s31, $0x3;
	s16 =	simm.s32 @!p2 $0x2;
	[smem:$0x7F9] =	sst s5  }
.LBB2_11:
0x15e: {  	p1 =	slt.s32 @!p0 s9, s31;
	_ =	swait.ge @!p2 [sflag:s16], $0x4000  }
0x15f: {  	p5 =	por p4, p2;
	p6 =	por !p6, !p0;
	s10 =	smov.u32 s4  }
0x160: {  	p3 =	por !p3, p0;
	s25 =	smov.u32 s4;
	s22 =	sadd.s32 $0xFFFFFFFF, s22  }
0x161: {  	p1 =	por !p1, p0;
	s5 =	rddreg [dreg:$0x5];
	s10 =	simm.s32 @!p6 $0x0  }
0x162: {  	p6 =	slt.s32 @!p5 s14, s31;
	s25 =	simm.s32 @!p3 $0x0;
	[sflag:s16] =	ssyncset.done @!p2 $0x0  }
0x163: {  	p3 =	por @!p2 !p6, p4;
	s25 =	sadd.s32 @!p0 s9, s25;
	[sflag:s16] =	ssyncadd.s32 @!p2 $0xFFFFC000  }
0x164: {  	s10 =	sadd.s32 @p0 s9, s10;
	s5 =	sadd.s32 @!p5 s21, s5;
	p3 =	por !p3, p2  }
0x165: {  	s21 =	smov.u32 s4;
	s16 =	sshll.u32 @!p0 s25, $0x9;
	s5 =	smov.u32 @p3 s14  }
0x166: {  	s21 =	simm.s32 @!p1 $0x0;
	s10 =	sshll.u32 @p0 s10, $0x9;
	s5 =	sshll.u32 @!p5 s5, $0x9  }
0x167: {  	s25 =	simm.s32 @!p5 $0x80;
	s14 =	simm.s32 @!p5 $0xA000;
	s5 =	sshra.s32 @!p5 s5, $0x2  }
0x168: {  	[tilespmem:s14], [sflag:$0x1] =	stream.indirect.gather @!p5 [hbm4b:s3+s25], $0x80, s5, s25, $0xb8;
	[tilespmem:$0x1C480] =	vst v63  }
0x169: {  	s16 =	sadd.s32 @!p0 $0x200, s16;
	s21 =	sadd.s32 @!p0 s9, s21;
	s5 =	sshra.s32 @p0 s10, $0x2  }
0x16a: {  	s10 =	sshll.u32 @!p0 s21, $0x9;
	s25 =	simm.s32 @!p0 $0x3;
	p5 =	sne.s32 s22, $0x0  }
0x16b: {  	[spmem:s1] =	stream.indirect.scatter.add.f32 @!p2 [tilespmem:s12], [sflag:$0x3], $0x80, s13, s11, $0xb8;
	[tilespmem:$0x1C480] =	vst v63  }
0x16c: {  	s21 =	smov.u32 s9;
	s9 =	sadd.s32 $0x2, s9;
	_ =	swait.ge [sflag:s20], $0x4000  }
0x16d: {  	s5 =	sadd.s32 @p0 $0x5000, s5;
	s10 =	sshra.s32 @!p0 s10, $0x2;
	[sflag:s20] =	ssyncset.done $0x0  }
0x16e: {  	s10 =	sadd.s32 @!p0 $0x5000, s10;
	s12 =	simm.s32 @p0 $0x80;
	[sflag:s20] =	ssyncadd.s32 $0xFFFFC000  }
0x16f: {  	s13 =	simm.s32 @p0 $0xA000;
	p2 =	por p0, p0;
	_ =	swait.ge [sflag:s24], $0x4000  }
0x170: {  	s16 =	sshra.s32 @!p2 s16, $0x2;
	s11 =	simm.s32 @!p2 $0x80;
	[sflag:s24] =	ssyncset.done $0x0  }
0x171: {  	s6 =	simm.s32 @!p2 $0xA000;
	s7 =	simm.s32 @!p2 $0x4;
	[sflag:s24] =	ssyncadd.s32 $0xFFFFC000  }
0x172: {  	[spmem:s1] =	stream.indirect.scatter.add.f32 @p2 [tilespmem:s13], [sflag:$0x4], $0x80, s5, s12, $0xb8;
	[tilespmem:$0x1C480] =	vst v63  }
0x173: {  	s14 =	sadd.s32 @!p2 $0x2, s21;
	s20 =	smov.u32 s25;
	s12 =	simm.s32 @!p2 $0xE000  }
0x174: {  	[tilespmem:s12], [sflag:$0x2] =	stream.indirect.gather @!p2 [hbm4b:s3+s11], $0x80, s16, s11, $0xb8;
	[tilespmem:$0x1C480] =	vst v63  }
.Ltmp9:
0x175: {  	p4 =	sge.s32 @!p2 s14, s0;
	s20 =	simm.s32 @p2 $0x4;
	(pc) =	sbr.rel @p5 .LBB2_11-.Ltmp9, $4  }
0x176: {  	[spmem:s1] =	stream.indirect.scatter.add.f32 @!p2 [tilespmem:s6], [sflag:$0x4], $0x80, s10, s11, $0xb8;
	[tilespmem:$0x1C480] =	vst v63  }
0x177: {  	s13 =	sadd.s32 @!p2 $0x5000, s16;
	s5 =	sadd.s32 $0x1, s9;
	_ =	swait.ge @!p2 [sflag:s7], $0x4000  }
0x178: {  	p0 =	sge.s32 s5, s0;
	s16 =	simm.s32 @!p2 $0x2;
	[sflag:s7] =	ssyncset.done @!p2 $0x0  }
0x179: {  	p6 =	slt.s32 @p0 s9, s31;
	p3 =	slt.s32 @!p0 s5, s31;
	[sflag:s7] =	ssyncadd.s32 @!p2 $0xFFFFC000  }
.Ltmp10:
0x17a: {  	_ = 	snop;
	(pc) =	sbr.rel .LBB2_12-.Ltmp10, $1  }
0x17b: {  	_ =	sdelay $0x3  }
.LBB2_3:
.Ltmp11:
0x17c: {  	(pc) =	sbr.rel .LBB2_6-.Ltmp11, $4  }
0x17d: {  	p1 =	por $0x0, $0x0  }
0x17e: {  	s4 =	simm.s32 @!p1 $0x0  }
0x17f: {  	s4 =	simm.s32 @p1 $0x1  }
0x180: {  	[smem:$0x7FD] =	sst s4;
	s4 =	simm.s32 $0x0  }
.LBB2_14:
0x181: {  	_ =	sfence.sel $0x180000  }
0x182: {  	[bflag:$0x0] =	sbarrier.arrive $0xFFFF  }
0x183: {  	_ =	strace $0x9000004A  }
0x184: {  	s0 =	stileid.u32;
	[bflag:$0x2] =	sbarrier.arrive $0xFFFF  }
0x185: {  	p0 =	sne.s32 s0, $0x0;
	s0 =	rddreg [dreg:$0x3]  }
0x186: {  	s0 =	sadd.s32 @!p0 $0x100000, s0  }
0x187: {  	[sflag:s0] =	ssyncadd.tile.s32 @!p0 $0x1;
	_ =	shalt  }
.Lfunc_end2:
_tile_overlayer_lowered:
.L_overlay_start_2:
0x188: {  	(tag) =	ssettag $0x2  }
0x189: {  	s0 =	rddreg [dreg:$0x0];
	s2 =	stileid.u32  }
0x18a: {  	s1 =	rddreg [dreg:$0x1];
	p0 =	sne.s32 s2, $0x0  }
0x18b: {  	s3 =	rddreg [dreg:$0x2];
	[bflag:$0x3] =	sbarrier.arrive $0xFFFF;
	s2 =	simm.s32 @!p0 $0x1C03  }
0x18c: {  	[timem:s3], [sflag:s2] =	dma.local @!p0 [hbm:s0], s1  }
0x18d: {  	s0 =	simm.s32 @!p0 $0x3  }
0x18e: {  	_ =	swait.ge @!p0 [sflag:s0], s1  }
0x18f: {  	s1 =	ssub.s32 @!p0 $0x0, s1;
	[sflag:s0] =	ssyncset.done @!p0 $0x0  }
0x190: {  	[sflag:s0] =	ssyncadd.s32 @!p0 s1  }
0x191: {  	[bflag:$0x3] =	sbarrier.arrive $0xFFFF  }
0x192: {  	_ =	shalt  }

// kernel: kernel.14.cloned.1.call-start
scs
__scs_entry_jumppad:
0x0: {  	(pc) =	sbr.rel $0x88, $3  }
0x1: {  	(tag) =	ssettag $0x0;
	lr =	simm.s32 $0x1  }
0x2: {  	[smem:$0x3F99] =	sst lr;
	_ =	strace $0xD0000000  }
0x3: {  	_ = 	snop  }
0x4: {  	_ = 	snop  }
0x5: {  	_ = 	snop  }
0x6: {  	_ = 	snop  }
0x7: {  	_ = 	snop  }
__scs_overlays_trampoline_lowered:
0x8: {  	[smem:$0x3FA8] =	sst s0  }
0x9: {  	[smem:$0x3FA9] =	sst s1  }
0xa: {  	[smem:$0x3FAA] =	sst s2  }
0xb: {  	[smem:$0x3FAB] =	sst s3  }
0xc: {  	[smem:$0x3FAC] =	sst s4  }
0xd: {  	[smem:$0x3FAD] =	sst s5  }
0xe: {  	[smem:$0x3FAE] =	sst s6  }
0xf: {  	[smem:$0x3FAF] =	sst s7  }
0x10: {  	[smem:$0x3FB0] =	sst s8  }
0x11: {  	[smem:$0x3FB1] =	sst s9;
	s0 =	simm.s32 @!p0 $0x0  }
0x12: {  	s1 =	sld [smem:$0x3F97];
	s0 =	simm.s32 @p0 $0x1  }
0x13: {  	[smem:$0x3FB2] =	sst s0;
	s0 =	simm.s32 @!p1 $0x0  }
0x14: {  	s2 =	sld [smem:$0x3F96];
	s0 =	simm.s32 @p1 $0x1  }
0x15: {  	[smem:$0x3FB3] =	sst s0;
	s0 =	simm.s32 @!p2 $0x0  }
0x16: {  	s3 =	sld [smem:$0x3FDB];
	s0 =	simm.s32 @p2 $0x1  }
0x17: {  	s4 =	simm.s32 $0x1BF5;
	[smem:$0x3FB5] =	sst s0  }
0x18: {  	s0 =	sld [smem:$0x3F98];
	_ =	swait.ge [sflag:s4], $0x0  }
0x19: {  	s7 =	sld [smem:$0x3F99]  }
0x1a: {  	s8 =	sadd.s32 $0xFFFFE003, lr  }
0x1b: {  	s9 =	sadd.s32 $0xFFFFFEF7, lr;
	s5 =	simm.s32 $0xFFFFFFFF;
	p2 =	slt.u32 s8, $0xFFFFF086  }
0x1c: {  	p1 =	slt.u32 s9, $0xF7A;
	s5 =	simm.s32 @!p2 $0x0  }
0x1d: {  	s5 =	simm.s32 @p1 $0x1;
	p0 =	seq.s32 s7, s2  }
0x1e: {  	s7 =	smul.u32 @!p0 $0xF7A, s2;
	p2 =	seq.s32 @!p0 s5, $0x0  }
0x1f: {  	s9 =	smul.u32 $0xF7A, s1;
	s8 =	simm.s32 @!p0 $0x1BF5;
	p2 =	por !p2, p0  }
0x20: {  	[sflag:s8] =	ssyncset.s32 @!p0 $0xFFFFF086;
	s6 =	sadd.s32 @!p0 s3, s7;
	s7 =	simm.s32 @!p0 $0x108  }
0x21: {  	s3 =	sadd.s32 s3, s9;
	s6 =	sadd.s32 @!p0 $0x88, s6;
	s7 =	simm.s32 @p2 $0x1082  }
0x22: {  	[simem:s7], [sflag:s8] =	dma.local @!p0 [hbm:s6], $0xF7A  }
0x23: {  	s9 =	sor.u32 $0xD0000000, s2;
	s6 =	simm.s32 $0x108;
	_ =	swait.ge @!p0 [sflag:s8], $0x0  }
0x24: {  	s3 =	sadd.s32 $0x88, s3;
	s6 =	simm.s32 @!p1 $0x1082;
	[sflag:s4] =	ssyncset.s32 $0xFFFFF086  }
0x25: {  	[simem:s6], [sflag:s4] =	dma.local [hbm:s3], $0xF7A  }
0x26: {  	[smem:$0x3F99] =	sst s1;
	(tag) =	ssettag s2;
	_ =	strace s9  }
0x27: {  	s1 =	sld [smem:$0x3FA9]  }
0x28: {  	s2 =	sld [smem:$0x3FAA]  }
0x29: {  	s4 =	sld [smem:$0x3FAC]  }
0x2a: {  	p0 =	seq.s32 s5, $0x0;
	s5 =	sld [smem:$0x3FAD]  }
0x2b: {  	s6 =	sld [smem:$0x3FAE]  }
0x2c: {  	s7 =	sld [smem:$0x3FAF]  }
0x2d: {  	s3 =	simm.s32 $0x108;
	s8 =	sld [smem:$0x3FB0]  }
0x2e: {  	s3 =	simm.s32 @!p0 $0x1082;
	s9 =	sld [smem:$0x3FB1]  }
0x2f: {  	lr =	sadd.s32 s0, s3;
	s0 =	sld [smem:$0x3FA8]  }
0x30: {  	s3 =	sld [smem:$0x3FAB]  }
0x31: {  	[smem:$0x3FB4] =	sst s10  }
0x32: {  	s10 =	sld [smem:$0x3FB2];
	_ =	sdelay $0x3  }
0x33: {  	p0 =	seq.s32 s10, $0x1;
	s10 =	sld [smem:$0x3FB4];
	_ =	sdelay $0x3  }
0x34: {  	[smem:$0x3FB4] =	sst s10  }
0x35: {  	s10 =	sld [smem:$0x3FB3];
	_ =	sdelay $0x3  }
0x36: {  	p1 =	seq.s32 s10, $0x1;
	s10 =	sld [smem:$0x3FB4];
	_ =	sdelay $0x3  }
0x37: {  	[smem:$0x3FB4] =	sst s10  }
0x38: {  	s10 =	sld [smem:$0x3FB5]  }
0x39: {  	_ = 	snop;
	(pc) =	sbr.ind lr, $3  }
0x3a: {  	_ = 	snop  }
0x3b: {  	_ = 	snop  }
0x3c: {  	p2 =	seq.s32 s10, $0x1;
	s10 =	sld [smem:$0x3FB4]  }
0x3d: {  	_ =	shalt  }
0x3e: {  	_ =	shalt  }
0x3f: {  	_ =	shalt  }
0x40: {  	_ =	shalt  }
0x41: {  	_ =	shalt  }
0x42: {  	_ =	shalt  }
0x43: {  	_ =	shalt  }
0x44: {  	_ =	shalt  }
0x45: {  	_ =	shalt  }
0x46: {  	_ =	shalt  }
0x47: {  	_ =	shalt  }
0x48: {  	_ =	shalt  }
0x49: {  	_ =	shalt  }
0x4a: {  	_ =	shalt  }
0x4b: {  	_ =	shalt  }
0x4c: {  	_ =	shalt  }
0x4d: {  	_ =	shalt  }
0x4e: {  	_ =	shalt  }
0x4f: {  	_ =	shalt  }
0x50: {  	_ =	shalt  }
0x51: {  	_ =	shalt  }
0x52: {  	_ =	shalt  }
0x53: {  	_ =	shalt  }
0x54: {  	_ =	shalt  }
0x55: {  	_ =	shalt  }
0x56: {  	_ =	shalt  }
0x57: {  	_ =	shalt  }
0x58: {  	_ =	shalt  }
0x59: {  	_ =	shalt  }
0x5a: {  	_ =	shalt  }
0x5b: {  	_ =	shalt  }
0x5c: {  	_ =	shalt  }
0x5d: {  	_ =	shalt  }
0x5e: {  	_ =	shalt  }
0x5f: {  	_ =	shalt  }
0x60: {  	_ =	shalt  }
0x61: {  	_ =	shalt  }
0x62: {  	_ =	shalt  }
0x63: {  	_ =	shalt  }
0x64: {  	_ =	shalt  }
0x65: {  	_ =	shalt  }
0x66: {  	_ =	shalt  }
0x67: {  	_ =	shalt  }
0x68: {  	_ =	shalt  }
0x69: {  	_ =	shalt  }
0x6a: {  	_ =	shalt  }
0x6b: {  	_ =	shalt  }
0x6c: {  	_ =	shalt  }
0x6d: {  	_ =	shalt  }
0x6e: {  	_ =	shalt  }
0x6f: {  	_ =	shalt  }
0x70: {  	_ =	shalt  }
0x71: {  	_ =	shalt  }
0x72: {  	_ =	shalt  }
0x73: {  	_ =	shalt  }
0x74: {  	_ =	shalt  }
0x75: {  	_ =	shalt  }
0x76: {  	_ =	shalt  }
0x77: {  	_ =	shalt  }
0x78: {  	_ =	shalt  }
0x79: {  	_ =	shalt  }
0x7a: {  	_ =	shalt  }
0x7b: {  	_ =	shalt  }
0x7c: {  	_ =	shalt  }
0x7d: {  	_ =	shalt  }
0x7e: {  	_ =	shalt  }
0x7f: {  	_ =	shalt  }
0x80: {  	_ =	shalt  }
0x81: {  	_ =	shalt  }
0x82: {  	_ =	shalt  }
0x83: {  	_ =	shalt  }
0x84: {  	_ =	shalt  }
0x85: {  	_ =	shalt  }
0x86: {  	_ =	shalt  }
0x87: {  	_ =	shalt  }
.Lfunc_end0:
.L_simem_size_0:
called_computation.2_lowered:
.L_overlay_start_0:
0x88: {  	s2 =	sld [smem:$0x3FD9]  }
0x89: {  	s3 =	sld [smem:$0x3FFE];
	_ =	sdelay $0x1  }
0x8a: {  	s1 =	srdreg.scid  }
0x8b: {  	s0 =	sand.u32 $0x1, s1  }
0x8c: {  	s17 =	sshll.u32 s0, $0xA;
	s2 =	sadd.s32 s3, s2  }
0x8d: {  	s2 =	sadd.s32 s2, s17  }
0x8e: {  	[smem:$0x3FC0] =	sst s2  }
0x8f: {  	_ = 	snop  }
0x90: {  	s2 =	sld [smem:$0x3FD0];
	(tm) =	ssettm $0x1  }
0x91: {  	s18 =	sld [smem:$0x3FFB];
	_ =	sdelay $0x3  }
0x92: {  	_ =	strace s18  }
0x93: {  	s3 =	sld [smem:$0x3FFC];
	_ =	sdelay $0x3  }
0x94: {  	_ =	strace s3  }
0x95: {  	s3 =	sld [smem:$0x3FFD];
	_ =	sdelay $0x3  }
0x96: {  	_ =	strace s3  }
0x97: {  	_ =	strace $0x8FFFFFFF  }
0x98: {  	s19 =	sld [smem:$0x3FDB];
	_ =	sdelay $0x1  }
0x99: {  	s4 =	simm.s32 $_scs_section_size  }
0x9a: {  	s5 =	simm.s32 $_size__tile_overlayer_lowered;
	s6 =	simm.s32 $_tile_overlayer_lowered  }
0x9b: {  	s22 =	simm.s32 $0x1BFF;
	s21 =	sshll.u32 s6, $0x1;
	s3 =	sadd.s32 s4, s19  }
0x9c: {  	s7 =	simm.s32 $0x0;
	s20 =	sshll.u32 s5, $0x1;
	s5 =	sadd.s32 s21, s3  }
0x9d: {  	[timem:s7], [sflag:s22] =	dma.local [hbm:s5], s20  }
0x9e: {  	_ =	swait.ge [sflag:s22], s20  }
0x9f: {  	s4 =	ssub.s32 $0x0, s20;
	[sflag:s22] =	ssyncset.done $0x0  }
0xa0: {  	[sflag:s22] =	ssyncadd.s32 s4;
	_ =	sdelay $0x1  }
0xa1: {  	s23 =	simm.s32 $0x1B8B  }
0xa2: {  	_ =	swait.ge [sflag:s23], $0x1  }
0xa3: {  	[sflag:s23] =	ssyncset.done $0x0  }
0xa4: {  	s25 =	simm.s32 $0x1B8E;
	s24 =	sld [smem:$0x3FFE];
	[sflag:s23] =	ssyncadd.s32 $0xFFFFFFFF  }
0xa5: {  	s26 =	simm.s32 $execute0_lowered;
	[smem:$0x3FD2] =	sst s25  }
0xa6: {  	s5 =	sshll.u32 s26, $0x1;
	_ =	strace $0x8000004C;
	[dreg:$0x1] =	wrdreg $0xFFFFFFFF  }
0xa7: {  	s28 =	simm.s32 $_size_execute0_lowered;
	s3 =	sadd.s32 s3, s5;
	[dreg:$0x0] =	wrdreg $0x0  }
0xa8: {  	s5 =	sshll.u32 s28, $0x1;
	[dreg:$0x2] =	wrdreg s3  }
0xa9: {  	[dreg:$0x3] =	wrdreg s5  }
0xaa: {  	[dreg:$0x4] =	wrdreg $0xC0  }
0xab: {  	_ =	task [dreg:s7], $0x5FFFF  }
0xac: {  	[dreg:$0x1] =	wrdreg $0xFFFFFFFF  }
0xad: {  	[dreg:$0x0] =	wrdreg $0x60  }
0xae: {  	[dreg:$0x2] =	wrdreg s24  }
0xaf: {  	[dreg:$0x3] =	wrdreg s2  }
0xb0: {  	[dreg:$0x4] =	wrdreg $0x120800  }
0xb1: {  	[dreg:$0x5] =	wrdreg $0x9  }
0xb2: {  	_ =	task.clear_ibuf [dreg:s7], $0x6FFFF;
	_ =	strace $0x9000004C  }
0xb3: {  	s29 =	simm.s32 $0x9;
	_ =	strace $0x8000004E  }
0xb4: {  	_ =	swait.ge [sflag:s29], $0x1  }
0xb5: {  	[sflag:s29] =	ssyncadd.s32 $0xFFFFFFFF  }
0xb6: {  	_ =	strace $0x9000004E  }
0xb7: {  	_ =	sfence  }
0xb8: {  	s30 =	sld [smem:$0x0];
	_ =	sdelay $0x2  }
0xb9: {  	s31 =	sshll.u32 s1, $0xD;
	s1 =	sshrl.u32 s1, $0x2  }
0xba: {  	s3 =	sand.u32 $0x4000, s31;
	s1 =	sadd.s32 s1, s30  }
0xbb: {  	s0 =	sor.u32 s3, s0;
	s1 =	sshll.u32 s1, $0x11  }
0xbc: {  	s0 =	sor.u32 s1, s0  }
0xbd: {  	s0 =	sadd.s32 $0x8F2B, s0  }
0xbe: {  	[sflag:s0] =	ssyncadd.remote.s32 $0x1  }
0xbf: {  	_ =	sfence.sel $0xFFFF  }
0xc0: {  	[dreg:$0x0] =	wrdreg $0xFFFFFFFF;
	(pc) =	sbr.abs _section_cstart, $3  }
0xc1: {  	[dreg:$0x1] =	wrdreg $0xFFFFFFFF  }
0xc2: {  	_ =	task.clear_ibuf [dreg:s7], $0x2FFFF;
	_ =	strace $0x9FFFFFFF  }
0xc3: {  	(tm) =	ssettm $0x7FFFFFFF  }
tec
execute0_lowered:
.L_overlay_start_1:
0x0: {  	(tag) =	ssettag $0x1  }
0x1: {  	s0 =	rddreg [dreg:$0x0]  }
0x2: {  	s4 =	rddreg [dreg:$0x1]  }
0x3: {  	s1 =	rddreg [dreg:$0x2]  }
0x4: {  	s2 =	simm.s32 $0x0;
	s5 =	srdreg.scid;
	s13 =	stileid.u32  }
0x5: {  	s20 =	simm.s32 $0x12000;
	s21 =	simm.s32 $0x1;
	s12 =	smul.u32 $0x1400, s13  }
0x6: {  	[smem:$0x7FF] =	sst s2;
	s3 =	sadd.s32 $0x2000, s0;
	s15 =	smul.u32 $0x1480, s13  }
0x7: {  	s6 =	sadd.s32 $0x33C00, s0;
	s5 =	sand.u32 $0x1, s5;
	s24 =	smul.u32 $0x29000, s13  }
0x8: {  	s7 =	sadd.s32 $0x47C00, s0;
	s11 =	sshllo.u32 s13, $0x1;
	s8 =	smul.u32 $0x14800, s5  }
0x9: {  	s25 =	sshll.u32 s13, $0x5;
	_ =	strace $0x8000004D;
	s22 =	smul.u32 $0xA00, s11  }
0xa: {  	s9 =	ssub.s32 $0x2, s5;
	s14 =	sshll.u32 s5, $0x4;
	s17 =	smul.u32 $0x500, s5  }
0xb: {  	s11 =	sshll.u32 s11, $0x4;
	s26 =	smul.u32 $0x14000, s5;
	s13 =	sand.u32 $0x180, s25  }
0xc: {  	s10 =	sshrl.u32 s9, $0x1;
	s23 =	sadd.s32 s4, s12;
	s16 =	sadd.s32 s6, s12  }
0xd: {  	s28 =	sand.u32 $0x70, s11;
	s0 =	sadd.s32 s8, s0;
	s10 =	ssub.s32 s9, s10  }
0xe: {  	s9 =	sadd.s32 s14, s23;
	s4 =	sadd.s32 s4, s22;
	s6 =	sadd.s32 s6, s22  }
0xf: {  	s8 =	sshrl.u32 s24, $0x2;
	s29 =	sadd.s32 s15, s26;
	s16 =	sadd.s32 s17, s16  }
0x10: {  	s23 =	simm.s32 $0x0;
	[dreg:$0x5] =	wrdreg s9;
	s9 =	sadd.s32 s7, s25  }
.Ltmp0:
0x11: {  	s7 =	sadd.s32 s7, s13;
	s30 =	sadd.s32 s8, s1;
	(pc) =	sbr.rel .LBB2_1-.Ltmp0, $4  }
0x12: {  	s31 =	sadd.s32 s3, s29;
	s0 =	sadd.s32 $0x47E00, s0;
	[dreg:$0x6] =	wrdreg s9  }
0x13: {  	s10 =	smax.u32 s10, $0x1;
	s13 =	simm.s32 $0x3;
	[dreg:$0x8] =	wrdreg s30  }
0x14: {  	v1 =	vlaneseq.u32;
	v0 =	vmov s5;
	s14 =	sadd.s32 s14, s4;
	s7 =	sadd.s32 s28, s7;
	[dreg:$0x9] =	wrdreg s31  }
0x15: {  	vm0 =	veq.s32 v0, v1;
	s18 =	sadd.s32 s17, s6;
	s22 =	sadd.s32 s15, s0;
	[dreg:$0x7] =	wrdreg s7  }
.LBB2_3:
0x16: {  	p1 =	por $0x0, $0x0  }
0x17: {  	s0 =	simm.s32 @!p1 $0x0  }
0x18: {  	s0 =	simm.s32 @p1 $0x1  }
0x19: {  	s30 =	simm.s32 $0x0;
	[smem:$0x7FD] =	sst s0  }
.LBB2_6:
0x1a: {  	s7 =	sld [smem:$0x7FD];
	_ =	sdelay $0x2  }
0x1b: {  	p5 =	seq.s32 s7, $0x1  }
0x1c: {  	s7 =	simm.s32 @!p5 $0x0  }
0x1d: {  	p1 =	por p2, !p5;
	s7 =	simm.s32 @p5 $0x1  }
0x1e: {  	[smem:$0x7FD] =	sst s7;
	s7 =	simm.s32 @!p1 $0x0  }
0x1f: {  	s7 =	simm.s32 @p1 $0x1  }
0x20: {  	[smem:$0x7FC] =	sst s7  }
0x21: {  	p1 =	por @p5 p4, p2;
	s11 =	sld [smem:$0x7FC]  }
0x22: {  	s7 =	simm.s32 @!p1 $0x0  }
0x23: {  	s7 =	simm.s32 @p1 $0x1  }
0x24: {  	[smem:$0x7FA] =	sst s7;
	p1 =	seq.s32 s11, $0x1  }
0x25: {  	_ =	swait.ge @!p1 [sflag:s6], $0x4000  }
0x26: {  	s12 =	sld [smem:$0x7FA];
	_ =	sdelay $0x2  }
0x27: {  	p1 =	seq.s32 s12, $0x1  }
0x28: {  	s8 =	sld [smem:$0x7FC];
	p1 =	por p1, !p5  }
0x29: {  	s9 =	sld [smem:$0x7FD];
	s7 =	simm.s32 @!p1 $0x0  }
0x2a: {  	s17 =	sld [smem:$0x7FC];
	s7 =	simm.s32 @p1 $0x1  }
0x2b: {  	p3 =	por !p3, p0;
	p5 =	slt.s32 @!p1 s5, s26;
	[smem:$0x7FB] =	sst s7  }
0x2c: {  	p1 =	seq.s32 s8, $0x1;
	s8 =	smov.u32 s29;
	s11 =	sld [smem:$0x7FB]  }
0x2d: {  	s7 =	rddreg [dreg:$0x4];
	p4 =	por @!p1 !p5, p4;
	p5 =	por !p6, !p0  }
0x2e: {  	s8 =	simm.s32 @!p5 $0x0;
	p5 =	seq.s32 s9, $0x1;
	s9 =	smov.u32 s29  }
0x2f: {  	p2 =	por @p5 !p4, p2;
	s9 =	simm.s32 @!p3 $0x0;
	p1 =	seq.s32 s11, $0x1  }
0x30: {  	p3 =	seq.s32 s17, $0x1;
	p2 =	por !p2, !p5;
	s0 =	sadd.s32 @!p1 s0, s7  }
0x31: {  	[sflag:s6] =	ssyncset.done @!p3 $0x0;
	s5 =	smov.u32 @p2 s0  }
0x32: {  	[sflag:s6] =	ssyncadd.s32 @!p3 $0xFFFFC000;
	s6 =	simm.s32 @!p1 $0x80;
	s0 =	sshll.u32 @!p1 s5, $0x9  }
0x33: {  	p2 =	slt.s32 @!p0 s30, s26;
	s5 =	simm.s32 @!p1 $0xA000;
	s0 =	sshra.s32 @!p1 s0, $0x2  }
0x34: {  	[tilespmem:s5], [sflag:$0x1] =	stream.indirect.gather @!p1 [hbm4b:s3+s6], $0x80, s0, s6, $0xb8;
	[tilespmem:$0x1C480] =	vst v63  }
0x35: {  	s7 =	simm.s32 @p0 $0xA000;
	p1 =	por !p2, p0;
	s0 =	sadd.s32 @!p0 s30, s9  }
0x36: {  	[spmem:s1] =	stream.indirect.scatter.add.f32 @!p3 [tilespmem:s19], [sflag:$0x3], $0x80, s4, s15, $0xb8;
	[tilespmem:$0x1C480] =	vst v63  }
0x37: {  	s5 =	sadd.s32 @p0 s30, s8;
	s6 =	simm.s32 @p0 $0x80;
	_ =	swait.ge @p5 [sflag:s31], $0x4000  }
0x38: {  	s0 =	sshll.u32 @!p0 s0, $0x9;
	s29 =	simm.s32 @!p1 $0x0;
	[sflag:s31] =	ssyncset.done @p5 $0x0  }
0x39: {  	p1 =	por p0, p0;
	s4 =	sshll.u32 @p0 s5, $0x9;
	[sflag:s31] =	ssyncadd.s32 @p5 $0xFFFFC000  }
0x3a: {  	s0 =	sadd.s32 @!p0 $0x200, s0;
	s5 =	sadd.s32 @!p0 s30, s29;
	_ =	swait.ge [sflag:s21], $0x4000  }
0x3b: {  	s4 =	sshra.s32 @p0 s4, $0x2;
	s5 =	sshll.u32 @!p0 s5, $0x9;
	[sflag:s21] =	ssyncset.done $0x0  }
0x3c: {  	s0 =	sshra.s32 @!p1 s0, $0x2;
	s4 =	sadd.s32 @p0 $0x5000, s4;
	[sflag:s21] =	ssyncadd.s32 $0xFFFFC000  }
0x3d: {  	[spmem:s1] =	stream.indirect.scatter.add.f32 @p1 [tilespmem:s7], [sflag:$0x4], $0x80, s4, s6, $0xb8;
	[tilespmem:$0x1C480] =	vst v63  }
0x3e: {  	s5 =	sshra.s32 @!p0 s5, $0x2;
	s4 =	simm.s32 @!p1 $0x80;
	s6 =	simm.s32 @!p1 $0xE000  }
0x3f: {  	[tilespmem:s6], [sflag:$0x2] =	stream.indirect.gather @!p1 [hbm4b:s3+s4], $0x80, s0, s4, $0xb8;
	[tilespmem:$0x1C480] =	vst v63  }
0x40: {  	s8 =	simm.s32 @!p1 $0x4;
	s5 =	sadd.s32 @!p0 $0x5000, s5;
	s7 =	simm.s32 @!p1 $0xA000  }
0x41: {  	[spmem:s1] =	stream.indirect.scatter.add.f32 @!p1 [tilespmem:s7], [sflag:$0x4], $0x80, s5, s4, $0xb8;
	[tilespmem:$0x1C480] =	vst v63  }
0x42: {  	s5 =	sadd.s32 @!p1 $0x2, s30;
	_ =	swait.ge @!p1 [sflag:s8], $0x4000  }
0x43: {  	p2 =	sge.s32 @!p1 s5, s28;
	[sflag:s8] =	ssyncset.done @!p1 $0x0  }
0x44: {  	s7 =	simm.s32 @!p1 $0x2;
	p3 =	por p2, p1;
	[sflag:s8] =	ssyncadd.s32 @!p1 $0xFFFFC000  }
0x45: {  	p4 =	slt.s32 @!p3 s5, s26;
	_ =	swait.ge @!p1 [sflag:s7], $0x4000  }
0x46: {  	p2 =	por @!p1 !p4, p2;
	s8 =	rddreg [dreg:$0x4]  }
0x47: {  	p2 =	por !p2, p1;
	s8 =	sadd.s32 @!p3 s30, s8  }
0x48: {  	[sflag:s7] =	ssyncset.done @!p1 $0x0;
	s8 =	smov.u32 @p2 s5  }
0x49: {  	s9 =	simm.s32 @!p3 $0x80;
	[sflag:s7] =	ssyncadd.s32 @!p1 $0xFFFFC000;
	s7 =	sshll.u32 @!p3 s8, $0x9  }
0x4a: {  	s5 =	simm.s32 @!p0 $0x3;
	s8 =	simm.s32 @!p3 $0xA000;
	s7 =	sshra.s32 @!p3 s7, $0x2  }
0x4b: {  	[tilespmem:s8], [sflag:$0x1] =	stream.indirect.gather @!p3 [hbm4b:s3+s9], $0x80, s7, s9, $0xb8;
	[tilespmem:$0x1C480] =	vst v63  }
0x4c: {  	s0 =	sadd.s32 @!p1 $0x5000, s0;
	s5 =	simm.s32 @p1 $0x4  }
0x4d: {  	[spmem:s1] =	stream.indirect.scatter.add.f32 @!p1 [tilespmem:s6], [sflag:$0x3], $0x80, s0, s4, $0xb8;
	[tilespmem:$0x1C480] =	vst v63  }
0x4e: {  	_ =	swait.ge [sflag:s5], $0x4000  }
0x4f: {  	[sflag:s5] =	ssyncset.done $0x0  }
0x50: {  	[sflag:s5] =	ssyncadd.s32 $0xFFFFC000  }
.LBB2_7:
0x51: {  	s23 =	sadd.s32 $0x1, s23  }
0x52: {  	p0 =	sne.s32 s23, s10  }
.Ltmp1:
0x53: {  	[bflag:$0x0] =	sbarrier.arrive $0xFFFF;
	(pc) =	sbr.rel @!p0 .LBB2_8-.Ltmp1, $4  }
0x54: {  	[hbm:s22], [sflag:s24] =	dma.local [spmem:s25], $0x1480  }
0x55: {  	_ =	swait.ge [sflag:s13], $0x1480  }
0x56: {  	[sflag:s13] =	ssyncset.done $0x0  }
0x57: {  	[sflag:s13] =	ssyncadd.s32 $0xFFFFEB80  }
.LBB2_1:
0x58: {  	s0 =	rddreg [dreg:$0x5];
	s4 =	simm.s32 $0x80;
	s5 =	simm.s32 $0x100  }
0x59: {  	[tilespmem:s2], [sflag:$0x3] =	stream.strided.gather [hbm4b:s0+s4], $0x2800, s5, s4, $0x38;
	[tilespmem:$0x1C480] =	vst v63  }
0x5a: {  	_ =	swait.ge [sflag:s13], $0x2800  }
0x5b: {  	[sflag:s13] =	ssyncset.done $0x0  }
0x5c: {  	s31 =	simm.s32 $0x2800;
	[sflag:s13] =	ssyncadd.s32 $0xFFFFD800  }
0x5d: {  	[tilespmem:s31], [sflag:$0x3] =	stream.strided.gather [hbm4b:s14+s4], $0x2800, s5, s4, $0x38;
	[tilespmem:$0x1C480] =	vst v63  }
0x5e: {  	_ =	swait.ge [sflag:s13], $0x2800  }
0x5f: {  	[sflag:s13] =	ssyncset.done $0x0  }
0x60: {  	s6 =	simm.s32 $0x5000;
	[sflag:s13] =	ssyncadd.s32 $0xFFFFD800  }
0x61: {  	[tilespmem:s6], [sflag:$0x3] =	stream.linear.gather [hbm4b:s16+s2], $0x2800, $0x38;
	[tilespmem:$0x1C480] =	vst v63  }
0x62: {  	_ =	swait.ge [sflag:s13], $0x2800  }
0x63: {  	[sflag:s13] =	ssyncset.done $0x0  }
0x64: {  	s7 =	simm.s32 $0x7800;
	[sflag:s13] =	ssyncadd.s32 $0xFFFFD800  }
0x65: {  	[tilespmem:s7], [sflag:$0x3] =	stream.linear.gather [hbm4b:s18+s2], $0x2800, $0x38;
	[tilespmem:$0x1C480] =	vst v63  }
0x66: {  	_ =	swait.ge [sflag:s13], $0x2800  }
0x67: {  	[sflag:s13] =	ssyncset.done $0x0  }
0x68: {  	s8 =	rddreg [dreg:$0x6];
	[sflag:s13] =	ssyncadd.s32 $0xFFFFD800  }
0x69: {  	[tilespmem:s20], [sflag:$0x3] =	stream.linear.gather [hbm4b:s8+s2], $0x80, $0x38;
	[tilespmem:$0x1C480] =	vst v63  }
0x6a: {  	_ =	swait.ge [sflag:s13], $0x80  }
0x6b: {  	[sflag:s13] =	ssyncset.done $0x0  }
0x6c: {  	[sflag:s13] =	ssyncadd.s32 $0xFFFFFF80  }
0x6d: {  	v0 =	vld [tilespmem:$0x12000];
	_ =	sdelay $0x4  }
0x6e: {  	v0 =	vnsel vm0, $0x0, v0  }
0x6f: {  	(xrf0) =	vadd.scan.msk.s32 $0xffff, v0;
	_ =	sdelay $0x5  }
0x70: {  	v0, _, _ =	vpop (xrf0)  }
0x71: {  	(v2sf) =	vpush v0, $0xF;
	_ =	sdelay $0xc  }
0x72: {  	s11 =	rddreg [dreg:$0x7]  }
0x73: {  	[tilespmem:s20], [sflag:$0x3] =	stream.linear.gather [hbm4b:s11+s2], $0x80, $0x38;
	[tilespmem:$0x1C480] =	vst v63  }
0x74: {  	s9 =	spop (v2sf)  }
0x75: {  	_ =	swait.ge [sflag:s13], $0x80  }
0x76: {  	[sflag:s13] =	ssyncset.done $0x0  }
0x77: {  	[sflag:s13] =	ssyncadd.s32 $0xFFFFFF80  }
0x78: {  	v63 =	vld [tilespmem:$0x12000];
	_ =	sdelay $0x4  }
0x79: {  	v0 =	vnsel vm0, $0x0, v63  }
0x7a: {  	(xrf0) =	vadd.scan.msk.s32 $0xffff, v0;
	_ =	sdelay $0x5  }
0x7b: {  	v0, _, _ =	vpop (xrf0)  }
0x7c: {  	(v2sf) =	vpush v0, $0xF;
	_ =	sdelay $0xb  }
0x7d: {  	s15 =	stileid.u32  }
0x7e: {  	s5 =	sshll.u32 s15, $0x6  }
0x7f: {  	s24 =	sor.u32 $0x1C03, s5  }
0x80: {  	s0 =	sadd.s32 $0x7F, s9;
	s17 =	rddreg [dreg:$0x8];
	s12 =	spop (v2sf)  }
0x81: {  	s19 =	rddreg [dreg:$0x9];
	s25 =	sshrl.u32 s17, $0x3;
	s4 =	sadd.s32 $0x7F, s12  }
0x82: {  	[spmem:s25], [sflag:s24] =	dma.local [hbm:s19], $0x1480  }
0x83: {  	s26 =	sshra.s32 s0, $0x7;
	s4 =	sshra.s32 s4, $0x7;
	_ =	swait.ge [sflag:s13], $0x1480  }
0x84: {  	s28 =	sadd.s32 s26, s4;
	[sflag:s13] =	ssyncset.done $0x0  }
0x85: {  	p0 =	slt.s32 s28, $0x1;
	[sflag:s13] =	ssyncadd.s32 $0xFFFFEB80  }
0x86: {  	s29 =	sadd.s32 $0x1, s28;
	p5 =	slt.s32 s28, $0x0;
	p1 =	sgt.s32 @!p0 s26, $0x0  }
0x87: {  	s0 =	sand.u32 @!p0 $0xFFFFFF80, s0;
	[bflag:$0x0] =	sbarrier.arrive $0xFFFF;
	s4 =	simm.s32 @!p0 $0x80  }
0x88: {  	s30 =	sand.u32 $0x1, s29;
	s0 =	ssub.s32 @!p0 $0x2800, s0;
	p1 =	por !p1, p0  }
0x89: {  	s5 =	simm.s32 @!p0 $0xA000;
	p6 =	seq.s32 s30, $0x1;
	s0 =	simm.s32 @!p1 $0x0  }
0x8a: {  	[tilespmem:s5], [sflag:$0x1] =	stream.indirect.gather @!p0 [hbm4b:s3+s4], $0x80, s0, s4, $0xb8;
	[tilespmem:$0x1C480] =	vst v63  }
0x8b: {  	s31 =	sshrl.u32 s29, $0x1F;
	p0 =	por !p5, !p6  }
0x8c: {  	s0 =	sadd.s32 s31, s29;
	s4 =	simm.s32 $0x1;
	p0 =	por !p0, !p0  }
0x8d: {  	s0 =	sshra.s32 s0, $0x1;
	s4 =	simm.s32 @!p0 $0x0  }
0x8e: {  	s0 =	ssub.s32 s0, s4  }
0x8f: {  	p0 =	slt.s32 s0, $0x1  }
.Ltmp2:
0x90: {  	_ = 	snop;
	(pc) =	sbr.rel @p0 .LBB2_7-.Ltmp2, $1  }
0x91: {  	_ =	sdelay $0x3  }
0x92: {  	s4 =	ssub.s32 $0x52, s26  }
0x93: {  	[dreg:$0x4] =	wrdreg s4;
	s4 =	sadd.s32 $0xFFFFFFFF, s0  }
0x94: {  	p1 =	sne.s32 s4, $0x0  }
.Ltmp3:
0x95: {  	_ = 	snop;
	(pc) =	sbr.rel @!p1 .LBB2_3-.Ltmp3, $3  }
0x96: {  	_ =	sdelay $0x1  }
0x97: {  	s29 =	ssub.s32 $0x50, s26;
	p0 =	sle.s32 s28, $0x1  }
0x98: {  	s0 =	simm.s32 $0x0;
	p6 =	sgt.s32 @p0 s26, $0x0;
	p3 =	sgt.s32 @!p0 s26, $0x1  }
0x99: {  	p1 =	sgt.s32 @!p0 s26, $0x0  }
0x9a: {  	p2 =	por !p6, !p0;
	s5 =	smov.u32 s29;
	p3 =	por !p3, p0  }
0x9b: {  	s6 =	smov.u32 s29;
	s15 =	smov.u32 s29;
	s31 =	simm.s32 @!p0 $0x3  }
0x9c: {  	s17 =	sadd.s32 $0xFFFFFFFF, s4;
	_ =	swait.ge [sflag:s21], $0x4000;
	s19 =	simm.s32 @p0 $0xA000  }
0x9d: {  	s30 =	simm.s32 $0x2;
	p1 =	por !p1, p0;
	s5 =	simm.s32 @!p2 $0x0  }
0x9e: {  	s6 =	simm.s32 @!p3 $0x0;
	p5 =	sne.s32 s17, $0x0;
	p2 =	por p0, p0  }
0x9f: {  	[sflag:s21] =	ssyncset.done $0x0;
	s6 =	sadd.s32 @!p0 $0x0, s6;
	s15 =	simm.s32 @!p1 $0x0  }
0xa0: {  	s5 =	sadd.s32 @p0 $0x0, s5;
	[sflag:s21] =	ssyncadd.s32 $0xFFFFC000;
	s15 =	sadd.s32 @!p0 $0x0, s15  }
0xa1: {  	s6 =	sshll.u32 @!p0 s6, $0x9;
	s5 =	sshll.u32 @p0 s5, $0x9;
	s15 =	sshll.u32 @!p0 s15, $0x9  }
0xa2: {  	s6 =	sadd.s32 @!p0 $0x200, s6;
	s5 =	sshra.s32 @p0 s5, $0x2;
	s4 =	sshra.s32 @!p0 s15, $0x2  }
0xa3: {  	s5 =	sadd.s32 @p0 $0x5000, s5;
	s11 =	sadd.s32 @!p0 $0x5000, s4;
	s4 =	simm.s32 @p0 $0x80  }
0xa4: {  	[spmem:s1] =	stream.indirect.scatter.add.f32 @p2 [tilespmem:s19], [sflag:$0x4], $0x80, s5, s4, $0xb8;
	[tilespmem:$0x1C480] =	vst v63  }
0xa5: {  	s6 =	sshra.s32 @!p2 s6, $0x2;
	s15 =	simm.s32 @!p2 $0x80;
	s19 =	simm.s32 @!p2 $0xE000  }
0xa6: {  	[tilespmem:s19], [sflag:$0x2] =	stream.indirect.gather @!p2 [hbm4b:s3+s15], $0x80, s6, s15, $0xb8;
	[tilespmem:$0x1C480] =	vst v63  }
0xa7: {  	s12 =	simm.s32 @!p2 $0xA000;
	s7 =	simm.s32 @!p2 $0x4;
	s31 =	simm.s32 @p2 $0x4  }
0xa8: {  	[spmem:s1] =	stream.indirect.scatter.add.f32 @!p2 [tilespmem:s12], [sflag:$0x4], $0x80, s11, s15, $0xb8;
	[tilespmem:$0x1C480] =	vst v63  }
.Ltmp4:
0xa9: {  	p4 =	sle.s32 @!p2 s28, $0x2;
	_ =	swait.ge @!p2 [sflag:s7], $0x4000;
	(pc) =	sbr.rel @!p5 .LBB2_6-.Ltmp4, $4  }
0xaa: {  	p1 =	por $0x1, $0x1;
	p0 =	sle.s32 s28, $0x3;
	[sflag:s7] =	ssyncset.done @!p2 $0x0  }
0xab: {  	s5 =	simm.s32 @!p2 $0x2;
	[sflag:s7] =	ssyncadd.s32 @!p2 $0xFFFFC000;
	s7 =	simm.s32 @!p1 $0x0  }
0xac: {  	s4 =	sadd.s32 @!p2 $0x5000, s6;
	p6 =	sgt.s32 @p0 s26, $0x2;
	s7 =	simm.s32 @p1 $0x1  }
0xad: {  	p3 =	sgt.s32 @!p0 s26, $0x3;
	s6 =	simm.s32 @!p2 $0x2;
	[smem:$0x7FD] =	sst s7  }
.LBB2_5:
0xae: {  	p1 =	slt.s32 @!p0 s30, s26;
	_ =	swait.ge @!p2 [sflag:s6], $0x4000  }
0xaf: {  	p5 =	por p4, p2;
	p6 =	por !p6, !p0;
	s11 =	smov.u32 s29  }
0xb0: {  	p3 =	por !p3, p0;
	s12 =	smov.u32 s29;
	s17 =	sadd.s32 $0xFFFFFFFF, s17  }
0xb1: {  	p1 =	por !p1, p0;
	s7 =	rddreg [dreg:$0x4];
	s11 =	simm.s32 @!p6 $0x0  }
0xb2: {  	p6 =	slt.s32 @!p5 s5, s26;
	s12 =	simm.s32 @!p3 $0x0;
	[sflag:s6] =	ssyncset.done @!p2 $0x0  }
0xb3: {  	p3 =	por @!p2 !p6, p4;
	s12 =	sadd.s32 @!p0 s30, s12;
	[sflag:s6] =	ssyncadd.s32 @!p2 $0xFFFFC000  }
0xb4: {  	s6 =	sadd.s32 @p0 s30, s11;
	s0 =	sadd.s32 @!p5 s0, s7;
	p3 =	por !p3, p2  }
0xb5: {  	s7 =	smov.u32 s29;
	s11 =	sshll.u32 @!p0 s12, $0x9;
	s0 =	smov.u32 @p3 s5  }
0xb6: {  	s7 =	simm.s32 @!p1 $0x0;
	s6 =	sshll.u32 @p0 s6, $0x9;
	s0 =	sshll.u32 @!p5 s0, $0x9  }
0xb7: {  	s12 =	simm.s32 @!p5 $0x80;
	s5 =	simm.s32 @!p5 $0xA000;
	s0 =	sshra.s32 @!p5 s0, $0x2  }
0xb8: {  	[tilespmem:s5], [sflag:$0x1] =	stream.indirect.gather @!p5 [hbm4b:s3+s12], $0x80, s0, s12, $0xb8;
	[tilespmem:$0x1C480] =	vst v63  }
0xb9: {  	s11 =	sadd.s32 @!p0 $0x200, s11;
	s7 =	sadd.s32 @!p0 s30, s7;
	s0 =	sshra.s32 @p0 s6, $0x2  }
0xba: {  	s5 =	sshll.u32 @!p0 s7, $0x9;
	s6 =	simm.s32 @!p0 $0x3;
	p5 =	sne.s32 s17, $0x0  }
0xbb: {  	[spmem:s1] =	stream.indirect.scatter.add.f32 @!p2 [tilespmem:s19], [sflag:$0x3], $0x80, s4, s15, $0xb8;
	[tilespmem:$0x1C480] =	vst v63  }
0xbc: {  	s7 =	sadd.s32 @p0 $0x5000, s0;
	s0 =	sshra.s32 @!p0 s5, $0x2;
	_ =	swait.ge [sflag:s31], $0x4000  }
0xbd: {  	s5 =	simm.s32 @p0 $0xA000;
	s12 =	sadd.s32 @!p0 $0x5000, s0;
	[sflag:s31] =	ssyncset.done $0x0  }
0xbe: {  	s4 =	simm.s32 @p0 $0x80;
	s0 =	smov.u32 s30;
	[sflag:s31] =	ssyncadd.s32 $0xFFFFC000  }
0xbf: {  	p2 =	por p0, p0;
	s30 =	sadd.s32 $0x2, s30;
	_ =	swait.ge [sflag:s21], $0x4000  }
0xc0: {  	s11 =	sshra.s32 @!p2 s11, $0x2;
	s15 =	simm.s32 @!p2 $0x80;
	[sflag:s21] =	ssyncset.done $0x0  }
0xc1: {  	s8 =	simm.s32 @!p2 $0xA000;
	s9 =	simm.s32 @!p2 $0x4;
	[sflag:s21] =	ssyncadd.s32 $0xFFFFC000  }
0xc2: {  	[spmem:s1] =	stream.indirect.scatter.add.f32 @p2 [tilespmem:s5], [sflag:$0x4], $0x80, s7, s4, $0xb8;
	[tilespmem:$0x1C480] =	vst v63  }
0xc3: {  	s19 =	simm.s32 @!p2 $0xE000;
	s31 =	smov.u32 s6;
	s6 =	simm.s32 @!p2 $0x2  }
0xc4: {  	[tilespmem:s19], [sflag:$0x2] =	stream.indirect.gather @!p2 [hbm4b:s3+s15], $0x80, s11, s15, $0xb8;
	[tilespmem:$0x1C480] =	vst v63  }
.Ltmp5:
0xc5: {  	s31 =	simm.s32 @p2 $0x4;
	s5 =	sadd.s32 @!p2 $0x2, s0;
	(pc) =	sbr.rel @p5 .LBB2_5-.Ltmp5, $4  }
0xc6: {  	[spmem:s1] =	stream.indirect.scatter.add.f32 @!p2 [tilespmem:s8], [sflag:$0x4], $0x80, s12, s15, $0xb8;
	[tilespmem:$0x1C480] =	vst v63  }
0xc7: {  	s4 =	sadd.s32 @!p2 $0x5000, s11;
	s7 =	sadd.s32 $0x1, s30;
	_ =	swait.ge @!p2 [sflag:s9], $0x4000  }
0xc8: {  	p0 =	sge.s32 s7, s28;
	p4 =	sge.s32 @!p2 s5, s28;
	[sflag:s9] =	ssyncset.done @!p2 $0x0  }
0xc9: {  	p6 =	slt.s32 @p0 s30, s26;
	p3 =	slt.s32 @!p0 s7, s26;
	[sflag:s9] =	ssyncadd.s32 @!p2 $0xFFFFC000  }
.Ltmp6:
0xca: {  	_ = 	snop;
	(pc) =	sbr.rel .LBB2_6-.Ltmp6, $1  }
0xcb: {  	_ =	sdelay $0x3  }
.LBB2_8:
0xcc: {  	_ =	sfence.sel $0x180000  }
0xcd: {  	[bflag:$0x0] =	sbarrier.arrive $0xFFFF  }
0xce: {  	_ =	strace $0x9000004D  }
0xcf: {  	s0 =	stileid.u32;
	[bflag:$0x2] =	sbarrier.arrive $0xFFFF  }
0xd0: {  	p0 =	sne.s32 s0, $0x0;
	s0 =	rddreg [dreg:$0x3]  }
0xd1: {  	s0 =	sadd.s32 @!p0 $0x100000, s0  }
0xd2: {  	[sflag:s0] =	ssyncadd.tile.s32 @!p0 $0x1;
	_ =	shalt  }
.Lfunc_end2:
_tile_overlayer_lowered:
.L_overlay_start_2:
0xd3: {  	(tag) =	ssettag $0x2  }
0xd4: {  	s0 =	rddreg [dreg:$0x0];
	s2 =	stileid.u32  }
0xd5: {  	s1 =	rddreg [dreg:$0x1];
	p0 =	sne.s32 s2, $0x0  }
0xd6: {  	s3 =	rddreg [dreg:$0x2];
	[bflag:$0x3] =	sbarrier.arrive $0xFFFF;
	s2 =	simm.s32 @!p0 $0x1C03  }
0xd7: {  	[timem:s3], [sflag:s2] =	dma.local @!p0 [hbm:s0], s1  }
0xd8: {  	s0 =	simm.s32 @!p0 $0x3  }
0xd9: {  	_ =	swait.ge @!p0 [sflag:s0], s1  }
0xda: {  	s1 =	ssub.s32 @!p0 $0x0, s1;
	[sflag:s0] =	ssyncset.done @!p0 $0x0  }
0xdb: {  	[sflag:s0] =	ssyncadd.s32 @!p0 s1  }
0xdc: {  	[bflag:$0x3] =	sbarrier.arrive $0xFFFF  }
0xdd: {  	_ =	shalt  }

// kernel: kernel.8.cloned.1.call-start
scs
__scs_entry_jumppad:
0x0: {  	(pc) =	sbr.rel $0x88, $3  }
0x1: {  	(tag) =	ssettag $0x0;
	lr =	simm.s32 $0x1  }
0x2: {  	[smem:$0x3F99] =	sst lr;
	_ =	strace $0xD0000000  }
0x3: {  	_ = 	snop  }
0x4: {  	_ = 	snop  }
0x5: {  	_ = 	snop  }
0x6: {  	_ = 	snop  }
0x7: {  	_ = 	snop  }
__scs_overlays_trampoline_lowered:
0x8: {  	[smem:$0x3FA8] =	sst s0  }
0x9: {  	[smem:$0x3FA9] =	sst s1  }
0xa: {  	[smem:$0x3FAA] =	sst s2  }
0xb: {  	[smem:$0x3FAB] =	sst s3  }
0xc: {  	[smem:$0x3FAC] =	sst s4  }
0xd: {  	[smem:$0x3FAD] =	sst s5  }
0xe: {  	[smem:$0x3FAE] =	sst s6  }
0xf: {  	[smem:$0x3FAF] =	sst s7  }
0x10: {  	[smem:$0x3FB0] =	sst s8  }
0x11: {  	[smem:$0x3FB1] =	sst s9;
	s0 =	simm.s32 @!p0 $0x0  }
0x12: {  	s1 =	sld [smem:$0x3F97];
	s0 =	simm.s32 @p0 $0x1  }
0x13: {  	[smem:$0x3FB2] =	sst s0;
	s0 =	simm.s32 @!p1 $0x0  }
0x14: {  	s2 =	sld [smem:$0x3F96];
	s0 =	simm.s32 @p1 $0x1  }
0x15: {  	[smem:$0x3FB3] =	sst s0;
	s0 =	simm.s32 @!p2 $0x0  }
0x16: {  	s3 =	sld [smem:$0x3FDB];
	s0 =	simm.s32 @p2 $0x1  }
0x17: {  	s4 =	simm.s32 $0x1BF5;
	[smem:$0x3FB5] =	sst s0  }
0x18: {  	s0 =	sld [smem:$0x3F98];
	_ =	swait.ge [sflag:s4], $0x0  }
0x19: {  	s7 =	sld [smem:$0x3F99]  }
0x1a: {  	s8 =	sadd.s32 $0xFFFFE003, lr  }
0x1b: {  	s9 =	sadd.s32 $0xFFFFFEF7, lr;
	s5 =	simm.s32 $0xFFFFFFFF;
	p2 =	slt.u32 s8, $0xFFFFF086  }
0x1c: {  	p1 =	slt.u32 s9, $0xF7A;
	s5 =	simm.s32 @!p2 $0x0  }
0x1d: {  	s5 =	simm.s32 @p1 $0x1;
	p0 =	seq.s32 s7, s2  }
0x1e: {  	s7 =	smul.u32 @!p0 $0xF7A, s2;
	p2 =	seq.s32 @!p0 s5, $0x0  }
0x1f: {  	s9 =	smul.u32 $0xF7A, s1;
	s8 =	simm.s32 @!p0 $0x1BF5;
	p2 =	por !p2, p0  }
0x20: {  	[sflag:s8] =	ssyncset.s32 @!p0 $0xFFFFF086;
	s6 =	sadd.s32 @!p0 s3, s7;
	s7 =	simm.s32 @!p0 $0x108  }
0x21: {  	s3 =	sadd.s32 s3, s9;
	s6 =	sadd.s32 @!p0 $0x88, s6;
	s7 =	simm.s32 @p2 $0x1082  }
0x22: {  	[simem:s7], [sflag:s8] =	dma.local @!p0 [hbm:s6], $0xF7A  }
0x23: {  	s9 =	sor.u32 $0xD0000000, s2;
	s6 =	simm.s32 $0x108;
	_ =	swait.ge @!p0 [sflag:s8], $0x0  }
0x24: {  	s3 =	sadd.s32 $0x88, s3;
	s6 =	simm.s32 @!p1 $0x1082;
	[sflag:s4] =	ssyncset.s32 $0xFFFFF086  }
0x25: {  	[simem:s6], [sflag:s4] =	dma.local [hbm:s3], $0xF7A  }
0x26: {  	[smem:$0x3F99] =	sst s1;
	(tag) =	ssettag s2;
	_ =	strace s9  }
0x27: {  	s1 =	sld [smem:$0x3FA9]  }
0x28: {  	s2 =	sld [smem:$0x3FAA]  }
0x29: {  	s4 =	sld [smem:$0x3FAC]  }
0x2a: {  	p0 =	seq.s32 s5, $0x0;
	s5 =	sld [smem:$0x3FAD]  }
0x2b: {  	s6 =	sld [smem:$0x3FAE]  }
0x2c: {  	s7 =	sld [smem:$0x3FAF]  }
0x2d: {  	s3 =	simm.s32 $0x108;
	s8 =	sld [smem:$0x3FB0]  }
0x2e: {  	s3 =	simm.s32 @!p0 $0x1082;
	s9 =	sld [smem:$0x3FB1]  }
0x2f: {  	lr =	sadd.s32 s0, s3;
	s0 =	sld [smem:$0x3FA8]  }
0x30: {  	s3 =	sld [smem:$0x3FAB]  }
0x31: {  	[smem:$0x3FB4] =	sst s10  }
0x32: {  	s10 =	sld [smem:$0x3FB2];
	_ =	sdelay $0x3  }
0x33: {  	p0 =	seq.s32 s10, $0x1;
	s10 =	sld [smem:$0x3FB4];
	_ =	sdelay $0x3  }
0x34: {  	[smem:$0x3FB4] =	sst s10  }
0x35: {  	s10 =	sld [smem:$0x3FB3];
	_ =	sdelay $0x3  }
0x36: {  	p1 =	seq.s32 s10, $0x1;
	s10 =	sld [smem:$0x3FB4];
	_ =	sdelay $0x3  }
0x37: {  	[smem:$0x3FB4] =	sst s10  }
0x38: {  	s10 =	sld [smem:$0x3FB5]  }
0x39: {  	_ = 	snop;
	(pc) =	sbr.ind lr, $3  }
0x3a: {  	_ = 	snop  }
0x3b: {  	_ = 	snop  }
0x3c: {  	p2 =	seq.s32 s10, $0x1;
	s10 =	sld [smem:$0x3FB4]  }
0x3d: {  	_ =	shalt  }
0x3e: {  	_ =	shalt  }
0x3f: {  	_ =	shalt  }
0x40: {  	_ =	shalt  }
0x41: {  	_ =	shalt  }
0x42: {  	_ =	shalt  }
0x43: {  	_ =	shalt  }
0x44: {  	_ =	shalt  }
0x45: {  	_ =	shalt  }
0x46: {  	_ =	shalt  }
0x47: {  	_ =	shalt  }
0x48: {  	_ =	shalt  }
0x49: {  	_ =	shalt  }
0x4a: {  	_ =	shalt  }
0x4b: {  	_ =	shalt  }
0x4c: {  	_ =	shalt  }
0x4d: {  	_ =	shalt  }
0x4e: {  	_ =	shalt  }
0x4f: {  	_ =	shalt  }
0x50: {  	_ =	shalt  }
0x51: {  	_ =	shalt  }
0x52: {  	_ =	shalt  }
0x53: {  	_ =	shalt  }
0x54: {  	_ =	shalt  }
0x55: {  	_ =	shalt  }
0x56: {  	_ =	shalt  }
0x57: {  	_ =	shalt  }
0x58: {  	_ =	shalt  }
0x59: {  	_ =	shalt  }
0x5a: {  	_ =	shalt  }
0x5b: {  	_ =	shalt  }
0x5c: {  	_ =	shalt  }
0x5d: {  	_ =	shalt  }
0x5e: {  	_ =	shalt  }
0x5f: {  	_ =	shalt  }
0x60: {  	_ =	shalt  }
0x61: {  	_ =	shalt  }
0x62: {  	_ =	shalt  }
0x63: {  	_ =	shalt  }
0x64: {  	_ =	shalt  }
0x65: {  	_ =	shalt  }
0x66: {  	_ =	shalt  }
0x67: {  	_ =	shalt  }
0x68: {  	_ =	shalt  }
0x69: {  	_ =	shalt  }
0x6a: {  	_ =	shalt  }
0x6b: {  	_ =	shalt  }
0x6c: {  	_ =	shalt  }
0x6d: {  	_ =	shalt  }
0x6e: {  	_ =	shalt  }
0x6f: {  	_ =	shalt  }
0x70: {  	_ =	shalt  }
0x71: {  	_ =	shalt  }
0x72: {  	_ =	shalt  }
0x73: {  	_ =	shalt  }
0x74: {  	_ =	shalt  }
0x75: {  	_ =	shalt  }
0x76: {  	_ =	shalt  }
0x77: {  	_ =	shalt  }
0x78: {  	_ =	shalt  }
0x79: {  	_ =	shalt  }
0x7a: {  	_ =	shalt  }
0x7b: {  	_ =	shalt  }
0x7c: {  	_ =	shalt  }
0x7d: {  	_ =	shalt  }
0x7e: {  	_ =	shalt  }
0x7f: {  	_ =	shalt  }
0x80: {  	_ =	shalt  }
0x81: {  	_ =	shalt  }
0x82: {  	_ =	shalt  }
0x83: {  	_ =	shalt  }
0x84: {  	_ =	shalt  }
0x85: {  	_ =	shalt  }
0x86: {  	_ =	shalt  }
0x87: {  	_ =	shalt  }
.Lfunc_end0:
.L_simem_size_0:
called_computation_lowered:
.L_overlay_start_0:
0x88: {  	s2 =	sld [smem:$0x3FD9]  }
0x89: {  	s3 =	sld [smem:$0x3FFE];
	_ =	sdelay $0x1  }
0x8a: {  	s1 =	srdreg.scid  }
0x8b: {  	s0 =	sand.u32 $0x1, s1  }
0x8c: {  	s17 =	sshll.u32 s0, $0xA;
	s2 =	sadd.s32 s3, s2  }
0x8d: {  	s2 =	sadd.s32 s2, s17  }
0x8e: {  	[smem:$0x3FC0] =	sst s2  }
0x8f: {  	_ = 	snop  }
0x90: {  	s2 =	sld [smem:$0x3FD0];
	(tm) =	ssettm $0x1  }
0x91: {  	s18 =	sld [smem:$0x3FFB];
	_ =	sdelay $0x3  }
0x92: {  	_ =	strace s18  }
0x93: {  	s3 =	sld [smem:$0x3FFC];
	_ =	sdelay $0x3  }
0x94: {  	_ =	strace s3  }
0x95: {  	s3 =	sld [smem:$0x3FFD];
	_ =	sdelay $0x3  }
0x96: {  	_ =	strace s3  }
0x97: {  	_ =	strace $0x8FFFFFFF  }
0x98: {  	s19 =	sld [smem:$0x3FDB];
	_ =	sdelay $0x1  }
0x99: {  	s4 =	simm.s32 $_scs_section_size  }
0x9a: {  	s5 =	simm.s32 $_size__tile_overlayer_lowered;
	s6 =	simm.s32 $_tile_overlayer_lowered  }
0x9b: {  	s22 =	simm.s32 $0x1BFF;
	s21 =	sshll.u32 s6, $0x1;
	s3 =	sadd.s32 s4, s19  }
0x9c: {  	s7 =	simm.s32 $0x0;
	s20 =	sshll.u32 s5, $0x1;
	s5 =	sadd.s32 s21, s3  }
0x9d: {  	[timem:s7], [sflag:s22] =	dma.local [hbm:s5], s20  }
0x9e: {  	_ =	swait.ge [sflag:s22], s20  }
0x9f: {  	s4 =	ssub.s32 $0x0, s20;
	[sflag:s22] =	ssyncset.done $0x0  }
0xa0: {  	[sflag:s22] =	ssyncadd.s32 s4;
	_ =	sdelay $0x1  }
0xa1: {  	s23 =	simm.s32 $0x1B8B  }
0xa2: {  	_ =	swait.ge [sflag:s23], $0x1  }
0xa3: {  	[sflag:s23] =	ssyncset.done $0x0  }
0xa4: {  	s25 =	simm.s32 $0x1B8E;
	s24 =	sld [smem:$0x3FFE];
	[sflag:s23] =	ssyncadd.s32 $0xFFFFFFFF  }
0xa5: {  	s26 =	simm.s32 $execute0_lowered;
	[smem:$0x3FD2] =	sst s25  }
0xa6: {  	s5 =	sshll.u32 s26, $0x1;
	_ =	strace $0x80000046;
	[dreg:$0x1] =	wrdreg $0xFFFFFFFF  }
0xa7: {  	s28 =	simm.s32 $_size_execute0_lowered;
	s3 =	sadd.s32 s3, s5;
	[dreg:$0x0] =	wrdreg $0x0  }
0xa8: {  	s5 =	sshll.u32 s28, $0x1;
	[dreg:$0x2] =	wrdreg s3  }
0xa9: {  	[dreg:$0x3] =	wrdreg s5  }
0xaa: {  	[dreg:$0x4] =	wrdreg $0xC0  }
0xab: {  	_ =	task [dreg:s7], $0x5FFFF  }
0xac: {  	[dreg:$0x1] =	wrdreg $0xFFFFFFFF  }
0xad: {  	[dreg:$0x0] =	wrdreg $0x60  }
0xae: {  	[dreg:$0x2] =	wrdreg s24  }
0xaf: {  	[dreg:$0x3] =	wrdreg s2  }
0xb0: {  	[dreg:$0x4] =	wrdreg $0x9  }
0xb1: {  	_ =	task.clear_ibuf [dreg:s7], $0x5FFFF;
	_ =	strace $0x90000046  }
0xb2: {  	s29 =	simm.s32 $0x9;
	_ =	strace $0x80000048  }
0xb3: {  	_ =	swait.ge [sflag:s29], $0x1  }
0xb4: {  	[sflag:s29] =	ssyncadd.s32 $0xFFFFFFFF  }
0xb5: {  	_ =	strace $0x90000048  }
0xb6: {  	_ =	sfence  }
0xb7: {  	s30 =	sld [smem:$0x0];
	_ =	sdelay $0x2  }
0xb8: {  	s31 =	sshll.u32 s1, $0xD;
	s1 =	sshrl.u32 s1, $0x2  }
0xb9: {  	s3 =	sand.u32 $0x4000, s31;
	s1 =	sadd.s32 s1, s30  }
0xba: {  	s0 =	sor.u32 s3, s0;
	s1 =	sshll.u32 s1, $0x11  }
0xbb: {  	s0 =	sor.u32 s1, s0  }
0xbc: {  	s0 =	sadd.s32 $0x8F2B, s0  }
0xbd: {  	[sflag:s0] =	ssyncadd.remote.s32 $0x1  }
0xbe: {  	_ =	sfence.sel $0xFFFF  }
0xbf: {  	[dreg:$0x0] =	wrdreg $0xFFFFFFFF;
	(pc) =	sbr.abs _section_cstart, $3  }
0xc0: {  	[dreg:$0x1] =	wrdreg $0xFFFFFFFF  }
0xc1: {  	_ =	task.clear_ibuf [dreg:s7], $0x2FFFF;
	_ =	strace $0x9FFFFFFF  }
0xc2: {  	(tm) =	ssettm $0x7FFFFFFF  }
0xc3: {  	_ =	shalt  }
tec
execute0_lowered:
.L_overlay_start_1:
0x0: {  	(tag) =	ssettag $0x1  }
0x1: {  	s0 =	srdreg.scid;
	s1 =	rddreg [dreg:$0x0]  }
0x2: {  	s9 =	rddreg [dreg:$0x1];
	s6 =	stileid.u32  }
0x3: {  	s2 =	simm.s32 $0x0;
	s13 =	simm.s32 $0x11700;
	s14 =	simm.s32 $0x13F00  }
0x4: {  	s16 =	simm.s32 $0x7700;
	s17 =	simm.s32 $0x9F00;
	s18 =	simm.s32 $0xC700  }
0x5: {  	s19 =	simm.s32 $0xEF00;
	s20 =	simm.s32 $0x80;
	s21 =	simm.s32 $0x400  }
0x6: {  	s22 =	simm.s32 $0x1;
	s23 =	simm.s32 $0x16700;
	s0 =	sand.u32 $0x1, s0  }
0x7: {  	s24 =	simm.s32 $0x100;
	s25 =	simm.s32 $0x0;
	s3 =	sshll.u32 s0, $0x4  }
0x8: {  	[smem:$0x7FF] =	sst s2;
	s29 =	sshll.u32 s6, $0x7;
	s15 =	sor.u32 s6, s3  }
0x9: {  	_ =	strace $0x80000047;
	s0 =	ssub.s32 $0x2, s0;
	s3 =	smul.u32 $0x4F0, s15  }
0xa: {  	s31 =	sshrl.u32 s0, $0x1;
	s6 =	sadd.s32 $0xB910, s1;
	s10 =	smul.u32 $0xA00, s15  }
0xb: {  	s4 =	sshrl.u32 s15, $0x3;
	s0 =	ssub.s32 s0, s31;
	p0 =	seq.s32 s15, $0x1F  }
0xc: {  	s15 =	simm.s32 $0x4F00;
	s30 =	smul.u32 $0x14000, s4;
	s4 =	sshll.u32 s4, $0xA  }
0xd: {  	s12 =	smax.u32 s0, $0x1;
	s5 =	sadd.s32 s3, s1;
	s3 =	sand.u32 $0x380, s29  }
0xe: {  	s11 =	sadd.s32 s10, s1;
	s9 =	sadd.s32 s9, s10;
	s4 =	sor.u32 s3, s4  }
0xf: {  	v0 =	vimm.f32 $0.0e+00;
	s3 =	sor.u32 s3, s30;
	s10 =	sadd.s32 $0x1FC00, s11;
	s4 =	sshrl.u32 s4, $0x3  }
0x10: {  	v1 =	vimm.s32 $0x0;
	v2 =	vimm.s32 $0x2900;
	vm0 =	vcmask $0x300;
	s11 =	sadd.s32 $0x33C00, s11;
	s3 =	sshrl.u32 s3, $0x3;
	s8 =	sadd.s32 s4, s1  }
0x11: {  	v3 =	vlaneseq.u32;
	vm15 =	vcmask $0x704;
	v5 =	vimm.s32 $0x1450;
	s7 =	sadd.s32 s3, s1;
	s3 =	sadd.s32 $0xBE00, s5;
	s4 =	sadd.s32 $0x2000, s5  }
0x12: {  	v6 =	vimm.f32 $1.000000000e+00;
	v4 =	vsel vm0, $0xFFFFFFFF, v1;
	v7 =	vsel vm15, $0xFFFFFFFF, v1;
	s5 =	sadd.s32 $0x15710, s1;
	s7 =	sadd.s32 $0x15C00, s7;
	s8 =	sadd.s32 $0x47C00, s8  }
.LBB2_1:
0x13: {  	s0 =	simm.s32 $0x0  }
.LBB2_2:
0x14: {  	p1 =	sne.s32 s0, $0x9FC0  }
.Ltmp0:
0x15: {  	_ = 	snop;
	(pc) =	sbr.rel @p1 .LBB2_2-.Ltmp0, $3  }
0x16: {  	_ =	sdelay $0x1  }
0x17: {  	s1 =	sshra.s32 s0, $0x2  }
0x18: {  	s0 =	sadd.s32 $0x40, s0;
	[tilespmem:s1+$0x4F00] =	vst v0  }
0x19: {  	s1 =	simm.s32 $0x0  }
0x1a: {  	s0 =	simm.s32 $0x7700;
	v8 =	vor.u32 s1, v3  }
0x1b: {  	s26 =	simm.s32 $0x9F00;
	[tilespmem:s0+$0x0] =	vst v1  }
0x1c: {  	s28 =	simm.s32 $0xC700;
	[tilespmem:s26+$0x0] =	vst v1  }
0x1d: {  	s29 =	simm.s32 $0xEF00;
	[tilespmem:s28+$0x0] =	vst v2  }
0x1e: {  	[tilespmem:s29+$0x0] =	vst v2  }
0x1f: {  	s1 =	simm.s32 $0x10;
	[tilespmem:v8+s13+$0x0] =	vst.idx.msk $0xffff, v5  }
.LBB2_4:
0x20: {  	p1 =	sne.s32 s1, $0x27F0;
	[tilespmem:v8+s14+$0x0] =	vst.idx.msk $0xffff, v5;
	v8 =	vor.u32 s1, v3;
	s1 =	sadd.s32 $0x10, s1;
	s0 =	sadd.s32 $0x10, s0  }
.Ltmp1:
0x21: {  	s26 =	sadd.s32 $0x10, s26;
	[tilespmem:s0+$0x0] =	vst v1;
	(pc) =	sbr.rel @p1 .LBB2_4-.Ltmp1, $4  }
0x22: {  	s28 =	sadd.s32 $0x10, s28;
	[tilespmem:s26+$0x0] =	vst v1  }
0x23: {  	s29 =	sadd.s32 $0x10, s29;
	[tilespmem:s28+$0x0] =	vst v2  }
0x24: {  	[tilespmem:s29+$0x0] =	vst v2  }
0x25: {  	[tilespmem:v8+s13+$0x0] =	vst.idx.msk $0xffff, v5  }
0x26: {  	_ =	sdelay $0x3  }
0x27: {  	[tilespmem:v8+s14+$0x0] =	vst.idx.msk $0xffff, v5;
	s0 =	simm.s32 @p0 $0x0;
	s1 =	simm.s32 @p0 $0x1  }
0x28: {  	[tilespmem:s0], [sflag:$0x1] =	stream.linear.gather @p0 [hbm4b:s5+s0], $0x1980, $0x38;
	[tilespmem:$0x16780] =	vst v63  }
0x29: {  	_ =	swait.ge @p0 [sflag:s1], $0x1980  }
0x2a: {  	[sflag:s1] =	ssyncset.done @p0 $0x0  }
0x2b: {  	s26 =	simm.s32 @p0 $0x2780;
	[sflag:s1] =	ssyncadd.s32 @p0 $0xFFFFE680  }
0x2c: {  	[tilespmem:s26], [sflag:$0x1] =	stream.linear.gather @p0 [hbm4b:s6+s0], $0x1980, $0x38;
	[tilespmem:$0x16780] =	vst v63  }
0x2d: {  	_ =	swait.ge @p0 [sflag:s1], $0x1980  }
0x2e: {  	[sflag:s1] =	ssyncset.done @p0 $0x0  }
0x2f: {  	s0 =	simm.s32 @!p0 $0x0;
	[sflag:s1] =	ssyncadd.s32 @p0 $0xFFFFE680;
	s1 =	simm.s32 @!p0 $0x1  }
0x30: {  	[tilespmem:s0], [sflag:$0x1] =	stream.linear.gather @!p0 [hbm4b:s3+s0], $0x2780, $0x38;
	[tilespmem:$0x16780] =	vst v63  }
0x31: {  	_ =	swait.ge @!p0 [sflag:s1], $0x2780  }
0x32: {  	[sflag:s1] =	ssyncset.done @!p0 $0x0  }
0x33: {  	s26 =	simm.s32 @!p0 $0x2780;
	[sflag:s1] =	ssyncadd.s32 @!p0 $0xFFFFD880  }
0x34: {  	[tilespmem:s26], [sflag:$0x1] =	stream.linear.gather @!p0 [hbm4b:s4+s0], $0x2780, $0x38;
	[tilespmem:$0x16780] =	vst v63  }
0x35: {  	_ =	swait.ge @!p0 [sflag:s1], $0x2780  }
0x36: {  	[sflag:s1] =	ssyncset.done @!p0 $0x0  }
0x37: {  	s31 =	simm.s32 $0x2780;
	[sflag:s1] =	ssyncadd.s32 @!p0 $0xFFFFD880  }
0x38: {  	v8 =	vld [tilespmem:s31+$0x0]  }
0x39: {  	s0 =	simm.s32 @!p0 $0x278  }
0x3a: {  	s0 =	simm.s32 @p0 $0x198  }
0x3b: {  	p2 =	sne.s32 s0, $0x1  }
.Ltmp2:
0x3c: {  	_ = 	snop;
	(pc) =	sbr.rel @!p2 .LBB2_6-.Ltmp2, $4  }
0x3d: {  	vm1 =	vlt.s32 v8, $0x1400  }
0x3e: {  	vm0 =	vge.s32 v8, $0x1400;
	v9 =	vsel vm1, $0x1, v1  }
0x3f: {  	v10 =	vsel vm0, $0x1, v1;
	(xrf0) =	vadd.scan.msk.s32 $0xffff, v9  }
0x40: {  	p1 =	por $0x0, $0x0;
	s26 =	simm.s32 $0x0;
	s0 =	sadd.s32 $0xFFFFFFFF, s0;
	(xrf0) =	vadd.scan.msk.s32 $0xffff, v10  }
0x41: {  	_ =	sdelay $0x3  }
0x42: {  	v9, _, _ =	vpop (xrf0)  }
0x43: {  	v10 =	vxor.u32 $0x80000000, v9  }
0x44: {  	v11, _, _ =	vpop (xrf0);
	(xrf0) =	vmax.scan.msk.u32 $0xffff, v10;
	v10 =	vmov s26  }
0x45: {  	v10 =	vadd.s32 $0xFFFFFFFF, v10  }
0x46: {  	v12 =	vxor.u32 $0x80000000, v11;
	v10 =	vbroadcast v10, $0x0  }
0x47: {  	(xrf0) =	vmax.scan.msk.u32 $0xffff, v12  }
0x48: {  	v63 =	vld [tilespmem:s26+$0x0];
	v9 =	vadd.s32 v9, v10  }
0x49: {  	v10 =	vadd.s32 v11, v10;
	_ =	sdelay $0x2  }
0x4a: {  	[tilespmem:v8+s15+$0x0] =	vst.idx.add.f32.msk $0xffff, v6;
	v11, _, _ =	vpop (xrf0)  }
0x4b: {  	(v2sf) =	vpush v11, $0xF;
	v11, _, _ =	vpop (xrf0);
	[tilespmem:v9+s16+$0x0] =	vst.idx.msk vm1, v63  }
0x4c: {  	(v2sf) =	vpush v11, $0xF;
	v11 =	vadd.s32 $0x2900, v63;
	[tilespmem:v10+s17+$0x0] =	vst.idx.msk vm0, v63  }
0x4d: {  	[tilespmem:v9+s18+$0x0] =	vst.idx.msk vm1, v11  }
0x4e: {  	[tilespmem:v10+s19+$0x0] =	vst.idx.msk vm0, v11  }
0x4f: {  	[tilespmem:v9+s13+$0x0] =	vst.idx.msk vm1, v8;
	v8 =	vadd.s32 $0xFFFFEC00, v8  }
0x50: {  	s29 =	simm.s32 $0x2790;
	[tilespmem:v10+s14+$0x0] =	vst.idx.msk vm0, v8  }
0x51: {  	v8 =	vld [tilespmem:s29+$0x0];
	_ =	sdelay $0x4  }
0x52: {  	p2 =	sne.s32 s0, $0x1;
	vm1 =	vlt.s32 v8, $0x1400  }
.Ltmp3:
0x53: {  	vm0 =	vge.s32 v8, $0x1400;
	v9 =	vsel vm1, $0x1, v1;
	(pc) =	sbr.rel @!p2 .LBB2_8-.Ltmp3, $4  }
0x54: {  	v10 =	vsel vm0, $0x1, v1;
	(xrf0) =	vadd.scan.msk.s32 $0xffff, v9  }
0x55: {  	s31 =	sadd.s32 $0xFFFFFFFF, s0;
	(xrf0) =	vadd.scan.msk.s32 $0xffff, v10  }
0x56: {  	p1 =	por $0x1, $0x1;
	s30 =	simm.s32 $0x0;
	s1 =	spop (v2sf)  }
0x57: {  	s28 =	simm.s32 $0x0;
	s0 =	sadd.s32 $0x0, s1;
	s1 =	spop (v2sf)  }
.LBB2_9:
0x58: {  	s0 =	sadd.s32 $0x80000000, s0;
	s1 =	sadd.s32 s1, s30;
	s28 =	sadd.s32 $0x10, s28  }
0x59: {  	p2 =	sne.s32 s31, $0x1;
	s31 =	sadd.s32 $0xFFFFFFFF, s31;
	v9 =	vmov s0;
	s30 =	sadd.s32 $0x80000000, s1  }
0x5a: {  	v9 =	vadd.s32 $0xFFFFFFFF, v9;
	v10 =	vmov s30;
	v11, _, _ =	vpop (xrf0)  }
0x5b: {  	v9 =	vbroadcast v9, $0x0;
	v10 =	vadd.s32 $0xFFFFFFFF, v10;
	v12 =	vxor.u32 $0x80000000, v11;
	v13, _, _ =	vpop (xrf0)  }
0x5c: {  	v10 =	vbroadcast v10, $0x0;
	v14 =	vxor.u32 $0x80000000, v13;
	(xrf0) =	vmax.scan.msk.u32 $0xffff, v12  }
0x5d: {  	v12 =	vld [tilespmem:s28+$0x0];
	v9 =	vadd.s32 v11, v9;
	(xrf0) =	vmax.scan.msk.u32 $0xffff, v14  }
0x5e: {  	v10 =	vadd.s32 v13, v10;
	_ =	sdelay $0x2  }
0x5f: {  	[tilespmem:v8+s15+$0x0] =	vst.idx.add.f32.msk $0xffff, v6  }
0x60: {  	[tilespmem:v9+s16+$0x0] =	vst.idx.msk vm1, v12;
	v11, _, _ =	vpop (xrf0)  }
0x61: {  	[tilespmem:v10+s17+$0x0] =	vst.idx.msk vm0, v12;
	v12 =	vadd.s32 $0x2900, v12;
	(v2sf) =	vpush v11, $0xF;
	v11, _, _ =	vpop (xrf0)  }
0x62: {  	[tilespmem:v9+s18+$0x0] =	vst.idx.msk vm1, v12;
	(v2sf) =	vpush v11, $0xF  }
0x63: {  	[tilespmem:v10+s19+$0x0] =	vst.idx.msk vm0, v12  }
0x64: {  	[tilespmem:v9+s13+$0x0] =	vst.idx.msk vm1, v8;
	v8 =	vadd.s32 $0xFFFFEC00, v8  }
0x65: {  	[tilespmem:v10+s14+$0x0] =	vst.idx.msk vm0, v8  }
0x66: {  	s29 =	sadd.s32 $0x10, s29  }
0x67: {  	v8 =	vld [tilespmem:s29+$0x0];
	_ =	sdelay $0x4  }
0x68: {  	vm0 =	vge.s32 v8, $0x1400;
	vm1 =	vlt.s32 v8, $0x1400  }
.Ltmp4:
0x69: {  	v9 =	vsel vm1, $0x1, v1;
	v10 =	vsel vm0, $0x1, v1;
	(pc) =	sbr.rel @p2 .LBB2_9-.Ltmp4, $4  }
0x6a: {  	(xrf0) =	vadd.scan.msk.s32 $0xffff, v9  }
0x6b: {  	(xrf0) =	vadd.scan.msk.s32 $0xffff, v10  }
0x6c: {  	s1 =	spop (v2sf)  }
0x6d: {  	s0 =	sadd.s32 s1, s0;
	s1 =	spop (v2sf)  }
.LBB2_10:
0x6e: {  	_ =	sdelay $0x1  }
0x6f: {  	v9, _, _ =	vpop (xrf0)  }
0x70: {  	v10 =	vxor.u32 $0x80000000, v9;
	v11, _, _ =	vpop (xrf0)  }
0x71: {  	v12 =	vxor.u32 $0x80000000, v11;
	(xrf0) =	vmax.scan.msk.u32 $0xffff, v10  }
0x72: {  	(xrf0) =	vmax.scan.msk.u32 $0xffff, v12;
	_ =	sdelay $0x2  }
0x73: {  	s0 =	sadd.s32 @p1 $0x80000000, s0;
	s1 =	sadd.s32 @p1 s1, s30;
	s29 =	simm.s32 $0x0  }
0x74: {  	s29 =	smov.u32 @p1 s0;
	s0 =	sadd.s32 @p1 $0x80000000, s1;
	s1 =	simm.s32 $0x0  }
0x75: {  	v56 =	vmov s29;
	s1 =	smov.u32 @p1 s0;
	v57, _, _ =	vpop (xrf0)  }
0x76: {  	v13 =	vmov s1;
	v10 =	vadd.s32 $0xFFFFFFFF, v56;
	(v2sf) =	vpush v57, $0xF;
	v58, _, _ =	vpop (xrf0)  }
0x77: {  	s0 =	sadd.s32 @p1 $0x10, s28;
	v13 =	vadd.s32 $0xFFFFFFFF, v13;
	v10 =	vbroadcast v10, $0x0;
	(v2sf) =	vpush v58, $0xF  }
0x78: {  	s26 =	smov.u32 @p1 s0;
	v59 =	vbroadcast v13, $0x0  }
0x79: {  	v60 =	vld [tilespmem:s26+$0x0];
	v9 =	vadd.s32 v9, v10  }
0x7a: {  	v61 =	vadd.s32 v11, v59;
	_ =	sdelay $0x2  }
0x7b: {  	[tilespmem:v8+s15+$0x0] =	vst.idx.add.f32.msk $0xffff, v6  }
0x7c: {  	[tilespmem:v9+s16+$0x0] =	vst.idx.msk vm1, v60  }
0x7d: {  	v62 =	vadd.s32 $0x2900, v60;
	[tilespmem:v61+s17+$0x0] =	vst.idx.msk vm0, v60  }
0x7e: {  	[tilespmem:v9+s18+$0x0] =	vst.idx.msk vm1, v62  }
0x7f: {  	[tilespmem:v61+s19+$0x0] =	vst.idx.msk vm0, v62  }
0x80: {  	[tilespmem:v9+s13+$0x0] =	vst.idx.msk vm1, v8;
	v8 =	vadd.s32 $0xFFFFEC00, v8  }
0x81: {  	[tilespmem:v61+s14+$0x0] =	vst.idx.msk vm0, v8  }
0x82: {  	[tilespmem:$0x16710] =	vst v1  }
0x83: {  	[tilespmem:$0x16720] =	vst v1;
	s26 =	spop (v2sf)  }
0x84: {  	[tilespmem:$0x16730] =	vst v1;
	s28 =	spop (v2sf)  }
0x85: {  	[tilespmem:$0x16740] =	vst v1;
	s0 =	sadd.s32 s26, s29;
	s1 =	sadd.s32 s28, s1  }
0x86: {  	[tilespmem:$0x16750] =	vst v1;
	s0 =	sadd.s32 $0x80000000, s0;
	s1 =	sadd.s32 $0x80000000, s1  }
0x87: {  	[tilespmem:$0x16760] =	vst v1;
	v8 =	vand.u32 s0, v4;
	v63 =	vand.u32 s1, v7  }
0x88: {  	[tilespmem:$0x16770] =	vst v1;
	v8 =	vadd.s32 v8, v63  }
0x89: {  	[tilespmem:$0x16700] =	vst v8  }
0x8a: {  	[hbm4b:s7+s20] =	stream.strided.scatter [tilespmem:s15], [sflag:$0x1], $0x2800, s21, s20, $0x38;
	[tilespmem:$0x16780] =	vst v63  }
0x8b: {  	_ =	swait.ge [sflag:s22], $0x2800  }
0x8c: {  	[sflag:s22] =	ssyncset.done $0x0  }
0x8d: {  	[sflag:s22] =	ssyncadd.s32 $0xFFFFD800  }
0x8e: {  	[hbm4b:s8+s2] =	stream.linear.scatter [tilespmem:s23], [sflag:$0x1], $0x80, $0x38;
	[tilespmem:$0x16780] =	vst v63  }
0x8f: {  	_ =	swait.ge [sflag:s22], $0x80  }
0x90: {  	[sflag:s22] =	ssyncset.done $0x0  }
0x91: {  	[sflag:s22] =	ssyncadd.s32 $0xFFFFFF80  }
0x92: {  	[hbm4b:s9+s20] =	stream.strided.scatter [tilespmem:s16], [sflag:$0x1], $0x2800, s24, s20, $0x38;
	[tilespmem:$0x16780] =	vst v63  }
0x93: {  	_ =	swait.ge [sflag:s22], $0x2800  }
0x94: {  	[sflag:s22] =	ssyncset.done $0x0  }
0x95: {  	s29 =	sadd.s32 $0x10, s9;
	[sflag:s22] =	ssyncadd.s32 $0xFFFFD800  }
0x96: {  	[hbm4b:s29+s20] =	stream.strided.scatter [tilespmem:s17], [sflag:$0x1], $0x2800, s24, s20, $0x38;
	[tilespmem:$0x16780] =	vst v63  }
0x97: {  	_ =	swait.ge [sflag:s22], $0x2800  }
0x98: {  	[sflag:s22] =	ssyncset.done $0x0  }
0x99: {  	[sflag:s22] =	ssyncadd.s32 $0xFFFFD800  }
0x9a: {  	[hbm4b:s10+s20] =	stream.strided.scatter [tilespmem:s18], [sflag:$0x1], $0x2800, s24, s20, $0x38;
	[tilespmem:$0x16780] =	vst v63  }
0x9b: {  	_ =	swait.ge [sflag:s22], $0x2800  }
0x9c: {  	[sflag:s22] =	ssyncset.done $0x0  }
0x9d: {  	s30 =	sadd.s32 $0x10, s10;
	[sflag:s22] =	ssyncadd.s32 $0xFFFFD800  }
0x9e: {  	[hbm4b:s30+s20] =	stream.strided.scatter [tilespmem:s19], [sflag:$0x1], $0x2800, s24, s20, $0x38;
	[tilespmem:$0x16780] =	vst v63  }
0x9f: {  	_ =	swait.ge [sflag:s22], $0x2800  }
0xa0: {  	[sflag:s22] =	ssyncset.done $0x0  }
0xa1: {  	[sflag:s22] =	ssyncadd.s32 $0xFFFFD800  }
0xa2: {  	[hbm4b:s11+s2] =	stream.linear.scatter [tilespmem:s13], [sflag:$0x1], $0x2800, $0x38;
	[tilespmem:$0x16780] =	vst v63  }
0xa3: {  	_ =	swait.ge [sflag:s22], $0x2800  }
0xa4: {  	s25 =	sadd.s32 $0x1, s25;
	[sflag:s22] =	ssyncset.done $0x0  }
0xa5: {  	s31 =	sadd.s32 $0x500, s11;
	p1 =	sne.s32 s25, s12;
	[sflag:s22] =	ssyncadd.s32 $0xFFFFD800  }
0xa6: {  	[hbm4b:s31+s2] =	stream.linear.scatter [tilespmem:s14], [sflag:$0x1], $0x2800, $0x38;
	[tilespmem:$0x16780] =	vst v63  }
.Ltmp5:
0xa7: {  	_ = 	snop;
	(pc) =	sbr.rel @p1 .LBB2_1-.Ltmp5, $4  }
.Ltmp6:
0xa8: {  	_ = 	snop;
	(pc) =	sbr.rel @!p1 .LBB2_11-.Ltmp6, $4  }
0xa9: {  	_ =	swait.ge [sflag:s22], $0x2800  }
0xaa: {  	[sflag:s22] =	ssyncset.done $0x0  }
0xab: {  	[sflag:s22] =	ssyncadd.s32 $0xFFFFD800  }
0xac: {  	_ = 	snop  }
.LBB2_6:
.Ltmp7:
0xad: {  	(pc) =	sbr.rel .LBB2_10-.Ltmp7, $2  }
0xae: {  	_ =	sdelay $0x2  }
0xaf: {  	s30 =	simm.s32 $0x0;
	s28 =	simm.s32 $0x0  }
.LBB2_8:
.Ltmp8:
0xb0: {  	(pc) =	sbr.rel .LBB2_10-.Ltmp8, $2  }
0xb1: {  	_ =	sdelay $0x2  }
0xb2: {  	s30 =	simm.s32 $0x0;
	s28 =	simm.s32 $0x0  }
.LBB2_11:
0xb3: {  	_ =	sfence.sel $0x180000  }
0xb4: {  	[bflag:$0x0] =	sbarrier.arrive $0xFFFF  }
0xb5: {  	_ =	strace $0x90000047  }
0xb6: {  	s0 =	stileid.u32;
	[bflag:$0x2] =	sbarrier.arrive $0xFFFF  }
0xb7: {  	p0 =	sne.s32 s0, $0x0;
	s0 =	rddreg [dreg:$0x2]  }
0xb8: {  	s0 =	sadd.s32 @!p0 $0x100000, s0  }
0xb9: {  	[sflag:s0] =	ssyncadd.tile.s32 @!p0 $0x1;
	_ =	shalt  }
.Lfunc_end2:
_tile_overlayer_lowered:
.L_overlay_start_2:
0xba: {  	(tag) =	ssettag $0x2  }
0xbb: {  	s0 =	rddreg [dreg:$0x0];
	s2 =	stileid.u32  }
0xbc: {  	s1 =	rddreg [dreg:$0x1];
	p0 =	sne.s32 s2, $0x0  }
0xbd: {  	s3 =	rddreg [dreg:$0x2];
	[bflag:$0x3] =	sbarrier.arrive $0xFFFF;
	s2 =	simm.s32 @!p0 $0x1C01  }
0xbe: {  	[timem:s3], [sflag:s2] =	dma.local @!p0 [hbm:s0], s1  }
0xbf: {  	s0 =	simm.s32 @!p0 $0x1  }
0xc0: {  	_ =	swait.ge @!p0 [sflag:s0], s1  }
0xc1: {  	s1 =	ssub.s32 @!p0 $0x0, s1;
	[sflag:s0] =	ssyncset.done @!p0 $0x0  }
0xc2: {  	[sflag:s0] =	ssyncadd.s32 @!p0 s1  }
0xc3: {  	[bflag:$0x3] =	sbarrier.arrive $0xFFFF  }
0xc4: {  	_ =	shalt  }

</sc_bundles>
